<compile_context>
chip_gen: v7x
topology: tpu7x:2x2x1
jax: 0.10.2.dev20260603
libtpu: 0.0.44.dev20260713+nightly
codegen_flags: <defaults>
</compile_context>

<pallas_src>
import functools

import jax
import jax.numpy as jnp
from jax import lax
from jax.experimental import pallas as pl
from jax.experimental.pallas import tpu as pltpu
from jax.experimental.pallas import tpu_sc as plsc

_B = 16384
_N = 8
_NP = 16
_G = 128
_DS = 512

_NC = 2
_NS = 16
_NW = _NC * _NS
_BPW = _B // _NW
_CH = 16
_NCHUNK = _BPW // _CH
_NBUF = 4



def _gates_body(state_ref, w_ref, b_ref, out_ref):
    logits = jnp.dot(state_ref[...], w_ref[...],
                     preferred_element_type=jnp.float32) + b_ref[...]
    m = jnp.max(logits, axis=-1, keepdims=True)
    e = jnp.exp(logits - m)
    sm = e / jnp.sum(e, axis=-1, keepdims=True)
    out_ref[...] = jnp.concatenate([sm, jnp.zeros_like(sm)], axis=-1)


def _gates_tc(state, w, b):
    blk = 4096
    grid = _B // blk
    return pl.pallas_call(
        _gates_body,
        grid=(grid,),
        in_specs=[
            pl.BlockSpec((blk, _DS), lambda i: (i, 0)),
            pl.BlockSpec((_DS, _N), lambda i: (0, 0)),
            pl.BlockSpec((1, _N), lambda i: (0, 0)),
        ],
        out_specs=pl.BlockSpec((blk, _NP), lambda i: (i, 0)),
        out_shape=jax.ShapeDtypeStruct((_B, _NP), jnp.float32),
    )(state, w, b.reshape(1, _N))



@functools.cache
def _make_sc_combine():
    mesh = plsc.VectorSubcoreMesh(core_axis_name="c", subcore_axis_name="s")
    return pl.kernel(
        _sc_combine_body,
        mesh=mesh,
        out_type=jax.ShapeDtypeStruct((_B, _G), jnp.float32),
        scratch_types=[
            pltpu.VMEM((_BPW,), jnp.int32),
            *[pltpu.VMEM((_CH, _N, _G), jnp.float32)
              for _ in range(_NBUF)],
            *[pltpu.VMEM((_CH, _NP), jnp.float32)
              for _ in range(_NBUF)],
            pltpu.VMEM((_CH, _G), jnp.float32),
            pltpu.VMEM((_CH, _G), jnp.float32),
            *[pltpu.SemaphoreType.DMA for _ in range(2 * _NBUF + 2)],
        ],
    )


def _sc_combine_body(idx_hbm, gates_hbm, table_hbm, out_hbm,
                     idx_v, *scratch):
    rows = scratch[:_NBUF]
    gbufs = scratch[_NBUF:2 * _NBUF]
    out_bufs = scratch[2 * _NBUF:2 * _NBUF + 2]
    sems = scratch[2 * _NBUF + 2:3 * _NBUF + 2]
    gsems = scratch[3 * _NBUF + 2:4 * _NBUF + 2]
    out_sems = scratch[4 * _NBUF + 2:]
    wid = lax.axis_index("s") * _NC + lax.axis_index("c")
    base = wid * _BPW
    pltpu.sync_copy(idx_hbm.at[pl.ds(base, _BPW)], idx_v)

    def combine_chunk(rows_v, gates_v, out_v):
        def row_body(r, carry):
            gv = gates_v[r, pl.ds(0, _NP)]
            gs = [gv[n] for n in range(_N)]
            def block_loads(j):
                return [rows_v[r, n, pl.ds(j * 16, 16)] for n in range(_N)]

            def tree(vals):
                prods = [v * g for v, g in zip(vals, gs)]
                while len(prods) > 1:
                    prods = [prods[k] + prods[k + 1]
                             for k in range(0, len(prods), 2)]
                return prods[0]

            pend = block_loads(0)
            for j in range(1, _G // 16):
                nxt = block_loads(j)
                out_v[r, pl.ds((j - 1) * 16, 16)] = tree(pend)
                pend = nxt
            out_v[r, pl.ds(_G - 16, 16)] = tree(pend)
            return carry

        lax.fori_loop(0, _CH, row_body, 0, unroll=2)

    def gather(c, q):
        pltpu.async_copy(table_hbm.at[idx_v.at[pl.ds(c * _CH, _CH)]],
                         rows[q], sems[q])
        pltpu.async_copy(gates_hbm.at[pl.ds(base + c * _CH, _CH)],
                         gbufs[q], gsems[q])

    def gather_wait(c, q):
        pltpu.make_async_copy(table_hbm.at[idx_v.at[pl.ds(c * _CH, _CH)]],
                              rows[q], sems[q]).wait()
        pltpu.make_async_copy(gates_hbm.at[pl.ds(base + c * _CH, _CH)],
                              gbufs[q], gsems[q]).wait()

    def out_slice(c):
        return out_hbm.at[pl.ds(base + c * _CH, _CH)]

    for k in range(_NBUF):
        gather(k, k)

    def ring_body(t, carry):
        c0 = t * _NBUF
        for q in range(_NBUF):
            c = c0 + q
            ob, osem = out_bufs[q % 2], out_sems[q % 2]
            gather_wait(c, q)

            @pl.when(c >= 2)
            def _():
                pltpu.make_async_copy(ob, out_slice(c), osem).wait()

            combine_chunk(rows[q], gbufs[q], ob)
            pltpu.async_copy(ob, out_slice(c), osem)

            @pl.when(c + _NBUF < _NCHUNK)
            def _():
                gather(c + _NBUF, q)
        return carry

    lax.fori_loop(0, _NCHUNK // _NBUF, ring_body, 0)
    pltpu.make_async_copy(out_bufs[0], out_slice(0), out_sems[0]).wait()
    pltpu.make_async_copy(out_bufs[1], out_slice(1), out_sems[1]).wait()



def kernel(latent_id, state, latents, W_gate, b_gate):
    idx = latent_id.astype(jnp.int32)
    gates = _gates_tc(state, W_gate.astype(jnp.float32),
                      b_gate.astype(jnp.float32))
    return _make_sc_combine()(idx, gates, latents)

# --- scband reference (transcript-rebuilt; emitter-appended) ---
"""Pipeline reference for scband-latent-gene-pool-73383811219875 (READ-ONLY COPY).

The authoritative reference and input builder live on the scoring server;
editing this copy changes nothing except your own understanding.
"""

import jax, jax.numpy as jnp
import numpy as np

NUM_LATENTS = 100000
NUM_SETS = 8
DIM_LATENT = 128
DIM_STATE = 512
BATCH = 16384


def setup_inputs(seed: int = 0) -> dict:
    key = jax.random.key(seed)
    k1, k2, k3, k4 = jax.random.split(key, 4)
    latent_id = jax.random.randint(k1, (BATCH,), 0, NUM_LATENTS)
    state = jax.random.normal(k2, (BATCH, DIM_STATE), dtype=jnp.float32)
    # learned parameters
    latents = jax.random.normal(k3, (NUM_LATENTS, NUM_SETS, DIM_LATENT), dtype=jnp.float32)
    W_gate = jax.random.normal(k4, (DIM_STATE, NUM_SETS), dtype=jnp.float32) * (1.0 / np.sqrt(DIM_STATE))
    b_gate = jnp.zeros((NUM_SETS,), dtype=jnp.float32)
    return {"latent_id": latent_id, "state": state, "latents": latents, "W_gate": W_gate, "b_gate": b_gate}


def reference(latent_id, state, latents, W_gate, b_gate):
    # latent = self.latents[latent_id]  -> gather rows of the gene pool
    latent = jnp.take(latents, latent_id, axis=0)  # [B, n, g]
    # gated gene expression: gates = softmax(Linear(state))
    gates = jax.nn.softmax(state @ W_gate + b_gate, axis=-1)  # [B, n]
    # latent = einsum('... n g, ... n -> ... g', latent, gates)
    out = jnp.einsum('bng,bn->bg', latent, gates)  # [B, g]
    # maybe_l2norm is identity since l2norm_latent=False
    return out

if __name__ == "__main__":
    import jax
    _d = setup_inputs()
    print(jax.jit(kernel)(*tuple(_d.values())))

</pallas_src>

<mosaic_0001>
#map = affine_map<(d0, d1) -> (0)>
#map1 = affine_map<(d0, d1) -> (0, 0)>
#map2 = affine_map<(d0, d1) -> (0, 0, 0)>
module attributes {stable_mosaic.version = 14 : i64} {
  func.func @_sc_combine_body(%arg0: i32, %arg1: i32, %arg2: memref<16384xi32, #tpu.memory_space<hbm>>, %arg3: memref<16384x16xf32, #tpu.memory_space<hbm>>, %arg4: memref<100000x8x128xf32, #tpu.memory_space<hbm>>, %arg5: memref<16384x128xf32, #tpu.memory_space<hbm>>, %arg6: memref<512xi32, #tpu.memory_space<vmem>>, %arg7: memref<16x8x128xf32, #tpu.memory_space<vmem>>, %arg8: memref<16x8x128xf32, #tpu.memory_space<vmem>>, %arg9: memref<16x8x128xf32, #tpu.memory_space<vmem>>, %arg10: memref<16x8x128xf32, #tpu.memory_space<vmem>>, %arg11: memref<16x16xf32, #tpu.memory_space<vmem>>, %arg12: memref<16x16xf32, #tpu.memory_space<vmem>>, %arg13: memref<16x16xf32, #tpu.memory_space<vmem>>, %arg14: memref<16x16xf32, #tpu.memory_space<vmem>>, %arg15: memref<16x128xf32, #tpu.memory_space<vmem>>, %arg16: memref<16x128xf32, #tpu.memory_space<vmem>>, %arg17: memref<!tpu.dma_semaphore, #tpu.memory_space<semaphore_mem>>, %arg18: memref<!tpu.dma_semaphore, #tpu.memory_space<semaphore_mem>>, %arg19: memref<!tpu.dma_semaphore, #tpu.memory_space<semaphore_mem>>, %arg20: memref<!tpu.dma_semaphore, #tpu.memory_space<semaphore_mem>>, %arg21: memref<!tpu.dma_semaphore, #tpu.memory_space<semaphore_mem>>, %arg22: memref<!tpu.dma_semaphore, #tpu.memory_space<semaphore_mem>>, %arg23: memref<!tpu.dma_semaphore, #tpu.memory_space<semaphore_mem>>, %arg24: memref<!tpu.dma_semaphore, #tpu.memory_space<semaphore_mem>>, %arg25: memref<!tpu.dma_semaphore, #tpu.memory_space<semaphore_mem>>, %arg26: memref<!tpu.dma_semaphore, #tpu.memory_space<semaphore_mem>>) attributes {dimension_semantics = [#tpu.dimension_semantics<core_parallel>, #tpu.dimension_semantics<subcore_parallel>], iteration_bounds = array<i64: 2, 16>, scalar_prefetch = 0 : i64, scratch_operands = 21 : i64, tpu.core_type = #tpu.core_type<sc_vector_subcore>, window_params = [{transform_indices = #map}, {transform_indices = #map1}, {transform_indices = #map2}, {transform_indices = #map1}]} {
    %mul3A = arith.constant 2 : i32
    %mul3A_0 = arith.muli %arg1, %mul3A : i32
    %add3A = arith.addi %mul3A_0, %arg0 : i32
    %mul3A_1 = arith.constant 512 : i32
    %mul3A_2 = arith.muli %add3A, %mul3A_1 : i32
    "tpu.region"() ({
      %run_scoped3A = tpu.sem_alloc : memref<!tpu.dma_semaphore, #tpu.memory_space<semaphore_mem>>
      %dma_start3A_66 = tpu.memref_slice %arg2[%mul3A_2] : memref<16384xi32, #tpu.memory_space<hbm>> -> memref<512xi32, #tpu.memory_space<hbm>>
      %dma_start3A_67 = tpu.memref_slice %arg2[%mul3A_2] : memref<16384xi32, #tpu.memory_space<hbm>> -> memref<512xi32, #tpu.memory_space<hbm>>
      tpu.enqueue_dma source(%dma_start3A_67 : memref<512xi32, #tpu.memory_space<hbm>>) target(%arg6 : memref<512xi32, #tpu.memory_space<vmem>>) target_semaphore(%run_scoped3A : memref<!tpu.dma_semaphore, #tpu.memory_space<semaphore_mem>>)
      %dma_wait3A_68 = tpu.memref_slice %arg2[%mul3A_2] : memref<16384xi32, #tpu.memory_space<hbm>> -> memref<512xi32, #tpu.memory_space<hbm>>
      %dma_wait3A_69 = tpu.memref_slice %arg2[%mul3A_2] : memref<16384xi32, #tpu.memory_space<hbm>> -> memref<512xi32, #tpu.memory_space<hbm>>
      tpu.wait_dma2 semaphore(%run_scoped3A : memref<!tpu.dma_semaphore, #tpu.memory_space<semaphore_mem>>) src(%dma_wait3A_69 : memref<512xi32, #tpu.memory_space<hbm>>) dst(%arg6 : memref<512xi32, #tpu.memory_space<vmem>>)
      tpu.yield
    }) : () -> ()
    %dma_start3A = arith.constant 0 : i32
    %dma_start3A_3 = tpu.memref_slice %arg6[%dma_start3A] : memref<512xi32, #tpu.memory_space<vmem>> -> memref<16xi32, #tpu.memory_space<vmem>>
    %dma_start3A_4 = arith.constant 0 : i32
    %dma_start3A_5 = arith.constant 0 : i32
    %dma_start3A_6 = arith.constant 0 : i32
    %dma_start3A_7 = tpu.memref_slice %arg4[%dma_start3A_4, %dma_start3A_5, %dma_start3A_6] : memref<100000x8x128xf32, #tpu.memory_space<hbm>> -> memref<100000x8x128xf32, #tpu.memory_space<hbm>>
    tpu.enqueue_indirect_dma source(%dma_start3A_7 : memref<100000x8x128xf32, #tpu.memory_space<hbm>>) target(%arg7 : memref<16x8x128xf32, #tpu.memory_space<vmem>>) offsets(%dma_start3A_3 : memref<16xi32, #tpu.memory_space<vmem>>) semaphore(%arg17 : memref<!tpu.dma_semaphore, #tpu.memory_space<semaphore_mem>>)
    %add3A_8 = arith.constant 0 : i32
    %add3A_9 = arith.addi %mul3A_2, %add3A_8 : i32
    %dma_start3A_10 = arith.constant 0 : i32
    %dma_start3A_11 = tpu.memref_slice %arg3[%add3A_9, %dma_start3A_10] : memref<16384x16xf32, #tpu.memory_space<hbm>> -> memref<16x16xf32, #tpu.memory_space<hbm>>
    %dma_start3A_12 = arith.constant 0 : i32
    %dma_start3A_13 = tpu.memref_slice %arg3[%add3A_9, %dma_start3A_12] : memref<16384x16xf32, #tpu.memory_space<hbm>> -> memref<16x16xf32, #tpu.memory_space<hbm>>
    tpu.enqueue_dma source(%dma_start3A_13 : memref<16x16xf32, #tpu.memory_space<hbm>>) target(%arg11 : memref<16x16xf32, #tpu.memory_space<vmem>>) target_semaphore(%arg21 : memref<!tpu.dma_semaphore, #tpu.memory_space<semaphore_mem>>)
    %dma_start3A_14 = arith.constant 16 : i32
    %dma_start3A_15 = tpu.memref_slice %arg6[%dma_start3A_14] : memref<512xi32, #tpu.memory_space<vmem>> -> memref<16xi32, #tpu.memory_space<vmem>>
    %dma_start3A_16 = arith.constant 0 : i32
    %dma_start3A_17 = arith.constant 0 : i32
    %dma_start3A_18 = arith.constant 0 : i32
    %dma_start3A_19 = tpu.memref_slice %arg4[%dma_start3A_16, %dma_start3A_17, %dma_start3A_18] : memref<100000x8x128xf32, #tpu.memory_space<hbm>> -> memref<100000x8x128xf32, #tpu.memory_space<hbm>>
    tpu.enqueue_indirect_dma source(%dma_start3A_19 : memref<100000x8x128xf32, #tpu.memory_space<hbm>>) target(%arg8 : memref<16x8x128xf32, #tpu.memory_space<vmem>>) offsets(%dma_start3A_15 : memref<16xi32, #tpu.memory_space<vmem>>) semaphore(%arg18 : memref<!tpu.dma_semaphore, #tpu.memory_space<semaphore_mem>>)
    %add3A_20 = arith.constant 16 : i32
    %add3A_21 = arith.addi %mul3A_2, %add3A_20 : i32
    %dma_start3A_22 = arith.constant 0 : i32
    %dma_start3A_23 = tpu.memref_slice %arg3[%add3A_21, %dma_start3A_22] : memref<16384x16xf32, #tpu.memory_space<hbm>> -> memref<16x16xf32, #tpu.memory_space<hbm>>
    %dma_start3A_24 = arith.constant 0 : i32
    %dma_start3A_25 = tpu.memref_slice %arg3[%add3A_21, %dma_start3A_24] : memref<16384x16xf32, #tpu.memory_space<hbm>> -> memref<16x16xf32, #tpu.memory_space<hbm>>
    tpu.enqueue_dma source(%dma_start3A_25 : memref<16x16xf32, #tpu.memory_space<hbm>>) target(%arg12 : memref<16x16xf32, #tpu.memory_space<vmem>>) target_semaphore(%arg22 : memref<!tpu.dma_semaphore, #tpu.memory_space<semaphore_mem>>)
    %dma_start3A_26 = arith.constant 32 : i32
    %dma_start3A_27 = tpu.memref_slice %arg6[%dma_start3A_26] : memref<512xi32, #tpu.memory_space<vmem>> -> memref<16xi32, #tpu.memory_space<vmem>>
    %dma_start3A_28 = arith.constant 0 : i32
    %dma_start3A_29 = arith.constant 0 : i32
    %dma_start3A_30 = arith.constant 0 : i32
    %dma_start3A_31 = tpu.memref_slice %arg4[%dma_start3A_28, %dma_start3A_29, %dma_start3A_30] : memref<100000x8x128xf32, #tpu.memory_space<hbm>> -> memref<100000x8x128xf32, #tpu.memory_space<hbm>>
    tpu.enqueue_indirect_dma source(%dma_start3A_31 : memref<100000x8x128xf32, #tpu.memory_space<hbm>>) target(%arg9 : memref<16x8x128xf32, #tpu.memory_space<vmem>>) offsets(%dma_start3A_27 : memref<16xi32, #tpu.memory_space<vmem>>) semaphore(%arg19 : memref<!tpu.dma_semaphore, #tpu.memory_space<semaphore_mem>>)
    %add3A_32 = arith.constant 32 : i32
    %add3A_33 = arith.addi %mul3A_2, %add3A_32 : i32
    %dma_start3A_34 = arith.constant 0 : i32
    %dma_start3A_35 = tpu.memref_slice %arg3[%add3A_33, %dma_start3A_34] : memref<16384x16xf32, #tpu.memory_space<hbm>> -> memref<16x16xf32, #tpu.memory_space<hbm>>
    %dma_start3A_36 = arith.constant 0 : i32
    %dma_start3A_37 = tpu.memref_slice %arg3[%add3A_33, %dma_start3A_36] : memref<16384x16xf32, #tpu.memory_space<hbm>> -> memref<16x16xf32, #tpu.memory_space<hbm>>
    tpu.enqueue_dma source(%dma_start3A_37 : memref<16x16xf32, #tpu.memory_space<hbm>>) target(%arg13 : memref<16x16xf32, #tpu.memory_space<vmem>>) target_semaphore(%arg23 : memref<!tpu.dma_semaphore, #tpu.memory_space<semaphore_mem>>)
    %dma_start3A_38 = arith.constant 48 : i32
    %dma_start3A_39 = tpu.memref_slice %arg6[%dma_start3A_38] : memref<512xi32, #tpu.memory_space<vmem>> -> memref<16xi32, #tpu.memory_space<vmem>>
    %dma_start3A_40 = arith.constant 0 : i32
    %dma_start3A_41 = arith.constant 0 : i32
    %dma_start3A_42 = arith.constant 0 : i32
    %dma_start3A_43 = tpu.memref_slice %arg4[%dma_start3A_40, %dma_start3A_41, %dma_start3A_42] : memref<100000x8x128xf32, #tpu.memory_space<hbm>> -> memref<100000x8x128xf32, #tpu.memory_space<hbm>>
    tpu.enqueue_indirect_dma source(%dma_start3A_43 : memref<100000x8x128xf32, #tpu.memory_space<hbm>>) target(%arg10 : memref<16x8x128xf32, #tpu.memory_space<vmem>>) offsets(%dma_start3A_39 : memref<16xi32, #tpu.memory_space<vmem>>) semaphore(%arg20 : memref<!tpu.dma_semaphore, #tpu.memory_space<semaphore_mem>>)
    %add3A_44 = arith.constant 48 : i32
    %add3A_45 = arith.addi %mul3A_2, %add3A_44 : i32
    %dma_start3A_46 = arith.constant 0 : i32
    %dma_start3A_47 = tpu.memref_slice %arg3[%add3A_45, %dma_start3A_46] : memref<16384x16xf32, #tpu.memory_space<hbm>> -> memref<16x16xf32, #tpu.memory_space<hbm>>
    %dma_start3A_48 = arith.constant 0 : i32
    %dma_start3A_49 = tpu.memref_slice %arg3[%add3A_45, %dma_start3A_48] : memref<16384x16xf32, #tpu.memory_space<hbm>> -> memref<16x16xf32, #tpu.memory_space<hbm>>
    tpu.enqueue_dma source(%dma_start3A_49 : memref<16x16xf32, #tpu.memory_space<hbm>>) target(%arg14 : memref<16x16xf32, #tpu.memory_space<vmem>>) target_semaphore(%arg24 : memref<!tpu.dma_semaphore, #tpu.memory_space<semaphore_mem>>)
    %scan3A = arith.constant 0 : i32
    %scan3A_50 = arith.constant 0 : i32
    %scan3A_51 = arith.constant 8 : i32
    %scan3A_52 = arith.addi %scan3A_50, %scan3A_51 : i32
    %scan3A_53 = arith.constant 1 : i32
    scf.for %scan3A_66 = %scan3A_50 to %scan3A_52 step %scan3A_53  : i32 {
      %mul3A_67 = arith.constant 4 : i32
      %mul3A_68 = arith.muli %scan3A_66, %mul3A_67 : i32
      %add3A_69 = arith.constant 0 : i32
      %add3A_70 = arith.addi %mul3A_68, %add3A_69 : i32
      %mul3A_71 = arith.constant 16 : i32
      %mul3A_72 = arith.muli %add3A_70, %mul3A_71 : i32
      %dma_wait3A_73 = tpu.memref_slice %arg6[%mul3A_72] : memref<512xi32, #tpu.memory_space<vmem>> -> memref<16xi32, #tpu.memory_space<vmem>>
      %dma_wait3A_74 = arith.constant 0 : i32
      %dma_wait3A_75 = arith.constant 0 : i32
      %dma_wait3A_76 = arith.constant 0 : i32
      %dma_wait3A_77 = tpu.memref_slice %arg4[%dma_wait3A_74, %dma_wait3A_75, %dma_wait3A_76] : memref<100000x8x128xf32, #tpu.memory_space<hbm>> -> memref<100000x8x128xf32, #tpu.memory_space<hbm>>
      tpu.wait_indirect_dma semaphore(%arg17 : memref<!tpu.dma_semaphore, #tpu.memory_space<semaphore_mem>>) src(%dma_wait3A_77 : memref<100000x8x128xf32, #tpu.memory_space<hbm>>) dst(%arg7 : memref<16x8x128xf32, #tpu.memory_space<vmem>>)
      %mul3A_78 = arith.constant 16 : i32
      %mul3A_79 = arith.muli %add3A_70, %mul3A_78 : i32
      %add3A_80 = arith.addi %mul3A_2, %mul3A_79 : i32
      %dma_wait3A_81 = arith.constant 0 : i32
      %dma_wait3A_82 = tpu.memref_slice %arg3[%add3A_80, %dma_wait3A_81] : memref<16384x16xf32, #tpu.memory_space<hbm>> -> memref<16x16xf32, #tpu.memory_space<hbm>>
      %dma_wait3A_83 = arith.constant 0 : i32
      %dma_wait3A_84 = tpu.memref_slice %arg3[%add3A_80, %dma_wait3A_83] : memref<16384x16xf32, #tpu.memory_space<hbm>> -> memref<16x16xf32, #tpu.memory_space<hbm>>
      tpu.wait_dma2 semaphore(%arg21 : memref<!tpu.dma_semaphore, #tpu.memory_space<semaphore_mem>>) src(%dma_wait3A_84 : memref<16x16xf32, #tpu.memory_space<hbm>>) dst(%arg11 : memref<16x16xf32, #tpu.memory_space<vmem>>)
      %ge3A = arith.constant 2 : i32
      %ge3A_85 = arith.cmpi sge, %add3A_70, %ge3A : i32
      %convert_element_type3A = arith.extui %ge3A_85 : i1 to i32
      %cond3A = arith.constant 0 : i32
      %cond3A_86 = arith.cmpi ne, %convert_element_type3A, %cond3A : i32
      scf.if %cond3A_86 {
        %mul3A_229 = arith.constant 16 : i32
        %mul3A_230 = arith.muli %add3A_70, %mul3A_229 : i32
        %add3A_231 = arith.addi %mul3A_2, %mul3A_230 : i32
        %dma_wait3A_232 = arith.constant 0 : i32
        %dma_wait3A_233 = tpu.memref_slice %arg5[%add3A_231, %dma_wait3A_232] : memref<16384x128xf32, #tpu.memory_space<hbm>> -> memref<16x128xf32, #tpu.memory_space<hbm>>
        %dma_wait3A_234 = arith.constant 0 : i32
        %dma_wait3A_235 = tpu.memref_slice %arg5[%add3A_231, %dma_wait3A_234] : memref<16384x128xf32, #tpu.memory_space<hbm>> -> memref<16x128xf32, #tpu.memory_space<hbm>>
        tpu.wait_dma2 semaphore(%arg25 : memref<!tpu.dma_semaphore, #tpu.memory_space<semaphore_mem>>) src(%arg15 : memref<16x128xf32, #tpu.memory_space<vmem>>) dst(%dma_wait3A_235 : memref<16x128xf32, #tpu.memory_space<hbm>>)
      } else {
      }
      %scan3A_87 = arith.constant 0 : i32
      %scan3A_88 = arith.constant 0 : i32
      %scan3A_89 = arith.constant 16 : i32
      %scan3A_90 = arith.addi %scan3A_88, %scan3A_89 : i32
      %scan3A_91 = arith.constant 2 : i32
      scf.for %scan3A_229 = %scan3A_88 to %scan3A_90 step %scan3A_91  : i32 {
        %get3A = arith.index_cast %scan3A_229 : i32 to index
        %get3A_230 = arith.constant 0 : index
        %get3A_231 = tpu.vector_load %arg11[%get3A, %get3A_230] {strides = array<i32>} : memref<16x16xf32, #tpu.memory_space<vmem>>, vector<1x16xf32>,
        %get3A_232 = vector.shape_cast %get3A_231 : vector<1x16xf32> to vector<16xf32>
        %slice3A = vector.extract_strided_slice %get3A_232 {offsets = [0], sizes = [1], strides = [1]} : vector<16xf32> to vector<1xf32>
        %squeeze3A = vector.extract %slice3A[0] : f32 from vector<1xf32>
        %slice3A_233 = vector.extract_strided_slice %get3A_232 {offsets = [1], sizes = [1], strides = [1]} : vector<16xf32> to vector<1xf32>
        %squeeze3A_234 = vector.extract %slice3A_233[0] : f32 from vector<1xf32>
        %slice3A_235 = vector.extract_strided_slice %get3A_232 {offsets = [2], sizes = [1], strides = [1]} : vector<16xf32> to vector<1xf32>
        %squeeze3A_236 = vector.extract %slice3A_235[0] : f32 from vector<1xf32>
        %slice3A_237 = vector.extract_strided_slice %get3A_232 {offsets = [3], sizes = [1], strides = [1]} : vector<16xf32> to vector<1xf32>
        %squeeze3A_238 = vector.extract %slice3A_237[0] : f32 from vector<1xf32>
        %slice3A_239 = vector.extract_strided_slice %get3A_232 {offsets = [4], sizes = [1], strides = [1]} : vector<16xf32> to vector<1xf32>
        %squeeze3A_240 = vector.extract %slice3A_239[0] : f32 from vector<1xf32>
        %slice3A_241 = vector.extract_strided_slice %get3A_232 {offsets = [5], sizes = [1], strides = [1]} : vector<16xf32> to vector<1xf32>
        %squeeze3A_242 = vector.extract %slice3A_241[0] : f32 from vector<1xf32>
        %slice3A_243 = vector.extract_strided_slice %get3A_232 {offsets = [6], sizes = [1], strides = [1]} : vector<16xf32> to vector<1xf32>
        %squeeze3A_244 = vector.extract %slice3A_243[0] : f32 from vector<1xf32>
        %slice3A_245 = vector.extract_strided_slice %get3A_232 {offsets = [7], sizes = [1], strides = [1]} : vector<16xf32> to vector<1xf32>
        %squeeze3A_246 = vector.extract %slice3A_245[0] : f32 from vector<1xf32>
        %get3A_247 = arith.constant 0 : i32
        %get3A_248 = arith.index_cast %scan3A_229 : i32 to index
        %get3A_249 = arith.index_cast %get3A_247 : i32 to index
        %get3A_250 = arith.constant 0 : index
        %get3A_251 = tpu.vector_load %arg7[%get3A_248, %get3A_249, %get3A_250] {strides = array<i32>} : memref<16x8x128xf32, #tpu.memory_space<vmem>>, vector<1x1x16xf32>,
        %get3A_252 = vector.shape_cast %get3A_251 : vector<1x1x16xf32> to vector<16xf32>
        %get3A_253 = arith.constant 1 : i32
        %get3A_254 = arith.index_cast %scan3A_229 : i32 to index
        %get3A_255 = arith.index_cast %get3A_253 : i32 to index
        %get3A_256 = arith.constant 0 : index
        %get3A_257 = tpu.vector_load %arg7[%get3A_254, %get3A_255, %get3A_256] {strides = array<i32>} : memref<16x8x128xf32, #tpu.memory_space<vmem>>, vector<1x1x16xf32>,
        %get3A_258 = vector.shape_cast %get3A_257 : vector<1x1x16xf32> to vector<16xf32>
        %get3A_259 = arith.constant 2 : i32
        %get3A_260 = arith.index_cast %scan3A_229 : i32 to index
        %get3A_261 = arith.index_cast %get3A_259 : i32 to index
        %get3A_262 = arith.constant 0 : index
        %get3A_263 = tpu.vector_load %arg7[%get3A_260, %get3A_261, %get3A_262] {strides = array<i32>} : memref<16x8x128xf32, #tpu.memory_space<vmem>>, vector<1x1x16xf32>,
        %get3A_264 = vector.shape_cast %get3A_263 : vector<1x1x16xf32> to vector<16xf32>
        %get3A_265 = arith.constant 3 : i32
        %get3A_266 = arith.index_cast %scan3A_229 : i32 to index
        %get3A_267 = arith.index_cast %get3A_265 : i32 to index
        %get3A_268 = arith.constant 0 : index
        %get3A_269 = tpu.vector_load %arg7[%get3A_266, %get3A_267, %get3A_268] {strides = array<i32>} : memref<16x8x128xf32, #tpu.memory_space<vmem>>, vector<1x1x16xf32>,
        %get3A_270 = vector.shape_cast %get3A_269 : vector<1x1x16xf32> to vector<16xf32>
        %get3A_271 = arith.constant 4 : i32
        %get3A_272 = arith.index_cast %scan3A_229 : i32 to index
        %get3A_273 = arith.index_cast %get3A_271 : i32 to index
        %get3A_274 = arith.constant 0 : index
        %get3A_275 = tpu.vector_load %arg7[%get3A_272, %get3A_273, %get3A_274] {strides = array<i32>} : memref<16x8x128xf32, #tpu.memory_space<vmem>>, vector<1x1x16xf32>,
        %get3A_276 = vector.shape_cast %get3A_275 : vector<1x1x16xf32> to vector<16xf32>
        %get3A_277 = arith.constant 5 : i32
        %get3A_278 = arith.index_cast %scan3A_229 : i32 to index
        %get3A_279 = arith.index_cast %get3A_277 : i32 to index
        %get3A_280 = arith.constant 0 : index
        %get3A_281 = tpu.vector_load %arg7[%get3A_278, %get3A_279, %get3A_280] {strides = array<i32>} : memref<16x8x128xf32, #tpu.memory_space<vmem>>, vector<1x1x16xf32>,
        %get3A_282 = vector.shape_cast %get3A_281 : vector<1x1x16xf32> to vector<16xf32>
        %get3A_283 = arith.constant 6 : i32
        %get3A_284 = arith.index_cast %scan3A_229 : i32 to index
        %get3A_285 = arith.index_cast %get3A_283 : i32 to index
        %get3A_286 = arith.constant 0 : index
        %get3A_287 = tpu.vector_load %arg7[%get3A_284, %get3A_285, %get3A_286] {strides = array<i32>} : memref<16x8x128xf32, #tpu.memory_space<vmem>>, vector<1x1x16xf32>,
        %get3A_288 = vector.shape_cast %get3A_287 : vector<1x1x16xf32> to vector<16xf32>
        %get3A_289 = arith.constant 7 : i32
        %get3A_290 = arith.index_cast %scan3A_229 : i32 to index
        %get3A_291 = arith.index_cast %get3A_289 : i32 to index
        %get3A_292 = arith.constant 0 : index
        %get3A_293 = tpu.vector_load %arg7[%get3A_290, %get3A_291, %get3A_292] {strides = array<i32>} : memref<16x8x128xf32, #tpu.memory_space<vmem>>, vector<1x1x16xf32>,
        %get3A_294 = vector.shape_cast %get3A_293 : vector<1x1x16xf32> to vector<16xf32>
        %get3A_295 = arith.constant 0 : i32
        %get3A_296 = arith.index_cast %scan3A_229 : i32 to index
        %get3A_297 = arith.index_cast %get3A_295 : i32 to index
        %get3A_298 = arith.constant 16 : index
        %get3A_299 = tpu.vector_load %arg7[%get3A_296, %get3A_297, %get3A_298] {strides = array<i32>} : memref<16x8x128xf32, #tpu.memory_space<vmem>>, vector<1x1x16xf32>,
        %get3A_300 = vector.shape_cast %get3A_299 : vector<1x1x16xf32> to vector<16xf32>
        %get3A_301 = arith.constant 1 : i32
        %get3A_302 = arith.index_cast %scan3A_229 : i32 to index
        %get3A_303 = arith.index_cast %get3A_301 : i32 to index
        %get3A_304 = arith.constant 16 : index
        %get3A_305 = tpu.vector_load %arg7[%get3A_302, %get3A_303, %get3A_304] {strides = array<i32>} : memref<16x8x128xf32, #tpu.memory_space<vmem>>, vector<1x1x16xf32>,
        %get3A_306 = vector.shape_cast %get3A_305 : vector<1x1x16xf32> to vector<16xf32>
        %get3A_307 = arith.constant 2 : i32
        %get3A_308 = arith.index_cast %scan3A_229 : i32 to index
        %get3A_309 = arith.index_cast %get3A_307 : i32 to index
        %get3A_310 = arith.constant 16 : index
        %get3A_311 = tpu.vector_load %arg7[%get3A_308, %get3A_309, %get3A_310] {strides = array<i32>} : memref<16x8x128xf32, #tpu.memory_space<vmem>>, vector<1x1x16xf32>,
        %get3A_312 = vector.shape_cast %get3A_311 : vector<1x1x16xf32> to vector<16xf32>
        %get3A_313 = arith.constant 3 : i32
        %get3A_314 = arith.index_cast %scan3A_229 : i32 to index
        %get3A_315 = arith.index_cast %get3A_313 : i32 to index
        %get3A_316 = arith.constant 16 : index
        %get3A_317 = tpu.vector_load %arg7[%get3A_314, %get3A_315, %get3A_316] {strides = array<i32>} : memref<16x8x128xf32, #tpu.memory_space<vmem>>, vector<1x1x16xf32>,
        %get3A_318 = vector.shape_cast %get3A_317 : vector<1x1x16xf32> to vector<16xf32>
        %get3A_319 = arith.constant 4 : i32
        %get3A_320 = arith.index_cast %scan3A_229 : i32 to index
        %get3A_321 = arith.index_cast %get3A_319 : i32 to index
        %get3A_322 = arith.constant 16 : index
        %get3A_323 = tpu.vector_load %arg7[%get3A_320, %get3A_321, %get3A_322] {strides = array<i32>} : memref<16x8x128xf32, #tpu.memory_space<vmem>>, vector<1x1x16xf32>,
        %get3A_324 = vector.shape_cast %get3A_323 : vector<1x1x16xf32> to vector<16xf32>
        %get3A_325 = arith.constant 5 : i32
        %get3A_326 = arith.index_cast %scan3A_229 : i32 to index
        %get3A_327 = arith.index_cast %get3A_325 : i32 to index
        %get3A_328 = arith.constant 16 : index
        %get3A_329 = tpu.vector_load %arg7[%get3A_326, %get3A_327, %get3A_328] {strides = array<i32>} : memref<16x8x128xf32, #tpu.memory_space<vmem>>, vector<1x1x16xf32>,
        %get3A_330 = vector.shape_cast %get3A_329 : vector<1x1x16xf32> to vector<16xf32>
        %get3A_331 = arith.constant 6 : i32
        %get3A_332 = arith.index_cast %scan3A_229 : i32 to index
        %get3A_333 = arith.index_cast %get3A_331 : i32 to index
        %get3A_334 = arith.constant 16 : index
        %get3A_335 = tpu.vector_load %arg7[%get3A_332, %get3A_333, %get3A_334] {strides = array<i32>} : memref<16x8x128xf32, #tpu.memory_space<vmem>>, vector<1x1x16xf32>,
        %get3A_336 = vector.shape_cast %get3A_335 : vector<1x1x16xf32> to vector<16xf32>
        %get3A_337 = arith.constant 7 : i32
        %get3A_338 = arith.index_cast %scan3A_229 : i32 to index
        %get3A_339 = arith.index_cast %get3A_337 : i32 to index
        %get3A_340 = arith.constant 16 : index
        %get3A_341 = tpu.vector_load %arg7[%get3A_338, %get3A_339, %get3A_340] {strides = array<i32>} : memref<16x8x128xf32, #tpu.memory_space<vmem>>, vector<1x1x16xf32>,
        %get3A_342 = vector.shape_cast %get3A_341 : vector<1x1x16xf32> to vector<16xf32>
        %mul3A_343 = vector.broadcast %squeeze3A : f32 to vector<16xf32>
        %mul3A_344 = arith.mulf %get3A_252, %mul3A_343 : vector<16xf32>
        %mul3A_345 = vector.broadcast %squeeze3A_234 : f32 to vector<16xf32>
        %mul3A_346 = arith.mulf %get3A_258, %mul3A_345 : vector<16xf32>
        %mul3A_347 = vector.broadcast %squeeze3A_236 : f32 to vector<16xf32>
        %mul3A_348 = arith.mulf %get3A_264, %mul3A_347 : vector<16xf32>
        %mul3A_349 = vector.broadcast %squeeze3A_238 : f32 to vector<16xf32>
        %mul3A_350 = arith.mulf %get3A_270, %mul3A_349 : vector<16xf32>
        %mul3A_351 = vector.broadcast %squeeze3A_240 : f32 to vector<16xf32>
        %mul3A_352 = arith.mulf %get3A_276, %mul3A_351 : vector<16xf32>
        %mul3A_353 = vector.broadcast %squeeze3A_242 : f32 to vector<16xf32>
        %mul3A_354 = arith.mulf %get3A_282, %mul3A_353 : vector<16xf32>
        %mul3A_355 = vector.broadcast %squeeze3A_244 : f32 to vector<16xf32>
        %mul3A_356 = arith.mulf %get3A_288, %mul3A_355 : vector<16xf32>
        %mul3A_357 = vector.broadcast %squeeze3A_246 : f32 to vector<16xf32>
        %mul3A_358 = arith.mulf %get3A_294, %mul3A_357 : vector<16xf32>
        %add3A_359 = arith.addf %mul3A_344, %mul3A_346 : vector<16xf32>
        %add3A_360 = arith.addf %mul3A_348, %mul3A_350 : vector<16xf32>
        %add3A_361 = arith.addf %mul3A_352, %mul3A_354 : vector<16xf32>
        %add3A_362 = arith.addf %mul3A_356, %mul3A_358 : vector<16xf32>
        %add3A_363 = arith.addf %add3A_359, %add3A_360 : vector<16xf32>
        %add3A_364 = arith.addf %add3A_361, %add3A_362 : vector<16xf32>
        %add3A_365 = arith.addf %add3A_363, %add3A_364 : vector<16xf32>
        %swap3A = arith.index_cast %scan3A_229 : i32 to index
        %swap3A_366 = arith.constant 0 : index
        %swap3A_367 = tpu.vector_load %arg15[%swap3A, %swap3A_366] {strides = array<i32>} : memref<16x128xf32, #tpu.memory_space<vmem>>, vector<1x16xf32>,
        %swap3A_368 = vector.shape_cast %swap3A_367 : vector<1x16xf32> to vector<16xf32>
        %swap3A_369 = vector.shape_cast %add3A_365 : vector<16xf32> to vector<1x16xf32>
        tpu.vector_store %arg15[%swap3A, %swap3A_366], %swap3A_369 {strides = array<i32>} : memref<16x128xf32, #tpu.memory_space<vmem>>, vector<1x16xf32>,
        %get3A_370 = arith.constant 0 : i32
        %get3A_371 = arith.index_cast %scan3A_229 : i32 to index
        %get3A_372 = arith.index_cast %get3A_370 : i32 to index
        %get3A_373 = arith.constant 32 : index
        %get3A_374 = tpu.vector_load %arg7[%get3A_371, %get3A_372, %get3A_373] {strides = array<i32>} : memref<16x8x128xf32, #tpu.memory_space<vmem>>, vector<1x1x16xf32>,
        %get3A_375 = vector.shape_cast %get3A_374 : vector<1x1x16xf32> to vector<16xf32>
        %get3A_376 = arith.constant 1 : i32
        %get3A_377 = arith.index_cast %scan3A_229 : i32 to index
        %get3A_378 = arith.index_cast %get3A_376 : i32 to index
        %get3A_379 = arith.constant 32 : index
        %get3A_380 = tpu.vector_load %arg7[%get3A_377, %get3A_378, %get3A_379] {strides = array<i32>} : memref<16x8x128xf32, #tpu.memory_space<vmem>>, vector<1x1x16xf32>,
        %get3A_381 = vector.shape_cast %get3A_380 : vector<1x1x16xf32> to vector<16xf32>
        %get3A_382 = arith.constant 2 : i32
        %get3A_383 = arith.index_cast %scan3A_229 : i32 to index
        %get3A_384 = arith.index_cast %get3A_382 : i32 to index
        %get3A_385 = arith.constant 32 : index
        %get3A_386 = tpu.vector_load %arg7[%get3A_383, %get3A_384, %get3A_385] {strides = array<i32>} : memref<16x8x128xf32, #tpu.memory_space<vmem>>, vector<1x1x16xf32>,
        %get3A_387 = vector.shape_cast %get3A_386 : vector<1x1x16xf32> to vector<16xf32>
        %get3A_388 = arith.constant 3 : i32
        %get3A_389 = arith.index_cast %scan3A_229 : i32 to index
        %get3A_390 = arith.index_cast %get3A_388 : i32 to index
        %get3A_391 = arith.constant 32 : index
        %get3A_392 = tpu.vector_load %arg7[%get3A_389, %get3A_390, %get3A_391] {strides = array<i32>} : memref<16x8x128xf32, #tpu.memory_space<vmem>>, vector<1x1x16xf32>,
        %get3A_393 = vector.shape_cast %get3A_392 : vector<1x1x16xf32> to vector<16xf32>
        %get3A_394 = arith.constant 4 : i32
        %get3A_395 = arith.index_cast %scan3A_229 : i32 to index
        %get3A_396 = arith.index_cast %get3A_394 : i32 to index
        %get3A_397 = arith.constant 32 : index
        %get3A_398 = tpu.vector_load %arg7[%get3A_395, %get3A_396, %get3A_397] {strides = array<i32>} : memref<16x8x128xf32, #tpu.memory_space<vmem>>, vector<1x1x16xf32>,
        %get3A_399 = vector.shape_cast %get3A_398 : vector<1x1x16xf32> to vector<16xf32>
        %get3A_400 = arith.constant 5 : i32
        %get3A_401 = arith.index_cast %scan3A_229 : i32 to index
        %get3A_402 = arith.index_cast %get3A_400 : i32 to index
        %get3A_403 = arith.constant 32 : index
        %get3A_404 = tpu.vector_load %arg7[%get3A_401, %get3A_402, %get3A_403] {strides = array<i32>} : memref<16x8x128xf32, #tpu.memory_space<vmem>>, vector<1x1x16xf32>,
        %get3A_405 = vector.shape_cast %get3A_404 : vector<1x1x16xf32> to vector<16xf32>
        %get3A_406 = arith.constant 6 : i32
        %get3A_407 = arith.index_cast %scan3A_229 : i32 to index
        %get3A_408 = arith.index_cast %get3A_406 : i32 to index
        %get3A_409 = arith.constant 32 : index
        %get3A_410 = tpu.vector_load %arg7[%get3A_407, %get3A_408, %get3A_409] {strides = array<i32>} : memref<16x8x128xf32, #tpu.memory_space<vmem>>, vector<1x1x16xf32>,
        %get3A_411 = vector.shape_cast %get3A_410 : vector<1x1x16xf32> to vector<16xf32>
        %get3A_412 = arith.constant 7 : i32
        %get3A_413 = arith.index_cast %scan3A_229 : i32 to index
        %get3A_414 = arith.index_cast %get3A_412 : i32 to index
        %get3A_415 = arith.constant 32 : index
        %get3A_416 = tpu.vector_load %arg7[%get3A_413, %get3A_414, %get3A_415] {strides = array<i32>} : memref<16x8x128xf32, #tpu.memory_space<vmem>>, vector<1x1x16xf32>,
        %get3A_417 = vector.shape_cast %get3A_416 : vector<1x1x16xf32> to vector<16xf32>
        %mul3A_418 = vector.broadcast %squeeze3A : f32 to vector<16xf32>
        %mul3A_419 = arith.mulf %get3A_300, %mul3A_418 : vector<16xf32>
        %mul3A_420 = vector.broadcast %squeeze3A_234 : f32 to vector<16xf32>
        %mul3A_421 = arith.mulf %get3A_306, %mul3A_420 : vector<16xf32>
        %mul3A_422 = vector.broadcast %squeeze3A_236 : f32 to vector<16xf32>
        %mul3A_423 = arith.mulf %get3A_312, %mul3A_422 : vector<16xf32>
        %mul3A_424 = vector.broadcast %squeeze3A_238 : f32 to vector<16xf32>
        %mul3A_425 = arith.mulf %get3A_318, %mul3A_424 : vector<16xf32>
        %mul3A_426 = vector.broadcast %squeeze3A_240 : f32 to vector<16xf32>
        %mul3A_427 = arith.mulf %get3A_324, %mul3A_426 : vector<16xf32>
        %mul3A_428 = vector.broadcast %squeeze3A_242 : f32 to vector<16xf32>
        %mul3A_429 = arith.mulf %get3A_330, %mul3A_428 : vector<16xf32>
        %mul3A_430 = vector.broadcast %squeeze3A_244 : f32 to vector<16xf32>
        %mul3A_431 = arith.mulf %get3A_336, %mul3A_430 : vector<16xf32>
        %mul3A_432 = vector.broadcast %squeeze3A_246 : f32 to vector<16xf32>
        %mul3A_433 = arith.mulf %get3A_342, %mul3A_432 : vector<16xf32>
        %add3A_434 = arith.addf %mul3A_419, %mul3A_421 : vector<16xf32>
        %add3A_435 = arith.addf %mul3A_423, %mul3A_425 : vector<16xf32>
        %add3A_436 = arith.addf %mul3A_427, %mul3A_429 : vector<16xf32>
        %add3A_437 = arith.addf %mul3A_431, %mul3A_433 : vector<16xf32>
        %add3A_438 = arith.addf %add3A_434, %add3A_435 : vector<16xf32>
        %add3A_439 = arith.addf %add3A_436, %add3A_437 : vector<16xf32>
        %add3A_440 = arith.addf %add3A_438, %add3A_439 : vector<16xf32>
        %swap3A_441 = arith.index_cast %scan3A_229 : i32 to index
        %swap3A_442 = arith.constant 16 : index
        %swap3A_443 = tpu.vector_load %arg15[%swap3A_441, %swap3A_442] {strides = array<i32>} : memref<16x128xf32, #tpu.memory_space<vmem>>, vector<1x16xf32>,
        %swap3A_444 = vector.shape_cast %swap3A_443 : vector<1x16xf32> to vector<16xf32>
        %swap3A_445 = vector.shape_cast %add3A_440 : vector<16xf32> to vector<1x16xf32>
        tpu.vector_store %arg15[%swap3A_441, %swap3A_442], %swap3A_445 {strides = array<i32>} : memref<16x128xf32, #tpu.memory_space<vmem>>, vector<1x16xf32>,
        %get3A_446 = arith.constant 0 : i32
        %get3A_447 = arith.index_cast %scan3A_229 : i32 to index
        %get3A_448 = arith.index_cast %get3A_446 : i32 to index
        %get3A_449 = arith.constant 48 : index
        %get3A_450 = tpu.vector_load %arg7[%get3A_447, %get3A_448, %get3A_449] {strides = array<i32>} : memref<16x8x128xf32, #tpu.memory_space<vmem>>, vector<1x1x16xf32>,
        %get3A_451 = vector.shape_cast %get3A_450 : vector<1x1x16xf32> to vector<16xf32>
        %get3A_452 = arith.constant 1 : i32
        %get3A_453 = arith.index_cast %scan3A_229 : i32 to index
        %get3A_454 = arith.index_cast %get3A_452 : i32 to index
        %get3A_455 = arith.constant 48 : index
        %get3A_456 = tpu.vector_load %arg7[%get3A_453, %get3A_454, %get3A_455] {strides = array<i32>} : memref<16x8x128xf32, #tpu.memory_space<vmem>>, vector<1x1x16xf32>,
        %get3A_457 = vector.shape_cast %get3A_456 : vector<1x1x16xf32> to vector<16xf32>
        %get3A_458 = arith.constant 2 : i32
        %get3A_459 = arith.index_cast %scan3A_229 : i32 to index
        %get3A_460 = arith.index_cast %get3A_458 : i32 to index
        %get3A_461 = arith.constant 48 : index
        %get3A_462 = tpu.vector_load %arg7[%get3A_459, %get3A_460, %get3A_461] {strides = array<i32>} : memref<16x8x128xf32, #tpu.memory_space<vmem>>, vector<1x1x16xf32>,
        %get3A_463 = vector.shape_cast %get3A_462 : vector<1x1x16xf32> to vector<16xf32>
        %get3A_464 = arith.constant 3 : i32
        %get3A_465 = arith.index_cast %scan3A_229 : i32 to index
        %get3A_466 = arith.index_cast %get3A_464 : i32 to index
        %get3A_467 = arith.constant 48 : index
        %get3A_468 = tpu.vector_load %arg7[%get3A_465, %get3A_466, %get3A_467] {strides = array<i32>} : memref<16x8x128xf32, #tpu.memory_space<vmem>>, vector<1x1x16xf32>,
        %get3A_469 = vector.shape_cast %get3A_468 : vector<1x1x16xf32> to vector<16xf32>
        %get3A_470 = arith.constant 4 : i32
        %get3A_471 = arith.index_cast %scan3A_229 : i32 to index
        %get3A_472 = arith.index_cast %get3A_470 : i32 to index
        %get3A_473 = arith.constant 48 : index
        %get3A_474 = tpu.vector_load %arg7[%get3A_471, %get3A_472, %get3A_473] {strides = array<i32>} : memref<16x8x128xf32, #tpu.memory_space<vmem>>, vector<1x1x16xf32>,
        %get3A_475 = vector.shape_cast %get3A_474 : vector<1x1x16xf32> to vector<16xf32>
        %get3A_476 = arith.constant 5 : i32
        %get3A_477 = arith.index_cast %scan3A_229 : i32 to index
        %get3A_478 = arith.index_cast %get3A_476 : i32 to index
        %get3A_479 = arith.constant 48 : index
        %get3A_480 = tpu.vector_load %arg7[%get3A_477, %get3A_478, %get3A_479] {strides = array<i32>} : memref<16x8x128xf32, #tpu.memory_space<vmem>>, vector<1x1x16xf32>,
        %get3A_481 = vector.shape_cast %get3A_480 : vector<1x1x16xf32> to vector<16xf32>
        %get3A_482 = arith.constant 6 : i32
        %get3A_483 = arith.index_cast %scan3A_229 : i32 to index
        %get3A_484 = arith.index_cast %get3A_482 : i32 to index
        %get3A_485 = arith.constant 48 : index
        %get3A_486 = tpu.vector_load %arg7[%get3A_483, %get3A_484, %get3A_485] {strides = array<i32>} : memref<16x8x128xf32, #tpu.memory_space<vmem>>, vector<1x1x16xf32>,
        %get3A_487 = vector.shape_cast %get3A_486 : vector<1x1x16xf32> to vector<16xf32>
        %get3A_488 = arith.constant 7 : i32
        %get3A_489 = arith.index_cast %scan3A_229 : i32 to index
        %get3A_490 = arith.index_cast %get3A_488 : i32 to index
        %get3A_491 = arith.constant 48 : index
        %get3A_492 = tpu.vector_load %arg7[%get3A_489, %get3A_490, %get3A_491] {strides = array<i32>} : memref<16x8x128xf32, #tpu.memory_space<vmem>>, vector<1x1x16xf32>,
        %get3A_493 = vector.shape_cast %get3A_492 : vector<1x1x16xf32> to vector<16xf32>
        %mul3A_494 = vector.broadcast %squeeze3A : f32 to vector<16xf32>
        %mul3A_495 = arith.mulf %get3A_375, %mul3A_494 : vector<16xf32>
        %mul3A_496 = vector.broadcast %squeeze3A_234 : f32 to vector<16xf32>
        %mul3A_497 = arith.mulf %get3A_381, %mul3A_496 : vector<16xf32>
        %mul3A_498 = vector.broadcast %squeeze3A_236 : f32 to vector<16xf32>
        %mul3A_499 = arith.mulf %get3A_387, %mul3A_498 : vector<16xf32>
        %mul3A_500 = vector.broadcast %squeeze3A_238 : f32 to vector<16xf32>
        %mul3A_501 = arith.mulf %get3A_393, %mul3A_500 : vector<16xf32>
        %mul3A_502 = vector.broadcast %squeeze3A_240 : f32 to vector<16xf32>
        %mul3A_503 = arith.mulf %get3A_399, %mul3A_502 : vector<16xf32>
        %mul3A_504 = vector.broadcast %squeeze3A_242 : f32 to vector<16xf32>
        %mul3A_505 = arith.mulf %get3A_405, %mul3A_504 : vector<16xf32>
        %mul3A_506 = vector.broadcast %squeeze3A_244 : f32 to vector<16xf32>
        %mul3A_507 = arith.mulf %get3A_411, %mul3A_506 : vector<16xf32>
        %mul3A_508 = vector.broadcast %squeeze3A_246 : f32 to vector<16xf32>
        %mul3A_509 = arith.mulf %get3A_417, %mul3A_508 : vector<16xf32>
        %add3A_510 = arith.addf %mul3A_495, %mul3A_497 : vector<16xf32>
        %add3A_511 = arith.addf %mul3A_499, %mul3A_501 : vector<16xf32>
        %add3A_512 = arith.addf %mul3A_503, %mul3A_505 : vector<16xf32>
        %add3A_513 = arith.addf %mul3A_507, %mul3A_509 : vector<16xf32>
        %add3A_514 = arith.addf %add3A_510, %add3A_511 : vector<16xf32>
        %add3A_515 = arith.addf %add3A_512, %add3A_513 : vector<16xf32>
        %add3A_516 = arith.addf %add3A_514, %add3A_515 : vector<16xf32>
        %swap3A_517 = arith.index_cast %scan3A_229 : i32 to index
        %swap3A_518 = arith.constant 32 : index
        %swap3A_519 = tpu.vector_load %arg15[%swap3A_517, %swap3A_518] {strides = array<i32>} : memref<16x128xf32, #tpu.memory_space<vmem>>, vector<1x16xf32>,
        %swap3A_520 = vector.shape_cast %swap3A_519 : vector<1x16xf32> to vector<16xf32>
        %swap3A_521 = vector.shape_cast %add3A_516 : vector<16xf32> to vector<1x16xf32>
        tpu.vector_store %arg15[%swap3A_517, %swap3A_518], %swap3A_521 {strides = array<i32>} : memref<16x128xf32, #tpu.memory_space<vmem>>, vector<1x16xf32>,
        %get3A_522 = arith.constant 0 : i32
        %get3A_523 = arith.index_cast %scan3A_229 : i32 to index
        %get3A_524 = arith.index_cast %get3A_522 : i32 to index
        %get3A_525 = arith.constant 64 : index
        %get3A_526 = tpu.vector_load %arg7[%get3A_523, %get3A_524, %get3A_525] {strides = array<i32>} : memref<16x8x128xf32, #tpu.memory_space<vmem>>, vector<1x1x16xf32>,
        %get3A_527 = vector.shape_cast %get3A_526 : vector<1x1x16xf32> to vector<16xf32>
        %get3A_528 = arith.constant 1 : i32
        %get3A_529 = arith.index_cast %scan3A_229 : i32 to index
        %get3A_530 = arith.index_cast %get3A_528 : i32 to index
        %get3A_531 = arith.constant 64 : index
        %get3A_532 = tpu.vector_load %arg7[%get3A_529, %get3A_530, %get3A_531] {strides = array<i32>} : memref<16x8x128xf32, #tpu.memory_space<vmem>>, vector<1x1x16xf32>,
        %get3A_533 = vector.shape_cast %get3A_532 : vector<1x1x16xf32> to vector<16xf32>
        %get3A_534 = arith.constant 2 : i32
        %get3A_535 = arith.index_cast %scan3A_229 : i32 to index
        %get3A_536 = arith.index_cast %get3A_534 : i32 to index
        %get3A_537 = arith.constant 64 : index
        %get3A_538 = tpu.vector_load %arg7[%get3A_535, %get3A_536, %get3A_537] {strides = array<i32>} : memref<16x8x128xf32, #tpu.memory_space<vmem>>, vector<1x1x16xf32>,
        %get3A_539 = vector.shape_cast %get3A_538 : vector<1x1x16xf32> to vector<16xf32>
        %get3A_540 = arith.constant 3 : i32
        %get3A_541 = arith.index_cast %scan3A_229 : i32 to index
        %get3A_542 = arith.index_cast %get3A_540 : i32 to index
        %get3A_543 = arith.constant 64 : index
        %get3A_544 = tpu.vector_load %arg7[%get3A_541, %get3A_542, %get3A_543] {strides = array<i32>} : memref<16x8x128xf32, #tpu.memory_space<vmem>>, vector<1x1x16xf32>,
        %get3A_545 = vector.shape_cast %get3A_544 : vector<1x1x16xf32> to vector<16xf32>
        %get3A_546 = arith.constant 4 : i32
        %get3A_547 = arith.index_cast %scan3A_229 : i32 to index
        %get3A_548 = arith.index_cast %get3A_546 : i32 to index
        %get3A_549 = arith.constant 64 : index
        %get3A_550 = tpu.vector_load %arg7[%get3A_547, %get3A_548, %get3A_549] {strides = array<i32>} : memref<16x8x128xf32, #tpu.memory_space<vmem>>, vector<1x1x16xf32>,
        %get3A_551 = vector.shape_cast %get3A_550 : vector<1x1x16xf32> to vector<16xf32>
        %get3A_552 = arith.constant 5 : i32
        %get3A_553 = arith.index_cast %scan3A_229 : i32 to index
        %get3A_554 = arith.index_cast %get3A_552 : i32 to index
        %get3A_555 = arith.constant 64 : index
        %get3A_556 = tpu.vector_load %arg7[%get3A_553, %get3A_554, %get3A_555] {strides = array<i32>} : memref<16x8x128xf32, #tpu.memory_space<vmem>>, vector<1x1x16xf32>,
        %get3A_557 = vector.shape_cast %get3A_556 : vector<1x1x16xf32> to vector<16xf32>
        %get3A_558 = arith.constant 6 : i32
        %get3A_559 = arith.index_cast %scan3A_229 : i32 to index
        %get3A_560 = arith.index_cast %get3A_558 : i32 to index
        %get3A_561 = arith.constant 64 : index
        %get3A_562 = tpu.vector_load %arg7[%get3A_559, %get3A_560, %get3A_561] {strides = array<i32>} : memref<16x8x128xf32, #tpu.memory_space<vmem>>, vector<1x1x16xf32>,
        %get3A_563 = vector.shape_cast %get3A_562 : vector<1x1x16xf32> to vector<16xf32>
        %get3A_564 = arith.constant 7 : i32
        %get3A_565 = arith.index_cast %scan3A_229 : i32 to index
        %get3A_566 = arith.index_cast %get3A_564 : i32 to index
        %get3A_567 = arith.constant 64 : index
        %get3A_568 = tpu.vector_load %arg7[%get3A_565, %get3A_566, %get3A_567] {strides = array<i32>} : memref<16x8x128xf32, #tpu.memory_space<vmem>>, vector<1x1x16xf32>,
        %get3A_569 = vector.shape_cast %get3A_568 : vector<1x1x16xf32> to vector<16xf32>
        %mul3A_570 = vector.broadcast %squeeze3A : f32 to vector<16xf32>
        %mul3A_571 = arith.mulf %get3A_451, %mul3A_570 : vector<16xf32>
        %mul3A_572 = vector.broadcast %squeeze3A_234 : f32 to vector<16xf32>
        %mul3A_573 = arith.mulf %get3A_457, %mul3A_572 : vector<16xf32>
        %mul3A_574 = vector.broadcast %squeeze3A_236 : f32 to vector<16xf32>
        %mul3A_575 = arith.mulf %get3A_463, %mul3A_574 : vector<16xf32>
        %mul3A_576 = vector.broadcast %squeeze3A_238 : f32 to vector<16xf32>
        %mul3A_577 = arith.mulf %get3A_469, %mul3A_576 : vector<16xf32>
        %mul3A_578 = vector.broadcast %squeeze3A_240 : f32 to vector<16xf32>
        %mul3A_579 = arith.mulf %get3A_475, %mul3A_578 : vector<16xf32>
        %mul3A_580 = vector.broadcast %squeeze3A_242 : f32 to vector<16xf32>
        %mul3A_581 = arith.mulf %get3A_481, %mul3A_580 : vector<16xf32>
        %mul3A_582 = vector.broadcast %squeeze3A_244 : f32 to vector<16xf32>
        %mul3A_583 = arith.mulf %get3A_487, %mul3A_582 : vector<16xf32>
        %mul3A_584 = vector.broadcast %squeeze3A_246 : f32 to vector<16xf32>
        %mul3A_585 = arith.mulf %get3A_493, %mul3A_584 : vector<16xf32>
        %add3A_586 = arith.addf %mul3A_571, %mul3A_573 : vector<16xf32>
        %add3A_587 = arith.addf %mul3A_575, %mul3A_577 : vector<16xf32>
        %add3A_588 = arith.addf %mul3A_579, %mul3A_581 : vector<16xf32>
        %add3A_589 = arith.addf %mul3A_583, %mul3A_585 : vector<16xf32>
        %add3A_590 = arith.addf %add3A_586, %add3A_587 : vector<16xf32>
        %add3A_591 = arith.addf %add3A_588, %add3A_589 : vector<16xf32>
        %add3A_592 = arith.addf %add3A_590, %add3A_591 : vector<16xf32>
        %swap3A_593 = arith.index_cast %scan3A_229 : i32 to index
        %swap3A_594 = arith.constant 48 : index
        %swap3A_595 = tpu.vector_load %arg15[%swap3A_593, %swap3A_594] {strides = array<i32>} : memref<16x128xf32, #tpu.memory_space<vmem>>, vector<1x16xf32>,
        %swap3A_596 = vector.shape_cast %swap3A_595 : vector<1x16xf32> to vector<16xf32>
        %swap3A_597 = vector.shape_cast %add3A_592 : vector<16xf32> to vector<1x16xf32>
        tpu.vector_store %arg15[%swap3A_593, %swap3A_594], %swap3A_597 {strides = array<i32>} : memref<16x128xf32, #tpu.memory_space<vmem>>, vector<1x16xf32>,
        %get3A_598 = arith.constant 0 : i32
        %get3A_599 = arith.index_cast %scan3A_229 : i32 to index
        %get3A_600 = arith.index_cast %get3A_598 : i32 to index
        %get3A_601 = arith.constant 80 : index
        %get3A_602 = tpu.vector_load %arg7[%get3A_599, %get3A_600, %get3A_601] {strides = array<i32>} : memref<16x8x128xf32, #tpu.memory_space<vmem>>, vector<1x1x16xf32>,
        %get3A_603 = vector.shape_cast %get3A_602 : vector<1x1x16xf32> to vector<16xf32>
        %get3A_604 = arith.constant 1 : i32
        %get3A_605 = arith.index_cast %scan3A_229 : i32 to index
        %get3A_606 = arith.index_cast %get3A_604 : i32 to index
        %get3A_607 = arith.constant 80 : index
        %get3A_608 = tpu.vector_load %arg7[%get3A_605, %get3A_606, %get3A_607] {strides = array<i32>} : memref<16x8x128xf32, #tpu.memory_space<vmem>>, vector<1x1x16xf32>,
        %get3A_609 = vector.shape_cast %get3A_608 : vector<1x1x16xf32> to vector<16xf32>
        %get3A_610 = arith.constant 2 : i32
        %get3A_611 = arith.index_cast %scan3A_229 : i32 to index
        %get3A_612 = arith.index_cast %get3A_610 : i32 to index
        %get3A_613 = arith.constant 80 : index
        %get3A_614 = tpu.vector_load %arg7[%get3A_611, %get3A_612, %get3A_613] {strides = array<i32>} : memref<16x8x128xf32, #tpu.memory_space<vmem>>, vector<1x1x16xf32>,
        %get3A_615 = vector.shape_cast %get3A_614 : vector<1x1x16xf32> to vector<16xf32>
        %get3A_616 = arith.constant 3 : i32
        %get3A_617 = arith.index_cast %scan3A_229 : i32 to index
        %get3A_618 = arith.index_cast %get3A_616 : i32 to index
        %get3A_619 = arith.constant 80 : index
        %get3A_620 = tpu.vector_load %arg7[%get3A_617, %get3A_618, %get3A_619] {strides = array<i32>} : memref<16x8x128xf32, #tpu.memory_space<vmem>>, vector<1x1x16xf32>,
        %get3A_621 = vector.shape_cast %get3A_620 : vector<1x1x16xf32> to vector<16xf32>
        %get3A_622 = arith.constant 4 : i32
        %get3A_623 = arith.index_cast %scan3A_229 : i32 to index
        %get3A_624 = arith.index_cast %get3A_622 : i32 to index
        %get3A_625 = arith.constant 80 : index
        %get3A_626 = tpu.vector_load %arg7[%get3A_623, %get3A_624, %get3A_625] {strides = array<i32>} : memref<16x8x128xf32, #tpu.memory_space<vmem>>, vector<1x1x16xf32>,
        %get3A_627 = vector.shape_cast %get3A_626 : vector<1x1x16xf32> to vector<16xf32>
        %get3A_628 = arith.constant 5 : i32
        %get3A_629 = arith.index_cast %scan3A_229 : i32 to index
        %get3A_630 = arith.index_cast %get3A_628 : i32 to index
        %get3A_631 = arith.constant 80 : index
        %get3A_632 = tpu.vector_load %arg7[%get3A_629, %get3A_630, %get3A_631] {strides = array<i32>} : memref<16x8x128xf32, #tpu.memory_space<vmem>>, vector<1x1x16xf32>,
        %get3A_633 = vector.shape_cast %get3A_632 : vector<1x1x16xf32> to vector<16xf32>
        %get3A_634 = arith.constant 6 : i32
        %get3A_635 = arith.index_cast %scan3A_229 : i32 to index
        %get3A_636 = arith.index_cast %get3A_634 : i32 to index
        %get3A_637 = arith.constant 80 : index
        %get3A_638 = tpu.vector_load %arg7[%get3A_635, %get3A_636, %get3A_637] {strides = array<i32>} : memref<16x8x128xf32, #tpu.memory_space<vmem>>, vector<1x1x16xf32>,
        %get3A_639 = vector.shape_cast %get3A_638 : vector<1x1x16xf32> to vector<16xf32>
        %get3A_640 = arith.constant 7 : i32
        %get3A_641 = arith.index_cast %scan3A_229 : i32 to index
        %get3A_642 = arith.index_cast %get3A_640 : i32 to index
        %get3A_643 = arith.constant 80 : index
        %get3A_644 = tpu.vector_load %arg7[%get3A_641, %get3A_642, %get3A_643] {strides = array<i32>} : memref<16x8x128xf32, #tpu.memory_space<vmem>>, vector<1x1x16xf32>,
        %get3A_645 = vector.shape_cast %get3A_644 : vector<1x1x16xf32> to vector<16xf32>
        %mul3A_646 = vector.broadcast %squeeze3A : f32 to vector<16xf32>
        %mul3A_647 = arith.mulf %get3A_527, %mul3A_646 : vector<16xf32>
        %mul3A_648 = vector.broadcast %squeeze3A_234 : f32 to vector<16xf32>
        %mul3A_649 = arith.mulf %get3A_533, %mul3A_648 : vector<16xf32>
        %mul3A_650 = vector.broadcast %squeeze3A_236 : f32 to vector<16xf32>
        %mul3A_651 = arith.mulf %get3A_539, %mul3A_650 : vector<16xf32>
        %mul3A_652 = vector.broadcast %squeeze3A_238 : f32 to vector<16xf32>
        %mul3A_653 = arith.mulf %get3A_545, %mul3A_652 : vector<16xf32>
        %mul3A_654 = vector.broadcast %squeeze3A_240 : f32 to vector<16xf32>
        %mul3A_655 = arith.mulf %get3A_551, %mul3A_654 : vector<16xf32>
        %mul3A_656 = vector.broadcast %squeeze3A_242 : f32 to vector<16xf32>
        %mul3A_657 = arith.mulf %get3A_557, %mul3A_656 : vector<16xf32>
        %mul3A_658 = vector.broadcast %squeeze3A_244 : f32 to vector<16xf32>
        %mul3A_659 = arith.mulf %get3A_563, %mul3A_658 : vector<16xf32>
        %mul3A_660 = vector.broadcast %squeeze3A_246 : f32 to vector<16xf32>
        %mul3A_661 = arith.mulf %get3A_569, %mul3A_660 : vector<16xf32>
        %add3A_662 = arith.addf %mul3A_647, %mul3A_649 : vector<16xf32>
        %add3A_663 = arith.addf %mul3A_651, %mul3A_653 : vector<16xf32>
        %add3A_664 = arith.addf %mul3A_655, %mul3A_657 : vector<16xf32>
        %add3A_665 = arith.addf %mul3A_659, %mul3A_661 : vector<16xf32>
        %add3A_666 = arith.addf %add3A_662, %add3A_663 : vector<16xf32>
        %add3A_667 = arith.addf %add3A_664, %add3A_665 : vector<16xf32>
        %add3A_668 = arith.addf %add3A_666, %add3A_667 : vector<16xf32>
        %swap3A_669 = arith.index_cast %scan3A_229 : i32 to index
        %swap3A_670 = arith.constant 64 : index
        %swap3A_671 = tpu.vector_load %arg15[%swap3A_669, %swap3A_670] {strides = array<i32>} : memref<16x128xf32, #tpu.memory_space<vmem>>, vector<1x16xf32>,
        %swap3A_672 = vector.shape_cast %swap3A_671 : vector<1x16xf32> to vector<16xf32>
        %swap3A_673 = vector.shape_cast %add3A_668 : vector<16xf32> to vector<1x16xf32>
        tpu.vector_store %arg15[%swap3A_669, %swap3A_670], %swap3A_673 {strides = array<i32>} : memref<16x128xf32, #tpu.memory_space<vmem>>, vector<1x16xf32>,
        %get3A_674 = arith.constant 0 : i32
        %get3A_675 = arith.index_cast %scan3A_229 : i32 to index
        %get3A_676 = arith.index_cast %get3A_674 : i32 to index
        %get3A_677 = arith.constant 96 : index
        %get3A_678 = tpu.vector_load %arg7[%get3A_675, %get3A_676, %get3A_677] {strides = array<i32>} : memref<16x8x128xf32, #tpu.memory_space<vmem>>, vector<1x1x16xf32>,
        %get3A_679 = vector.shape_cast %get3A_678 : vector<1x1x16xf32> to vector<16xf32>
        %get3A_680 = arith.constant 1 : i32
        %get3A_681 = arith.index_cast %scan3A_229 : i32 to index
        %get3A_682 = arith.index_cast %get3A_680 : i32 to index
        %get3A_683 = arith.constant 96 : index
        %get3A_684 = tpu.vector_load %arg7[%get3A_681, %get3A_682, %get3A_683] {strides = array<i32>} : memref<16x8x128xf32, #tpu.memory_space<vmem>>, vector<1x1x16xf32>,
        %get3A_685 = vector.shape_cast %get3A_684 : vector<1x1x16xf32> to vector<16xf32>
        %get3A_686 = arith.constant 2 : i32
        %get3A_687 = arith.index_cast %scan3A_229 : i32 to index
        %get3A_688 = arith.index_cast %get3A_686 : i32 to index
        %get3A_689 = arith.constant 96 : index
        %get3A_690 = tpu.vector_load %arg7[%get3A_687, %get3A_688, %get3A_689] {strides = array<i32>} : memref<16x8x128xf32, #tpu.memory_space<vmem>>, vector<1x1x16xf32>,
        %get3A_691 = vector.shape_cast %get3A_690 : vector<1x1x16xf32> to vector<16xf32>
        %get3A_692 = arith.constant 3 : i32
        %get3A_693 = arith.index_cast %scan3A_229 : i32 to index
        %get3A_694 = arith.index_cast %get3A_692 : i32 to index
        %get3A_695 = arith.constant 96 : index
        %get3A_696 = tpu.vector_load %arg7[%get3A_693, %get3A_694, %get3A_695] {strides = array<i32>} : memref<16x8x128xf32, #tpu.memory_space<vmem>>, vector<1x1x16xf32>,
        %get3A_697 = vector.shape_cast %get3A_696 : vector<1x1x16xf32> to vector<16xf32>
        %get3A_698 = arith.constant 4 : i32
        %get3A_699 = arith.index_cast %scan3A_229 : i32 to index
        %get3A_700 = arith.index_cast %get3A_698 : i32 to index
        %get3A_701 = arith.constant 96 : index
        %get3A_702 = tpu.vector_load %arg7[%get3A_699, %get3A_700, %get3A_701] {strides = array<i32>} : memref<16x8x128xf32, #tpu.memory_space<vmem>>, vector<1x1x16xf32>,
        %get3A_703 = vector.shape_cast %get3A_702 : vector<1x1x16xf32> to vector<16xf32>
        %get3A_704 = arith.constant 5 : i32
        %get3A_705 = arith.index_cast %scan3A_229 : i32 to index
        %get3A_706 = arith.index_cast %get3A_704 : i32 to index
        %get3A_707 = arith.constant 96 : index
        %get3A_708 = tpu.vector_load %arg7[%get3A_705, %get3A_706, %get3A_707] {strides = array<i32>} : memref<16x8x128xf32, #tpu.memory_space<vmem>>, vector<1x1x16xf32>,
        %get3A_709 = vector.shape_cast %get3A_708 : vector<1x1x16xf32> to vector<16xf32>
        %get3A_710 = arith.constant 6 : i32
        %get3A_711 = arith.index_cast %scan3A_229 : i32 to index
        %get3A_712 = arith.index_cast %get3A_710 : i32 to index
        %get3A_713 = arith.constant 96 : index
        %get3A_714 = tpu.vector_load %arg7[%get3A_711, %get3A_712, %get3A_713] {strides = array<i32>} : memref<16x8x128xf32, #tpu.memory_space<vmem>>, vector<1x1x16xf32>,
        %get3A_715 = vector.shape_cast %get3A_714 : vector<1x1x16xf32> to vector<16xf32>
        %get3A_716 = arith.constant 7 : i32
        %get3A_717 = arith.index_cast %scan3A_229 : i32 to index
        %get3A_718 = arith.index_cast %get3A_716 : i32 to index
        %get3A_719 = arith.constant 96 : index
        %get3A_720 = tpu.vector_load %arg7[%get3A_717, %get3A_718, %get3A_719] {strides = array<i32>} : memref<16x8x128xf32, #tpu.memory_space<vmem>>, vector<1x1x16xf32>,
        %get3A_721 = vector.shape_cast %get3A_720 : vector<1x1x16xf32> to vector<16xf32>
        %mul3A_722 = vector.broadcast %squeeze3A : f32 to vector<16xf32>
        %mul3A_723 = arith.mulf %get3A_603, %mul3A_722 : vector<16xf32>
        %mul3A_724 = vector.broadcast %squeeze3A_234 : f32 to vector<16xf32>
        %mul3A_725 = arith.mulf %get3A_609, %mul3A_724 : vector<16xf32>
        %mul3A_726 = vector.broadcast %squeeze3A_236 : f32 to vector<16xf32>
        %mul3A_727 = arith.mulf %get3A_615, %mul3A_726 : vector<16xf32>
        %mul3A_728 = vector.broadcast %squeeze3A_238 : f32 to vector<16xf32>
        %mul3A_729 = arith.mulf %get3A_621, %mul3A_728 : vector<16xf32>
        %mul3A_730 = vector.broadcast %squeeze3A_240 : f32 to vector<16xf32>
        %mul3A_731 = arith.mulf %get3A_627, %mul3A_730 : vector<16xf32>
        %mul3A_732 = vector.broadcast %squeeze3A_242 : f32 to vector<16xf32>
        %mul3A_733 = arith.mulf %get3A_633, %mul3A_732 : vector<16xf32>
        %mul3A_734 = vector.broadcast %squeeze3A_244 : f32 to vector<16xf32>
        %mul3A_735 = arith.mulf %get3A_639, %mul3A_734 : vector<16xf32>
        %mul3A_736 = vector.broadcast %squeeze3A_246 : f32 to vector<16xf32>
        %mul3A_737 = arith.mulf %get3A_645, %mul3A_736 : vector<16xf32>
        %add3A_738 = arith.addf %mul3A_723, %mul3A_725 : vector<16xf32>
        %add3A_739 = arith.addf %mul3A_727, %mul3A_729 : vector<16xf32>
        %add3A_740 = arith.addf %mul3A_731, %mul3A_733 : vector<16xf32>
        %add3A_741 = arith.addf %mul3A_735, %mul3A_737 : vector<16xf32>
        %add3A_742 = arith.addf %add3A_738, %add3A_739 : vector<16xf32>
        %add3A_743 = arith.addf %add3A_740, %add3A_741 : vector<16xf32>
        %add3A_744 = arith.addf %add3A_742, %add3A_743 : vector<16xf32>
        %swap3A_745 = arith.index_cast %scan3A_229 : i32 to index
        %swap3A_746 = arith.constant 80 : index
        %swap3A_747 = tpu.vector_load %arg15[%swap3A_745, %swap3A_746] {strides = array<i32>} : memref<16x128xf32, #tpu.memory_space<vmem>>, vector<1x16xf32>,
        %swap3A_748 = vector.shape_cast %swap3A_747 : vector<1x16xf32> to vector<16xf32>
        %swap3A_749 = vector.shape_cast %add3A_744 : vector<16xf32> to vector<1x16xf32>
        tpu.vector_store %arg15[%swap3A_745, %swap3A_746], %swap3A_749 {strides = array<i32>} : memref<16x128xf32, #tpu.memory_space<vmem>>, vector<1x16xf32>,
        %get3A_750 = arith.constant 0 : i32
        %get3A_751 = arith.index_cast %scan3A_229 : i32 to index
        %get3A_752 = arith.index_cast %get3A_750 : i32 to index
        %get3A_753 = arith.constant 112 : index
        %get3A_754 = tpu.vector_load %arg7[%get3A_751, %get3A_752, %get3A_753] {strides = array<i32>} : memref<16x8x128xf32, #tpu.memory_space<vmem>>, vector<1x1x16xf32>,
        %get3A_755 = vector.shape_cast %get3A_754 : vector<1x1x16xf32> to vector<16xf32>
        %get3A_756 = arith.constant 1 : i32
        %get3A_757 = arith.index_cast %scan3A_229 : i32 to index
        %get3A_758 = arith.index_cast %get3A_756 : i32 to index
        %get3A_759 = arith.constant 112 : index
        %get3A_760 = tpu.vector_load %arg7[%get3A_757, %get3A_758, %get3A_759] {strides = array<i32>} : memref<16x8x128xf32, #tpu.memory_space<vmem>>, vector<1x1x16xf32>,
        %get3A_761 = vector.shape_cast %get3A_760 : vector<1x1x16xf32> to vector<16xf32>
        %get3A_762 = arith.constant 2 : i32
        %get3A_763 = arith.index_cast %scan3A_229 : i32 to index
        %get3A_764 = arith.index_cast %get3A_762 : i32 to index
        %get3A_765 = arith.constant 112 : index
        %get3A_766 = tpu.vector_load %arg7[%get3A_763, %get3A_764, %get3A_765] {strides = array<i32>} : memref<16x8x128xf32, #tpu.memory_space<vmem>>, vector<1x1x16xf32>,
        %get3A_767 = vector.shape_cast %get3A_766 : vector<1x1x16xf32> to vector<16xf32>
        %get3A_768 = arith.constant 3 : i32
        %get3A_769 = arith.index_cast %scan3A_229 : i32 to index
        %get3A_770 = arith.index_cast %get3A_768 : i32 to index
        %get3A_771 = arith.constant 112 : index
        %get3A_772 = tpu.vector_load %arg7[%get3A_769, %get3A_770, %get3A_771] {strides = array<i32>} : memref<16x8x128xf32, #tpu.memory_space<vmem>>, vector<1x1x16xf32>,
        %get3A_773 = vector.shape_cast %get3A_772 : vector<1x1x16xf32> to vector<16xf32>
        %get3A_774 = arith.constant 4 : i32
        %get3A_775 = arith.index_cast %scan3A_229 : i32 to index
        %get3A_776 = arith.index_cast %get3A_774 : i32 to index
        %get3A_777 = arith.constant 112 : index
        %get3A_778 = tpu.vector_load %arg7[%get3A_775, %get3A_776, %get3A_777] {strides = array<i32>} : memref<16x8x128xf32, #tpu.memory_space<vmem>>, vector<1x1x16xf32>,
        %get3A_779 = vector.shape_cast %get3A_778 : vector<1x1x16xf32> to vector<16xf32>
        %get3A_780 = arith.constant 5 : i32
        %get3A_781 = arith.index_cast %scan3A_229 : i32 to index
        %get3A_782 = arith.index_cast %get3A_780 : i32 to index
        %get3A_783 = arith.constant 112 : index
        %get3A_784 = tpu.vector_load %arg7[%get3A_781, %get3A_782, %get3A_783] {strides = array<i32>} : memref<16x8x128xf32, #tpu.memory_space<vmem>>, vector<1x1x16xf32>,
        %get3A_785 = vector.shape_cast %get3A_784 : vector<1x1x16xf32> to vector<16xf32>
        %get3A_786 = arith.constant 6 : i32
        %get3A_787 = arith.index_cast %scan3A_229 : i32 to index
        %get3A_788 = arith.index_cast %get3A_786 : i32 to index
        %get3A_789 = arith.constant 112 : index
        %get3A_790 = tpu.vector_load %arg7[%get3A_787, %get3A_788, %get3A_789] {strides = array<i32>} : memref<16x8x128xf32, #tpu.memory_space<vmem>>, vector<1x1x16xf32>,
        %get3A_791 = vector.shape_cast %get3A_790 : vector<1x1x16xf32> to vector<16xf32>
        %get3A_792 = arith.constant 7 : i32
        %get3A_793 = arith.index_cast %scan3A_229 : i32 to index
        %get3A_794 = arith.index_cast %get3A_792 : i32 to index
        %get3A_795 = arith.constant 112 : index
        %get3A_796 = tpu.vector_load %arg7[%get3A_793, %get3A_794, %get3A_795] {strides = array<i32>} : memref<16x8x128xf32, #tpu.memory_space<vmem>>, vector<1x1x16xf32>,
        %get3A_797 = vector.shape_cast %get3A_796 : vector<1x1x16xf32> to vector<16xf32>
        %mul3A_798 = vector.broadcast %squeeze3A : f32 to vector<16xf32>
        %mul3A_799 = arith.mulf %get3A_679, %mul3A_798 : vector<16xf32>
        %mul3A_800 = vector.broadcast %squeeze3A_234 : f32 to vector<16xf32>
        %mul3A_801 = arith.mulf %get3A_685, %mul3A_800 : vector<16xf32>
        %mul3A_802 = vector.broadcast %squeeze3A_236 : f32 to vector<16xf32>
        %mul3A_803 = arith.mulf %get3A_691, %mul3A_802 : vector<16xf32>
        %mul3A_804 = vector.broadcast %squeeze3A_238 : f32 to vector<16xf32>
        %mul3A_805 = arith.mulf %get3A_697, %mul3A_804 : vector<16xf32>
        %mul3A_806 = vector.broadcast %squeeze3A_240 : f32 to vector<16xf32>
        %mul3A_807 = arith.mulf %get3A_703, %mul3A_806 : vector<16xf32>
        %mul3A_808 = vector.broadcast %squeeze3A_242 : f32 to vector<16xf32>
        %mul3A_809 = arith.mulf %get3A_709, %mul3A_808 : vector<16xf32>
        %mul3A_810 = vector.broadcast %squeeze3A_244 : f32 to vector<16xf32>
        %mul3A_811 = arith.mulf %get3A_715, %mul3A_810 : vector<16xf32>
        %mul3A_812 = vector.broadcast %squeeze3A_246 : f32 to vector<16xf32>
        %mul3A_813 = arith.mulf %get3A_721, %mul3A_812 : vector<16xf32>
        %add3A_814 = arith.addf %mul3A_799, %mul3A_801 : vector<16xf32>
        %add3A_815 = arith.addf %mul3A_803, %mul3A_805 : vector<16xf32>
        %add3A_816 = arith.addf %mul3A_807, %mul3A_809 : vector<16xf32>
        %add3A_817 = arith.addf %mul3A_811, %mul3A_813 : vector<16xf32>
        %add3A_818 = arith.addf %add3A_814, %add3A_815 : vector<16xf32>
        %add3A_819 = arith.addf %add3A_816, %add3A_817 : vector<16xf32>
        %add3A_820 = arith.addf %add3A_818, %add3A_819 : vector<16xf32>
        %swap3A_821 = arith.index_cast %scan3A_229 : i32 to index
        %swap3A_822 = arith.constant 96 : index
        %swap3A_823 = tpu.vector_load %arg15[%swap3A_821, %swap3A_822] {strides = array<i32>} : memref<16x128xf32, #tpu.memory_space<vmem>>, vector<1x16xf32>,
        %swap3A_824 = vector.shape_cast %swap3A_823 : vector<1x16xf32> to vector<16xf32>
        %swap3A_825 = vector.shape_cast %add3A_820 : vector<16xf32> to vector<1x16xf32>
        tpu.vector_store %arg15[%swap3A_821, %swap3A_822], %swap3A_825 {strides = array<i32>} : memref<16x128xf32, #tpu.memory_space<vmem>>, vector<1x16xf32>,
        %mul3A_826 = vector.broadcast %squeeze3A : f32 to vector<16xf32>
        %mul3A_827 = arith.mulf %get3A_755, %mul3A_826 : vector<16xf32>
        %mul3A_828 = vector.broadcast %squeeze3A_234 : f32 to vector<16xf32>
        %mul3A_829 = arith.mulf %get3A_761, %mul3A_828 : vector<16xf32>
        %mul3A_830 = vector.broadcast %squeeze3A_236 : f32 to vector<16xf32>
        %mul3A_831 = arith.mulf %get3A_767, %mul3A_830 : vector<16xf32>
        %mul3A_832 = vector.broadcast %squeeze3A_238 : f32 to vector<16xf32>
        %mul3A_833 = arith.mulf %get3A_773, %mul3A_832 : vector<16xf32>
        %mul3A_834 = vector.broadcast %squeeze3A_240 : f32 to vector<16xf32>
        %mul3A_835 = arith.mulf %get3A_779, %mul3A_834 : vector<16xf32>
        %mul3A_836 = vector.broadcast %squeeze3A_242 : f32 to vector<16xf32>
        %mul3A_837 = arith.mulf %get3A_785, %mul3A_836 : vector<16xf32>
        %mul3A_838 = vector.broadcast %squeeze3A_244 : f32 to vector<16xf32>
        %mul3A_839 = arith.mulf %get3A_791, %mul3A_838 : vector<16xf32>
        %mul3A_840 = vector.broadcast %squeeze3A_246 : f32 to vector<16xf32>
        %mul3A_841 = arith.mulf %get3A_797, %mul3A_840 : vector<16xf32>
        %add3A_842 = arith.addf %mul3A_827, %mul3A_829 : vector<16xf32>
        %add3A_843 = arith.addf %mul3A_831, %mul3A_833 : vector<16xf32>
        %add3A_844 = arith.addf %mul3A_835, %mul3A_837 : vector<16xf32>
        %add3A_845 = arith.addf %mul3A_839, %mul3A_841 : vector<16xf32>
        %add3A_846 = arith.addf %add3A_842, %add3A_843 : vector<16xf32>
        %add3A_847 = arith.addf %add3A_844, %add3A_845 : vector<16xf32>
        %add3A_848 = arith.addf %add3A_846, %add3A_847 : vector<16xf32>
        %swap3A_849 = arith.index_cast %scan3A_229 : i32 to index
        %swap3A_850 = arith.constant 112 : index
        %swap3A_851 = tpu.vector_load %arg15[%swap3A_849, %swap3A_850] {strides = array<i32>} : memref<16x128xf32, #tpu.memory_space<vmem>>, vector<1x16xf32>,
        %swap3A_852 = vector.shape_cast %swap3A_851 : vector<1x16xf32> to vector<16xf32>
        %swap3A_853 = vector.shape_cast %add3A_848 : vector<16xf32> to vector<1x16xf32>
        tpu.vector_store %arg15[%swap3A_849, %swap3A_850], %swap3A_853 {strides = array<i32>} : memref<16x128xf32, #tpu.memory_space<vmem>>, vector<1x16xf32>,
        %scan3A_854 = arith.constant 1 : i32
        %scan3A_855 = arith.addi %scan3A_229, %scan3A_854 : i32
        %get3A_856 = arith.index_cast %scan3A_855 : i32 to index
        %get3A_857 = arith.constant 0 : index
        %get3A_858 = tpu.vector_load %arg11[%get3A_856, %get3A_857] {strides = array<i32>} : memref<16x16xf32, #tpu.memory_space<vmem>>, vector<1x16xf32>,
        %get3A_859 = vector.shape_cast %get3A_858 : vector<1x16xf32> to vector<16xf32>
        %slice3A_860 = vector.extract_strided_slice %get3A_859 {offsets = [0], sizes = [1], strides = [1]} : vector<16xf32> to vector<1xf32>
        %squeeze3A_861 = vector.extract %slice3A_860[0] : f32 from vector<1xf32>
        %slice3A_862 = vector.extract_strided_slice %get3A_859 {offsets = [1], sizes = [1], strides = [1]} : vector<16xf32> to vector<1xf32>
        %squeeze3A_863 = vector.extract %slice3A_862[0] : f32 from vector<1xf32>
        %slice3A_864 = vector.extract_strided_slice %get3A_859 {offsets = [2], sizes = [1], strides = [1]} : vector<16xf32> to vector<1xf32>
        %squeeze3A_865 = vector.extract %slice3A_864[0] : f32 from vector<1xf32>
        %slice3A_866 = vector.extract_strided_slice %get3A_859 {offsets = [3], sizes = [1], strides = [1]} : vector<16xf32> to vector<1xf32>
        %squeeze3A_867 = vector.extract %slice3A_866[0] : f32 from vector<1xf32>
        %slice3A_868 = vector.extract_strided_slice %get3A_859 {offsets = [4], sizes = [1], strides = [1]} : vector<16xf32> to vector<1xf32>
        %squeeze3A_869 = vector.extract %slice3A_868[0] : f32 from vector<1xf32>
        %slice3A_870 = vector.extract_strided_slice %get3A_859 {offsets = [5], sizes = [1], strides = [1]} : vector<16xf32> to vector<1xf32>
        %squeeze3A_871 = vector.extract %slice3A_870[0] : f32 from vector<1xf32>
        %slice3A_872 = vector.extract_strided_slice %get3A_859 {offsets = [6], sizes = [1], strides = [1]} : vector<16xf32> to vector<1xf32>
        %squeeze3A_873 = vector.extract %slice3A_872[0] : f32 from vector<1xf32>
        %slice3A_874 = vector.extract_strided_slice %get3A_859 {offsets = [7], sizes = [1], strides = [1]} : vector<16xf32> to vector<1xf32>
        %squeeze3A_875 = vector.extract %slice3A_874[0] : f32 from vector<1xf32>
        %get3A_876 = arith.constant 0 : i32
        %get3A_877 = arith.index_cast %scan3A_855 : i32 to index
        %get3A_878 = arith.index_cast %get3A_876 : i32 to index
        %get3A_879 = arith.constant 0 : index
        %get3A_880 = tpu.vector_load %arg7[%get3A_877, %get3A_878, %get3A_879] {strides = array<i32>} : memref<16x8x128xf32, #tpu.memory_space<vmem>>, vector<1x1x16xf32>,
        %get3A_881 = vector.shape_cast %get3A_880 : vector<1x1x16xf32> to vector<16xf32>
        %get3A_882 = arith.constant 1 : i32
        %get3A_883 = arith.index_cast %scan3A_855 : i32 to index
        %get3A_884 = arith.index_cast %get3A_882 : i32 to index
        %get3A_885 = arith.constant 0 : index
        %get3A_886 = tpu.vector_load %arg7[%get3A_883, %get3A_884, %get3A_885] {strides = array<i32>} : memref<16x8x128xf32, #tpu.memory_space<vmem>>, vector<1x1x16xf32>,
        %get3A_887 = vector.shape_cast %get3A_886 : vector<1x1x16xf32> to vector<16xf32>
        %get3A_888 = arith.constant 2 : i32
        %get3A_889 = arith.index_cast %scan3A_855 : i32 to index
        %get3A_890 = arith.index_cast %get3A_888 : i32 to index
        %get3A_891 = arith.constant 0 : index
        %get3A_892 = tpu.vector_load %arg7[%get3A_889, %get3A_890, %get3A_891] {strides = array<i32>} : memref<16x8x128xf32, #tpu.memory_space<vmem>>, vector<1x1x16xf32>,
        %get3A_893 = vector.shape_cast %get3A_892 : vector<1x1x16xf32> to vector<16xf32>
        %get3A_894 = arith.constant 3 : i32
        %get3A_895 = arith.index_cast %scan3A_855 : i32 to index
        %get3A_896 = arith.index_cast %get3A_894 : i32 to index
        %get3A_897 = arith.constant 0 : index
        %get3A_898 = tpu.vector_load %arg7[%get3A_895, %get3A_896, %get3A_897] {strides = array<i32>} : memref<16x8x128xf32, #tpu.memory_space<vmem>>, vector<1x1x16xf32>,
        %get3A_899 = vector.shape_cast %get3A_898 : vector<1x1x16xf32> to vector<16xf32>
        %get3A_900 = arith.constant 4 : i32
        %get3A_901 = arith.index_cast %scan3A_855 : i32 to index
        %get3A_902 = arith.index_cast %get3A_900 : i32 to index
        %get3A_903 = arith.constant 0 : index
        %get3A_904 = tpu.vector_load %arg7[%get3A_901, %get3A_902, %get3A_903] {strides = array<i32>} : memref<16x8x128xf32, #tpu.memory_space<vmem>>, vector<1x1x16xf32>,
        %get3A_905 = vector.shape_cast %get3A_904 : vector<1x1x16xf32> to vector<16xf32>
        %get3A_906 = arith.constant 5 : i32
        %get3A_907 = arith.index_cast %scan3A_855 : i32 to index
        %get3A_908 = arith.index_cast %get3A_906 : i32 to index
        %get3A_909 = arith.constant 0 : index
        %get3A_910 = tpu.vector_load %arg7[%get3A_907, %get3A_908, %get3A_909] {strides = array<i32>} : memref<16x8x128xf32, #tpu.memory_space<vmem>>, vector<1x1x16xf32>,
        %get3A_911 = vector.shape_cast %get3A_910 : vector<1x1x16xf32> to vector<16xf32>
        %get3A_912 = arith.constant 6 : i32
        %get3A_913 = arith.index_cast %scan3A_855 : i32 to index
        %get3A_914 = arith.index_cast %get3A_912 : i32 to index
        %get3A_915 = arith.constant 0 : index
        %get3A_916 = tpu.vector_load %arg7[%get3A_913, %get3A_914, %get3A_915] {strides = array<i32>} : memref<16x8x128xf32, #tpu.memory_space<vmem>>, vector<1x1x16xf32>,
        %get3A_917 = vector.shape_cast %get3A_916 : vector<1x1x16xf32> to vector<16xf32>
        %get3A_918 = arith.constant 7 : i32
        %get3A_919 = arith.index_cast %scan3A_855 : i32 to index
        %get3A_920 = arith.index_cast %get3A_918 : i32 to index
        %get3A_921 = arith.constant 0 : index
        %get3A_922 = tpu.vector_load %arg7[%get3A_919, %get3A_920, %get3A_921] {strides = array<i32>} : memref<16x8x128xf32, #tpu.memory_space<vmem>>, vector<1x1x16xf32>,
        %get3A_923 = vector.shape_cast %get3A_922 : vector<1x1x16xf32> to vector<16xf32>
        %get3A_924 = arith.constant 0 : i32
        %get3A_925 = arith.index_cast %scan3A_855 : i32 to index
        %get3A_926 = arith.index_cast %get3A_924 : i32 to index
        %get3A_927 = arith.constant 16 : index
        %get3A_928 = tpu.vector_load %arg7[%get3A_925, %get3A_926, %get3A_927] {strides = array<i32>} : memref<16x8x128xf32, #tpu.memory_space<vmem>>, vector<1x1x16xf32>,
        %get3A_929 = vector.shape_cast %get3A_928 : vector<1x1x16xf32> to vector<16xf32>
        %get3A_930 = arith.constant 1 : i32
        %get3A_931 = arith.index_cast %scan3A_855 : i32 to index
        %get3A_932 = arith.index_cast %get3A_930 : i32 to index
        %get3A_933 = arith.constant 16 : index
        %get3A_934 = tpu.vector_load %arg7[%get3A_931, %get3A_932, %get3A_933] {strides = array<i32>} : memref<16x8x128xf32, #tpu.memory_space<vmem>>, vector<1x1x16xf32>,
        %get3A_935 = vector.shape_cast %get3A_934 : vector<1x1x16xf32> to vector<16xf32>
        %get3A_936 = arith.constant 2 : i32
        %get3A_937 = arith.index_cast %scan3A_855 : i32 to index
        %get3A_938 = arith.index_cast %get3A_936 : i32 to index
        %get3A_939 = arith.constant 16 : index
        %get3A_940 = tpu.vector_load %arg7[%get3A_937, %get3A_938, %get3A_939] {strides = array<i32>} : memref<16x8x128xf32, #tpu.memory_space<vmem>>, vector<1x1x16xf32>,
        %get3A_941 = vector.shape_cast %get3A_940 : vector<1x1x16xf32> to vector<16xf32>
        %get3A_942 = arith.constant 3 : i32
        %get3A_943 = arith.index_cast %scan3A_855 : i32 to index
        %get3A_944 = arith.index_cast %get3A_942 : i32 to index
        %get3A_945 = arith.constant 16 : index
        %get3A_946 = tpu.vector_load %arg7[%get3A_943, %get3A_944, %get3A_945] {strides = array<i32>} : memref<16x8x128xf32, #tpu.memory_space<vmem>>, vector<1x1x16xf32>,
        %get3A_947 = vector.shape_cast %get3A_946 : vector<1x1x16xf32> to vector<16xf32>
        %get3A_948 = arith.constant 4 : i32
        %get3A_949 = arith.index_cast %scan3A_855 : i32 to index
        %get3A_950 = arith.index_cast %get3A_948 : i32 to index
        %get3A_951 = arith.constant 16 : index
        %get3A_952 = tpu.vector_load %arg7[%get3A_949, %get3A_950, %get3A_951] {strides = array<i32>} : memref<16x8x128xf32, #tpu.memory_space<vmem>>, vector<1x1x16xf32>,
        %get3A_953 = vector.shape_cast %get3A_952 : vector<1x1x16xf32> to vector<16xf32>
        %get3A_954 = arith.constant 5 : i32
        %get3A_955 = arith.index_cast %scan3A_855 : i32 to index
        %get3A_956 = arith.index_cast %get3A_954 : i32 to index
        %get3A_957 = arith.constant 16 : index
        %get3A_958 = tpu.vector_load %arg7[%get3A_955, %get3A_956, %get3A_957] {strides = array<i32>} : memref<16x8x128xf32, #tpu.memory_space<vmem>>, vector<1x1x16xf32>,
        %get3A_959 = vector.shape_cast %get3A_958 : vector<1x1x16xf32> to vector<16xf32>
        %get3A_960 = arith.constant 6 : i32
        %get3A_961 = arith.index_cast %scan3A_855 : i32 to index
        %get3A_962 = arith.index_cast %get3A_960 : i32 to index
        %get3A_963 = arith.constant 16 : index
        %get3A_964 = tpu.vector_load %arg7[%get3A_961, %get3A_962, %get3A_963] {strides = array<i32>} : memref<16x8x128xf32, #tpu.memory_space<vmem>>, vector<1x1x16xf32>,
        %get3A_965 = vector.shape_cast %get3A_964 : vector<1x1x16xf32> to vector<16xf32>
        %get3A_966 = arith.constant 7 : i32
        %get3A_967 = arith.index_cast %scan3A_855 : i32 to index
        %get3A_968 = arith.index_cast %get3A_966 : i32 to index
        %get3A_969 = arith.constant 16 : index
        %get3A_970 = tpu.vector_load %arg7[%get3A_967, %get3A_968, %get3A_969] {strides = array<i32>} : memref<16x8x128xf32, #tpu.memory_space<vmem>>, vector<1x1x16xf32>,
        %get3A_971 = vector.shape_cast %get3A_970 : vector<1x1x16xf32> to vector<16xf32>
        %mul3A_972 = vector.broadcast %squeeze3A_861 : f32 to vector<16xf32>
        %mul3A_973 = arith.mulf %get3A_881, %mul3A_972 : vector<16xf32>
        %mul3A_974 = vector.broadcast %squeeze3A_863 : f32 to vector<16xf32>
        %mul3A_975 = arith.mulf %get3A_887, %mul3A_974 : vector<16xf32>
        %mul3A_976 = vector.broadcast %squeeze3A_865 : f32 to vector<16xf32>
        %mul3A_977 = arith.mulf %get3A_893, %mul3A_976 : vector<16xf32>
        %mul3A_978 = vector.broadcast %squeeze3A_867 : f32 to vector<16xf32>
        %mul3A_979 = arith.mulf %get3A_899, %mul3A_978 : vector<16xf32>
        %mul3A_980 = vector.broadcast %squeeze3A_869 : f32 to vector<16xf32>
        %mul3A_981 = arith.mulf %get3A_905, %mul3A_980 : vector<16xf32>
        %mul3A_982 = vector.broadcast %squeeze3A_871 : f32 to vector<16xf32>
        %mul3A_983 = arith.mulf %get3A_911, %mul3A_982 : vector<16xf32>
        %mul3A_984 = vector.broadcast %squeeze3A_873 : f32 to vector<16xf32>
        %mul3A_985 = arith.mulf %get3A_917, %mul3A_984 : vector<16xf32>
        %mul3A_986 = vector.broadcast %squeeze3A_875 : f32 to vector<16xf32>
        %mul3A_987 = arith.mulf %get3A_923, %mul3A_986 : vector<16xf32>
        %add3A_988 = arith.addf %mul3A_973, %mul3A_975 : vector<16xf32>
        %add3A_989 = arith.addf %mul3A_977, %mul3A_979 : vector<16xf32>
        %add3A_990 = arith.addf %mul3A_981, %mul3A_983 : vector<16xf32>
        %add3A_991 = arith.addf %mul3A_985, %mul3A_987 : vector<16xf32>
        %add3A_992 = arith.addf %add3A_988, %add3A_989 : vector<16xf32>
        %add3A_993 = arith.addf %add3A_990, %add3A_991 : vector<16xf32>
        %add3A_994 = arith.addf %add3A_992, %add3A_993 : vector<16xf32>
        %swap3A_995 = arith.index_cast %scan3A_855 : i32 to index
        %swap3A_996 = arith.constant 0 : index
        %swap3A_997 = tpu.vector_load %arg15[%swap3A_995, %swap3A_996] {strides = array<i32>} : memref<16x128xf32, #tpu.memory_space<vmem>>, vector<1x16xf32>,
        %swap3A_998 = vector.shape_cast %swap3A_997 : vector<1x16xf32> to vector<16xf32>
        %swap3A_999 = vector.shape_cast %add3A_994 : vector<16xf32> to vector<1x16xf32>
        tpu.vector_store %arg15[%swap3A_995, %swap3A_996], %swap3A_999 {strides = array<i32>} : memref<16x128xf32, #tpu.memory_space<vmem>>, vector<1x16xf32>,
        %get3A_1000 = arith.constant 0 : i32
        %get3A_1001 = arith.index_cast %scan3A_855 : i32 to index
        %get3A_1002 = arith.index_cast %get3A_1000 : i32 to index
        %get3A_1003 = arith.constant 32 : index
        %get3A_1004 = tpu.vector_load %arg7[%get3A_1001, %get3A_1002, %get3A_1003] {strides = array<i32>} : memref<16x8x128xf32, #tpu.memory_space<vmem>>, vector<1x1x16xf32>,
        %get3A_1005 = vector.shape_cast %get3A_1004 : vector<1x1x16xf32> to vector<16xf32>
        %get3A_1006 = arith.constant 1 : i32
        %get3A_1007 = arith.index_cast %scan3A_855 : i32 to index
        %get3A_1008 = arith.index_cast %get3A_1006 : i32 to index
        %get3A_1009 = arith.constant 32 : index
        %get3A_1010 = tpu.vector_load %arg7[%get3A_1007, %get3A_1008, %get3A_1009] {strides = array<i32>} : memref<16x8x128xf32, #tpu.memory_space<vmem>>, vector<1x1x16xf32>,
        %get3A_1011 = vector.shape_cast %get3A_1010 : vector<1x1x16xf32> to vector<16xf32>
        %get3A_1012 = arith.constant 2 : i32
        %get3A_1013 = arith.index_cast %scan3A_855 : i32 to index
        %get3A_1014 = arith.index_cast %get3A_1012 : i32 to index
        %get3A_1015 = arith.constant 32 : index
        %get3A_1016 = tpu.vector_load %arg7[%get3A_1013, %get3A_1014, %get3A_1015] {strides = array<i32>} : memref<16x8x128xf32, #tpu.memory_space<vmem>>, vector<1x1x16xf32>,
        %get3A_1017 = vector.shape_cast %get3A_1016 : vector<1x1x16xf32> to vector<16xf32>
        %get3A_1018 = arith.constant 3 : i32
        %get3A_1019 = arith.index_cast %scan3A_855 : i32 to index
        %get3A_1020 = arith.index_cast %get3A_1018 : i32 to index
        %get3A_1021 = arith.constant 32 : index
        %get3A_1022 = tpu.vector_load %arg7[%get3A_1019, %get3A_1020, %get3A_1021] {strides = array<i32>} : memref<16x8x128xf32, #tpu.memory_space<vmem>>, vector<1x1x16xf32>,
        %get3A_1023 = vector.shape_cast %get3A_1022 : vector<1x1x16xf32> to vector<16xf32>
        %get3A_1024 = arith.constant 4 : i32
        %get3A_1025 = arith.index_cast %scan3A_855 : i32 to index
        %get3A_1026 = arith.index_cast %get3A_1024 : i32 to index
        %get3A_1027 = arith.constant 32 : index
        %get3A_1028 = tpu.vector_load %arg7[%get3A_1025, %get3A_1026, %get3A_1027] {strides = array<i32>} : memref<16x8x128xf32, #tpu.memory_space<vmem>>, vector<1x1x16xf32>,
        %get3A_1029 = vector.shape_cast %get3A_1028 : vector<1x1x16xf32> to vector<16xf32>
        %get3A_1030 = arith.constant 5 : i32
        %get3A_1031 = arith.index_cast %scan3A_855 : i32 to index
        %get3A_1032 = arith.index_cast %get3A_1030 : i32 to index
        %get3A_1033 = arith.constant 32 : index
        %get3A_1034 = tpu.vector_load %arg7[%get3A_1031, %get3A_1032, %get3A_1033] {strides = array<i32>} : memref<16x8x128xf32, #tpu.memory_space<vmem>>, vector<1x1x16xf32>,
        %get3A_1035 = vector.shape_cast %get3A_1034 : vector<1x1x16xf32> to vector<16xf32>
        %get3A_1036 = arith.constant 6 : i32
        %get3A_1037 = arith.index_cast %scan3A_855 : i32 to index
        %get3A_1038 = arith.index_cast %get3A_1036 : i32 to index
        %get3A_1039 = arith.constant 32 : index
        %get3A_1040 = tpu.vector_load %arg7[%get3A_1037, %get3A_1038, %get3A_1039] {strides = array<i32>} : memref<16x8x128xf32, #tpu.memory_space<vmem>>, vector<1x1x16xf32>,
        %get3A_1041 = vector.shape_cast %get3A_1040 : vector<1x1x16xf32> to vector<16xf32>
        %get3A_1042 = arith.constant 7 : i32
        %get3A_1043 = arith.index_cast %scan3A_855 : i32 to index
        %get3A_1044 = arith.index_cast %get3A_1042 : i32 to index
        %get3A_1045 = arith.constant 32 : index
        %get3A_1046 = tpu.vector_load %arg7[%get3A_1043, %get3A_1044, %get3A_1045] {strides = array<i32>} : memref<16x8x128xf32, #tpu.memory_space<vmem>>, vector<1x1x16xf32>,
        %get3A_1047 = vector.shape_cast %get3A_1046 : vector<1x1x16xf32> to vector<16xf32>
        %mul3A_1048 = vector.broadcast %squeeze3A_861 : f32 to vector<16xf32>
        %mul3A_1049 = arith.mulf %get3A_929, %mul3A_1048 : vector<16xf32>
        %mul3A_1050 = vector.broadcast %squeeze3A_863 : f32 to vector<16xf32>
        %mul3A_1051 = arith.mulf %get3A_935, %mul3A_1050 : vector<16xf32>
        %mul3A_1052 = vector.broadcast %squeeze3A_865 : f32 to vector<16xf32>
        %mul3A_1053 = arith.mulf %get3A_941, %mul3A_1052 : vector<16xf32>
        %mul3A_1054 = vector.broadcast %squeeze3A_867 : f32 to vector<16xf32>
        %mul3A_1055 = arith.mulf %get3A_947, %mul3A_1054 : vector<16xf32>
        %mul3A_1056 = vector.broadcast %squeeze3A_869 : f32 to vector<16xf32>
        %mul3A_1057 = arith.mulf %get3A_953, %mul3A_1056 : vector<16xf32>
        %mul3A_1058 = vector.broadcast %squeeze3A_871 : f32 to vector<16xf32>
        %mul3A_1059 = arith.mulf %get3A_959, %mul3A_1058 : vector<16xf32>
        %mul3A_1060 = vector.broadcast %squeeze3A_873 : f32 to vector<16xf32>
        %mul3A_1061 = arith.mulf %get3A_965, %mul3A_1060 : vector<16xf32>
        %mul3A_1062 = vector.broadcast %squeeze3A_875 : f32 to vector<16xf32>
        %mul3A_1063 = arith.mulf %get3A_971, %mul3A_1062 : vector<16xf32>
        %add3A_1064 = arith.addf %mul3A_1049, %mul3A_1051 : vector<16xf32>
        %add3A_1065 = arith.addf %mul3A_1053, %mul3A_1055 : vector<16xf32>
        %add3A_1066 = arith.addf %mul3A_1057, %mul3A_1059 : vector<16xf32>
        %add3A_1067 = arith.addf %mul3A_1061, %mul3A_1063 : vector<16xf32>
        %add3A_1068 = arith.addf %add3A_1064, %add3A_1065 : vector<16xf32>
        %add3A_1069 = arith.addf %add3A_1066, %add3A_1067 : vector<16xf32>
        %add3A_1070 = arith.addf %add3A_1068, %add3A_1069 : vector<16xf32>
        %swap3A_1071 = arith.index_cast %scan3A_855 : i32 to index
        %swap3A_1072 = arith.constant 16 : index
        %swap3A_1073 = tpu.vector_load %arg15[%swap3A_1071, %swap3A_1072] {strides = array<i32>} : memref<16x128xf32, #tpu.memory_space<vmem>>, vector<1x16xf32>,
        %swap3A_1074 = vector.shape_cast %swap3A_1073 : vector<1x16xf32> to vector<16xf32>
        %swap3A_1075 = vector.shape_cast %add3A_1070 : vector<16xf32> to vector<1x16xf32>
        tpu.vector_store %arg15[%swap3A_1071, %swap3A_1072], %swap3A_1075 {strides = array<i32>} : memref<16x128xf32, #tpu.memory_space<vmem>>, vector<1x16xf32>,
        %get3A_1076 = arith.constant 0 : i32
        %get3A_1077 = arith.index_cast %scan3A_855 : i32 to index
        %get3A_1078 = arith.index_cast %get3A_1076 : i32 to index
        %get3A_1079 = arith.constant 48 : index
        %get3A_1080 = tpu.vector_load %arg7[%get3A_1077, %get3A_1078, %get3A_1079] {strides = array<i32>} : memref<16x8x128xf32, #tpu.memory_space<vmem>>, vector<1x1x16xf32>,
        %get3A_1081 = vector.shape_cast %get3A_1080 : vector<1x1x16xf32> to vector<16xf32>
        %get3A_1082 = arith.constant 1 : i32
        %get3A_1083 = arith.index_cast %scan3A_855 : i32 to index
        %get3A_1084 = arith.index_cast %get3A_1082 : i32 to index
        %get3A_1085 = arith.constant 48 : index
        %get3A_1086 = tpu.vector_load %arg7[%get3A_1083, %get3A_1084, %get3A_1085] {strides = array<i32>} : memref<16x8x128xf32, #tpu.memory_space<vmem>>, vector<1x1x16xf32>,
        %get3A_1087 = vector.shape_cast %get3A_1086 : vector<1x1x16xf32> to vector<16xf32>
        %get3A_1088 = arith.constant 2 : i32
        %get3A_1089 = arith.index_cast %scan3A_855 : i32 to index
        %get3A_1090 = arith.index_cast %get3A_1088 : i32 to index
        %get3A_1091 = arith.constant 48 : index
        %get3A_1092 = tpu.vector_load %arg7[%get3A_1089, %get3A_1090, %get3A_1091] {strides = array<i32>} : memref<16x8x128xf32, #tpu.memory_space<vmem>>, vector<1x1x16xf32>,
        %get3A_1093 = vector.shape_cast %get3A_1092 : vector<1x1x16xf32> to vector<16xf32>
        %get3A_1094 = arith.constant 3 : i32
        %get3A_1095 = arith.index_cast %scan3A_855 : i32 to index
        %get3A_1096 = arith.index_cast %get3A_1094 : i32 to index
        %get3A_1097 = arith.constant 48 : index
        %get3A_1098 = tpu.vector_load %arg7[%get3A_1095, %get3A_1096, %get3A_1097] {strides = array<i32>} : memref<16x8x128xf32, #tpu.memory_space<vmem>>, vector<1x1x16xf32>,
        %get3A_1099 = vector.shape_cast %get3A_1098 : vector<1x1x16xf32> to vector<16xf32>
        %get3A_1100 = arith.constant 4 : i32
        %get3A_1101 = arith.index_cast %scan3A_855 : i32 to index
        %get3A_1102 = arith.index_cast %get3A_1100 : i32 to index
        %get3A_1103 = arith.constant 48 : index
        %get3A_1104 = tpu.vector_load %arg7[%get3A_1101, %get3A_1102, %get3A_1103] {strides = array<i32>} : memref<16x8x128xf32, #tpu.memory_space<vmem>>, vector<1x1x16xf32>,
        %get3A_1105 = vector.shape_cast %get3A_1104 : vector<1x1x16xf32> to vector<16xf32>
        %get3A_1106 = arith.constant 5 : i32
        %get3A_1107 = arith.index_cast %scan3A_855 : i32 to index
        %get3A_1108 = arith.index_cast %get3A_1106 : i32 to index
        %get3A_1109 = arith.constant 48 : index
        %get3A_1110 = tpu.vector_load %arg7[%get3A_1107, %get3A_1108, %get3A_1109] {strides = array<i32>} : memref<16x8x128xf32, #tpu.memory_space<vmem>>, vector<1x1x16xf32>,
        %get3A_1111 = vector.shape_cast %get3A_1110 : vector<1x1x16xf32> to vector<16xf32>
        %get3A_1112 = arith.constant 6 : i32
        %get3A_1113 = arith.index_cast %scan3A_855 : i32 to index
        %get3A_1114 = arith.index_cast %get3A_1112 : i32 to index
        %get3A_1115 = arith.constant 48 : index
        %get3A_1116 = tpu.vector_load %arg7[%get3A_1113, %get3A_1114, %get3A_1115] {strides = array<i32>} : memref<16x8x128xf32, #tpu.memory_space<vmem>>, vector<1x1x16xf32>,
        %get3A_1117 = vector.shape_cast %get3A_1116 : vector<1x1x16xf32> to vector<16xf32>
        %get3A_1118 = arith.constant 7 : i32
        %get3A_1119 = arith.index_cast %scan3A_855 : i32 to index
        %get3A_1120 = arith.index_cast %get3A_1118 : i32 to index
        %get3A_1121 = arith.constant 48 : index
        %get3A_1122 = tpu.vector_load %arg7[%get3A_1119, %get3A_1120, %get3A_1121] {strides = array<i32>} : memref<16x8x128xf32, #tpu.memory_space<vmem>>, vector<1x1x16xf32>,
        %get3A_1123 = vector.shape_cast %get3A_1122 : vector<1x1x16xf32> to vector<16xf32>
        %mul3A_1124 = vector.broadcast %squeeze3A_861 : f32 to vector<16xf32>
        %mul3A_1125 = arith.mulf %get3A_1005, %mul3A_1124 : vector<16xf32>
        %mul3A_1126 = vector.broadcast %squeeze3A_863 : f32 to vector<16xf32>
        %mul3A_1127 = arith.mulf %get3A_1011, %mul3A_1126 : vector<16xf32>
        %mul3A_1128 = vector.broadcast %squeeze3A_865 : f32 to vector<16xf32>
        %mul3A_1129 = arith.mulf %get3A_1017, %mul3A_1128 : vector<16xf32>
        %mul3A_1130 = vector.broadcast %squeeze3A_867 : f32 to vector<16xf32>
        %mul3A_1131 = arith.mulf %get3A_1023, %mul3A_1130 : vector<16xf32>
        %mul3A_1132 = vector.broadcast %squeeze3A_869 : f32 to vector<16xf32>
        %mul3A_1133 = arith.mulf %get3A_1029, %mul3A_1132 : vector<16xf32>
        %mul3A_1134 = vector.broadcast %squeeze3A_871 : f32 to vector<16xf32>
        %mul3A_1135 = arith.mulf %get3A_1035, %mul3A_1134 : vector<16xf32>
        %mul3A_1136 = vector.broadcast %squeeze3A_873 : f32 to vector<16xf32>
        %mul3A_1137 = arith.mulf %get3A_1041, %mul3A_1136 : vector<16xf32>
        %mul3A_1138 = vector.broadcast %squeeze3A_875 : f32 to vector<16xf32>
        %mul3A_1139 = arith.mulf %get3A_1047, %mul3A_1138 : vector<16xf32>
        %add3A_1140 = arith.addf %mul3A_1125, %mul3A_1127 : vector<16xf32>
        %add3A_1141 = arith.addf %mul3A_1129, %mul3A_1131 : vector<16xf32>
        %add3A_1142 = arith.addf %mul3A_1133, %mul3A_1135 : vector<16xf32>
        %add3A_1143 = arith.addf %mul3A_1137, %mul3A_1139 : vector<16xf32>
        %add3A_1144 = arith.addf %add3A_1140, %add3A_1141 : vector<16xf32>
        %add3A_1145 = arith.addf %add3A_1142, %add3A_1143 : vector<16xf32>
        %add3A_1146 = arith.addf %add3A_1144, %add3A_1145 : vector<16xf32>
        %swap3A_1147 = arith.index_cast %scan3A_855 : i32 to index
        %swap3A_1148 = arith.constant 32 : index
        %swap3A_1149 = tpu.vector_load %arg15[%swap3A_1147, %swap3A_1148] {strides = array<i32>} : memref<16x128xf32, #tpu.memory_space<vmem>>, vector<1x16xf32>,
        %swap3A_1150 = vector.shape_cast %swap3A_1149 : vector<1x16xf32> to vector<16xf32>
        %swap3A_1151 = vector.shape_cast %add3A_1146 : vector<16xf32> to vector<1x16xf32>
        tpu.vector_store %arg15[%swap3A_1147, %swap3A_1148], %swap3A_1151 {strides = array<i32>} : memref<16x128xf32, #tpu.memory_space<vmem>>, vector<1x16xf32>,
        %get3A_1152 = arith.constant 0 : i32
        %get3A_1153 = arith.index_cast %scan3A_855 : i32 to index
        %get3A_1154 = arith.index_cast %get3A_1152 : i32 to index
        %get3A_1155 = arith.constant 64 : index
        %get3A_1156 = tpu.vector_load %arg7[%get3A_1153, %get3A_1154, %get3A_1155] {strides = array<i32>} : memref<16x8x128xf32, #tpu.memory_space<vmem>>, vector<1x1x16xf32>,
        %get3A_1157 = vector.shape_cast %get3A_1156 : vector<1x1x16xf32> to vector<16xf32>
        %get3A_1158 = arith.constant 1 : i32
        %get3A_1159 = arith.index_cast %scan3A_855 : i32 to index
        %get3A_1160 = arith.index_cast %get3A_1158 : i32 to index
        %get3A_1161 = arith.constant 64 : index
        %get3A_1162 = tpu.vector_load %arg7[%get3A_1159, %get3A_1160, %get3A_1161] {strides = array<i32>} : memref<16x8x128xf32, #tpu.memory_space<vmem>>, vector<1x1x16xf32>,
        %get3A_1163 = vector.shape_cast %get3A_1162 : vector<1x1x16xf32> to vector<16xf32>
        %get3A_1164 = arith.constant 2 : i32
        %get3A_1165 = arith.index_cast %scan3A_855 : i32 to index
        %get3A_1166 = arith.index_cast %get3A_1164 : i32 to index
        %get3A_1167 = arith.constant 64 : index
        %get3A_1168 = tpu.vector_load %arg7[%get3A_1165, %get3A_1166, %get3A_1167] {strides = array<i32>} : memref<16x8x128xf32, #tpu.memory_space<vmem>>, vector<1x1x16xf32>,
        %get3A_1169 = vector.shape_cast %get3A_1168 : vector<1x1x16xf32> to vector<16xf32>
        %get3A_1170 = arith.constant 3 : i32
        %get3A_1171 = arith.index_cast %scan3A_855 : i32 to index
        %get3A_1172 = arith.index_cast %get3A_1170 : i32 to index
        %get3A_1173 = arith.constant 64 : index
        %get3A_1174 = tpu.vector_load %arg7[%get3A_1171, %get3A_1172, %get3A_1173] {strides = array<i32>} : memref<16x8x128xf32, #tpu.memory_space<vmem>>, vector<1x1x16xf32>,
        %get3A_1175 = vector.shape_cast %get3A_1174 : vector<1x1x16xf32> to vector<16xf32>
        %get3A_1176 = arith.constant 4 : i32
        %get3A_1177 = arith.index_cast %scan3A_855 : i32 to index
        %get3A_1178 = arith.index_cast %get3A_1176 : i32 to index
        %get3A_1179 = arith.constant 64 : index
        %get3A_1180 = tpu.vector_load %arg7[%get3A_1177, %get3A_1178, %get3A_1179] {strides = array<i32>} : memref<16x8x128xf32, #tpu.memory_space<vmem>>, vector<1x1x16xf32>,
        %get3A_1181 = vector.shape_cast %get3A_1180 : vector<1x1x16xf32> to vector<16xf32>
        %get3A_1182 = arith.constant 5 : i32
        %get3A_1183 = arith.index_cast %scan3A_855 : i32 to index
        %get3A_1184 = arith.index_cast %get3A_1182 : i32 to index
        %get3A_1185 = arith.constant 64 : index
        %get3A_1186 = tpu.vector_load %arg7[%get3A_1183, %get3A_1184, %get3A_1185] {strides = array<i32>} : memref<16x8x128xf32, #tpu.memory_space<vmem>>, vector<1x1x16xf32>,
        %get3A_1187 = vector.shape_cast %get3A_1186 : vector<1x1x16xf32> to vector<16xf32>
        %get3A_1188 = arith.constant 6 : i32
        %get3A_1189 = arith.index_cast %scan3A_855 : i32 to index
        %get3A_1190 = arith.index_cast %get3A_1188 : i32 to index
        %get3A_1191 = arith.constant 64 : index
        %get3A_1192 = tpu.vector_load %arg7[%get3A_1189, %get3A_1190, %get3A_1191] {strides = array<i32>} : memref<16x8x128xf32, #tpu.memory_space<vmem>>, vector<1x1x16xf32>,
        %get3A_1193 = vector.shape_cast %get3A_1192 : vector<1x1x16xf32> to vector<16xf32>
        %get3A_1194 = arith.constant 7 : i32
        %get3A_1195 = arith.index_cast %scan3A_855 : i32 to index
        %get3A_1196 = arith.index_cast %get3A_1194 : i32 to index
        %get3A_1197 = arith.constant 64 : index
        %get3A_1198 = tpu.vector_load %arg7[%get3A_1195, %get3A_1196, %get3A_1197] {strides = array<i32>} : memref<16x8x128xf32, #tpu.memory_space<vmem>>, vector<1x1x16xf32>,
        %get3A_1199 = vector.shape_cast %get3A_1198 : vector<1x1x16xf32> to vector<16xf32>
        %mul3A_1200 = vector.broadcast %squeeze3A_861 : f32 to vector<16xf32>
        %mul3A_1201 = arith.mulf %get3A_1081, %mul3A_1200 : vector<16xf32>
        %mul3A_1202 = vector.broadcast %squeeze3A_863 : f32 to vector<16xf32>
        %mul3A_1203 = arith.mulf %get3A_1087, %mul3A_1202 : vector<16xf32>
        %mul3A_1204 = vector.broadcast %squeeze3A_865 : f32 to vector<16xf32>
        %mul3A_1205 = arith.mulf %get3A_1093, %mul3A_1204 : vector<16xf32>
        %mul3A_1206 = vector.broadcast %squeeze3A_867 : f32 to vector<16xf32>
        %mul3A_1207 = arith.mulf %get3A_1099, %mul3A_1206 : vector<16xf32>
        %mul3A_1208 = vector.broadcast %squeeze3A_869 : f32 to vector<16xf32>
        %mul3A_1209 = arith.mulf %get3A_1105, %mul3A_1208 : vector<16xf32>
        %mul3A_1210 = vector.broadcast %squeeze3A_871 : f32 to vector<16xf32>
        %mul3A_1211 = arith.mulf %get3A_1111, %mul3A_1210 : vector<16xf32>
        %mul3A_1212 = vector.broadcast %squeeze3A_873 : f32 to vector<16xf32>
        %mul3A_1213 = arith.mulf %get3A_1117, %mul3A_1212 : vector<16xf32>
        %mul3A_1214 = vector.broadcast %squeeze3A_875 : f32 to vector<16xf32>
        %mul3A_1215 = arith.mulf %get3A_1123, %mul3A_1214 : vector<16xf32>
        %add3A_1216 = arith.addf %mul3A_1201, %mul3A_1203 : vector<16xf32>
        %add3A_1217 = arith.addf %mul3A_1205, %mul3A_1207 : vector<16xf32>
        %add3A_1218 = arith.addf %mul3A_1209, %mul3A_1211 : vector<16xf32>
        %add3A_1219 = arith.addf %mul3A_1213, %mul3A_1215 : vector<16xf32>
        %add3A_1220 = arith.addf %add3A_1216, %add3A_1217 : vector<16xf32>
        %add3A_1221 = arith.addf %add3A_1218, %add3A_1219 : vector<16xf32>
        %add3A_1222 = arith.addf %add3A_1220, %add3A_1221 : vector<16xf32>
        %swap3A_1223 = arith.index_cast %scan3A_855 : i32 to index
        %swap3A_1224 = arith.constant 48 : index
        %swap3A_1225 = tpu.vector_load %arg15[%swap3A_1223, %swap3A_1224] {strides = array<i32>} : memref<16x128xf32, #tpu.memory_space<vmem>>, vector<1x16xf32>,
        %swap3A_1226 = vector.shape_cast %swap3A_1225 : vector<1x16xf32> to vector<16xf32>
        %swap3A_1227 = vector.shape_cast %add3A_1222 : vector<16xf32> to vector<1x16xf32>
        tpu.vector_store %arg15[%swap3A_1223, %swap3A_1224], %swap3A_1227 {strides = array<i32>} : memref<16x128xf32, #tpu.memory_space<vmem>>, vector<1x16xf32>,
        %get3A_1228 = arith.constant 0 : i32
        %get3A_1229 = arith.index_cast %scan3A_855 : i32 to index
        %get3A_1230 = arith.index_cast %get3A_1228 : i32 to index
        %get3A_1231 = arith.constant 80 : index
        %get3A_1232 = tpu.vector_load %arg7[%get3A_1229, %get3A_1230, %get3A_1231] {strides = array<i32>} : memref<16x8x128xf32, #tpu.memory_space<vmem>>, vector<1x1x16xf32>,
        %get3A_1233 = vector.shape_cast %get3A_1232 : vector<1x1x16xf32> to vector<16xf32>
        %get3A_1234 = arith.constant 1 : i32
        %get3A_1235 = arith.index_cast %scan3A_855 : i32 to index
        %get3A_1236 = arith.index_cast %get3A_1234 : i32 to index
        %get3A_1237 = arith.constant 80 : index
        %get3A_1238 = tpu.vector_load %arg7[%get3A_1235, %get3A_1236, %get3A_1237] {strides = array<i32>} : memref<16x8x128xf32, #tpu.memory_space<vmem>>, vector<1x1x16xf32>,
        %get3A_1239 = vector.shape_cast %get3A_1238 : vector<1x1x16xf32> to vector<16xf32>
        %get3A_1240 = arith.constant 2 : i32
        %get3A_1241 = arith.index_cast %scan3A_855 : i32 to index
        %get3A_1242 = arith.index_cast %get3A_1240 : i32 to index
        %get3A_1243 = arith.constant 80 : index
        %get3A_1244 = tpu.vector_load %arg7[%get3A_1241, %get3A_1242, %get3A_1243] {strides = array<i32>} : memref<16x8x128xf32, #tpu.memory_space<vmem>>, vector<1x1x16xf32>,
        %get3A_1245 = vector.shape_cast %get3A_1244 : vector<1x1x16xf32> to vector<16xf32>
        %get3A_1246 = arith.constant 3 : i32
        %get3A_1247 = arith.index_cast %scan3A_855 : i32 to index
        %get3A_1248 = arith.index_cast %get3A_1246 : i32 to index
        %get3A_1249 = arith.constant 80 : index
        %get3A_1250 = tpu.vector_load %arg7[%get3A_1247, %get3A_1248, %get3A_1249] {strides = array<i32>} : memref<16x8x128xf32, #tpu.memory_space<vmem>>, vector<1x1x16xf32>,
        %get3A_1251 = vector.shape_cast %get3A_1250 : vector<1x1x16xf32> to vector<16xf32>
        %get3A_1252 = arith.constant 4 : i32
        %get3A_1253 = arith.index_cast %scan3A_855 : i32 to index
        %get3A_1254 = arith.index_cast %get3A_1252 : i32 to index
        %get3A_1255 = arith.constant 80 : index
        %get3A_1256 = tpu.vector_load %arg7[%get3A_1253, %get3A_1254, %get3A_1255] {strides = array<i32>} : memref<16x8x128xf32, #tpu.memory_space<vmem>>, vector<1x1x16xf32>,
        %get3A_1257 = vector.shape_cast %get3A_1256 : vector<1x1x16xf32> to vector<16xf32>
        %get3A_1258 = arith.constant 5 : i32
        %get3A_1259 = arith.index_cast %scan3A_855 : i32 to index
        %get3A_1260 = arith.index_cast %get3A_1258 : i32 to index
        %get3A_1261 = arith.constant 80 : index
        %get3A_1262 = tpu.vector_load %arg7[%get3A_1259, %get3A_1260, %get3A_1261] {strides = array<i32>} : memref<16x8x128xf32, #tpu.memory_space<vmem>>, vector<1x1x16xf32>,
        %get3A_1263 = vector.shape_cast %get3A_1262 : vector<1x1x16xf32> to vector<16xf32>
        %get3A_1264 = arith.constant 6 : i32
        %get3A_1265 = arith.index_cast %scan3A_855 : i32 to index
        %get3A_1266 = arith.index_cast %get3A_1264 : i32 to index
        %get3A_1267 = arith.constant 80 : index
        %get3A_1268 = tpu.vector_load %arg7[%get3A_1265, %get3A_1266, %get3A_1267] {strides = array<i32>} : memref<16x8x128xf32, #tpu.memory_space<vmem>>, vector<1x1x16xf32>,
        %get3A_1269 = vector.shape_cast %get3A_1268 : vector<1x1x16xf32> to vector<16xf32>
        %get3A_1270 = arith.constant 7 : i32
        %get3A_1271 = arith.index_cast %scan3A_855 : i32 to index
        %get3A_1272 = arith.index_cast %get3A_1270 : i32 to index
        %get3A_1273 = arith.constant 80 : index
        %get3A_1274 = tpu.vector_load %arg7[%get3A_1271, %get3A_1272, %get3A_1273] {strides = array<i32>} : memref<16x8x128xf32, #tpu.memory_space<vmem>>, vector<1x1x16xf32>,
        %get3A_1275 = vector.shape_cast %get3A_1274 : vector<1x1x16xf32> to vector<16xf32>
        %mul3A_1276 = vector.broadcast %squeeze3A_861 : f32 to vector<16xf32>
        %mul3A_1277 = arith.mulf %get3A_1157, %mul3A_1276 : vector<16xf32>
        %mul3A_1278 = vector.broadcast %squeeze3A_863 : f32 to vector<16xf32>
        %mul3A_1279 = arith.mulf %get3A_1163, %mul3A_1278 : vector<16xf32>
        %mul3A_1280 = vector.broadcast %squeeze3A_865 : f32 to vector<16xf32>
        %mul3A_1281 = arith.mulf %get3A_1169, %mul3A_1280 : vector<16xf32>
        %mul3A_1282 = vector.broadcast %squeeze3A_867 : f32 to vector<16xf32>
        %mul3A_1283 = arith.mulf %get3A_1175, %mul3A_1282 : vector<16xf32>
        %mul3A_1284 = vector.broadcast %squeeze3A_869 : f32 to vector<16xf32>
        %mul3A_1285 = arith.mulf %get3A_1181, %mul3A_1284 : vector<16xf32>
        %mul3A_1286 = vector.broadcast %squeeze3A_871 : f32 to vector<16xf32>
        %mul3A_1287 = arith.mulf %get3A_1187, %mul3A_1286 : vector<16xf32>
        %mul3A_1288 = vector.broadcast %squeeze3A_873 : f32 to vector<16xf32>
        %mul3A_1289 = arith.mulf %get3A_1193, %mul3A_1288 : vector<16xf32>
        %mul3A_1290 = vector.broadcast %squeeze3A_875 : f32 to vector<16xf32>
        %mul3A_1291 = arith.mulf %get3A_1199, %mul3A_1290 : vector<16xf32>
        %add3A_1292 = arith.addf %mul3A_1277, %mul3A_1279 : vector<16xf32>
        %add3A_1293 = arith.addf %mul3A_1281, %mul3A_1283 : vector<16xf32>
        %add3A_1294 = arith.addf %mul3A_1285, %mul3A_1287 : vector<16xf32>
        %add3A_1295 = arith.addf %mul3A_1289, %mul3A_1291 : vector<16xf32>
        %add3A_1296 = arith.addf %add3A_1292, %add3A_1293 : vector<16xf32>
        %add3A_1297 = arith.addf %add3A_1294, %add3A_1295 : vector<16xf32>
        %add3A_1298 = arith.addf %add3A_1296, %add3A_1297 : vector<16xf32>
        %swap3A_1299 = arith.index_cast %scan3A_855 : i32 to index
        %swap3A_1300 = arith.constant 64 : index
        %swap3A_1301 = tpu.vector_load %arg15[%swap3A_1299, %swap3A_1300] {strides = array<i32>} : memref<16x128xf32, #tpu.memory_space<vmem>>, vector<1x16xf32>,
        %swap3A_1302 = vector.shape_cast %swap3A_1301 : vector<1x16xf32> to vector<16xf32>
        %swap3A_1303 = vector.shape_cast %add3A_1298 : vector<16xf32> to vector<1x16xf32>
        tpu.vector_store %arg15[%swap3A_1299, %swap3A_1300], %swap3A_1303 {strides = array<i32>} : memref<16x128xf32, #tpu.memory_space<vmem>>, vector<1x16xf32>,
        %get3A_1304 = arith.constant 0 : i32
        %get3A_1305 = arith.index_cast %scan3A_855 : i32 to index
        %get3A_1306 = arith.index_cast %get3A_1304 : i32 to index
        %get3A_1307 = arith.constant 96 : index
        %get3A_1308 = tpu.vector_load %arg7[%get3A_1305, %get3A_1306, %get3A_1307] {strides = array<i32>} : memref<16x8x128xf32, #tpu.memory_space<vmem>>, vector<1x1x16xf32>,
        %get3A_1309 = vector.shape_cast %get3A_1308 : vector<1x1x16xf32> to vector<16xf32>
        %get3A_1310 = arith.constant 1 : i32
        %get3A_1311 = arith.index_cast %scan3A_855 : i32 to index
        %get3A_1312 = arith.index_cast %get3A_1310 : i32 to index
        %get3A_1313 = arith.constant 96 : index
        %get3A_1314 = tpu.vector_load %arg7[%get3A_1311, %get3A_1312, %get3A_1313] {strides = array<i32>} : memref<16x8x128xf32, #tpu.memory_space<vmem>>, vector<1x1x16xf32>,
        %get3A_1315 = vector.shape_cast %get3A_1314 : vector<1x1x16xf32> to vector<16xf32>
        %get3A_1316 = arith.constant 2 : i32
        %get3A_1317 = arith.index_cast %scan3A_855 : i32 to index
        %get3A_1318 = arith.index_cast %get3A_1316 : i32 to index
        %get3A_1319 = arith.constant 96 : index
        %get3A_1320 = tpu.vector_load %arg7[%get3A_1317, %get3A_1318, %get3A_1319] {strides = array<i32>} : memref<16x8x128xf32, #tpu.memory_space<vmem>>, vector<1x1x16xf32>,
        %get3A_1321 = vector.shape_cast %get3A_1320 : vector<1x1x16xf32> to vector<16xf32>
        %get3A_1322 = arith.constant 3 : i32
        %get3A_1323 = arith.index_cast %scan3A_855 : i32 to index
        %get3A_1324 = arith.index_cast %get3A_1322 : i32 to index
        %get3A_1325 = arith.constant 96 : index
        %get3A_1326 = tpu.vector_load %arg7[%get3A_1323, %get3A_1324, %get3A_1325] {strides = array<i32>} : memref<16x8x128xf32, #tpu.memory_space<vmem>>, vector<1x1x16xf32>,
        %get3A_1327 = vector.shape_cast %get3A_1326 : vector<1x1x16xf32> to vector<16xf32>
        %get3A_1328 = arith.constant 4 : i32
        %get3A_1329 = arith.index_cast %scan3A_855 : i32 to index
        %get3A_1330 = arith.index_cast %get3A_1328 : i32 to index
        %get3A_1331 = arith.constant 96 : index
        %get3A_1332 = tpu.vector_load %arg7[%get3A_1329, %get3A_1330, %get3A_1331] {strides = array<i32>} : memref<16x8x128xf32, #tpu.memory_space<vmem>>, vector<1x1x16xf32>,
        %get3A_1333 = vector.shape_cast %get3A_1332 : vector<1x1x16xf32> to vector<16xf32>
        %get3A_1334 = arith.constant 5 : i32
        %get3A_1335 = arith.index_cast %scan3A_855 : i32 to index
        %get3A_1336 = arith.index_cast %get3A_1334 : i32 to index
        %get3A_1337 = arith.constant 96 : index
        %get3A_1338 = tpu.vector_load %arg7[%get3A_1335, %get3A_1336, %get3A_1337] {strides = array<i32>} : memref<16x8x128xf32, #tpu.memory_space<vmem>>, vector<1x1x16xf32>,
        %get3A_1339 = vector.shape_cast %get3A_1338 : vector<1x1x16xf32> to vector<16xf32>
        %get3A_1340 = arith.constant 6 : i32
        %get3A_1341 = arith.index_cast %scan3A_855 : i32 to index
        %get3A_1342 = arith.index_cast %get3A_1340 : i32 to index
        %get3A_1343 = arith.constant 96 : index
        %get3A_1344 = tpu.vector_load %arg7[%get3A_1341, %get3A_1342, %get3A_1343] {strides = array<i32>} : memref<16x8x128xf32, #tpu.memory_space<vmem>>, vector<1x1x16xf32>,
        %get3A_1345 = vector.shape_cast %get3A_1344 : vector<1x1x16xf32> to vector<16xf32>
        %get3A_1346 = arith.constant 7 : i32
        %get3A_1347 = arith.index_cast %scan3A_855 : i32 to index
        %get3A_1348 = arith.index_cast %get3A_1346 : i32 to index
        %get3A_1349 = arith.constant 96 : index
        %get3A_1350 = tpu.vector_load %arg7[%get3A_1347, %get3A_1348, %get3A_1349] {strides = array<i32>} : memref<16x8x128xf32, #tpu.memory_space<vmem>>, vector<1x1x16xf32>,
        %get3A_1351 = vector.shape_cast %get3A_1350 : vector<1x1x16xf32> to vector<16xf32>
        %mul3A_1352 = vector.broadcast %squeeze3A_861 : f32 to vector<16xf32>
        %mul3A_1353 = arith.mulf %get3A_1233, %mul3A_1352 : vector<16xf32>
        %mul3A_1354 = vector.broadcast %squeeze3A_863 : f32 to vector<16xf32>
        %mul3A_1355 = arith.mulf %get3A_1239, %mul3A_1354 : vector<16xf32>
        %mul3A_1356 = vector.broadcast %squeeze3A_865 : f32 to vector<16xf32>
        %mul3A_1357 = arith.mulf %get3A_1245, %mul3A_1356 : vector<16xf32>
        %mul3A_1358 = vector.broadcast %squeeze3A_867 : f32 to vector<16xf32>
        %mul3A_1359 = arith.mulf %get3A_1251, %mul3A_1358 : vector<16xf32>
        %mul3A_1360 = vector.broadcast %squeeze3A_869 : f32 to vector<16xf32>
        %mul3A_1361 = arith.mulf %get3A_1257, %mul3A_1360 : vector<16xf32>
        %mul3A_1362 = vector.broadcast %squeeze3A_871 : f32 to vector<16xf32>
        %mul3A_1363 = arith.mulf %get3A_1263, %mul3A_1362 : vector<16xf32>
        %mul3A_1364 = vector.broadcast %squeeze3A_873 : f32 to vector<16xf32>
        %mul3A_1365 = arith.mulf %get3A_1269, %mul3A_1364 : vector<16xf32>
        %mul3A_1366 = vector.broadcast %squeeze3A_875 : f32 to vector<16xf32>
        %mul3A_1367 = arith.mulf %get3A_1275, %mul3A_1366 : vector<16xf32>
        %add3A_1368 = arith.addf %mul3A_1353, %mul3A_1355 : vector<16xf32>
        %add3A_1369 = arith.addf %mul3A_1357, %mul3A_1359 : vector<16xf32>
        %add3A_1370 = arith.addf %mul3A_1361, %mul3A_1363 : vector<16xf32>
        %add3A_1371 = arith.addf %mul3A_1365, %mul3A_1367 : vector<16xf32>
        %add3A_1372 = arith.addf %add3A_1368, %add3A_1369 : vector<16xf32>
        %add3A_1373 = arith.addf %add3A_1370, %add3A_1371 : vector<16xf32>
        %add3A_1374 = arith.addf %add3A_1372, %add3A_1373 : vector<16xf32>
        %swap3A_1375 = arith.index_cast %scan3A_855 : i32 to index
        %swap3A_1376 = arith.constant 80 : index
        %swap3A_1377 = tpu.vector_load %arg15[%swap3A_1375, %swap3A_1376] {strides = array<i32>} : memref<16x128xf32, #tpu.memory_space<vmem>>, vector<1x16xf32>,
        %swap3A_1378 = vector.shape_cast %swap3A_1377 : vector<1x16xf32> to vector<16xf32>
        %swap3A_1379 = vector.shape_cast %add3A_1374 : vector<16xf32> to vector<1x16xf32>
        tpu.vector_store %arg15[%swap3A_1375, %swap3A_1376], %swap3A_1379 {strides = array<i32>} : memref<16x128xf32, #tpu.memory_space<vmem>>, vector<1x16xf32>,
        %get3A_1380 = arith.constant 0 : i32
        %get3A_1381 = arith.index_cast %scan3A_855 : i32 to index
        %get3A_1382 = arith.index_cast %get3A_1380 : i32 to index
        %get3A_1383 = arith.constant 112 : index
        %get3A_1384 = tpu.vector_load %arg7[%get3A_1381, %get3A_1382, %get3A_1383] {strides = array<i32>} : memref<16x8x128xf32, #tpu.memory_space<vmem>>, vector<1x1x16xf32>,
        %get3A_1385 = vector.shape_cast %get3A_1384 : vector<1x1x16xf32> to vector<16xf32>
        %get3A_1386 = arith.constant 1 : i32
        %get3A_1387 = arith.index_cast %scan3A_855 : i32 to index
        %get3A_1388 = arith.index_cast %get3A_1386 : i32 to index
        %get3A_1389 = arith.constant 112 : index
        %get3A_1390 = tpu.vector_load %arg7[%get3A_1387, %get3A_1388, %get3A_1389] {strides = array<i32>} : memref<16x8x128xf32, #tpu.memory_space<vmem>>, vector<1x1x16xf32>,
        %get3A_1391 = vector.shape_cast %get3A_1390 : vector<1x1x16xf32> to vector<16xf32>
        %get3A_1392 = arith.constant 2 : i32
        %get3A_1393 = arith.index_cast %scan3A_855 : i32 to index
        %get3A_1394 = arith.index_cast %get3A_1392 : i32 to index
        %get3A_1395 = arith.constant 112 : index
        %get3A_1396 = tpu.vector_load %arg7[%get3A_1393, %get3A_1394, %get3A_1395] {strides = array<i32>} : memref<16x8x128xf32, #tpu.memory_space<vmem>>, vector<1x1x16xf32>,
        %get3A_1397 = vector.shape_cast %get3A_1396 : vector<1x1x16xf32> to vector<16xf32>
        %get3A_1398 = arith.constant 3 : i32
        %get3A_1399 = arith.index_cast %scan3A_855 : i32 to index
        %get3A_1400 = arith.index_cast %get3A_1398 : i32 to index
        %get3A_1401 = arith.constant 112 : index
        %get3A_1402 = tpu.vector_load %arg7[%get3A_1399, %get3A_1400, %get3A_1401] {strides = array<i32>} : memref<16x8x128xf32, #tpu.memory_space<vmem>>, vector<1x1x16xf32>,
        %get3A_1403 = vector.shape_cast %get3A_1402 : vector<1x1x16xf32> to vector<16xf32>
        %get3A_1404 = arith.constant 4 : i32
        %get3A_1405 = arith.index_cast %scan3A_855 : i32 to index
        %get3A_1406 = arith.index_cast %get3A_1404 : i32 to index
        %get3A_1407 = arith.constant 112 : index
        %get3A_1408 = tpu.vector_load %arg7[%get3A_1405, %get3A_1406, %get3A_1407] {strides = array<i32>} : memref<16x8x128xf32, #tpu.memory_space<vmem>>, vector<1x1x16xf32>,
        %get3A_1409 = vector.shape_cast %get3A_1408 : vector<1x1x16xf32> to vector<16xf32>
        %get3A_1410 = arith.constant 5 : i32
        %get3A_1411 = arith.index_cast %scan3A_855 : i32 to index
        %get3A_1412 = arith.index_cast %get3A_1410 : i32 to index
        %get3A_1413 = arith.constant 112 : index
        %get3A_1414 = tpu.vector_load %arg7[%get3A_1411, %get3A_1412, %get3A_1413] {strides = array<i32>} : memref<16x8x128xf32, #tpu.memory_space<vmem>>, vector<1x1x16xf32>,
        %get3A_1415 = vector.shape_cast %get3A_1414 : vector<1x1x16xf32> to vector<16xf32>
        %get3A_1416 = arith.constant 6 : i32
        %get3A_1417 = arith.index_cast %scan3A_855 : i32 to index
        %get3A_1418 = arith.index_cast %get3A_1416 : i32 to index
        %get3A_1419 = arith.constant 112 : index
        %get3A_1420 = tpu.vector_load %arg7[%get3A_1417, %get3A_1418, %get3A_1419] {strides = array<i32>} : memref<16x8x128xf32, #tpu.memory_space<vmem>>, vector<1x1x16xf32>,
        %get3A_1421 = vector.shape_cast %get3A_1420 : vector<1x1x16xf32> to vector<16xf32>
        %get3A_1422 = arith.constant 7 : i32
        %get3A_1423 = arith.index_cast %scan3A_855 : i32 to index
        %get3A_1424 = arith.index_cast %get3A_1422 : i32 to index
        %get3A_1425 = arith.constant 112 : index
        %get3A_1426 = tpu.vector_load %arg7[%get3A_1423, %get3A_1424, %get3A_1425] {strides = array<i32>} : memref<16x8x128xf32, #tpu.memory_space<vmem>>, vector<1x1x16xf32>,
        %get3A_1427 = vector.shape_cast %get3A_1426 : vector<1x1x16xf32> to vector<16xf32>
        %mul3A_1428 = vector.broadcast %squeeze3A_861 : f32 to vector<16xf32>
        %mul3A_1429 = arith.mulf %get3A_1309, %mul3A_1428 : vector<16xf32>
        %mul3A_1430 = vector.broadcast %squeeze3A_863 : f32 to vector<16xf32>
        %mul3A_1431 = arith.mulf %get3A_1315, %mul3A_1430 : vector<16xf32>
        %mul3A_1432 = vector.broadcast %squeeze3A_865 : f32 to vector<16xf32>
        %mul3A_1433 = arith.mulf %get3A_1321, %mul3A_1432 : vector<16xf32>
        %mul3A_1434 = vector.broadcast %squeeze3A_867 : f32 to vector<16xf32>
        %mul3A_1435 = arith.mulf %get3A_1327, %mul3A_1434 : vector<16xf32>
        %mul3A_1436 = vector.broadcast %squeeze3A_869 : f32 to vector<16xf32>
        %mul3A_1437 = arith.mulf %get3A_1333, %mul3A_1436 : vector<16xf32>
        %mul3A_1438 = vector.broadcast %squeeze3A_871 : f32 to vector<16xf32>
        %mul3A_1439 = arith.mulf %get3A_1339, %mul3A_1438 : vector<16xf32>
        %mul3A_1440 = vector.broadcast %squeeze3A_873 : f32 to vector<16xf32>
        %mul3A_1441 = arith.mulf %get3A_1345, %mul3A_1440 : vector<16xf32>
        %mul3A_1442 = vector.broadcast %squeeze3A_875 : f32 to vector<16xf32>
        %mul3A_1443 = arith.mulf %get3A_1351, %mul3A_1442 : vector<16xf32>
        %add3A_1444 = arith.addf %mul3A_1429, %mul3A_1431 : vector<16xf32>
        %add3A_1445 = arith.addf %mul3A_1433, %mul3A_1435 : vector<16xf32>
        %add3A_1446 = arith.addf %mul3A_1437, %mul3A_1439 : vector<16xf32>
        %add3A_1447 = arith.addf %mul3A_1441, %mul3A_1443 : vector<16xf32>
        %add3A_1448 = arith.addf %add3A_1444, %add3A_1445 : vector<16xf32>
        %add3A_1449 = arith.addf %add3A_1446, %add3A_1447 : vector<16xf32>
        %add3A_1450 = arith.addf %add3A_1448, %add3A_1449 : vector<16xf32>
        %swap3A_1451 = arith.index_cast %scan3A_855 : i32 to index
        %swap3A_1452 = arith.constant 96 : index
        %swap3A_1453 = tpu.vector_load %arg15[%swap3A_1451, %swap3A_1452] {strides = array<i32>} : memref<16x128xf32, #tpu.memory_space<vmem>>, vector<1x16xf32>,
        %swap3A_1454 = vector.shape_cast %swap3A_1453 : vector<1x16xf32> to vector<16xf32>
        %swap3A_1455 = vector.shape_cast %add3A_1450 : vector<16xf32> to vector<1x16xf32>
        tpu.vector_store %arg15[%swap3A_1451, %swap3A_1452], %swap3A_1455 {strides = array<i32>} : memref<16x128xf32, #tpu.memory_space<vmem>>, vector<1x16xf32>,
        %mul3A_1456 = vector.broadcast %squeeze3A_861 : f32 to vector<16xf32>
        %mul3A_1457 = arith.mulf %get3A_1385, %mul3A_1456 : vector<16xf32>
        %mul3A_1458 = vector.broadcast %squeeze3A_863 : f32 to vector<16xf32>
        %mul3A_1459 = arith.mulf %get3A_1391, %mul3A_1458 : vector<16xf32>
        %mul3A_1460 = vector.broadcast %squeeze3A_865 : f32 to vector<16xf32>
        %mul3A_1461 = arith.mulf %get3A_1397, %mul3A_1460 : vector<16xf32>
        %mul3A_1462 = vector.broadcast %squeeze3A_867 : f32 to vector<16xf32>
        %mul3A_1463 = arith.mulf %get3A_1403, %mul3A_1462 : vector<16xf32>
        %mul3A_1464 = vector.broadcast %squeeze3A_869 : f32 to vector<16xf32>
        %mul3A_1465 = arith.mulf %get3A_1409, %mul3A_1464 : vector<16xf32>
        %mul3A_1466 = vector.broadcast %squeeze3A_871 : f32 to vector<16xf32>
        %mul3A_1467 = arith.mulf %get3A_1415, %mul3A_1466 : vector<16xf32>
        %mul3A_1468 = vector.broadcast %squeeze3A_873 : f32 to vector<16xf32>
        %mul3A_1469 = arith.mulf %get3A_1421, %mul3A_1468 : vector<16xf32>
        %mul3A_1470 = vector.broadcast %squeeze3A_875 : f32 to vector<16xf32>
        %mul3A_1471 = arith.mulf %get3A_1427, %mul3A_1470 : vector<16xf32>
        %add3A_1472 = arith.addf %mul3A_1457, %mul3A_1459 : vector<16xf32>
        %add3A_1473 = arith.addf %mul3A_1461, %mul3A_1463 : vector<16xf32>
        %add3A_1474 = arith.addf %mul3A_1465, %mul3A_1467 : vector<16xf32>
        %add3A_1475 = arith.addf %mul3A_1469, %mul3A_1471 : vector<16xf32>
        %add3A_1476 = arith.addf %add3A_1472, %add3A_1473 : vector<16xf32>
        %add3A_1477 = arith.addf %add3A_1474, %add3A_1475 : vector<16xf32>
        %add3A_1478 = arith.addf %add3A_1476, %add3A_1477 : vector<16xf32>
        %swap3A_1479 = arith.index_cast %scan3A_855 : i32 to index
        %swap3A_1480 = arith.constant 112 : index
        %swap3A_1481 = tpu.vector_load %arg15[%swap3A_1479, %swap3A_1480] {strides = array<i32>} : memref<16x128xf32, #tpu.memory_space<vmem>>, vector<1x16xf32>,
        %swap3A_1482 = vector.shape_cast %swap3A_1481 : vector<1x16xf32> to vector<16xf32>
        %swap3A_1483 = vector.shape_cast %add3A_1478 : vector<16xf32> to vector<1x16xf32>
        tpu.vector_store %arg15[%swap3A_1479, %swap3A_1480], %swap3A_1483 {strides = array<i32>} : memref<16x128xf32, #tpu.memory_space<vmem>>, vector<1x16xf32>,
      }
      %scan3A_92 = arith.constant 16 : i32
      %mul3A_93 = arith.constant 16 : i32
      %mul3A_94 = arith.muli %add3A_70, %mul3A_93 : i32
      %add3A_95 = arith.addi %mul3A_2, %mul3A_94 : i32
      %dma_start3A_96 = arith.constant 0 : i32
      %dma_start3A_97 = tpu.memref_slice %arg5[%add3A_95, %dma_start3A_96] : memref<16384x128xf32, #tpu.memory_space<hbm>> -> memref<16x128xf32, #tpu.memory_space<hbm>>
      %dma_start3A_98 = arith.constant 0 : i32
      %dma_start3A_99 = tpu.memref_slice %arg5[%add3A_95, %dma_start3A_98] : memref<16384x128xf32, #tpu.memory_space<hbm>> -> memref<16x128xf32, #tpu.memory_space<hbm>>
      tpu.enqueue_dma source(%arg15 : memref<16x128xf32, #tpu.memory_space<vmem>>) target(%dma_start3A_99 : memref<16x128xf32, #tpu.memory_space<hbm>>) target_semaphore(%arg25 : memref<!tpu.dma_semaphore, #tpu.memory_space<semaphore_mem>>)
      %add3A_100 = arith.constant 4 : i32
      %add3A_101 = arith.addi %add3A_70, %add3A_100 : i32
      %lt3A = arith.constant 32 : i32
      %lt3A_102 = arith.cmpi slt, %add3A_101, %lt3A : i32
      %convert_element_type3A_103 = arith.extui %lt3A_102 : i1 to i32
      %cond3A_104 = arith.constant 0 : i32
      %cond3A_105 = arith.cmpi ne, %convert_element_type3A_103, %cond3A_104 : i32
      scf.if %cond3A_105 {
        %add3A_229 = arith.constant 4 : i32
        %add3A_230 = arith.addi %add3A_70, %add3A_229 : i32
        %mul3A_231 = arith.constant 16 : i32
        %mul3A_232 = arith.muli %add3A_230, %mul3A_231 : i32
        %dma_start3A_233 = tpu.memref_slice %arg6[%mul3A_232] : memref<512xi32, #tpu.memory_space<vmem>> -> memref<16xi32, #tpu.memory_space<vmem>>
        %dma_start3A_234 = arith.constant 0 : i32
        %dma_start3A_235 = arith.constant 0 : i32
        %dma_start3A_236 = arith.constant 0 : i32
        %dma_start3A_237 = tpu.memref_slice %arg4[%dma_start3A_234, %dma_start3A_235, %dma_start3A_236] : memref<100000x8x128xf32, #tpu.memory_space<hbm>> -> memref<100000x8x128xf32, #tpu.memory_space<hbm>>
        tpu.enqueue_indirect_dma source(%dma_start3A_237 : memref<100000x8x128xf32, #tpu.memory_space<hbm>>) target(%arg7 : memref<16x8x128xf32, #tpu.memory_space<vmem>>) offsets(%dma_start3A_233 : memref<16xi32, #tpu.memory_space<vmem>>) semaphore(%arg17 : memref<!tpu.dma_semaphore, #tpu.memory_space<semaphore_mem>>)
        %mul3A_238 = arith.constant 16 : i32
        %mul3A_239 = arith.muli %add3A_230, %mul3A_238 : i32
        %add3A_240 = arith.addi %mul3A_2, %mul3A_239 : i32
        %dma_start3A_241 = arith.constant 0 : i32
        %dma_start3A_242 = tpu.memref_slice %arg3[%add3A_240, %dma_start3A_241] : memref<16384x16xf32, #tpu.memory_space<hbm>> -> memref<16x16xf32, #tpu.memory_space<hbm>>
        %dma_start3A_243 = arith.constant 0 : i32
        %dma_start3A_244 = tpu.memref_slice %arg3[%add3A_240, %dma_start3A_243] : memref<16384x16xf32, #tpu.memory_space<hbm>> -> memref<16x16xf32, #tpu.memory_space<hbm>>
        tpu.enqueue_dma source(%dma_start3A_244 : memref<16x16xf32, #tpu.memory_space<hbm>>) target(%arg11 : memref<16x16xf32, #tpu.memory_space<vmem>>) target_semaphore(%arg21 : memref<!tpu.dma_semaphore, #tpu.memory_space<semaphore_mem>>)
      } else {
      }
      %add3A_106 = arith.constant 1 : i32
      %add3A_107 = arith.addi %mul3A_68, %add3A_106 : i32
      %mul3A_108 = arith.constant 16 : i32
      %mul3A_109 = arith.muli %add3A_107, %mul3A_108 : i32
      %dma_wait3A_110 = tpu.memref_slice %arg6[%mul3A_109] : memref<512xi32, #tpu.memory_space<vmem>> -> memref<16xi32, #tpu.memory_space<vmem>>
      %dma_wait3A_111 = arith.constant 0 : i32
      %dma_wait3A_112 = arith.constant 0 : i32
      %dma_wait3A_113 = arith.constant 0 : i32
      %dma_wait3A_114 = tpu.memref_slice %arg4[%dma_wait3A_111, %dma_wait3A_112, %dma_wait3A_113] : memref<100000x8x128xf32, #tpu.memory_space<hbm>> -> memref<100000x8x128xf32, #tpu.memory_space<hbm>>
      tpu.wait_indirect_dma semaphore(%arg18 : memref<!tpu.dma_semaphore, #tpu.memory_space<semaphore_mem>>) src(%dma_wait3A_114 : memref<100000x8x128xf32, #tpu.memory_space<hbm>>) dst(%arg8 : memref<16x8x128xf32, #tpu.memory_space<vmem>>)
      %mul3A_115 = arith.constant 16 : i32
      %mul3A_116 = arith.muli %add3A_107, %mul3A_115 : i32
      %add3A_117 = arith.addi %mul3A_2, %mul3A_116 : i32
      %dma_wait3A_118 = arith.constant 0 : i32
      %dma_wait3A_119 = tpu.memref_slice %arg3[%add3A_117, %dma_wait3A_118] : memref<16384x16xf32, #tpu.memory_space<hbm>> -> memref<16x16xf32, #tpu.memory_space<hbm>>
      %dma_wait3A_120 = arith.constant 0 : i32
      %dma_wait3A_121 = tpu.memref_slice %arg3[%add3A_117, %dma_wait3A_120] : memref<16384x16xf32, #tpu.memory_space<hbm>> -> memref<16x16xf32, #tpu.memory_space<hbm>>
      tpu.wait_dma2 semaphore(%arg22 : memref<!tpu.dma_semaphore, #tpu.memory_space<semaphore_mem>>) src(%dma_wait3A_121 : memref<16x16xf32, #tpu.memory_space<hbm>>) dst(%arg12 : memref<16x16xf32, #tpu.memory_space<vmem>>)
      %ge3A_122 = arith.constant 2 : i32
      %ge3A_123 = arith.cmpi sge, %add3A_107, %ge3A_122 : i32
      %convert_element_type3A_124 = arith.extui %ge3A_123 : i1 to i32
      %cond3A_125 = arith.constant 0 : i32
      %cond3A_126 = arith.cmpi ne, %convert_element_type3A_124, %cond3A_125 : i32
      scf.if %cond3A_126 {
        %mul3A_229 = arith.constant 16 : i32
        %mul3A_230 = arith.muli %add3A_107, %mul3A_229 : i32
        %add3A_231 = arith.addi %mul3A_2, %mul3A_230 : i32
        %dma_wait3A_232 = arith.constant 0 : i32
        %dma_wait3A_233 = tpu.memref_slice %arg5[%add3A_231, %dma_wait3A_232] : memref<16384x128xf32, #tpu.memory_space<hbm>> -> memref<16x128xf32, #tpu.memory_space<hbm>>
        %dma_wait3A_234 = arith.constant 0 : i32
        %dma_wait3A_235 = tpu.memref_slice %arg5[%add3A_231, %dma_wait3A_234] : memref<16384x128xf32, #tpu.memory_space<hbm>> -> memref<16x128xf32, #tpu.memory_space<hbm>>
        tpu.wait_dma2 semaphore(%arg26 : memref<!tpu.dma_semaphore, #tpu.memory_space<semaphore_mem>>) src(%arg16 : memref<16x128xf32, #tpu.memory_space<vmem>>) dst(%dma_wait3A_235 : memref<16x128xf32, #tpu.memory_space<hbm>>)
      } else {
      }
      %scan3A_127 = arith.constant 0 : i32
      %scan3A_128 = arith.constant 0 : i32
      %scan3A_129 = arith.constant 16 : i32
      %scan3A_130 = arith.addi %scan3A_128, %scan3A_129 : i32
      %scan3A_131 = arith.constant 2 : i32
      scf.for %scan3A_229 = %scan3A_128 to %scan3A_130 step %scan3A_131  : i32 {
        %get3A = arith.index_cast %scan3A_229 : i32 to index
        %get3A_230 = arith.constant 0 : index
        %get3A_231 = tpu.vector_load %arg12[%get3A, %get3A_230] {strides = array<i32>} : memref<16x16xf32, #tpu.memory_space<vmem>>, vector<1x16xf32>,
        %get3A_232 = vector.shape_cast %get3A_231 : vector<1x16xf32> to vector<16xf32>
        %slice3A = vector.extract_strided_slice %get3A_232 {offsets = [0], sizes = [1], strides = [1]} : vector<16xf32> to vector<1xf32>
        %squeeze3A = vector.extract %slice3A[0] : f32 from vector<1xf32>
        %slice3A_233 = vector.extract_strided_slice %get3A_232 {offsets = [1], sizes = [1], strides = [1]} : vector<16xf32> to vector<1xf32>
        %squeeze3A_234 = vector.extract %slice3A_233[0] : f32 from vector<1xf32>
        %slice3A_235 = vector.extract_strided_slice %get3A_232 {offsets = [2], sizes = [1], strides = [1]} : vector<16xf32> to vector<1xf32>
        %squeeze3A_236 = vector.extract %slice3A_235[0] : f32 from vector<1xf32>
        %slice3A_237 = vector.extract_strided_slice %get3A_232 {offsets = [3], sizes = [1], strides = [1]} : vector<16xf32> to vector<1xf32>
        %squeeze3A_238 = vector.extract %slice3A_237[0] : f32 from vector<1xf32>
        %slice3A_239 = vector.extract_strided_slice %get3A_232 {offsets = [4], sizes = [1], strides = [1]} : vector<16xf32> to vector<1xf32>
        %squeeze3A_240 = vector.extract %slice3A_239[0] : f32 from vector<1xf32>
        %slice3A_241 = vector.extract_strided_slice %get3A_232 {offsets = [5], sizes = [1], strides = [1]} : vector<16xf32> to vector<1xf32>
        %squeeze3A_242 = vector.extract %slice3A_241[0] : f32 from vector<1xf32>
        %slice3A_243 = vector.extract_strided_slice %get3A_232 {offsets = [6], sizes = [1], strides = [1]} : vector<16xf32> to vector<1xf32>
        %squeeze3A_244 = vector.extract %slice3A_243[0] : f32 from vector<1xf32>
        %slice3A_245 = vector.extract_strided_slice %get3A_232 {offsets = [7], sizes = [1], strides = [1]} : vector<16xf32> to vector<1xf32>
        %squeeze3A_246 = vector.extract %slice3A_245[0] : f32 from vector<1xf32>
        %get3A_247 = arith.constant 0 : i32
        %get3A_248 = arith.index_cast %scan3A_229 : i32 to index
        %get3A_249 = arith.index_cast %get3A_247 : i32 to index
        %get3A_250 = arith.constant 0 : index
        %get3A_251 = tpu.vector_load %arg8[%get3A_248, %get3A_249, %get3A_250] {strides = array<i32>} : memref<16x8x128xf32, #tpu.memory_space<vmem>>, vector<1x1x16xf32>,
        %get3A_252 = vector.shape_cast %get3A_251 : vector<1x1x16xf32> to vector<16xf32>
        %get3A_253 = arith.constant 1 : i32
        %get3A_254 = arith.index_cast %scan3A_229 : i32 to index
        %get3A_255 = arith.index_cast %get3A_253 : i32 to index
        %get3A_256 = arith.constant 0 : index
        %get3A_257 = tpu.vector_load %arg8[%get3A_254, %get3A_255, %get3A_256] {strides = array<i32>} : memref<16x8x128xf32, #tpu.memory_space<vmem>>, vector<1x1x16xf32>,
        %get3A_258 = vector.shape_cast %get3A_257 : vector<1x1x16xf32> to vector<16xf32>
        %get3A_259 = arith.constant 2 : i32
        %get3A_260 = arith.index_cast %scan3A_229 : i32 to index
        %get3A_261 = arith.index_cast %get3A_259 : i32 to index
        %get3A_262 = arith.constant 0 : index
        %get3A_263 = tpu.vector_load %arg8[%get3A_260, %get3A_261, %get3A_262] {strides = array<i32>} : memref<16x8x128xf32, #tpu.memory_space<vmem>>, vector<1x1x16xf32>,
        %get3A_264 = vector.shape_cast %get3A_263 : vector<1x1x16xf32> to vector<16xf32>
        %get3A_265 = arith.constant 3 : i32
        %get3A_266 = arith.index_cast %scan3A_229 : i32 to index
        %get3A_267 = arith.index_cast %get3A_265 : i32 to index
        %get3A_268 = arith.constant 0 : index
        %get3A_269 = tpu.vector_load %arg8[%get3A_266, %get3A_267, %get3A_268] {strides = array<i32>} : memref<16x8x128xf32, #tpu.memory_space<vmem>>, vector<1x1x16xf32>,
        %get3A_270 = vector.shape_cast %get3A_269 : vector<1x1x16xf32> to vector<16xf32>
        %get3A_271 = arith.constant 4 : i32
        %get3A_272 = arith.index_cast %scan3A_229 : i32 to index
        %get3A_273 = arith.index_cast %get3A_271 : i32 to index
        %get3A_274 = arith.constant 0 : index
        %get3A_275 = tpu.vector_load %arg8[%get3A_272, %get3A_273, %get3A_274] {strides = array<i32>} : memref<16x8x128xf32, #tpu.memory_space<vmem>>, vector<1x1x16xf32>,
        %get3A_276 = vector.shape_cast %get3A_275 : vector<1x1x16xf32> to vector<16xf32>
        %get3A_277 = arith.constant 5 : i32
        %get3A_278 = arith.index_cast %scan3A_229 : i32 to index
        %get3A_279 = arith.index_cast %get3A_277 : i32 to index
        %get3A_280 = arith.constant 0 : index
        %get3A_281 = tpu.vector_load %arg8[%get3A_278, %get3A_279, %get3A_280] {strides = array<i32>} : memref<16x8x128xf32, #tpu.memory_space<vmem>>, vector<1x1x16xf32>,
        %get3A_282 = vector.shape_cast %get3A_281 : vector<1x1x16xf32> to vector<16xf32>
        %get3A_283 = arith.constant 6 : i32
        %get3A_284 = arith.index_cast %scan3A_229 : i32 to index
        %get3A_285 = arith.index_cast %get3A_283 : i32 to index
        %get3A_286 = arith.constant 0 : index
        %get3A_287 = tpu.vector_load %arg8[%get3A_284, %get3A_285, %get3A_286] {strides = array<i32>} : memref<16x8x128xf32, #tpu.memory_space<vmem>>, vector<1x1x16xf32>,
        %get3A_288 = vector.shape_cast %get3A_287 : vector<1x1x16xf32> to vector<16xf32>
        %get3A_289 = arith.constant 7 : i32
        %get3A_290 = arith.index_cast %scan3A_229 : i32 to index
        %get3A_291 = arith.index_cast %get3A_289 : i32 to index
        %get3A_292 = arith.constant 0 : index
        %get3A_293 = tpu.vector_load %arg8[%get3A_290, %get3A_291, %get3A_292] {strides = array<i32>} : memref<16x8x128xf32, #tpu.memory_space<vmem>>, vector<1x1x16xf32>,
        %get3A_294 = vector.shape_cast %get3A_293 : vector<1x1x16xf32> to vector<16xf32>
        %get3A_295 = arith.constant 0 : i32
        %get3A_296 = arith.index_cast %scan3A_229 : i32 to index
        %get3A_297 = arith.index_cast %get3A_295 : i32 to index
        %get3A_298 = arith.constant 16 : index
        %get3A_299 = tpu.vector_load %arg8[%get3A_296, %get3A_297, %get3A_298] {strides = array<i32>} : memref<16x8x128xf32, #tpu.memory_space<vmem>>, vector<1x1x16xf32>,
        %get3A_300 = vector.shape_cast %get3A_299 : vector<1x1x16xf32> to vector<16xf32>
        %get3A_301 = arith.constant 1 : i32
        %get3A_302 = arith.index_cast %scan3A_229 : i32 to index
        %get3A_303 = arith.index_cast %get3A_301 : i32 to index
        %get3A_304 = arith.constant 16 : index
        %get3A_305 = tpu.vector_load %arg8[%get3A_302, %get3A_303, %get3A_304] {strides = array<i32>} : memref<16x8x128xf32, #tpu.memory_space<vmem>>, vector<1x1x16xf32>,
        %get3A_306 = vector.shape_cast %get3A_305 : vector<1x1x16xf32> to vector<16xf32>
        %get3A_307 = arith.constant 2 : i32
        %get3A_308 = arith.index_cast %scan3A_229 : i32 to index
        %get3A_309 = arith.index_cast %get3A_307 : i32 to index
        %get3A_310 = arith.constant 16 : index
        %get3A_311 = tpu.vector_load %arg8[%get3A_308, %get3A_309, %get3A_310] {strides = array<i32>} : memref<16x8x128xf32, #tpu.memory_space<vmem>>, vector<1x1x16xf32>,
        %get3A_312 = vector.shape_cast %get3A_311 : vector<1x1x16xf32> to vector<16xf32>
        %get3A_313 = arith.constant 3 : i32
        %get3A_314 = arith.index_cast %scan3A_229 : i32 to index
        %get3A_315 = arith.index_cast %get3A_313 : i32 to index
        %get3A_316 = arith.constant 16 : index
        %get3A_317 = tpu.vector_load %arg8[%get3A_314, %get3A_315, %get3A_316] {strides = array<i32>} : memref<16x8x128xf32, #tpu.memory_space<vmem>>, vector<1x1x16xf32>,
        %get3A_318 = vector.shape_cast %get3A_317 : vector<1x1x16xf32> to vector<16xf32>
        %get3A_319 = arith.constant 4 : i32
        %get3A_320 = arith.index_cast %scan3A_229 : i32 to index
        %get3A_321 = arith.index_cast %get3A_319 : i32 to index
        %get3A_322 = arith.constant 16 : index
        %get3A_323 = tpu.vector_load %arg8[%get3A_320, %get3A_321, %get3A_322] {strides = array<i32>} : memref<16x8x128xf32, #tpu.memory_space<vmem>>, vector<1x1x16xf32>,
        %get3A_324 = vector.shape_cast %get3A_323 : vector<1x1x16xf32> to vector<16xf32>
        %get3A_325 = arith.constant 5 : i32
        %get3A_326 = arith.index_cast %scan3A_229 : i32 to index
        %get3A_327 = arith.index_cast %get3A_325 : i32 to index
        %get3A_328 = arith.constant 16 : index
        %get3A_329 = tpu.vector_load %arg8[%get3A_326, %get3A_327, %get3A_328] {strides = array<i32>} : memref<16x8x128xf32, #tpu.memory_space<vmem>>, vector<1x1x16xf32>,
        %get3A_330 = vector.shape_cast %get3A_329 : vector<1x1x16xf32> to vector<16xf32>
        %get3A_331 = arith.constant 6 : i32
        %get3A_332 = arith.index_cast %scan3A_229 : i32 to index
        %get3A_333 = arith.index_cast %get3A_331 : i32 to index
        %get3A_334 = arith.constant 16 : index
        %get3A_335 = tpu.vector_load %arg8[%get3A_332, %get3A_333, %get3A_334] {strides = array<i32>} : memref<16x8x128xf32, #tpu.memory_space<vmem>>, vector<1x1x16xf32>,
        %get3A_336 = vector.shape_cast %get3A_335 : vector<1x1x16xf32> to vector<16xf32>
        %get3A_337 = arith.constant 7 : i32
        %get3A_338 = arith.index_cast %scan3A_229 : i32 to index
        %get3A_339 = arith.index_cast %get3A_337 : i32 to index
        %get3A_340 = arith.constant 16 : index
        %get3A_341 = tpu.vector_load %arg8[%get3A_338, %get3A_339, %get3A_340] {strides = array<i32>} : memref<16x8x128xf32, #tpu.memory_space<vmem>>, vector<1x1x16xf32>,
        %get3A_342 = vector.shape_cast %get3A_341 : vector<1x1x16xf32> to vector<16xf32>
        %mul3A_343 = vector.broadcast %squeeze3A : f32 to vector<16xf32>
        %mul3A_344 = arith.mulf %get3A_252, %mul3A_343 : vector<16xf32>
        %mul3A_345 = vector.broadcast %squeeze3A_234 : f32 to vector<16xf32>
        %mul3A_346 = arith.mulf %get3A_258, %mul3A_345 : vector<16xf32>
        %mul3A_347 = vector.broadcast %squeeze3A_236 : f32 to vector<16xf32>
        %mul3A_348 = arith.mulf %get3A_264, %mul3A_347 : vector<16xf32>
        %mul3A_349 = vector.broadcast %squeeze3A_238 : f32 to vector<16xf32>
        %mul3A_350 = arith.mulf %get3A_270, %mul3A_349 : vector<16xf32>
        %mul3A_351 = vector.broadcast %squeeze3A_240 : f32 to vector<16xf32>
        %mul3A_352 = arith.mulf %get3A_276, %mul3A_351 : vector<16xf32>
        %mul3A_353 = vector.broadcast %squeeze3A_242 : f32 to vector<16xf32>
        %mul3A_354 = arith.mulf %get3A_282, %mul3A_353 : vector<16xf32>
        %mul3A_355 = vector.broadcast %squeeze3A_244 : f32 to vector<16xf32>
        %mul3A_356 = arith.mulf %get3A_288, %mul3A_355 : vector<16xf32>
        %mul3A_357 = vector.broadcast %squeeze3A_246 : f32 to vector<16xf32>
        %mul3A_358 = arith.mulf %get3A_294, %mul3A_357 : vector<16xf32>
        %add3A_359 = arith.addf %mul3A_344, %mul3A_346 : vector<16xf32>
        %add3A_360 = arith.addf %mul3A_348, %mul3A_350 : vector<16xf32>
        %add3A_361 = arith.addf %mul3A_352, %mul3A_354 : vector<16xf32>
        %add3A_362 = arith.addf %mul3A_356, %mul3A_358 : vector<16xf32>
        %add3A_363 = arith.addf %add3A_359, %add3A_360 : vector<16xf32>
        %add3A_364 = arith.addf %add3A_361, %add3A_362 : vector<16xf32>
        %add3A_365 = arith.addf %add3A_363, %add3A_364 : vector<16xf32>
        %swap3A = arith.index_cast %scan3A_229 : i32 to index
        %swap3A_366 = arith.constant 0 : index
        %swap3A_367 = tpu.vector_load %arg16[%swap3A, %swap3A_366] {strides = array<i32>} : memref<16x128xf32, #tpu.memory_space<vmem>>, vector<1x16xf32>,
        %swap3A_368 = vector.shape_cast %swap3A_367 : vector<1x16xf32> to vector<16xf32>
        %swap3A_369 = vector.shape_cast %add3A_365 : vector<16xf32> to vector<1x16xf32>
        tpu.vector_store %arg16[%swap3A, %swap3A_366], %swap3A_369 {strides = array<i32>} : memref<16x128xf32, #tpu.memory_space<vmem>>, vector<1x16xf32>,
        %get3A_370 = arith.constant 0 : i32
        %get3A_371 = arith.index_cast %scan3A_229 : i32 to index
        %get3A_372 = arith.index_cast %get3A_370 : i32 to index
        %get3A_373 = arith.constant 32 : index
        %get3A_374 = tpu.vector_load %arg8[%get3A_371, %get3A_372, %get3A_373] {strides = array<i32>} : memref<16x8x128xf32, #tpu.memory_space<vmem>>, vector<1x1x16xf32>,
        %get3A_375 = vector.shape_cast %get3A_374 : vector<1x1x16xf32> to vector<16xf32>
        %get3A_376 = arith.constant 1 : i32
        %get3A_377 = arith.index_cast %scan3A_229 : i32 to index
        %get3A_378 = arith.index_cast %get3A_376 : i32 to index
        %get3A_379 = arith.constant 32 : index
        %get3A_380 = tpu.vector_load %arg8[%get3A_377, %get3A_378, %get3A_379] {strides = array<i32>} : memref<16x8x128xf32, #tpu.memory_space<vmem>>, vector<1x1x16xf32>,
        %get3A_381 = vector.shape_cast %get3A_380 : vector<1x1x16xf32> to vector<16xf32>
        %get3A_382 = arith.constant 2 : i32
        %get3A_383 = arith.index_cast %scan3A_229 : i32 to index
        %get3A_384 = arith.index_cast %get3A_382 : i32 to index
        %get3A_385 = arith.constant 32 : index
        %get3A_386 = tpu.vector_load %arg8[%get3A_383, %get3A_384, %get3A_385] {strides = array<i32>} : memref<16x8x128xf32, #tpu.memory_space<vmem>>, vector<1x1x16xf32>,
        %get3A_387 = vector.shape_cast %get3A_386 : vector<1x1x16xf32> to vector<16xf32>
        %get3A_388 = arith.constant 3 : i32
        %get3A_389 = arith.index_cast %scan3A_229 : i32 to index
        %get3A_390 = arith.index_cast %get3A_388 : i32 to index
        %get3A_391 = arith.constant 32 : index
        %get3A_392 = tpu.vector_load %arg8[%get3A_389, %get3A_390, %get3A_391] {strides = array<i32>} : memref<16x8x128xf32, #tpu.memory_space<vmem>>, vector<1x1x16xf32>,
        %get3A_393 = vector.shape_cast %get3A_392 : vector<1x1x16xf32> to vector<16xf32>
        %get3A_394 = arith.constant 4 : i32
        %get3A_395 = arith.index_cast %scan3A_229 : i32 to index
        %get3A_396 = arith.index_cast %get3A_394 : i32 to index
        %get3A_397 = arith.constant 32 : index
        %get3A_398 = tpu.vector_load %arg8[%get3A_395, %get3A_396, %get3A_397] {strides = array<i32>} : memref<16x8x128xf32, #tpu.memory_space<vmem>>, vector<1x1x16xf32>,
        %get3A_399 = vector.shape_cast %get3A_398 : vector<1x1x16xf32> to vector<16xf32>
        %get3A_400 = arith.constant 5 : i32
        %get3A_401 = arith.index_cast %scan3A_229 : i32 to index
        %get3A_402 = arith.index_cast %get3A_400 : i32 to index
        %get3A_403 = arith.constant 32 : index
        %get3A_404 = tpu.vector_load %arg8[%get3A_401, %get3A_402, %get3A_403] {strides = array<i32>} : memref<16x8x128xf32, #tpu.memory_space<vmem>>, vector<1x1x16xf32>,
        %get3A_405 = vector.shape_cast %get3A_404 : vector<1x1x16xf32> to vector<16xf32>
        %get3A_406 = arith.constant 6 : i32
        %get3A_407 = arith.index_cast %scan3A_229 : i32 to index
        %get3A_408 = arith.index_cast %get3A_406 : i32 to index
        %get3A_409 = arith.constant 32 : index
        %get3A_410 = tpu.vector_load %arg8[%get3A_407, %get3A_408, %get3A_409] {strides = array<i32>} : memref<16x8x128xf32, #tpu.memory_space<vmem>>, vector<1x1x16xf32>,
        %get3A_411 = vector.shape_cast %get3A_410 : vector<1x1x16xf32> to vector<16xf32>
        %get3A_412 = arith.constant 7 : i32
        %get3A_413 = arith.index_cast %scan3A_229 : i32 to index
        %get3A_414 = arith.index_cast %get3A_412 : i32 to index
        %get3A_415 = arith.constant 32 : index
        %get3A_416 = tpu.vector_load %arg8[%get3A_413, %get3A_414, %get3A_415] {strides = array<i32>} : memref<16x8x128xf32, #tpu.memory_space<vmem>>, vector<1x1x16xf32>,
        %get3A_417 = vector.shape_cast %get3A_416 : vector<1x1x16xf32> to vector<16xf32>
        %mul3A_418 = vector.broadcast %squeeze3A : f32 to vector<16xf32>
        %mul3A_419 = arith.mulf %get3A_300, %mul3A_418 : vector<16xf32>
        %mul3A_420 = vector.broadcast %squeeze3A_234 : f32 to vector<16xf32>
        %mul3A_421 = arith.mulf %get3A_306, %mul3A_420 : vector<16xf32>
        %mul3A_422 = vector.broadcast %squeeze3A_236 : f32 to vector<16xf32>
        %mul3A_423 = arith.mulf %get3A_312, %mul3A_422 : vector<16xf32>
        %mul3A_424 = vector.broadcast %squeeze3A_238 : f32 to vector<16xf32>
        %mul3A_425 = arith.mulf %get3A_318, %mul3A_424 : vector<16xf32>
        %mul3A_426 = vector.broadcast %squeeze3A_240 : f32 to vector<16xf32>
        %mul3A_427 = arith.mulf %get3A_324, %mul3A_426 : vector<16xf32>
        %mul3A_428 = vector.broadcast %squeeze3A_242 : f32 to vector<16xf32>
        %mul3A_429 = arith.mulf %get3A_330, %mul3A_428 : vector<16xf32>
        %mul3A_430 = vector.broadcast %squeeze3A_244 : f32 to vector<16xf32>
        %mul3A_431 = arith.mulf %get3A_336, %mul3A_430 : vector<16xf32>
        %mul3A_432 = vector.broadcast %squeeze3A_246 : f32 to vector<16xf32>
        %mul3A_433 = arith.mulf %get3A_342, %mul3A_432 : vector<16xf32>
        %add3A_434 = arith.addf %mul3A_419, %mul3A_421 : vector<16xf32>
        %add3A_435 = arith.addf %mul3A_423, %mul3A_425 : vector<16xf32>
        %add3A_436 = arith.addf %mul3A_427, %mul3A_429 : vector<16xf32>
        %add3A_437 = arith.addf %mul3A_431, %mul3A_433 : vector<16xf32>
        %add3A_438 = arith.addf %add3A_434, %add3A_435 : vector<16xf32>
        %add3A_439 = arith.addf %add3A_436, %add3A_437 : vector<16xf32>
        %add3A_440 = arith.addf %add3A_438, %add3A_439 : vector<16xf32>
        %swap3A_441 = arith.index_cast %scan3A_229 : i32 to index
        %swap3A_442 = arith.constant 16 : index
        %swap3A_443 = tpu.vector_load %arg16[%swap3A_441, %swap3A_442] {strides = array<i32>} : memref<16x128xf32, #tpu.memory_space<vmem>>, vector<1x16xf32>,
        %swap3A_444 = vector.shape_cast %swap3A_443 : vector<1x16xf32> to vector<16xf32>
        %swap3A_445 = vector.shape_cast %add3A_440 : vector<16xf32> to vector<1x16xf32>
        tpu.vector_store %arg16[%swap3A_441, %swap3A_442], %swap3A_445 {strides = array<i32>} : memref<16x128xf32, #tpu.memory_space<vmem>>, vector<1x16xf32>,
        %get3A_446 = arith.constant 0 : i32
        %get3A_447 = arith.index_cast %scan3A_229 : i32 to index
        %get3A_448 = arith.index_cast %get3A_446 : i32 to index
        %get3A_449 = arith.constant 48 : index
        %get3A_450 = tpu.vector_load %arg8[%get3A_447, %get3A_448, %get3A_449] {strides = array<i32>} : memref<16x8x128xf32, #tpu.memory_space<vmem>>, vector<1x1x16xf32>,
        %get3A_451 = vector.shape_cast %get3A_450 : vector<1x1x16xf32> to vector<16xf32>
        %get3A_452 = arith.constant 1 : i32
        %get3A_453 = arith.index_cast %scan3A_229 : i32 to index
        %get3A_454 = arith.index_cast %get3A_452 : i32 to index
        %get3A_455 = arith.constant 48 : index
        %get3A_456 = tpu.vector_load %arg8[%get3A_453, %get3A_454, %get3A_455] {strides = array<i32>} : memref<16x8x128xf32, #tpu.memory_space<vmem>>, vector<1x1x16xf32>,
        %get3A_457 = vector.shape_cast %get3A_456 : vector<1x1x16xf32> to vector<16xf32>
        %get3A_458 = arith.constant 2 : i32
        %get3A_459 = arith.index_cast %scan3A_229 : i32 to index
        %get3A_460 = arith.index_cast %get3A_458 : i32 to index
        %get3A_461 = arith.constant 48 : index
        %get3A_462 = tpu.vector_load %arg8[%get3A_459, %get3A_460, %get3A_461] {strides = array<i32>} : memref<16x8x128xf32, #tpu.memory_space<vmem>>, vector<1x1x16xf32>,
        %get3A_463 = vector.shape_cast %get3A_462 : vector<1x1x16xf32> to vector<16xf32>
        %get3A_464 = arith.constant 3 : i32
        %get3A_465 = arith.index_cast %scan3A_229 : i32 to index
        %get3A_466 = arith.index_cast %get3A_464 : i32 to index
        %get3A_467 = arith.constant 48 : index
        %get3A_468 = tpu.vector_load %arg8[%get3A_465, %get3A_466, %get3A_467] {strides = array<i32>} : memref<16x8x128xf32, #tpu.memory_space<vmem>>, vector<1x1x16xf32>,
        %get3A_469 = vector.shape_cast %get3A_468 : vector<1x1x16xf32> to vector<16xf32>
        %get3A_470 = arith.constant 4 : i32
        %get3A_471 = arith.index_cast %scan3A_229 : i32 to index
        %get3A_472 = arith.index_cast %get3A_470 : i32 to index
        %get3A_473 = arith.constant 48 : index
        %get3A_474 = tpu.vector_load %arg8[%get3A_471, %get3A_472, %get3A_473] {strides = array<i32>} : memref<16x8x128xf32, #tpu.memory_space<vmem>>, vector<1x1x16xf32>,
        %get3A_475 = vector.shape_cast %get3A_474 : vector<1x1x16xf32> to vector<16xf32>
        %get3A_476 = arith.constant 5 : i32
        %get3A_477 = arith.index_cast %scan3A_229 : i32 to index
        %get3A_478 = arith.index_cast %get3A_476 : i32 to index
        %get3A_479 = arith.constant 48 : index
        %get3A_480 = tpu.vector_load %arg8[%get3A_477, %get3A_478, %get3A_479] {strides = array<i32>} : memref<16x8x128xf32, #tpu.memory_space<vmem>>, vector<1x1x16xf32>,
        %get3A_481 = vector.shape_cast %get3A_480 : vector<1x1x16xf32> to vector<16xf32>
        %get3A_482 = arith.constant 6 : i32
        %get3A_483 = arith.index_cast %scan3A_229 : i32 to index
        %get3A_484 = arith.index_cast %get3A_482 : i32 to index
        %get3A_485 = arith.constant 48 : index
        %get3A_486 = tpu.vector_load %arg8[%get3A_483, %get3A_484, %get3A_485] {strides = array<i32>} : memref<16x8x128xf32, #tpu.memory_space<vmem>>, vector<1x1x16xf32>,
        %get3A_487 = vector.shape_cast %get3A_486 : vector<1x1x16xf32> to vector<16xf32>
        %get3A_488 = arith.constant 7 : i32
        %get3A_489 = arith.index_cast %scan3A_229 : i32 to index
        %get3A_490 = arith.index_cast %get3A_488 : i32 to index
        %get3A_491 = arith.constant 48 : index
        %get3A_492 = tpu.vector_load %arg8[%get3A_489, %get3A_490, %get3A_491] {strides = array<i32>} : memref<16x8x128xf32, #tpu.memory_space<vmem>>, vector<1x1x16xf32>,
        %get3A_493 = vector.shape_cast %get3A_492 : vector<1x1x16xf32> to vector<16xf32>
        %mul3A_494 = vector.broadcast %squeeze3A : f32 to vector<16xf32>
        %mul3A_495 = arith.mulf %get3A_375, %mul3A_494 : vector<16xf32>
        %mul3A_496 = vector.broadcast %squeeze3A_234 : f32 to vector<16xf32>
        %mul3A_497 = arith.mulf %get3A_381, %mul3A_496 : vector<16xf32>
        %mul3A_498 = vector.broadcast %squeeze3A_236 : f32 to vector<16xf32>
        %mul3A_499 = arith.mulf %get3A_387, %mul3A_498 : vector<16xf32>
        %mul3A_500 = vector.broadcast %squeeze3A_238 : f32 to vector<16xf32>
        %mul3A_501 = arith.mulf %get3A_393, %mul3A_500 : vector<16xf32>
        %mul3A_502 = vector.broadcast %squeeze3A_240 : f32 to vector<16xf32>
        %mul3A_503 = arith.mulf %get3A_399, %mul3A_502 : vector<16xf32>
        %mul3A_504 = vector.broadcast %squeeze3A_242 : f32 to vector<16xf32>
        %mul3A_505 = arith.mulf %get3A_405, %mul3A_504 : vector<16xf32>
        %mul3A_506 = vector.broadcast %squeeze3A_244 : f32 to vector<16xf32>
        %mul3A_507 = arith.mulf %get3A_411, %mul3A_506 : vector<16xf32>
        %mul3A_508 = vector.broadcast %squeeze3A_246 : f32 to vector<16xf32>
        %mul3A_509 = arith.mulf %get3A_417, %mul3A_508 : vector<16xf32>
        %add3A_510 = arith.addf %mul3A_495, %mul3A_497 : vector<16xf32>
        %add3A_511 = arith.addf %mul3A_499, %mul3A_501 : vector<16xf32>
        %add3A_512 = arith.addf %mul3A_503, %mul3A_505 : vector<16xf32>
        %add3A_513 = arith.addf %mul3A_507, %mul3A_509 : vector<16xf32>
        %add3A_514 = arith.addf %add3A_510, %add3A_511 : vector<16xf32>
        %add3A_515 = arith.addf %add3A_512, %add3A_513 : vector<16xf32>
        %add3A_516 = arith.addf %add3A_514, %add3A_515 : vector<16xf32>
        %swap3A_517 = arith.index_cast %scan3A_229 : i32 to index
        %swap3A_518 = arith.constant 32 : index
        %swap3A_519 = tpu.vector_load %arg16[%swap3A_517, %swap3A_518] {strides = array<i32>} : memref<16x128xf32, #tpu.memory_space<vmem>>, vector<1x16xf32>,
        %swap3A_520 = vector.shape_cast %swap3A_519 : vector<1x16xf32> to vector<16xf32>
        %swap3A_521 = vector.shape_cast %add3A_516 : vector<16xf32> to vector<1x16xf32>
        tpu.vector_store %arg16[%swap3A_517, %swap3A_518], %swap3A_521 {strides = array<i32>} : memref<16x128xf32, #tpu.memory_space<vmem>>, vector<1x16xf32>,
        %get3A_522 = arith.constant 0 : i32
        %get3A_523 = arith.index_cast %scan3A_229 : i32 to index
        %get3A_524 = arith.index_cast %get3A_522 : i32 to index
        %get3A_525 = arith.constant 64 : index
        %get3A_526 = tpu.vector_load %arg8[%get3A_523, %get3A_524, %get3A_525] {strides = array<i32>} : memref<16x8x128xf32, #tpu.memory_space<vmem>>, vector<1x1x16xf32>,
        %get3A_527 = vector.shape_cast %get3A_526 : vector<1x1x16xf32> to vector<16xf32>
        %get3A_528 = arith.constant 1 : i32
        %get3A_529 = arith.index_cast %scan3A_229 : i32 to index
        %get3A_530 = arith.index_cast %get3A_528 : i32 to index
        %get3A_531 = arith.constant 64 : index
        %get3A_532 = tpu.vector_load %arg8[%get3A_529, %get3A_530, %get3A_531] {strides = array<i32>} : memref<16x8x128xf32, #tpu.memory_space<vmem>>, vector<1x1x16xf32>,
        %get3A_533 = vector.shape_cast %get3A_532 : vector<1x1x16xf32> to vector<16xf32>
        %get3A_534 = arith.constant 2 : i32
        %get3A_535 = arith.index_cast %scan3A_229 : i32 to index
        %get3A_536 = arith.index_cast %get3A_534 : i32 to index
        %get3A_537 = arith.constant 64 : index
        %get3A_538 = tpu.vector_load %arg8[%get3A_535, %get3A_536, %get3A_537] {strides = array<i32>} : memref<16x8x128xf32, #tpu.memory_space<vmem>>, vector<1x1x16xf32>,
        %get3A_539 = vector.shape_cast %get3A_538 : vector<1x1x16xf32> to vector<16xf32>
        %get3A_540 = arith.constant 3 : i32
        %get3A_541 = arith.index_cast %scan3A_229 : i32 to index
        %get3A_542 = arith.index_cast %get3A_540 : i32 to index
        %get3A_543 = arith.constant 64 : index
        %get3A_544 = tpu.vector_load %arg8[%get3A_541, %get3A_542, %get3A_543] {strides = array<i32>} : memref<16x8x128xf32, #tpu.memory_space<vmem>>, vector<1x1x16xf32>,
        %get3A_545 = vector.shape_cast %get3A_544 : vector<1x1x16xf32> to vector<16xf32>
        %get3A_546 = arith.constant 4 : i32
        %get3A_547 = arith.index_cast %scan3A_229 : i32 to index
        %get3A_548 = arith.index_cast %get3A_546 : i32 to index
        %get3A_549 = arith.constant 64 : index
        %get3A_550 = tpu.vector_load %arg8[%get3A_547, %get3A_548, %get3A_549] {strides = array<i32>} : memref<16x8x128xf32, #tpu.memory_space<vmem>>, vector<1x1x16xf32>,
        %get3A_551 = vector.shape_cast %get3A_550 : vector<1x1x16xf32> to vector<16xf32>
        %get3A_552 = arith.constant 5 : i32
        %get3A_553 = arith.index_cast %scan3A_229 : i32 to index
        %get3A_554 = arith.index_cast %get3A_552 : i32 to index
        %get3A_555 = arith.constant 64 : index
        %get3A_556 = tpu.vector_load %arg8[%get3A_553, %get3A_554, %get3A_555] {strides = array<i32>} : memref<16x8x128xf32, #tpu.memory_space<vmem>>, vector<1x1x16xf32>,
        %get3A_557 = vector.shape_cast %get3A_556 : vector<1x1x16xf32> to vector<16xf32>
        %get3A_558 = arith.constant 6 : i32
        %get3A_559 = arith.index_cast %scan3A_229 : i32 to index
        %get3A_560 = arith.index_cast %get3A_558 : i32 to index
        %get3A_561 = arith.constant 64 : index
        %get3A_562 = tpu.vector_load %arg8[%get3A_559, %get3A_560, %get3A_561] {strides = array<i32>} : memref<16x8x128xf32, #tpu.memory_space<vmem>>, vector<1x1x16xf32>,
        %get3A_563 = vector.shape_cast %get3A_562 : vector<1x1x16xf32> to vector<16xf32>
        %get3A_564 = arith.constant 7 : i32
        %get3A_565 = arith.index_cast %scan3A_229 : i32 to index
        %get3A_566 = arith.index_cast %get3A_564 : i32 to index
        %get3A_567 = arith.constant 64 : index
        %get3A_568 = tpu.vector_load %arg8[%get3A_565, %get3A_566, %get3A_567] {strides = array<i32>} : memref<16x8x128xf32, #tpu.memory_space<vmem>>, vector<1x1x16xf32>,
        %get3A_569 = vector.shape_cast %get3A_568 : vector<1x1x16xf32> to vector<16xf32>
        %mul3A_570 = vector.broadcast %squeeze3A : f32 to vector<16xf32>
        %mul3A_571 = arith.mulf %get3A_451, %mul3A_570 : vector<16xf32>
        %mul3A_572 = vector.broadcast %squeeze3A_234 : f32 to vector<16xf32>
        %mul3A_573 = arith.mulf %get3A_457, %mul3A_572 : vector<16xf32>
        %mul3A_574 = vector.broadcast %squeeze3A_236 : f32 to vector<16xf32>
        %mul3A_575 = arith.mulf %get3A_463, %mul3A_574 : vector<16xf32>
        %mul3A_576 = vector.broadcast %squeeze3A_238 : f32 to vector<16xf32>
        %mul3A_577 = arith.mulf %get3A_469, %mul3A_576 : vector<16xf32>
        %mul3A_578 = vector.broadcast %squeeze3A_240 : f32 to vector<16xf32>
        %mul3A_579 = arith.mulf %get3A_475, %mul3A_578 : vector<16xf32>
        %mul3A_580 = vector.broadcast %squeeze3A_242 : f32 to vector<16xf32>
        %mul3A_581 = arith.mulf %get3A_481, %mul3A_580 : vector<16xf32>
        %mul3A_582 = vector.broadcast %squeeze3A_244 : f32 to vector<16xf32>
        %mul3A_583 = arith.mulf %get3A_487, %mul3A_582 : vector<16xf32>
        %mul3A_584 = vector.broadcast %squeeze3A_246 : f32 to vector<16xf32>
        %mul3A_585 = arith.mulf %get3A_493, %mul3A_584 : vector<16xf32>
        %add3A_586 = arith.addf %mul3A_571, %mul3A_573 : vector<16xf32>
        %add3A_587 = arith.addf %mul3A_575, %mul3A_577 : vector<16xf32>
        %add3A_588 = arith.addf %mul3A_579, %mul3A_581 : vector<16xf32>
        %add3A_589 = arith.addf %mul3A_583, %mul3A_585 : vector<16xf32>
        %add3A_590 = arith.addf %add3A_586, %add3A_587 : vector<16xf32>
        %add3A_591 = arith.addf %add3A_588, %add3A_589 : vector<16xf32>
        %add3A_592 = arith.addf %add3A_590, %add3A_591 : vector<16xf32>
        %swap3A_593 = arith.index_cast %scan3A_229 : i32 to index
        %swap3A_594 = arith.constant 48 : index
        %swap3A_595 = tpu.vector_load %arg16[%swap3A_593, %swap3A_594] {strides = array<i32>} : memref<16x128xf32, #tpu.memory_space<vmem>>, vector<1x16xf32>,
        %swap3A_596 = vector.shape_cast %swap3A_595 : vector<1x16xf32> to vector<16xf32>
        %swap3A_597 = vector.shape_cast %add3A_592 : vector<16xf32> to vector<1x16xf32>
        tpu.vector_store %arg16[%swap3A_593, %swap3A_594], %swap3A_597 {strides = array<i32>} : memref<16x128xf32, #tpu.memory_space<vmem>>, vector<1x16xf32>,
        %get3A_598 = arith.constant 0 : i32
        %get3A_599 = arith.index_cast %scan3A_229 : i32 to index
        %get3A_600 = arith.index_cast %get3A_598 : i32 to index
        %get3A_601 = arith.constant 80 : index
        %get3A_602 = tpu.vector_load %arg8[%get3A_599, %get3A_600, %get3A_601] {strides = array<i32>} : memref<16x8x128xf32, #tpu.memory_space<vmem>>, vector<1x1x16xf32>,
        %get3A_603 = vector.shape_cast %get3A_602 : vector<1x1x16xf32> to vector<16xf32>
        %get3A_604 = arith.constant 1 : i32
        %get3A_605 = arith.index_cast %scan3A_229 : i32 to index
        %get3A_606 = arith.index_cast %get3A_604 : i32 to index
        %get3A_607 = arith.constant 80 : index
        %get3A_608 = tpu.vector_load %arg8[%get3A_605, %get3A_606, %get3A_607] {strides = array<i32>} : memref<16x8x128xf32, #tpu.memory_space<vmem>>, vector<1x1x16xf32>,
        %get3A_609 = vector.shape_cast %get3A_608 : vector<1x1x16xf32> to vector<16xf32>
        %get3A_610 = arith.constant 2 : i32
        %get3A_611 = arith.index_cast %scan3A_229 : i32 to index
        %get3A_612 = arith.index_cast %get3A_610 : i32 to index
        %get3A_613 = arith.constant 80 : index
        %get3A_614 = tpu.vector_load %arg8[%get3A_611, %get3A_612, %get3A_613] {strides = array<i32>} : memref<16x8x128xf32, #tpu.memory_space<vmem>>, vector<1x1x16xf32>,
        %get3A_615 = vector.shape_cast %get3A_614 : vector<1x1x16xf32> to vector<16xf32>
        %get3A_616 = arith.constant 3 : i32
        %get3A_617 = arith.index_cast %scan3A_229 : i32 to index
        %get3A_618 = arith.index_cast %get3A_616 : i32 to index
        %get3A_619 = arith.constant 80 : index
        %get3A_620 = tpu.vector_load %arg8[%get3A_617, %get3A_618, %get3A_619] {strides = array<i32>} : memref<16x8x128xf32, #tpu.memory_space<vmem>>, vector<1x1x16xf32>,
        %get3A_621 = vector.shape_cast %get3A_620 : vector<1x1x16xf32> to vector<16xf32>
        %get3A_622 = arith.constant 4 : i32
        %get3A_623 = arith.index_cast %scan3A_229 : i32 to index
        %get3A_624 = arith.index_cast %get3A_622 : i32 to index
        %get3A_625 = arith.constant 80 : index
        %get3A_626 = tpu.vector_load %arg8[%get3A_623, %get3A_624, %get3A_625] {strides = array<i32>} : memref<16x8x128xf32, #tpu.memory_space<vmem>>, vector<1x1x16xf32>,
        %get3A_627 = vector.shape_cast %get3A_626 : vector<1x1x16xf32> to vector<16xf32>
        %get3A_628 = arith.constant 5 : i32
        %get3A_629 = arith.index_cast %scan3A_229 : i32 to index
        %get3A_630 = arith.index_cast %get3A_628 : i32 to index
        %get3A_631 = arith.constant 80 : index
        %get3A_632 = tpu.vector_load %arg8[%get3A_629, %get3A_630, %get3A_631] {strides = array<i32>} : memref<16x8x128xf32, #tpu.memory_space<vmem>>, vector<1x1x16xf32>,
        %get3A_633 = vector.shape_cast %get3A_632 : vector<1x1x16xf32> to vector<16xf32>
        %get3A_634 = arith.constant 6 : i32
        %get3A_635 = arith.index_cast %scan3A_229 : i32 to index
        %get3A_636 = arith.index_cast %get3A_634 : i32 to index
        %get3A_637 = arith.constant 80 : index
        %get3A_638 = tpu.vector_load %arg8[%get3A_635, %get3A_636, %get3A_637] {strides = array<i32>} : memref<16x8x128xf32, #tpu.memory_space<vmem>>, vector<1x1x16xf32>,
        %get3A_639 = vector.shape_cast %get3A_638 : vector<1x1x16xf32> to vector<16xf32>
        %get3A_640 = arith.constant 7 : i32
        %get3A_641 = arith.index_cast %scan3A_229 : i32 to index
        %get3A_642 = arith.index_cast %get3A_640 : i32 to index
        %get3A_643 = arith.constant 80 : index
        %get3A_644 = tpu.vector_load %arg8[%get3A_641, %get3A_642, %get3A_643] {strides = array<i32>} : memref<16x8x128xf32, #tpu.memory_space<vmem>>, vector<1x1x16xf32>,
        %get3A_645 = vector.shape_cast %get3A_644 : vector<1x1x16xf32> to vector<16xf32>
        %mul3A_646 = vector.broadcast %squeeze3A : f32 to vector<16xf32>
        %mul3A_647 = arith.mulf %get3A_527, %mul3A_646 : vector<16xf32>
        %mul3A_648 = vector.broadcast %squeeze3A_234 : f32 to vector<16xf32>
        %mul3A_649 = arith.mulf %get3A_533, %mul3A_648 : vector<16xf32>
        %mul3A_650 = vector.broadcast %squeeze3A_236 : f32 to vector<16xf32>
        %mul3A_651 = arith.mulf %get3A_539, %mul3A_650 : vector<16xf32>
        %mul3A_652 = vector.broadcast %squeeze3A_238 : f32 to vector<16xf32>
        %mul3A_653 = arith.mulf %get3A_545, %mul3A_652 : vector<16xf32>
        %mul3A_654 = vector.broadcast %squeeze3A_240 : f32 to vector<16xf32>
        %mul3A_655 = arith.mulf %get3A_551, %mul3A_654 : vector<16xf32>
        %mul3A_656 = vector.broadcast %squeeze3A_242 : f32 to vector<16xf32>
        %mul3A_657 = arith.mulf %get3A_557, %mul3A_656 : vector<16xf32>
        %mul3A_658 = vector.broadcast %squeeze3A_244 : f32 to vector<16xf32>
        %mul3A_659 = arith.mulf %get3A_563, %mul3A_658 : vector<16xf32>
        %mul3A_660 = vector.broadcast %squeeze3A_246 : f32 to vector<16xf32>
        %mul3A_661 = arith.mulf %get3A_569, %mul3A_660 : vector<16xf32>
        %add3A_662 = arith.addf %mul3A_647, %mul3A_649 : vector<16xf32>
        %add3A_663 = arith.addf %mul3A_651, %mul3A_653 : vector<16xf32>
        %add3A_664 = arith.addf %mul3A_655, %mul3A_657 : vector<16xf32>
        %add3A_665 = arith.addf %mul3A_659, %mul3A_661 : vector<16xf32>
        %add3A_666 = arith.addf %add3A_662, %add3A_663 : vector<16xf32>
        %add3A_667 = arith.addf %add3A_664, %add3A_665 : vector<16xf32>
        %add3A_668 = arith.addf %add3A_666, %add3A_667 : vector<16xf32>
        %swap3A_669 = arith.index_cast %scan3A_229 : i32 to index
        %swap3A_670 = arith.constant 64 : index
        %swap3A_671 = tpu.vector_load %arg16[%swap3A_669, %swap3A_670] {strides = array<i32>} : memref<16x128xf32, #tpu.memory_space<vmem>>, vector<1x16xf32>,
        %swap3A_672 = vector.shape_cast %swap3A_671 : vector<1x16xf32> to vector<16xf32>
        %swap3A_673 = vector.shape_cast %add3A_668 : vector<16xf32> to vector<1x16xf32>
        tpu.vector_store %arg16[%swap3A_669, %swap3A_670], %swap3A_673 {strides = array<i32>} : memref<16x128xf32, #tpu.memory_space<vmem>>, vector<1x16xf32>,
        %get3A_674 = arith.constant 0 : i32
        %get3A_675 = arith.index_cast %scan3A_229 : i32 to index
        %get3A_676 = arith.index_cast %get3A_674 : i32 to index
        %get3A_677 = arith.constant 96 : index
        %get3A_678 = tpu.vector_load %arg8[%get3A_675, %get3A_676, %get3A_677] {strides = array<i32>} : memref<16x8x128xf32, #tpu.memory_space<vmem>>, vector<1x1x16xf32>,
        %get3A_679 = vector.shape_cast %get3A_678 : vector<1x1x16xf32> to vector<16xf32>
        %get3A_680 = arith.constant 1 : i32
        %get3A_681 = arith.index_cast %scan3A_229 : i32 to index
        %get3A_682 = arith.index_cast %get3A_680 : i32 to index
        %get3A_683 = arith.constant 96 : index
        %get3A_684 = tpu.vector_load %arg8[%get3A_681, %get3A_682, %get3A_683] {strides = array<i32>} : memref<16x8x128xf32, #tpu.memory_space<vmem>>, vector<1x1x16xf32>,
        %get3A_685 = vector.shape_cast %get3A_684 : vector<1x1x16xf32> to vector<16xf32>
        %get3A_686 = arith.constant 2 : i32
        %get3A_687 = arith.index_cast %scan3A_229 : i32 to index
        %get3A_688 = arith.index_cast %get3A_686 : i32 to index
        %get3A_689 = arith.constant 96 : index
        %get3A_690 = tpu.vector_load %arg8[%get3A_687, %get3A_688, %get3A_689] {strides = array<i32>} : memref<16x8x128xf32, #tpu.memory_space<vmem>>, vector<1x1x16xf32>,
        %get3A_691 = vector.shape_cast %get3A_690 : vector<1x1x16xf32> to vector<16xf32>
        %get3A_692 = arith.constant 3 : i32
        %get3A_693 = arith.index_cast %scan3A_229 : i32 to index
        %get3A_694 = arith.index_cast %get3A_692 : i32 to index
        %get3A_695 = arith.constant 96 : index
        %get3A_696 = tpu.vector_load %arg8[%get3A_693, %get3A_694, %get3A_695] {strides = array<i32>} : memref<16x8x128xf32, #tpu.memory_space<vmem>>, vector<1x1x16xf32>,
        %get3A_697 = vector.shape_cast %get3A_696 : vector<1x1x16xf32> to vector<16xf32>
        %get3A_698 = arith.constant 4 : i32
        %get3A_699 = arith.index_cast %scan3A_229 : i32 to index
        %get3A_700 = arith.index_cast %get3A_698 : i32 to index
        %get3A_701 = arith.constant 96 : index
        %get3A_702 = tpu.vector_load %arg8[%get3A_699, %get3A_700, %get3A_701] {strides = array<i32>} : memref<16x8x128xf32, #tpu.memory_space<vmem>>, vector<1x1x16xf32>,
        %get3A_703 = vector.shape_cast %get3A_702 : vector<1x1x16xf32> to vector<16xf32>
        %get3A_704 = arith.constant 5 : i32
        %get3A_705 = arith.index_cast %scan3A_229 : i32 to index
        %get3A_706 = arith.index_cast %get3A_704 : i32 to index
        %get3A_707 = arith.constant 96 : index
        %get3A_708 = tpu.vector_load %arg8[%get3A_705, %get3A_706, %get3A_707] {strides = array<i32>} : memref<16x8x128xf32, #tpu.memory_space<vmem>>, vector<1x1x16xf32>,
        %get3A_709 = vector.shape_cast %get3A_708 : vector<1x1x16xf32> to vector<16xf32>
        %get3A_710 = arith.constant 6 : i32
        %get3A_711 = arith.index_cast %scan3A_229 : i32 to index
        %get3A_712 = arith.index_cast %get3A_710 : i32 to index
        %get3A_713 = arith.constant 96 : index
        %get3A_714 = tpu.vector_load %arg8[%get3A_711, %get3A_712, %get3A_713] {strides = array<i32>} : memref<16x8x128xf32, #tpu.memory_space<vmem>>, vector<1x1x16xf32>,
        %get3A_715 = vector.shape_cast %get3A_714 : vector<1x1x16xf32> to vector<16xf32>
        %get3A_716 = arith.constant 7 : i32
        %get3A_717 = arith.index_cast %scan3A_229 : i32 to index
        %get3A_718 = arith.index_cast %get3A_716 : i32 to index
        %get3A_719 = arith.constant 96 : index
        %get3A_720 = tpu.vector_load %arg8[%get3A_717, %get3A_718, %get3A_719] {strides = array<i32>} : memref<16x8x128xf32, #tpu.memory_space<vmem>>, vector<1x1x16xf32>,
        %get3A_721 = vector.shape_cast %get3A_720 : vector<1x1x16xf32> to vector<16xf32>
        %mul3A_722 = vector.broadcast %squeeze3A : f32 to vector<16xf32>
        %mul3A_723 = arith.mulf %get3A_603, %mul3A_722 : vector<16xf32>
        %mul3A_724 = vector.broadcast %squeeze3A_234 : f32 to vector<16xf32>
        %mul3A_725 = arith.mulf %get3A_609, %mul3A_724 : vector<16xf32>
        %mul3A_726 = vector.broadcast %squeeze3A_236 : f32 to vector<16xf32>
        %mul3A_727 = arith.mulf %get3A_615, %mul3A_726 : vector<16xf32>
        %mul3A_728 = vector.broadcast %squeeze3A_238 : f32 to vector<16xf32>
        %mul3A_729 = arith.mulf %get3A_621, %mul3A_728 : vector<16xf32>
        %mul3A_730 = vector.broadcast %squeeze3A_240 : f32 to vector<16xf32>
        %mul3A_731 = arith.mulf %get3A_627, %mul3A_730 : vector<16xf32>
        %mul3A_732 = vector.broadcast %squeeze3A_242 : f32 to vector<16xf32>
        %mul3A_733 = arith.mulf %get3A_633, %mul3A_732 : vector<16xf32>
        %mul3A_734 = vector.broadcast %squeeze3A_244 : f32 to vector<16xf32>
        %mul3A_735 = arith.mulf %get3A_639, %mul3A_734 : vector<16xf32>
        %mul3A_736 = vector.broadcast %squeeze3A_246 : f32 to vector<16xf32>
        %mul3A_737 = arith.mulf %get3A_645, %mul3A_736 : vector<16xf32>
        %add3A_738 = arith.addf %mul3A_723, %mul3A_725 : vector<16xf32>
        %add3A_739 = arith.addf %mul3A_727, %mul3A_729 : vector<16xf32>
        %add3A_740 = arith.addf %mul3A_731, %mul3A_733 : vector<16xf32>
        %add3A_741 = arith.addf %mul3A_735, %mul3A_737 : vector<16xf32>
        %add3A_742 = arith.addf %add3A_738, %add3A_739 : vector<16xf32>
        %add3A_743 = arith.addf %add3A_740, %add3A_741 : vector<16xf32>
        %add3A_744 = arith.addf %add3A_742, %add3A_743 : vector<16xf32>
        %swap3A_745 = arith.index_cast %scan3A_229 : i32 to index
        %swap3A_746 = arith.constant 80 : index
        %swap3A_747 = tpu.vector_load %arg16[%swap3A_745, %swap3A_746] {strides = array<i32>} : memref<16x128xf32, #tpu.memory_space<vmem>>, vector<1x16xf32>,
        %swap3A_748 = vector.shape_cast %swap3A_747 : vector<1x16xf32> to vector<16xf32>
        %swap3A_749 = vector.shape_cast %add3A_744 : vector<16xf32> to vector<1x16xf32>
        tpu.vector_store %arg16[%swap3A_745, %swap3A_746], %swap3A_749 {strides = array<i32>} : memref<16x128xf32, #tpu.memory_space<vmem>>, vector<1x16xf32>,
        %get3A_750 = arith.constant 0 : i32
        %get3A_751 = arith.index_cast %scan3A_229 : i32 to index
        %get3A_752 = arith.index_cast %get3A_750 : i32 to index
        %get3A_753 = arith.constant 112 : index
        %get3A_754 = tpu.vector_load %arg8[%get3A_751, %get3A_752, %get3A_753] {strides = array<i32>} : memref<16x8x128xf32, #tpu.memory_space<vmem>>, vector<1x1x16xf32>,
        %get3A_755 = vector.shape_cast %get3A_754 : vector<1x1x16xf32> to vector<16xf32>
        %get3A_756 = arith.constant 1 : i32
        %get3A_757 = arith.index_cast %scan3A_229 : i32 to index
        %get3A_758 = arith.index_cast %get3A_756 : i32 to index
        %get3A_759 = arith.constant 112 : index
        %get3A_760 = tpu.vector_load %arg8[%get3A_757, %get3A_758, %get3A_759] {strides = array<i32>} : memref<16x8x128xf32, #tpu.memory_space<vmem>>, vector<1x1x16xf32>,
        %get3A_761 = vector.shape_cast %get3A_760 : vector<1x1x16xf32> to vector<16xf32>
        %get3A_762 = arith.constant 2 : i32
        %get3A_763 = arith.index_cast %scan3A_229 : i32 to index
        %get3A_764 = arith.index_cast %get3A_762 : i32 to index
        %get3A_765 = arith.constant 112 : index
        %get3A_766 = tpu.vector_load %arg8[%get3A_763, %get3A_764, %get3A_765] {strides = array<i32>} : memref<16x8x128xf32, #tpu.memory_space<vmem>>, vector<1x1x16xf32>,
        %get3A_767 = vector.shape_cast %get3A_766 : vector<1x1x16xf32> to vector<16xf32>
        %get3A_768 = arith.constant 3 : i32
        %get3A_769 = arith.index_cast %scan3A_229 : i32 to index
        %get3A_770 = arith.index_cast %get3A_768 : i32 to index
        %get3A_771 = arith.constant 112 : index
        %get3A_772 = tpu.vector_load %arg8[%get3A_769, %get3A_770, %get3A_771] {strides = array<i32>} : memref<16x8x128xf32, #tpu.memory_space<vmem>>, vector<1x1x16xf32>,
        %get3A_773 = vector.shape_cast %get3A_772 : vector<1x1x16xf32> to vector<16xf32>
        %get3A_774 = arith.constant 4 : i32
        %get3A_775 = arith.index_cast %scan3A_229 : i32 to index
        %get3A_776 = arith.index_cast %get3A_774 : i32 to index
        %get3A_777 = arith.constant 112 : index
        %get3A_778 = tpu.vector_load %arg8[%get3A_775, %get3A_776, %get3A_777] {strides = array<i32>} : memref<16x8x128xf32, #tpu.memory_space<vmem>>, vector<1x1x16xf32>,
        %get3A_779 = vector.shape_cast %get3A_778 : vector<1x1x16xf32> to vector<16xf32>
        %get3A_780 = arith.constant 5 : i32
        %get3A_781 = arith.index_cast %scan3A_229 : i32 to index
        %get3A_782 = arith.index_cast %get3A_780 : i32 to index
        %get3A_783 = arith.constant 112 : index
        %get3A_784 = tpu.vector_load %arg8[%get3A_781, %get3A_782, %get3A_783] {strides = array<i32>} : memref<16x8x128xf32, #tpu.memory_space<vmem>>, vector<1x1x16xf32>,
        %get3A_785 = vector.shape_cast %get3A_784 : vector<1x1x16xf32> to vector<16xf32>
        %get3A_786 = arith.constant 6 : i32
        %get3A_787 = arith.index_cast %scan3A_229 : i32 to index
        %get3A_788 = arith.index_cast %get3A_786 : i32 to index
        %get3A_789 = arith.constant 112 : index
        %get3A_790 = tpu.vector_load %arg8[%get3A_787, %get3A_788, %get3A_789] {strides = array<i32>} : memref<16x8x128xf32, #tpu.memory_space<vmem>>, vector<1x1x16xf32>,
        %get3A_791 = vector.shape_cast %get3A_790 : vector<1x1x16xf32> to vector<16xf32>
        %get3A_792 = arith.constant 7 : i32
        %get3A_793 = arith.index_cast %scan3A_229 : i32 to index
        %get3A_794 = arith.index_cast %get3A_792 : i32 to index
        %get3A_795 = arith.constant 112 : index
        %get3A_796 = tpu.vector_load %arg8[%get3A_793, %get3A_794, %get3A_795] {strides = array<i32>} : memref<16x8x128xf32, #tpu.memory_space<vmem>>, vector<1x1x16xf32>,
        %get3A_797 = vector.shape_cast %get3A_796 : vector<1x1x16xf32> to vector<16xf32>
        %mul3A_798 = vector.broadcast %squeeze3A : f32 to vector<16xf32>
        %mul3A_799 = arith.mulf %get3A_679, %mul3A_798 : vector<16xf32>
        %mul3A_800 = vector.broadcast %squeeze3A_234 : f32 to vector<16xf32>
        %mul3A_801 = arith.mulf %get3A_685, %mul3A_800 : vector<16xf32>
        %mul3A_802 = vector.broadcast %squeeze3A_236 : f32 to vector<16xf32>
        %mul3A_803 = arith.mulf %get3A_691, %mul3A_802 : vector<16xf32>
        %mul3A_804 = vector.broadcast %squeeze3A_238 : f32 to vector<16xf32>
        %mul3A_805 = arith.mulf %get3A_697, %mul3A_804 : vector<16xf32>
        %mul3A_806 = vector.broadcast %squeeze3A_240 : f32 to vector<16xf32>
        %mul3A_807 = arith.mulf %get3A_703, %mul3A_806 : vector<16xf32>
        %mul3A_808 = vector.broadcast %squeeze3A_242 : f32 to vector<16xf32>
        %mul3A_809 = arith.mulf %get3A_709, %mul3A_808 : vector<16xf32>
        %mul3A_810 = vector.broadcast %squeeze3A_244 : f32 to vector<16xf32>
        %mul3A_811 = arith.mulf %get3A_715, %mul3A_810 : vector<16xf32>
        %mul3A_812 = vector.broadcast %squeeze3A_246 : f32 to vector<16xf32>
        %mul3A_813 = arith.mulf %get3A_721, %mul3A_812 : vector<16xf32>
        %add3A_814 = arith.addf %mul3A_799, %mul3A_801 : vector<16xf32>
        %add3A_815 = arith.addf %mul3A_803, %mul3A_805 : vector<16xf32>
        %add3A_816 = arith.addf %mul3A_807, %mul3A_809 : vector<16xf32>
        %add3A_817 = arith.addf %mul3A_811, %mul3A_813 : vector<16xf32>
        %add3A_818 = arith.addf %add3A_814, %add3A_815 : vector<16xf32>
        %add3A_819 = arith.addf %add3A_816, %add3A_817 : vector<16xf32>
        %add3A_820 = arith.addf %add3A_818, %add3A_819 : vector<16xf32>
        %swap3A_821 = arith.index_cast %scan3A_229 : i32 to index
        %swap3A_822 = arith.constant 96 : index
        %swap3A_823 = tpu.vector_load %arg16[%swap3A_821, %swap3A_822] {strides = array<i32>} : memref<16x128xf32, #tpu.memory_space<vmem>>, vector<1x16xf32>,
        %swap3A_824 = vector.shape_cast %swap3A_823 : vector<1x16xf32> to vector<16xf32>
        %swap3A_825 = vector.shape_cast %add3A_820 : vector<16xf32> to vector<1x16xf32>
        tpu.vector_store %arg16[%swap3A_821, %swap3A_822], %swap3A_825 {strides = array<i32>} : memref<16x128xf32, #tpu.memory_space<vmem>>, vector<1x16xf32>,
        %mul3A_826 = vector.broadcast %squeeze3A : f32 to vector<16xf32>
        %mul3A_827 = arith.mulf %get3A_755, %mul3A_826 : vector<16xf32>
        %mul3A_828 = vector.broadcast %squeeze3A_234 : f32 to vector<16xf32>
        %mul3A_829 = arith.mulf %get3A_761, %mul3A_828 : vector<16xf32>
        %mul3A_830 = vector.broadcast %squeeze3A_236 : f32 to vector<16xf32>
        %mul3A_831 = arith.mulf %get3A_767, %mul3A_830 : vector<16xf32>
        %mul3A_832 = vector.broadcast %squeeze3A_238 : f32 to vector<16xf32>
        %mul3A_833 = arith.mulf %get3A_773, %mul3A_832 : vector<16xf32>
        %mul3A_834 = vector.broadcast %squeeze3A_240 : f32 to vector<16xf32>
        %mul3A_835 = arith.mulf %get3A_779, %mul3A_834 : vector<16xf32>
        %mul3A_836 = vector.broadcast %squeeze3A_242 : f32 to vector<16xf32>
        %mul3A_837 = arith.mulf %get3A_785, %mul3A_836 : vector<16xf32>
        %mul3A_838 = vector.broadcast %squeeze3A_244 : f32 to vector<16xf32>
        %mul3A_839 = arith.mulf %get3A_791, %mul3A_838 : vector<16xf32>
        %mul3A_840 = vector.broadcast %squeeze3A_246 : f32 to vector<16xf32>
        %mul3A_841 = arith.mulf %get3A_797, %mul3A_840 : vector<16xf32>
        %add3A_842 = arith.addf %mul3A_827, %mul3A_829 : vector<16xf32>
        %add3A_843 = arith.addf %mul3A_831, %mul3A_833 : vector<16xf32>
        %add3A_844 = arith.addf %mul3A_835, %mul3A_837 : vector<16xf32>
        %add3A_845 = arith.addf %mul3A_839, %mul3A_841 : vector<16xf32>
        %add3A_846 = arith.addf %add3A_842, %add3A_843 : vector<16xf32>
        %add3A_847 = arith.addf %add3A_844, %add3A_845 : vector<16xf32>
        %add3A_848 = arith.addf %add3A_846, %add3A_847 : vector<16xf32>
        %swap3A_849 = arith.index_cast %scan3A_229 : i32 to index
        %swap3A_850 = arith.constant 112 : index
        %swap3A_851 = tpu.vector_load %arg16[%swap3A_849, %swap3A_850] {strides = array<i32>} : memref<16x128xf32, #tpu.memory_space<vmem>>, vector<1x16xf32>,
        %swap3A_852 = vector.shape_cast %swap3A_851 : vector<1x16xf32> to vector<16xf32>
        %swap3A_853 = vector.shape_cast %add3A_848 : vector<16xf32> to vector<1x16xf32>
        tpu.vector_store %arg16[%swap3A_849, %swap3A_850], %swap3A_853 {strides = array<i32>} : memref<16x128xf32, #tpu.memory_space<vmem>>, vector<1x16xf32>,
        %scan3A_854 = arith.constant 1 : i32
        %scan3A_855 = arith.addi %scan3A_229, %scan3A_854 : i32
        %get3A_856 = arith.index_cast %scan3A_855 : i32 to index
        %get3A_857 = arith.constant 0 : index
        %get3A_858 = tpu.vector_load %arg12[%get3A_856, %get3A_857] {strides = array<i32>} : memref<16x16xf32, #tpu.memory_space<vmem>>, vector<1x16xf32>,
        %get3A_859 = vector.shape_cast %get3A_858 : vector<1x16xf32> to vector<16xf32>
        %slice3A_860 = vector.extract_strided_slice %get3A_859 {offsets = [0], sizes = [1], strides = [1]} : vector<16xf32> to vector<1xf32>
        %squeeze3A_861 = vector.extract %slice3A_860[0] : f32 from vector<1xf32>
        %slice3A_862 = vector.extract_strided_slice %get3A_859 {offsets = [1], sizes = [1], strides = [1]} : vector<16xf32> to vector<1xf32>
        %squeeze3A_863 = vector.extract %slice3A_862[0] : f32 from vector<1xf32>
        %slice3A_864 = vector.extract_strided_slice %get3A_859 {offsets = [2], sizes = [1], strides = [1]} : vector<16xf32> to vector<1xf32>
        %squeeze3A_865 = vector.extract %slice3A_864[0] : f32 from vector<1xf32>
        %slice3A_866 = vector.extract_strided_slice %get3A_859 {offsets = [3], sizes = [1], strides = [1]} : vector<16xf32> to vector<1xf32>
        %squeeze3A_867 = vector.extract %slice3A_866[0] : f32 from vector<1xf32>
        %slice3A_868 = vector.extract_strided_slice %get3A_859 {offsets = [4], sizes = [1], strides = [1]} : vector<16xf32> to vector<1xf32>
        %squeeze3A_869 = vector.extract %slice3A_868[0] : f32 from vector<1xf32>
        %slice3A_870 = vector.extract_strided_slice %get3A_859 {offsets = [5], sizes = [1], strides = [1]} : vector<16xf32> to vector<1xf32>
        %squeeze3A_871 = vector.extract %slice3A_870[0] : f32 from vector<1xf32>
        %slice3A_872 = vector.extract_strided_slice %get3A_859 {offsets = [6], sizes = [1], strides = [1]} : vector<16xf32> to vector<1xf32>
        %squeeze3A_873 = vector.extract %slice3A_872[0] : f32 from vector<1xf32>
        %slice3A_874 = vector.extract_strided_slice %get3A_859 {offsets = [7], sizes = [1], strides = [1]} : vector<16xf32> to vector<1xf32>
        %squeeze3A_875 = vector.extract %slice3A_874[0] : f32 from vector<1xf32>
        %get3A_876 = arith.constant 0 : i32
        %get3A_877 = arith.index_cast %scan3A_855 : i32 to index
        %get3A_878 = arith.index_cast %get3A_876 : i32 to index
        %get3A_879 = arith.constant 0 : index
        %get3A_880 = tpu.vector_load %arg8[%get3A_877, %get3A_878, %get3A_879] {strides = array<i32>} : memref<16x8x128xf32, #tpu.memory_space<vmem>>, vector<1x1x16xf32>,
        %get3A_881 = vector.shape_cast %get3A_880 : vector<1x1x16xf32> to vector<16xf32>
        %get3A_882 = arith.constant 1 : i32
        %get3A_883 = arith.index_cast %scan3A_855 : i32 to index
        %get3A_884 = arith.index_cast %get3A_882 : i32 to index
        %get3A_885 = arith.constant 0 : index
        %get3A_886 = tpu.vector_load %arg8[%get3A_883, %get3A_884, %get3A_885] {strides = array<i32>} : memref<16x8x128xf32, #tpu.memory_space<vmem>>, vector<1x1x16xf32>,
        %get3A_887 = vector.shape_cast %get3A_886 : vector<1x1x16xf32> to vector<16xf32>
        %get3A_888 = arith.constant 2 : i32
        %get3A_889 = arith.index_cast %scan3A_855 : i32 to index
        %get3A_890 = arith.index_cast %get3A_888 : i32 to index
        %get3A_891 = arith.constant 0 : index
        %get3A_892 = tpu.vector_load %arg8[%get3A_889, %get3A_890, %get3A_891] {strides = array<i32>} : memref<16x8x128xf32, #tpu.memory_space<vmem>>, vector<1x1x16xf32>,
        %get3A_893 = vector.shape_cast %get3A_892 : vector<1x1x16xf32> to vector<16xf32>
        %get3A_894 = arith.constant 3 : i32
        %get3A_895 = arith.index_cast %scan3A_855 : i32 to index
        %get3A_896 = arith.index_cast %get3A_894 : i32 to index
        %get3A_897 = arith.constant 0 : index
        %get3A_898 = tpu.vector_load %arg8[%get3A_895, %get3A_896, %get3A_897] {strides = array<i32>} : memref<16x8x128xf32, #tpu.memory_space<vmem>>, vector<1x1x16xf32>,
        %get3A_899 = vector.shape_cast %get3A_898 : vector<1x1x16xf32> to vector<16xf32>
        %get3A_900 = arith.constant 4 : i32
        %get3A_901 = arith.index_cast %scan3A_855 : i32 to index
        %get3A_902 = arith.index_cast %get3A_900 : i32 to index
        %get3A_903 = arith.constant 0 : index
        %get3A_904 = tpu.vector_load %arg8[%get3A_901, %get3A_902, %get3A_903] {strides = array<i32>} : memref<16x8x128xf32, #tpu.memory_space<vmem>>, vector<1x1x16xf32>,
        %get3A_905 = vector.shape_cast %get3A_904 : vector<1x1x16xf32> to vector<16xf32>
        %get3A_906 = arith.constant 5 : i32
        %get3A_907 = arith.index_cast %scan3A_855 : i32 to index
        %get3A_908 = arith.index_cast %get3A_906 : i32 to index
        %get3A_909 = arith.constant 0 : index
        %get3A_910 = tpu.vector_load %arg8[%get3A_907, %get3A_908, %get3A_909] {strides = array<i32>} : memref<16x8x128xf32, #tpu.memory_space<vmem>>, vector<1x1x16xf32>,
        %get3A_911 = vector.shape_cast %get3A_910 : vector<1x1x16xf32> to vector<16xf32>
        %get3A_912 = arith.constant 6 : i32
        %get3A_913 = arith.index_cast %scan3A_855 : i32 to index
        %get3A_914 = arith.index_cast %get3A_912 : i32 to index
        %get3A_915 = arith.constant 0 : index
        %get3A_916 = tpu.vector_load %arg8[%get3A_913, %get3A_914, %get3A_915] {strides = array<i32>} : memref<16x8x128xf32, #tpu.memory_space<vmem>>, vector<1x1x16xf32>,
        %get3A_917 = vector.shape_cast %get3A_916 : vector<1x1x16xf32> to vector<16xf32>
        %get3A_918 = arith.constant 7 : i32
        %get3A_919 = arith.index_cast %scan3A_855 : i32 to index
        %get3A_920 = arith.index_cast %get3A_918 : i32 to index
        %get3A_921 = arith.constant 0 : index
        %get3A_922 = tpu.vector_load %arg8[%get3A_919, %get3A_920, %get3A_921] {strides = array<i32>} : memref<16x8x128xf32, #tpu.memory_space<vmem>>, vector<1x1x16xf32>,
        %get3A_923 = vector.shape_cast %get3A_922 : vector<1x1x16xf32> to vector<16xf32>
        %get3A_924 = arith.constant 0 : i32
        %get3A_925 = arith.index_cast %scan3A_855 : i32 to index
        %get3A_926 = arith.index_cast %get3A_924 : i32 to index
        %get3A_927 = arith.constant 16 : index
        %get3A_928 = tpu.vector_load %arg8[%get3A_925, %get3A_926, %get3A_927] {strides = array<i32>} : memref<16x8x128xf32, #tpu.memory_space<vmem>>, vector<1x1x16xf32>,
        %get3A_929 = vector.shape_cast %get3A_928 : vector<1x1x16xf32> to vector<16xf32>
        %get3A_930 = arith.constant 1 : i32
        %get3A_931 = arith.index_cast %scan3A_855 : i32 to index
        %get3A_932 = arith.index_cast %get3A_930 : i32 to index
        %get3A_933 = arith.constant 16 : index
        %get3A_934 = tpu.vector_load %arg8[%get3A_931, %get3A_932, %get3A_933] {strides = array<i32>} : memref<16x8x128xf32, #tpu.memory_space<vmem>>, vector<1x1x16xf32>,
        %get3A_935 = vector.shape_cast %get3A_934 : vector<1x1x16xf32> to vector<16xf32>
        %get3A_936 = arith.constant 2 : i32
        %get3A_937 = arith.index_cast %scan3A_855 : i32 to index
        %get3A_938 = arith.index_cast %get3A_936 : i32 to index
        %get3A_939 = arith.constant 16 : index
        %get3A_940 = tpu.vector_load %arg8[%get3A_937, %get3A_938, %get3A_939] {strides = array<i32>} : memref<16x8x128xf32, #tpu.memory_space<vmem>>, vector<1x1x16xf32>,
        %get3A_941 = vector.shape_cast %get3A_940 : vector<1x1x16xf32> to vector<16xf32>
        %get3A_942 = arith.constant 3 : i32
        %get3A_943 = arith.index_cast %scan3A_855 : i32 to index
        %get3A_944 = arith.index_cast %get3A_942 : i32 to index
        %get3A_945 = arith.constant 16 : index
        %get3A_946 = tpu.vector_load %arg8[%get3A_943, %get3A_944, %get3A_945] {strides = array<i32>} : memref<16x8x128xf32, #tpu.memory_space<vmem>>, vector<1x1x16xf32>,
        %get3A_947 = vector.shape_cast %get3A_946 : vector<1x1x16xf32> to vector<16xf32>
        %get3A_948 = arith.constant 4 : i32
        %get3A_949 = arith.index_cast %scan3A_855 : i32 to index
        %get3A_950 = arith.index_cast %get3A_948 : i32 to index
        %get3A_951 = arith.constant 16 : index
        %get3A_952 = tpu.vector_load %arg8[%get3A_949, %get3A_950, %get3A_951] {strides = array<i32>} : memref<16x8x128xf32, #tpu.memory_space<vmem>>, vector<1x1x16xf32>,
        %get3A_953 = vector.shape_cast %get3A_952 : vector<1x1x16xf32> to vector<16xf32>
        %get3A_954 = arith.constant 5 : i32
        %get3A_955 = arith.index_cast %scan3A_855 : i32 to index
        %get3A_956 = arith.index_cast %get3A_954 : i32 to index
        %get3A_957 = arith.constant 16 : index
        %get3A_958 = tpu.vector_load %arg8[%get3A_955, %get3A_956, %get3A_957] {strides = array<i32>} : memref<16x8x128xf32, #tpu.memory_space<vmem>>, vector<1x1x16xf32>,
        %get3A_959 = vector.shape_cast %get3A_958 : vector<1x1x16xf32> to vector<16xf32>
        %get3A_960 = arith.constant 6 : i32
        %get3A_961 = arith.index_cast %scan3A_855 : i32 to index
        %get3A_962 = arith.index_cast %get3A_960 : i32 to index
        %get3A_963 = arith.constant 16 : index
        %get3A_964 = tpu.vector_load %arg8[%get3A_961, %get3A_962, %get3A_963] {strides = array<i32>} : memref<16x8x128xf32, #tpu.memory_space<vmem>>, vector<1x1x16xf32>,
        %get3A_965 = vector.shape_cast %get3A_964 : vector<1x1x16xf32> to vector<16xf32>
        %get3A_966 = arith.constant 7 : i32
        %get3A_967 = arith.index_cast %scan3A_855 : i32 to index
        %get3A_968 = arith.index_cast %get3A_966 : i32 to index
        %get3A_969 = arith.constant 16 : index
        %get3A_970 = tpu.vector_load %arg8[%get3A_967, %get3A_968, %get3A_969] {strides = array<i32>} : memref<16x8x128xf32, #tpu.memory_space<vmem>>, vector<1x1x16xf32>,
        %get3A_971 = vector.shape_cast %get3A_970 : vector<1x1x16xf32> to vector<16xf32>
        %mul3A_972 = vector.broadcast %squeeze3A_861 : f32 to vector<16xf32>
        %mul3A_973 = arith.mulf %get3A_881, %mul3A_972 : vector<16xf32>
        %mul3A_974 = vector.broadcast %squeeze3A_863 : f32 to vector<16xf32>
        %mul3A_975 = arith.mulf %get3A_887, %mul3A_974 : vector<16xf32>
        %mul3A_976 = vector.broadcast %squeeze3A_865 : f32 to vector<16xf32>
        %mul3A_977 = arith.mulf %get3A_893, %mul3A_976 : vector<16xf32>
        %mul3A_978 = vector.broadcast %squeeze3A_867 : f32 to vector<16xf32>
        %mul3A_979 = arith.mulf %get3A_899, %mul3A_978 : vector<16xf32>
        %mul3A_980 = vector.broadcast %squeeze3A_869 : f32 to vector<16xf32>
        %mul3A_981 = arith.mulf %get3A_905, %mul3A_980 : vector<16xf32>
        %mul3A_982 = vector.broadcast %squeeze3A_871 : f32 to vector<16xf32>
        %mul3A_983 = arith.mulf %get3A_911, %mul3A_982 : vector<16xf32>
        %mul3A_984 = vector.broadcast %squeeze3A_873 : f32 to vector<16xf32>
        %mul3A_985 = arith.mulf %get3A_917, %mul3A_984 : vector<16xf32>
        %mul3A_986 = vector.broadcast %squeeze3A_875 : f32 to vector<16xf32>
        %mul3A_987 = arith.mulf %get3A_923, %mul3A_986 : vector<16xf32>
        %add3A_988 = arith.addf %mul3A_973, %mul3A_975 : vector<16xf32>
        %add3A_989 = arith.addf %mul3A_977, %mul3A_979 : vector<16xf32>
        %add3A_990 = arith.addf %mul3A_981, %mul3A_983 : vector<16xf32>
        %add3A_991 = arith.addf %mul3A_985, %mul3A_987 : vector<16xf32>
        %add3A_992 = arith.addf %add3A_988, %add3A_989 : vector<16xf32>
        %add3A_993 = arith.addf %add3A_990, %add3A_991 : vector<16xf32>
        %add3A_994 = arith.addf %add3A_992, %add3A_993 : vector<16xf32>
        %swap3A_995 = arith.index_cast %scan3A_855 : i32 to index
        %swap3A_996 = arith.constant 0 : index
        %swap3A_997 = tpu.vector_load %arg16[%swap3A_995, %swap3A_996] {strides = array<i32>} : memref<16x128xf32, #tpu.memory_space<vmem>>, vector<1x16xf32>,
        %swap3A_998 = vector.shape_cast %swap3A_997 : vector<1x16xf32> to vector<16xf32>
        %swap3A_999 = vector.shape_cast %add3A_994 : vector<16xf32> to vector<1x16xf32>
        tpu.vector_store %arg16[%swap3A_995, %swap3A_996], %swap3A_999 {strides = array<i32>} : memref<16x128xf32, #tpu.memory_space<vmem>>, vector<1x16xf32>,
        %get3A_1000 = arith.constant 0 : i32
        %get3A_1001 = arith.index_cast %scan3A_855 : i32 to index
        %get3A_1002 = arith.index_cast %get3A_1000 : i32 to index
        %get3A_1003 = arith.constant 32 : index
        %get3A_1004 = tpu.vector_load %arg8[%get3A_1001, %get3A_1002, %get3A_1003] {strides = array<i32>} : memref<16x8x128xf32, #tpu.memory_space<vmem>>, vector<1x1x16xf32>,
        %get3A_1005 = vector.shape_cast %get3A_1004 : vector<1x1x16xf32> to vector<16xf32>
        %get3A_1006 = arith.constant 1 : i32
        %get3A_1007 = arith.index_cast %scan3A_855 : i32 to index
        %get3A_1008 = arith.index_cast %get3A_1006 : i32 to index
        %get3A_1009 = arith.constant 32 : index
        %get3A_1010 = tpu.vector_load %arg8[%get3A_1007, %get3A_1008, %get3A_1009] {strides = array<i32>} : memref<16x8x128xf32, #tpu.memory_space<vmem>>, vector<1x1x16xf32>,
        %get3A_1011 = vector.shape_cast %get3A_1010 : vector<1x1x16xf32> to vector<16xf32>
        %get3A_1012 = arith.constant 2 : i32
        %get3A_1013 = arith.index_cast %scan3A_855 : i32 to index
        %get3A_1014 = arith.index_cast %get3A_1012 : i32 to index
        %get3A_1015 = arith.constant 32 : index
        %get3A_1016 = tpu.vector_load %arg8[%get3A_1013, %get3A_1014, %get3A_1015] {strides = array<i32>} : memref<16x8x128xf32, #tpu.memory_space<vmem>>, vector<1x1x16xf32>,
        %get3A_1017 = vector.shape_cast %get3A_1016 : vector<1x1x16xf32> to vector<16xf32>
        %get3A_1018 = arith.constant 3 : i32
        %get3A_1019 = arith.index_cast %scan3A_855 : i32 to index
        %get3A_1020 = arith.index_cast %get3A_1018 : i32 to index
        %get3A_1021 = arith.constant 32 : index
        %get3A_1022 = tpu.vector_load %arg8[%get3A_1019, %get3A_1020, %get3A_1021] {strides = array<i32>} : memref<16x8x128xf32, #tpu.memory_space<vmem>>, vector<1x1x16xf32>,
        %get3A_1023 = vector.shape_cast %get3A_1022 : vector<1x1x16xf32> to vector<16xf32>
        %get3A_1024 = arith.constant 4 : i32
        %get3A_1025 = arith.index_cast %scan3A_855 : i32 to index
        %get3A_1026 = arith.index_cast %get3A_1024 : i32 to index
        %get3A_1027 = arith.constant 32 : index
        %get3A_1028 = tpu.vector_load %arg8[%get3A_1025, %get3A_1026, %get3A_1027] {strides = array<i32>} : memref<16x8x128xf32, #tpu.memory_space<vmem>>, vector<1x1x16xf32>,
        %get3A_1029 = vector.shape_cast %get3A_1028 : vector<1x1x16xf32> to vector<16xf32>
        %get3A_1030 = arith.constant 5 : i32
        %get3A_1031 = arith.index_cast %scan3A_855 : i32 to index
        %get3A_1032 = arith.index_cast %get3A_1030 : i32 to index
        %get3A_1033 = arith.constant 32 : index
        %get3A_1034 = tpu.vector_load %arg8[%get3A_1031, %get3A_1032, %get3A_1033] {strides = array<i32>} : memref<16x8x128xf32, #tpu.memory_space<vmem>>, vector<1x1x16xf32>,
        %get3A_1035 = vector.shape_cast %get3A_1034 : vector<1x1x16xf32> to vector<16xf32>
        %get3A_1036 = arith.constant 6 : i32
        %get3A_1037 = arith.index_cast %scan3A_855 : i32 to index
        %get3A_1038 = arith.index_cast %get3A_1036 : i32 to index
        %get3A_1039 = arith.constant 32 : index
        %get3A_1040 = tpu.vector_load %arg8[%get3A_1037, %get3A_1038, %get3A_1039] {strides = array<i32>} : memref<16x8x128xf32, #tpu.memory_space<vmem>>, vector<1x1x16xf32>,
        %get3A_1041 = vector.shape_cast %get3A_1040 : vector<1x1x16xf32> to vector<16xf32>
        %get3A_1042 = arith.constant 7 : i32
        %get3A_1043 = arith.index_cast %scan3A_855 : i32 to index
        %get3A_1044 = arith.index_cast %get3A_1042 : i32 to index
        %get3A_1045 = arith.constant 32 : index
        %get3A_1046 = tpu.vector_load %arg8[%get3A_1043, %get3A_1044, %get3A_1045] {strides = array<i32>} : memref<16x8x128xf32, #tpu.memory_space<vmem>>, vector<1x1x16xf32>,
        %get3A_1047 = vector.shape_cast %get3A_1046 : vector<1x1x16xf32> to vector<16xf32>
        %mul3A_1048 = vector.broadcast %squeeze3A_861 : f32 to vector<16xf32>
        %mul3A_1049 = arith.mulf %get3A_929, %mul3A_1048 : vector<16xf32>
        %mul3A_1050 = vector.broadcast %squeeze3A_863 : f32 to vector<16xf32>
        %mul3A_1051 = arith.mulf %get3A_935, %mul3A_1050 : vector<16xf32>
        %mul3A_1052 = vector.broadcast %squeeze3A_865 : f32 to vector<16xf32>
        %mul3A_1053 = arith.mulf %get3A_941, %mul3A_1052 : vector<16xf32>
        %mul3A_1054 = vector.broadcast %squeeze3A_867 : f32 to vector<16xf32>
        %mul3A_1055 = arith.mulf %get3A_947, %mul3A_1054 : vector<16xf32>
        %mul3A_1056 = vector.broadcast %squeeze3A_869 : f32 to vector<16xf32>
        %mul3A_1057 = arith.mulf %get3A_953, %mul3A_1056 : vector<16xf32>
        %mul3A_1058 = vector.broadcast %squeeze3A_871 : f32 to vector<16xf32>
        %mul3A_1059 = arith.mulf %get3A_959, %mul3A_1058 : vector<16xf32>
        %mul3A_1060 = vector.broadcast %squeeze3A_873 : f32 to vector<16xf32>
        %mul3A_1061 = arith.mulf %get3A_965, %mul3A_1060 : vector<16xf32>
        %mul3A_1062 = vector.broadcast %squeeze3A_875 : f32 to vector<16xf32>
        %mul3A_1063 = arith.mulf %get3A_971, %mul3A_1062 : vector<16xf32>
        %add3A_1064 = arith.addf %mul3A_1049, %mul3A_1051 : vector<16xf32>
        %add3A_1065 = arith.addf %mul3A_1053, %mul3A_1055 : vector<16xf32>
        %add3A_1066 = arith.addf %mul3A_1057, %mul3A_1059 : vector<16xf32>
        %add3A_1067 = arith.addf %mul3A_1061, %mul3A_1063 : vector<16xf32>
        %add3A_1068 = arith.addf %add3A_1064, %add3A_1065 : vector<16xf32>
        %add3A_1069 = arith.addf %add3A_1066, %add3A_1067 : vector<16xf32>
        %add3A_1070 = arith.addf %add3A_1068, %add3A_1069 : vector<16xf32>
        %swap3A_1071 = arith.index_cast %scan3A_855 : i32 to index
        %swap3A_1072 = arith.constant 16 : index
        %swap3A_1073 = tpu.vector_load %arg16[%swap3A_1071, %swap3A_1072] {strides = array<i32>} : memref<16x128xf32, #tpu.memory_space<vmem>>, vector<1x16xf32>,
        %swap3A_1074 = vector.shape_cast %swap3A_1073 : vector<1x16xf32> to vector<16xf32>
        %swap3A_1075 = vector.shape_cast %add3A_1070 : vector<16xf32> to vector<1x16xf32>
        tpu.vector_store %arg16[%swap3A_1071, %swap3A_1072], %swap3A_1075 {strides = array<i32>} : memref<16x128xf32, #tpu.memory_space<vmem>>, vector<1x16xf32>,
        %get3A_1076 = arith.constant 0 : i32
        %get3A_1077 = arith.index_cast %scan3A_855 : i32 to index
        %get3A_1078 = arith.index_cast %get3A_1076 : i32 to index
        %get3A_1079 = arith.constant 48 : index
        %get3A_1080 = tpu.vector_load %arg8[%get3A_1077, %get3A_1078, %get3A_1079] {strides = array<i32>} : memref<16x8x128xf32, #tpu.memory_space<vmem>>, vector<1x1x16xf32>,
        %get3A_1081 = vector.shape_cast %get3A_1080 : vector<1x1x16xf32> to vector<16xf32>
        %get3A_1082 = arith.constant 1 : i32
        %get3A_1083 = arith.index_cast %scan3A_855 : i32 to index
        %get3A_1084 = arith.index_cast %get3A_1082 : i32 to index
        %get3A_1085 = arith.constant 48 : index
        %get3A_1086 = tpu.vector_load %arg8[%get3A_1083, %get3A_1084, %get3A_1085] {strides = array<i32>} : memref<16x8x128xf32, #tpu.memory_space<vmem>>, vector<1x1x16xf32>,
        %get3A_1087 = vector.shape_cast %get3A_1086 : vector<1x1x16xf32> to vector<16xf32>
        %get3A_1088 = arith.constant 2 : i32
        %get3A_1089 = arith.index_cast %scan3A_855 : i32 to index
        %get3A_1090 = arith.index_cast %get3A_1088 : i32 to index
        %get3A_1091 = arith.constant 48 : index
        %get3A_1092 = tpu.vector_load %arg8[%get3A_1089, %get3A_1090, %get3A_1091] {strides = array<i32>} : memref<16x8x128xf32, #tpu.memory_space<vmem>>, vector<1x1x16xf32>,
        %get3A_1093 = vector.shape_cast %get3A_1092 : vector<1x1x16xf32> to vector<16xf32>
        %get3A_1094 = arith.constant 3 : i32
        %get3A_1095 = arith.index_cast %scan3A_855 : i32 to index
        %get3A_1096 = arith.index_cast %get3A_1094 : i32 to index
        %get3A_1097 = arith.constant 48 : index
        %get3A_1098 = tpu.vector_load %arg8[%get3A_1095, %get3A_1096, %get3A_1097] {strides = array<i32>} : memref<16x8x128xf32, #tpu.memory_space<vmem>>, vector<1x1x16xf32>,
        %get3A_1099 = vector.shape_cast %get3A_1098 : vector<1x1x16xf32> to vector<16xf32>
        %get3A_1100 = arith.constant 4 : i32
        %get3A_1101 = arith.index_cast %scan3A_855 : i32 to index
        %get3A_1102 = arith.index_cast %get3A_1100 : i32 to index
        %get3A_1103 = arith.constant 48 : index
        %get3A_1104 = tpu.vector_load %arg8[%get3A_1101, %get3A_1102, %get3A_1103] {strides = array<i32>} : memref<16x8x128xf32, #tpu.memory_space<vmem>>, vector<1x1x16xf32>,
        %get3A_1105 = vector.shape_cast %get3A_1104 : vector<1x1x16xf32> to vector<16xf32>
        %get3A_1106 = arith.constant 5 : i32
        %get3A_1107 = arith.index_cast %scan3A_855 : i32 to index
        %get3A_1108 = arith.index_cast %get3A_1106 : i32 to index
        %get3A_1109 = arith.constant 48 : index
        %get3A_1110 = tpu.vector_load %arg8[%get3A_1107, %get3A_1108, %get3A_1109] {strides = array<i32>} : memref<16x8x128xf32, #tpu.memory_space<vmem>>, vector<1x1x16xf32>,
        %get3A_1111 = vector.shape_cast %get3A_1110 : vector<1x1x16xf32> to vector<16xf32>
        %get3A_1112 = arith.constant 6 : i32
        %get3A_1113 = arith.index_cast %scan3A_855 : i32 to index
        %get3A_1114 = arith.index_cast %get3A_1112 : i32 to index
        %get3A_1115 = arith.constant 48 : index
        %get3A_1116 = tpu.vector_load %arg8[%get3A_1113, %get3A_1114, %get3A_1115] {strides = array<i32>} : memref<16x8x128xf32, #tpu.memory_space<vmem>>, vector<1x1x16xf32>,
        %get3A_1117 = vector.shape_cast %get3A_1116 : vector<1x1x16xf32> to vector<16xf32>
        %get3A_1118 = arith.constant 7 : i32
        %get3A_1119 = arith.index_cast %scan3A_855 : i32 to index
        %get3A_1120 = arith.index_cast %get3A_1118 : i32 to index
        %get3A_1121 = arith.constant 48 : index
        %get3A_1122 = tpu.vector_load %arg8[%get3A_1119, %get3A_1120, %get3A_1121] {strides = array<i32>} : memref<16x8x128xf32, #tpu.memory_space<vmem>>, vector<1x1x16xf32>,
        %get3A_1123 = vector.shape_cast %get3A_1122 : vector<1x1x16xf32> to vector<16xf32>
        %mul3A_1124 = vector.broadcast %squeeze3A_861 : f32 to vector<16xf32>
        %mul3A_1125 = arith.mulf %get3A_1005, %mul3A_1124 : vector<16xf32>
        %mul3A_1126 = vector.broadcast %squeeze3A_863 : f32 to vector<16xf32>
        %mul3A_1127 = arith.mulf %get3A_1011, %mul3A_1126 : vector<16xf32>
        %mul3A_1128 = vector.broadcast %squeeze3A_865 : f32 to vector<16xf32>
        %mul3A_1129 = arith.mulf %get3A_1017, %mul3A_1128 : vector<16xf32>
        %mul3A_1130 = vector.broadcast %squeeze3A_867 : f32 to vector<16xf32>
        %mul3A_1131 = arith.mulf %get3A_1023, %mul3A_1130 : vector<16xf32>
        %mul3A_1132 = vector.broadcast %squeeze3A_869 : f32 to vector<16xf32>
        %mul3A_1133 = arith.mulf %get3A_1029, %mul3A_1132 : vector<16xf32>
        %mul3A_1134 = vector.broadcast %squeeze3A_871 : f32 to vector<16xf32>
        %mul3A_1135 = arith.mulf %get3A_1035, %mul3A_1134 : vector<16xf32>
        %mul3A_1136 = vector.broadcast %squeeze3A_873 : f32 to vector<16xf32>
        %mul3A_1137 = arith.mulf %get3A_1041, %mul3A_1136 : vector<16xf32>
        %mul3A_1138 = vector.broadcast %squeeze3A_875 : f32 to vector<16xf32>
        %mul3A_1139 = arith.mulf %get3A_1047, %mul3A_1138 : vector<16xf32>
        %add3A_1140 = arith.addf %mul3A_1125, %mul3A_1127 : vector<16xf32>
        %add3A_1141 = arith.addf %mul3A_1129, %mul3A_1131 : vector<16xf32>
        %add3A_1142 = arith.addf %mul3A_1133, %mul3A_1135 : vector<16xf32>
        %add3A_1143 = arith.addf %mul3A_1137, %mul3A_1139 : vector<16xf32>
        %add3A_1144 = arith.addf %add3A_1140, %add3A_1141 : vector<16xf32>
        %add3A_1145 = arith.addf %add3A_1142, %add3A_1143 : vector<16xf32>
        %add3A_1146 = arith.addf %add3A_1144, %add3A_1145 : vector<16xf32>
        %swap3A_1147 = arith.index_cast %scan3A_855 : i32 to index
        %swap3A_1148 = arith.constant 32 : index
        %swap3A_1149 = tpu.vector_load %arg16[%swap3A_1147, %swap3A_1148] {strides = array<i32>} : memref<16x128xf32, #tpu.memory_space<vmem>>, vector<1x16xf32>,
        %swap3A_1150 = vector.shape_cast %swap3A_1149 : vector<1x16xf32> to vector<16xf32>
        %swap3A_1151 = vector.shape_cast %add3A_1146 : vector<16xf32> to vector<1x16xf32>
        tpu.vector_store %arg16[%swap3A_1147, %swap3A_1148], %swap3A_1151 {strides = array<i32>} : memref<16x128xf32, #tpu.memory_space<vmem>>, vector<1x16xf32>,
        %get3A_1152 = arith.constant 0 : i32
        %get3A_1153 = arith.index_cast %scan3A_855 : i32 to index
        %get3A_1154 = arith.index_cast %get3A_1152 : i32 to index
        %get3A_1155 = arith.constant 64 : index
        %get3A_1156 = tpu.vector_load %arg8[%get3A_1153, %get3A_1154, %get3A_1155] {strides = array<i32>} : memref<16x8x128xf32, #tpu.memory_space<vmem>>, vector<1x1x16xf32>,
        %get3A_1157 = vector.shape_cast %get3A_1156 : vector<1x1x16xf32> to vector<16xf32>
        %get3A_1158 = arith.constant 1 : i32
        %get3A_1159 = arith.index_cast %scan3A_855 : i32 to index
        %get3A_1160 = arith.index_cast %get3A_1158 : i32 to index
        %get3A_1161 = arith.constant 64 : index
        %get3A_1162 = tpu.vector_load %arg8[%get3A_1159, %get3A_1160, %get3A_1161] {strides = array<i32>} : memref<16x8x128xf32, #tpu.memory_space<vmem>>, vector<1x1x16xf32>,
        %get3A_1163 = vector.shape_cast %get3A_1162 : vector<1x1x16xf32> to vector<16xf32>
        %get3A_1164 = arith.constant 2 : i32
        %get3A_1165 = arith.index_cast %scan3A_855 : i32 to index
        %get3A_1166 = arith.index_cast %get3A_1164 : i32 to index
        %get3A_1167 = arith.constant 64 : index
        %get3A_1168 = tpu.vector_load %arg8[%get3A_1165, %get3A_1166, %get3A_1167] {strides = array<i32>} : memref<16x8x128xf32, #tpu.memory_space<vmem>>, vector<1x1x16xf32>,
        %get3A_1169 = vector.shape_cast %get3A_1168 : vector<1x1x16xf32> to vector<16xf32>
        %get3A_1170 = arith.constant 3 : i32
        %get3A_1171 = arith.index_cast %scan3A_855 : i32 to index
        %get3A_1172 = arith.index_cast %get3A_1170 : i32 to index
        %get3A_1173 = arith.constant 64 : index
        %get3A_1174 = tpu.vector_load %arg8[%get3A_1171, %get3A_1172, %get3A_1173] {strides = array<i32>} : memref<16x8x128xf32, #tpu.memory_space<vmem>>, vector<1x1x16xf32>,
        %get3A_1175 = vector.shape_cast %get3A_1174 : vector<1x1x16xf32> to vector<16xf32>
        %get3A_1176 = arith.constant 4 : i32
        %get3A_1177 = arith.index_cast %scan3A_855 : i32 to index
        %get3A_1178 = arith.index_cast %get3A_1176 : i32 to index
        %get3A_1179 = arith.constant 64 : index
        %get3A_1180 = tpu.vector_load %arg8[%get3A_1177, %get3A_1178, %get3A_1179] {strides = array<i32>} : memref<16x8x128xf32, #tpu.memory_space<vmem>>, vector<1x1x16xf32>,
        %get3A_1181 = vector.shape_cast %get3A_1180 : vector<1x1x16xf32> to vector<16xf32>
        %get3A_1182 = arith.constant 5 : i32
        %get3A_1183 = arith.index_cast %scan3A_855 : i32 to index
        %get3A_1184 = arith.index_cast %get3A_1182 : i32 to index
        %get3A_1185 = arith.constant 64 : index
        %get3A_1186 = tpu.vector_load %arg8[%get3A_1183, %get3A_1184, %get3A_1185] {strides = array<i32>} : memref<16x8x128xf32, #tpu.memory_space<vmem>>, vector<1x1x16xf32>,
        %get3A_1187 = vector.shape_cast %get3A_1186 : vector<1x1x16xf32> to vector<16xf32>
        %get3A_1188 = arith.constant 6 : i32
        %get3A_1189 = arith.index_cast %scan3A_855 : i32 to index
        %get3A_1190 = arith.index_cast %get3A_1188 : i32 to index
        %get3A_1191 = arith.constant 64 : index
        %get3A_1192 = tpu.vector_load %arg8[%get3A_1189, %get3A_1190, %get3A_1191] {strides = array<i32>} : memref<16x8x128xf32, #tpu.memory_space<vmem>>, vector<1x1x16xf32>,
        %get3A_1193 = vector.shape_cast %get3A_1192 : vector<1x1x16xf32> to vector<16xf32>
        %get3A_1194 = arith.constant 7 : i32
        %get3A_1195 = arith.index_cast %scan3A_855 : i32 to index
        %get3A_1196 = arith.index_cast %get3A_1194 : i32 to index
        %get3A_1197 = arith.constant 64 : index
        %get3A_1198 = tpu.vector_load %arg8[%get3A_1195, %get3A_1196, %get3A_1197] {strides = array<i32>} : memref<16x8x128xf32, #tpu.memory_space<vmem>>, vector<1x1x16xf32>,
        %get3A_1199 = vector.shape_cast %get3A_1198 : vector<1x1x16xf32> to vector<16xf32>
        %mul3A_1200 = vector.broadcast %squeeze3A_861 : f32 to vector<16xf32>
        %mul3A_1201 = arith.mulf %get3A_1081, %mul3A_1200 : vector<16xf32>
        %mul3A_1202 = vector.broadcast %squeeze3A_863 : f32 to vector<16xf32>
        %mul3A_1203 = arith.mulf %get3A_1087, %mul3A_1202 : vector<16xf32>
        %mul3A_1204 = vector.broadcast %squeeze3A_865 : f32 to vector<16xf32>
        %mul3A_1205 = arith.mulf %get3A_1093, %mul3A_1204 : vector<16xf32>
        %mul3A_1206 = vector.broadcast %squeeze3A_867 : f32 to vector<16xf32>
        %mul3A_1207 = arith.mulf %get3A_1099, %mul3A_1206 : vector<16xf32>
        %mul3A_1208 = vector.broadcast %squeeze3A_869 : f32 to vector<16xf32>
        %mul3A_1209 = arith.mulf %get3A_1105, %mul3A_1208 : vector<16xf32>
        %mul3A_1210 = vector.broadcast %squeeze3A_871 : f32 to vector<16xf32>
        %mul3A_1211 = arith.mulf %get3A_1111, %mul3A_1210 : vector<16xf32>
        %mul3A_1212 = vector.broadcast %squeeze3A_873 : f32 to vector<16xf32>
        %mul3A_1213 = arith.mulf %get3A_1117, %mul3A_1212 : vector<16xf32>
        %mul3A_1214 = vector.broadcast %squeeze3A_875 : f32 to vector<16xf32>
        %mul3A_1215 = arith.mulf %get3A_1123, %mul3A_1214 : vector<16xf32>
        %add3A_1216 = arith.addf %mul3A_1201, %mul3A_1203 : vector<16xf32>
        %add3A_1217 = arith.addf %mul3A_1205, %mul3A_1207 : vector<16xf32>
        %add3A_1218 = arith.addf %mul3A_1209, %mul3A_1211 : vector<16xf32>
        %add3A_1219 = arith.addf %mul3A_1213, %mul3A_1215 : vector<16xf32>
        %add3A_1220 = arith.addf %add3A_1216, %add3A_1217 : vector<16xf32>
        %add3A_1221 = arith.addf %add3A_1218, %add3A_1219 : vector<16xf32>
        %add3A_1222 = arith.addf %add3A_1220, %add3A_1221 : vector<16xf32>
        %swap3A_1223 = arith.index_cast %scan3A_855 : i32 to index
        %swap3A_1224 = arith.constant 48 : index
        %swap3A_1225 = tpu.vector_load %arg16[%swap3A_1223, %swap3A_1224] {strides = array<i32>} : memref<16x128xf32, #tpu.memory_space<vmem>>, vector<1x16xf32>,
        %swap3A_1226 = vector.shape_cast %swap3A_1225 : vector<1x16xf32> to vector<16xf32>
        %swap3A_1227 = vector.shape_cast %add3A_1222 : vector<16xf32> to vector<1x16xf32>
        tpu.vector_store %arg16[%swap3A_1223, %swap3A_1224], %swap3A_1227 {strides = array<i32>} : memref<16x128xf32, #tpu.memory_space<vmem>>, vector<1x16xf32>,
        %get3A_1228 = arith.constant 0 : i32
        %get3A_1229 = arith.index_cast %scan3A_855 : i32 to index
        %get3A_1230 = arith.index_cast %get3A_1228 : i32 to index
        %get3A_1231 = arith.constant 80 : index
        %get3A_1232 = tpu.vector_load %arg8[%get3A_1229, %get3A_1230, %get3A_1231] {strides = array<i32>} : memref<16x8x128xf32, #tpu.memory_space<vmem>>, vector<1x1x16xf32>,
        %get3A_1233 = vector.shape_cast %get3A_1232 : vector<1x1x16xf32> to vector<16xf32>
        %get3A_1234 = arith.constant 1 : i32
        %get3A_1235 = arith.index_cast %scan3A_855 : i32 to index
        %get3A_1236 = arith.index_cast %get3A_1234 : i32 to index
        %get3A_1237 = arith.constant 80 : index
        %get3A_1238 = tpu.vector_load %arg8[%get3A_1235, %get3A_1236, %get3A_1237] {strides = array<i32>} : memref<16x8x128xf32, #tpu.memory_space<vmem>>, vector<1x1x16xf32>,
        %get3A_1239 = vector.shape_cast %get3A_1238 : vector<1x1x16xf32> to vector<16xf32>
        %get3A_1240 = arith.constant 2 : i32
        %get3A_1241 = arith.index_cast %scan3A_855 : i32 to index
        %get3A_1242 = arith.index_cast %get3A_1240 : i32 to index
        %get3A_1243 = arith.constant 80 : index
        %get3A_1244 = tpu.vector_load %arg8[%get3A_1241, %get3A_1242, %get3A_1243] {strides = array<i32>} : memref<16x8x128xf32, #tpu.memory_space<vmem>>, vector<1x1x16xf32>,
        %get3A_1245 = vector.shape_cast %get3A_1244 : vector<1x1x16xf32> to vector<16xf32>
        %get3A_1246 = arith.constant 3 : i32
        %get3A_1247 = arith.index_cast %scan3A_855 : i32 to index
        %get3A_1248 = arith.index_cast %get3A_1246 : i32 to index
        %get3A_1249 = arith.constant 80 : index
        %get3A_1250 = tpu.vector_load %arg8[%get3A_1247, %get3A_1248, %get3A_1249] {strides = array<i32>} : memref<16x8x128xf32, #tpu.memory_space<vmem>>, vector<1x1x16xf32>,
        %get3A_1251 = vector.shape_cast %get3A_1250 : vector<1x1x16xf32> to vector<16xf32>
        %get3A_1252 = arith.constant 4 : i32
        %get3A_1253 = arith.index_cast %scan3A_855 : i32 to index
        %get3A_1254 = arith.index_cast %get3A_1252 : i32 to index
        %get3A_1255 = arith.constant 80 : index
        %get3A_1256 = tpu.vector_load %arg8[%get3A_1253, %get3A_1254, %get3A_1255] {strides = array<i32>} : memref<16x8x128xf32, #tpu.memory_space<vmem>>, vector<1x1x16xf32>,
        %get3A_1257 = vector.shape_cast %get3A_1256 : vector<1x1x16xf32> to vector<16xf32>
        %get3A_1258 = arith.constant 5 : i32
        %get3A_1259 = arith.index_cast %scan3A_855 : i32 to index
        %get3A_1260 = arith.index_cast %get3A_1258 : i32 to index
        %get3A_1261 = arith.constant 80 : index
        %get3A_1262 = tpu.vector_load %arg8[%get3A_1259, %get3A_1260, %get3A_1261] {strides = array<i32>} : memref<16x8x128xf32, #tpu.memory_space<vmem>>, vector<1x1x16xf32>,
        %get3A_1263 = vector.shape_cast %get3A_1262 : vector<1x1x16xf32> to vector<16xf32>
        %get3A_1264 = arith.constant 6 : i32
        %get3A_1265 = arith.index_cast %scan3A_855 : i32 to index
        %get3A_1266 = arith.index_cast %get3A_1264 : i32 to index
        %get3A_1267 = arith.constant 80 : index
        %get3A_1268 = tpu.vector_load %arg8[%get3A_1265, %get3A_1266, %get3A_1267] {strides = array<i32>} : memref<16x8x128xf32, #tpu.memory_space<vmem>>, vector<1x1x16xf32>,
        %get3A_1269 = vector.shape_cast %get3A_1268 : vector<1x1x16xf32> to vector<16xf32>
        %get3A_1270 = arith.constant 7 : i32
        %get3A_1271 = arith.index_cast %scan3A_855 : i32 to index
        %get3A_1272 = arith.index_cast %get3A_1270 : i32 to index
        %get3A_1273 = arith.constant 80 : index
        %get3A_1274 = tpu.vector_load %arg8[%get3A_1271, %get3A_1272, %get3A_1273] {strides = array<i32>} : memref<16x8x128xf32, #tpu.memory_space<vmem>>, vector<1x1x16xf32>,
        %get3A_1275 = vector.shape_cast %get3A_1274 : vector<1x1x16xf32> to vector<16xf32>
        %mul3A_1276 = vector.broadcast %squeeze3A_861 : f32 to vector<16xf32>
        %mul3A_1277 = arith.mulf %get3A_1157, %mul3A_1276 : vector<16xf32>
        %mul3A_1278 = vector.broadcast %squeeze3A_863 : f32 to vector<16xf32>
        %mul3A_1279 = arith.mulf %get3A_1163, %mul3A_1278 : vector<16xf32>
        %mul3A_1280 = vector.broadcast %squeeze3A_865 : f32 to vector<16xf32>
        %mul3A_1281 = arith.mulf %get3A_1169, %mul3A_1280 : vector<16xf32>
        %mul3A_1282 = vector.broadcast %squeeze3A_867 : f32 to vector<16xf32>
        %mul3A_1283 = arith.mulf %get3A_1175, %mul3A_1282 : vector<16xf32>
        %mul3A_1284 = vector.broadcast %squeeze3A_869 : f32 to vector<16xf32>
        %mul3A_1285 = arith.mulf %get3A_1181, %mul3A_1284 : vector<16xf32>
        %mul3A_1286 = vector.broadcast %squeeze3A_871 : f32 to vector<16xf32>
        %mul3A_1287 = arith.mulf %get3A_1187, %mul3A_1286 : vector<16xf32>
        %mul3A_1288 = vector.broadcast %squeeze3A_873 : f32 to vector<16xf32>
        %mul3A_1289 = arith.mulf %get3A_1193, %mul3A_1288 : vector<16xf32>
        %mul3A_1290 = vector.broadcast %squeeze3A_875 : f32 to vector<16xf32>
        %mul3A_1291 = arith.mulf %get3A_1199, %mul3A_1290 : vector<16xf32>
        %add3A_1292 = arith.addf %mul3A_1277, %mul3A_1279 : vector<16xf32>
        %add3A_1293 = arith.addf %mul3A_1281, %mul3A_1283 : vector<16xf32>
        %add3A_1294 = arith.addf %mul3A_1285, %mul3A_1287 : vector<16xf32>
        %add3A_1295 = arith.addf %mul3A_1289, %mul3A_1291 : vector<16xf32>
        %add3A_1296 = arith.addf %add3A_1292, %add3A_1293 : vector<16xf32>
        %add3A_1297 = arith.addf %add3A_1294, %add3A_1295 : vector<16xf32>
        %add3A_1298 = arith.addf %add3A_1296, %add3A_1297 : vector<16xf32>
        %swap3A_1299 = arith.index_cast %scan3A_855 : i32 to index
        %swap3A_1300 = arith.constant 64 : index
        %swap3A_1301 = tpu.vector_load %arg16[%swap3A_1299, %swap3A_1300] {strides = array<i32>} : memref<16x128xf32, #tpu.memory_space<vmem>>, vector<1x16xf32>,
        %swap3A_1302 = vector.shape_cast %swap3A_1301 : vector<1x16xf32> to vector<16xf32>
        %swap3A_1303 = vector.shape_cast %add3A_1298 : vector<16xf32> to vector<1x16xf32>
        tpu.vector_store %arg16[%swap3A_1299, %swap3A_1300], %swap3A_1303 {strides = array<i32>} : memref<16x128xf32, #tpu.memory_space<vmem>>, vector<1x16xf32>,
        %get3A_1304 = arith.constant 0 : i32
        %get3A_1305 = arith.index_cast %scan3A_855 : i32 to index
        %get3A_1306 = arith.index_cast %get3A_1304 : i32 to index
        %get3A_1307 = arith.constant 96 : index
        %get3A_1308 = tpu.vector_load %arg8[%get3A_1305, %get3A_1306, %get3A_1307] {strides = array<i32>} : memref<16x8x128xf32, #tpu.memory_space<vmem>>, vector<1x1x16xf32>,
        %get3A_1309 = vector.shape_cast %get3A_1308 : vector<1x1x16xf32> to vector<16xf32>
        %get3A_1310 = arith.constant 1 : i32
        %get3A_1311 = arith.index_cast %scan3A_855 : i32 to index
        %get3A_1312 = arith.index_cast %get3A_1310 : i32 to index
        %get3A_1313 = arith.constant 96 : index
        %get3A_1314 = tpu.vector_load %arg8[%get3A_1311, %get3A_1312, %get3A_1313] {strides = array<i32>} : memref<16x8x128xf32, #tpu.memory_space<vmem>>, vector<1x1x16xf32>,
        %get3A_1315 = vector.shape_cast %get3A_1314 : vector<1x1x16xf32> to vector<16xf32>
        %get3A_1316 = arith.constant 2 : i32
        %get3A_1317 = arith.index_cast %scan3A_855 : i32 to index
        %get3A_1318 = arith.index_cast %get3A_1316 : i32 to index
        %get3A_1319 = arith.constant 96 : index
        %get3A_1320 = tpu.vector_load %arg8[%get3A_1317, %get3A_1318, %get3A_1319] {strides = array<i32>} : memref<16x8x128xf32, #tpu.memory_space<vmem>>, vector<1x1x16xf32>,
        %get3A_1321 = vector.shape_cast %get3A_1320 : vector<1x1x16xf32> to vector<16xf32>
        %get3A_1322 = arith.constant 3 : i32
        %get3A_1323 = arith.index_cast %scan3A_855 : i32 to index
        %get3A_1324 = arith.index_cast %get3A_1322 : i32 to index
        %get3A_1325 = arith.constant 96 : index
        %get3A_1326 = tpu.vector_load %arg8[%get3A_1323, %get3A_1324, %get3A_1325] {strides = array<i32>} : memref<16x8x128xf32, #tpu.memory_space<vmem>>, vector<1x1x16xf32>,
        %get3A_1327 = vector.shape_cast %get3A_1326 : vector<1x1x16xf32> to vector<16xf32>
        %get3A_1328 = arith.constant 4 : i32
        %get3A_1329 = arith.index_cast %scan3A_855 : i32 to index
        %get3A_1330 = arith.index_cast %get3A_1328 : i32 to index
        %get3A_1331 = arith.constant 96 : index
        %get3A_1332 = tpu.vector_load %arg8[%get3A_1329, %get3A_1330, %get3A_1331] {strides = array<i32>} : memref<16x8x128xf32, #tpu.memory_space<vmem>>, vector<1x1x16xf32>,
        %get3A_1333 = vector.shape_cast %get3A_1332 : vector<1x1x16xf32> to vector<16xf32>
        %get3A_1334 = arith.constant 5 : i32
        %get3A_1335 = arith.index_cast %scan3A_855 : i32 to index
        %get3A_1336 = arith.index_cast %get3A_1334 : i32 to index
        %get3A_1337 = arith.constant 96 : index
        %get3A_1338 = tpu.vector_load %arg8[%get3A_1335, %get3A_1336, %get3A_1337] {strides = array<i32>} : memref<16x8x128xf32, #tpu.memory_space<vmem>>, vector<1x1x16xf32>,
        %get3A_1339 = vector.shape_cast %get3A_1338 : vector<1x1x16xf32> to vector<16xf32>
        %get3A_1340 = arith.constant 6 : i32
        %get3A_1341 = arith.index_cast %scan3A_855 : i32 to index
        %get3A_1342 = arith.index_cast %get3A_1340 : i32 to index
        %get3A_1343 = arith.constant 96 : index
        %get3A_1344 = tpu.vector_load %arg8[%get3A_1341, %get3A_1342, %get3A_1343] {strides = array<i32>} : memref<16x8x128xf32, #tpu.memory_space<vmem>>, vector<1x1x16xf32>,
        %get3A_1345 = vector.shape_cast %get3A_1344 : vector<1x1x16xf32> to vector<16xf32>
        %get3A_1346 = arith.constant 7 : i32
        %get3A_1347 = arith.index_cast %scan3A_855 : i32 to index
        %get3A_1348 = arith.index_cast %get3A_1346 : i32 to index
        %get3A_1349 = arith.constant 96 : index
        %get3A_1350 = tpu.vector_load %arg8[%get3A_1347, %get3A_1348, %get3A_1349] {strides = array<i32>} : memref<16x8x128xf32, #tpu.memory_space<vmem>>, vector<1x1x16xf32>,
        %get3A_1351 = vector.shape_cast %get3A_1350 : vector<1x1x16xf32> to vector<16xf32>
        %mul3A_1352 = vector.broadcast %squeeze3A_861 : f32 to vector<16xf32>
        %mul3A_1353 = arith.mulf %get3A_1233, %mul3A_1352 : vector<16xf32>
        %mul3A_1354 = vector.broadcast %squeeze3A_863 : f32 to vector<16xf32>
        %mul3A_1355 = arith.mulf %get3A_1239, %mul3A_1354 : vector<16xf32>
        %mul3A_1356 = vector.broadcast %squeeze3A_865 : f32 to vector<16xf32>
        %mul3A_1357 = arith.mulf %get3A_1245, %mul3A_1356 : vector<16xf32>
        %mul3A_1358 = vector.broadcast %squeeze3A_867 : f32 to vector<16xf32>
        %mul3A_1359 = arith.mulf %get3A_1251, %mul3A_1358 : vector<16xf32>
        %mul3A_1360 = vector.broadcast %squeeze3A_869 : f32 to vector<16xf32>
        %mul3A_1361 = arith.mulf %get3A_1257, %mul3A_1360 : vector<16xf32>
        %mul3A_1362 = vector.broadcast %squeeze3A_871 : f32 to vector<16xf32>
        %mul3A_1363 = arith.mulf %get3A_1263, %mul3A_1362 : vector<16xf32>
        %mul3A_1364 = vector.broadcast %squeeze3A_873 : f32 to vector<16xf32>
        %mul3A_1365 = arith.mulf %get3A_1269, %mul3A_1364 : vector<16xf32>
        %mul3A_1366 = vector.broadcast %squeeze3A_875 : f32 to vector<16xf32>
        %mul3A_1367 = arith.mulf %get3A_1275, %mul3A_1366 : vector<16xf32>
        %add3A_1368 = arith.addf %mul3A_1353, %mul3A_1355 : vector<16xf32>
        %add3A_1369 = arith.addf %mul3A_1357, %mul3A_1359 : vector<16xf32>
        %add3A_1370 = arith.addf %mul3A_1361, %mul3A_1363 : vector<16xf32>
        %add3A_1371 = arith.addf %mul3A_1365, %mul3A_1367 : vector<16xf32>
        %add3A_1372 = arith.addf %add3A_1368, %add3A_1369 : vector<16xf32>
        %add3A_1373 = arith.addf %add3A_1370, %add3A_1371 : vector<16xf32>
        %add3A_1374 = arith.addf %add3A_1372, %add3A_1373 : vector<16xf32>
        %swap3A_1375 = arith.index_cast %scan3A_855 : i32 to index
        %swap3A_1376 = arith.constant 80 : index
        %swap3A_1377 = tpu.vector_load %arg16[%swap3A_1375, %swap3A_1376] {strides = array<i32>} : memref<16x128xf32, #tpu.memory_space<vmem>>, vector<1x16xf32>,
        %swap3A_1378 = vector.shape_cast %swap3A_1377 : vector<1x16xf32> to vector<16xf32>
        %swap3A_1379 = vector.shape_cast %add3A_1374 : vector<16xf32> to vector<1x16xf32>
        tpu.vector_store %arg16[%swap3A_1375, %swap3A_1376], %swap3A_1379 {strides = array<i32>} : memref<16x128xf32, #tpu.memory_space<vmem>>, vector<1x16xf32>,
        %get3A_1380 = arith.constant 0 : i32
        %get3A_1381 = arith.index_cast %scan3A_855 : i32 to index
        %get3A_1382 = arith.index_cast %get3A_1380 : i32 to index
        %get3A_1383 = arith.constant 112 : index
        %get3A_1384 = tpu.vector_load %arg8[%get3A_1381, %get3A_1382, %get3A_1383] {strides = array<i32>} : memref<16x8x128xf32, #tpu.memory_space<vmem>>, vector<1x1x16xf32>,
        %get3A_1385 = vector.shape_cast %get3A_1384 : vector<1x1x16xf32> to vector<16xf32>
        %get3A_1386 = arith.constant 1 : i32
        %get3A_1387 = arith.index_cast %scan3A_855 : i32 to index
        %get3A_1388 = arith.index_cast %get3A_1386 : i32 to index
        %get3A_1389 = arith.constant 112 : index
        %get3A_1390 = tpu.vector_load %arg8[%get3A_1387, %get3A_1388, %get3A_1389] {strides = array<i32>} : memref<16x8x128xf32, #tpu.memory_space<vmem>>, vector<1x1x16xf32>,
        %get3A_1391 = vector.shape_cast %get3A_1390 : vector<1x1x16xf32> to vector<16xf32>
        %get3A_1392 = arith.constant 2 : i32
        %get3A_1393 = arith.index_cast %scan3A_855 : i32 to index
        %get3A_1394 = arith.index_cast %get3A_1392 : i32 to index
        %get3A_1395 = arith.constant 112 : index
        %get3A_1396 = tpu.vector_load %arg8[%get3A_1393, %get3A_1394, %get3A_1395] {strides = array<i32>} : memref<16x8x128xf32, #tpu.memory_space<vmem>>, vector<1x1x16xf32>,
        %get3A_1397 = vector.shape_cast %get3A_1396 : vector<1x1x16xf32> to vector<16xf32>
        %get3A_1398 = arith.constant 3 : i32
        %get3A_1399 = arith.index_cast %scan3A_855 : i32 to index
        %get3A_1400 = arith.index_cast %get3A_1398 : i32 to index
        %get3A_1401 = arith.constant 112 : index
        %get3A_1402 = tpu.vector_load %arg8[%get3A_1399, %get3A_1400, %get3A_1401] {strides = array<i32>} : memref<16x8x128xf32, #tpu.memory_space<vmem>>, vector<1x1x16xf32>,
        %get3A_1403 = vector.shape_cast %get3A_1402 : vector<1x1x16xf32> to vector<16xf32>
        %get3A_1404 = arith.constant 4 : i32
        %get3A_1405 = arith.index_cast %scan3A_855 : i32 to index
        %get3A_1406 = arith.index_cast %get3A_1404 : i32 to index
        %get3A_1407 = arith.constant 112 : index
        %get3A_1408 = tpu.vector_load %arg8[%get3A_1405, %get3A_1406, %get3A_1407] {strides = array<i32>} : memref<16x8x128xf32, #tpu.memory_space<vmem>>, vector<1x1x16xf32>,
        %get3A_1409 = vector.shape_cast %get3A_1408 : vector<1x1x16xf32> to vector<16xf32>
        %get3A_1410 = arith.constant 5 : i32
        %get3A_1411 = arith.index_cast %scan3A_855 : i32 to index
        %get3A_1412 = arith.index_cast %get3A_1410 : i32 to index
        %get3A_1413 = arith.constant 112 : index
        %get3A_1414 = tpu.vector_load %arg8[%get3A_1411, %get3A_1412, %get3A_1413] {strides = array<i32>} : memref<16x8x128xf32, #tpu.memory_space<vmem>>, vector<1x1x16xf32>,
        %get3A_1415 = vector.shape_cast %get3A_1414 : vector<1x1x16xf32> to vector<16xf32>
        %get3A_1416 = arith.constant 6 : i32
        %get3A_1417 = arith.index_cast %scan3A_855 : i32 to index
        %get3A_1418 = arith.index_cast %get3A_1416 : i32 to index
        %get3A_1419 = arith.constant 112 : index
        %get3A_1420 = tpu.vector_load %arg8[%get3A_1417, %get3A_1418, %get3A_1419] {strides = array<i32>} : memref<16x8x128xf32, #tpu.memory_space<vmem>>, vector<1x1x16xf32>,
        %get3A_1421 = vector.shape_cast %get3A_1420 : vector<1x1x16xf32> to vector<16xf32>
        %get3A_1422 = arith.constant 7 : i32
        %get3A_1423 = arith.index_cast %scan3A_855 : i32 to index
        %get3A_1424 = arith.index_cast %get3A_1422 : i32 to index
        %get3A_1425 = arith.constant 112 : index
        %get3A_1426 = tpu.vector_load %arg8[%get3A_1423, %get3A_1424, %get3A_1425] {strides = array<i32>} : memref<16x8x128xf32, #tpu.memory_space<vmem>>, vector<1x1x16xf32>,
        %get3A_1427 = vector.shape_cast %get3A_1426 : vector<1x1x16xf32> to vector<16xf32>
        %mul3A_1428 = vector.broadcast %squeeze3A_861 : f32 to vector<16xf32>
        %mul3A_1429 = arith.mulf %get3A_1309, %mul3A_1428 : vector<16xf32>
        %mul3A_1430 = vector.broadcast %squeeze3A_863 : f32 to vector<16xf32>
        %mul3A_1431 = arith.mulf %get3A_1315, %mul3A_1430 : vector<16xf32>
        %mul3A_1432 = vector.broadcast %squeeze3A_865 : f32 to vector<16xf32>
        %mul3A_1433 = arith.mulf %get3A_1321, %mul3A_1432 : vector<16xf32>
        %mul3A_1434 = vector.broadcast %squeeze3A_867 : f32 to vector<16xf32>
        %mul3A_1435 = arith.mulf %get3A_1327, %mul3A_1434 : vector<16xf32>
        %mul3A_1436 = vector.broadcast %squeeze3A_869 : f32 to vector<16xf32>
        %mul3A_1437 = arith.mulf %get3A_1333, %mul3A_1436 : vector<16xf32>
        %mul3A_1438 = vector.broadcast %squeeze3A_871 : f32 to vector<16xf32>
        %mul3A_1439 = arith.mulf %get3A_1339, %mul3A_1438 : vector<16xf32>
        %mul3A_1440 = vector.broadcast %squeeze3A_873 : f32 to vector<16xf32>
        %mul3A_1441 = arith.mulf %get3A_1345, %mul3A_1440 : vector<16xf32>
        %mul3A_1442 = vector.broadcast %squeeze3A_875 : f32 to vector<16xf32>
        %mul3A_1443 = arith.mulf %get3A_1351, %mul3A_1442 : vector<16xf32>
        %add3A_1444 = arith.addf %mul3A_1429, %mul3A_1431 : vector<16xf32>
        %add3A_1445 = arith.addf %mul3A_1433, %mul3A_1435 : vector<16xf32>
        %add3A_1446 = arith.addf %mul3A_1437, %mul3A_1439 : vector<16xf32>
        %add3A_1447 = arith.addf %mul3A_1441, %mul3A_1443 : vector<16xf32>
        %add3A_1448 = arith.addf %add3A_1444, %add3A_1445 : vector<16xf32>
        %add3A_1449 = arith.addf %add3A_1446, %add3A_1447 : vector<16xf32>
        %add3A_1450 = arith.addf %add3A_1448, %add3A_1449 : vector<16xf32>
        %swap3A_1451 = arith.index_cast %scan3A_855 : i32 to index
        %swap3A_1452 = arith.constant 96 : index
        %swap3A_1453 = tpu.vector_load %arg16[%swap3A_1451, %swap3A_1452] {strides = array<i32>} : memref<16x128xf32, #tpu.memory_space<vmem>>, vector<1x16xf32>,
        %swap3A_1454 = vector.shape_cast %swap3A_1453 : vector<1x16xf32> to vector<16xf32>
        %swap3A_1455 = vector.shape_cast %add3A_1450 : vector<16xf32> to vector<1x16xf32>
        tpu.vector_store %arg16[%swap3A_1451, %swap3A_1452], %swap3A_1455 {strides = array<i32>} : memref<16x128xf32, #tpu.memory_space<vmem>>, vector<1x16xf32>,
        %mul3A_1456 = vector.broadcast %squeeze3A_861 : f32 to vector<16xf32>
        %mul3A_1457 = arith.mulf %get3A_1385, %mul3A_1456 : vector<16xf32>
        %mul3A_1458 = vector.broadcast %squeeze3A_863 : f32 to vector<16xf32>
        %mul3A_1459 = arith.mulf %get3A_1391, %mul3A_1458 : vector<16xf32>
        %mul3A_1460 = vector.broadcast %squeeze3A_865 : f32 to vector<16xf32>
        %mul3A_1461 = arith.mulf %get3A_1397, %mul3A_1460 : vector<16xf32>
        %mul3A_1462 = vector.broadcast %squeeze3A_867 : f32 to vector<16xf32>
        %mul3A_1463 = arith.mulf %get3A_1403, %mul3A_1462 : vector<16xf32>
        %mul3A_1464 = vector.broadcast %squeeze3A_869 : f32 to vector<16xf32>
        %mul3A_1465 = arith.mulf %get3A_1409, %mul3A_1464 : vector<16xf32>
        %mul3A_1466 = vector.broadcast %squeeze3A_871 : f32 to vector<16xf32>
        %mul3A_1467 = arith.mulf %get3A_1415, %mul3A_1466 : vector<16xf32>
        %mul3A_1468 = vector.broadcast %squeeze3A_873 : f32 to vector<16xf32>
        %mul3A_1469 = arith.mulf %get3A_1421, %mul3A_1468 : vector<16xf32>
        %mul3A_1470 = vector.broadcast %squeeze3A_875 : f32 to vector<16xf32>
        %mul3A_1471 = arith.mulf %get3A_1427, %mul3A_1470 : vector<16xf32>
        %add3A_1472 = arith.addf %mul3A_1457, %mul3A_1459 : vector<16xf32>
        %add3A_1473 = arith.addf %mul3A_1461, %mul3A_1463 : vector<16xf32>
        %add3A_1474 = arith.addf %mul3A_1465, %mul3A_1467 : vector<16xf32>
        %add3A_1475 = arith.addf %mul3A_1469, %mul3A_1471 : vector<16xf32>
        %add3A_1476 = arith.addf %add3A_1472, %add3A_1473 : vector<16xf32>
        %add3A_1477 = arith.addf %add3A_1474, %add3A_1475 : vector<16xf32>
        %add3A_1478 = arith.addf %add3A_1476, %add3A_1477 : vector<16xf32>
        %swap3A_1479 = arith.index_cast %scan3A_855 : i32 to index
        %swap3A_1480 = arith.constant 112 : index
        %swap3A_1481 = tpu.vector_load %arg16[%swap3A_1479, %swap3A_1480] {strides = array<i32>} : memref<16x128xf32, #tpu.memory_space<vmem>>, vector<1x16xf32>,
        %swap3A_1482 = vector.shape_cast %swap3A_1481 : vector<1x16xf32> to vector<16xf32>
        %swap3A_1483 = vector.shape_cast %add3A_1478 : vector<16xf32> to vector<1x16xf32>
        tpu.vector_store %arg16[%swap3A_1479, %swap3A_1480], %swap3A_1483 {strides = array<i32>} : memref<16x128xf32, #tpu.memory_space<vmem>>, vector<1x16xf32>,
      }
      %scan3A_132 = arith.constant 16 : i32
      %mul3A_133 = arith.constant 16 : i32
      %mul3A_134 = arith.muli %add3A_107, %mul3A_133 : i32
      %add3A_135 = arith.addi %mul3A_2, %mul3A_134 : i32
      %dma_start3A_136 = arith.constant 0 : i32
      %dma_start3A_137 = tpu.memref_slice %arg5[%add3A_135, %dma_start3A_136] : memref<16384x128xf32, #tpu.memory_space<hbm>> -> memref<16x128xf32, #tpu.memory_space<hbm>>
      %dma_start3A_138 = arith.constant 0 : i32
      %dma_start3A_139 = tpu.memref_slice %arg5[%add3A_135, %dma_start3A_138] : memref<16384x128xf32, #tpu.memory_space<hbm>> -> memref<16x128xf32, #tpu.memory_space<hbm>>
      tpu.enqueue_dma source(%arg16 : memref<16x128xf32, #tpu.memory_space<vmem>>) target(%dma_start3A_139 : memref<16x128xf32, #tpu.memory_space<hbm>>) target_semaphore(%arg26 : memref<!tpu.dma_semaphore, #tpu.memory_space<semaphore_mem>>)
      %add3A_140 = arith.constant 4 : i32
      %add3A_141 = arith.addi %add3A_107, %add3A_140 : i32
      %lt3A_142 = arith.constant 32 : i32
      %lt3A_143 = arith.cmpi slt, %add3A_141, %lt3A_142 : i32
      %convert_element_type3A_144 = arith.extui %lt3A_143 : i1 to i32
      %cond3A_145 = arith.constant 0 : i32
      %cond3A_146 = arith.cmpi ne, %convert_element_type3A_144, %cond3A_145 : i32
      scf.if %cond3A_146 {
        %add3A_229 = arith.constant 4 : i32
        %add3A_230 = arith.addi %add3A_107, %add3A_229 : i32
        %mul3A_231 = arith.constant 16 : i32
        %mul3A_232 = arith.muli %add3A_230, %mul3A_231 : i32
        %dma_start3A_233 = tpu.memref_slice %arg6[%mul3A_232] : memref<512xi32, #tpu.memory_space<vmem>> -> memref<16xi32, #tpu.memory_space<vmem>>
        %dma_start3A_234 = arith.constant 0 : i32
        %dma_start3A_235 = arith.constant 0 : i32
        %dma_start3A_236 = arith.constant 0 : i32
        %dma_start3A_237 = tpu.memref_slice %arg4[%dma_start3A_234, %dma_start3A_235, %dma_start3A_236] : memref<100000x8x128xf32, #tpu.memory_space<hbm>> -> memref<100000x8x128xf32, #tpu.memory_space<hbm>>
        tpu.enqueue_indirect_dma source(%dma_start3A_237 : memref<100000x8x128xf32, #tpu.memory_space<hbm>>) target(%arg8 : memref<16x8x128xf32, #tpu.memory_space<vmem>>) offsets(%dma_start3A_233 : memref<16xi32, #tpu.memory_space<vmem>>) semaphore(%arg18 : memref<!tpu.dma_semaphore, #tpu.memory_space<semaphore_mem>>)
        %mul3A_238 = arith.constant 16 : i32
        %mul3A_239 = arith.muli %add3A_230, %mul3A_238 : i32
        %add3A_240 = arith.addi %mul3A_2, %mul3A_239 : i32
        %dma_start3A_241 = arith.constant 0 : i32
        %dma_start3A_242 = tpu.memref_slice %arg3[%add3A_240, %dma_start3A_241] : memref<16384x16xf32, #tpu.memory_space<hbm>> -> memref<16x16xf32, #tpu.memory_space<hbm>>
        %dma_start3A_243 = arith.constant 0 : i32
        %dma_start3A_244 = tpu.memref_slice %arg3[%add3A_240, %dma_start3A_243] : memref<16384x16xf32, #tpu.memory_space<hbm>> -> memref<16x16xf32, #tpu.memory_space<hbm>>
        tpu.enqueue_dma source(%dma_start3A_244 : memref<16x16xf32, #tpu.memory_space<hbm>>) target(%arg12 : memref<16x16xf32, #tpu.memory_space<vmem>>) target_semaphore(%arg22 : memref<!tpu.dma_semaphore, #tpu.memory_space<semaphore_mem>>)
      } else {
      }
      %add3A_147 = arith.constant 2 : i32
      %add3A_148 = arith.addi %mul3A_68, %add3A_147 : i32
      %mul3A_149 = arith.constant 16 : i32
      %mul3A_150 = arith.muli %add3A_148, %mul3A_149 : i32
      %dma_wait3A_151 = tpu.memref_slice %arg6[%mul3A_150] : memref<512xi32, #tpu.memory_space<vmem>> -> memref<16xi32, #tpu.memory_space<vmem>>
      %dma_wait3A_152 = arith.constant 0 : i32
      %dma_wait3A_153 = arith.constant 0 : i32
      %dma_wait3A_154 = arith.constant 0 : i32
      %dma_wait3A_155 = tpu.memref_slice %arg4[%dma_wait3A_152, %dma_wait3A_153, %dma_wait3A_154] : memref<100000x8x128xf32, #tpu.memory_space<hbm>> -> memref<100000x8x128xf32, #tpu.memory_space<hbm>>
      tpu.wait_indirect_dma semaphore(%arg19 : memref<!tpu.dma_semaphore, #tpu.memory_space<semaphore_mem>>) src(%dma_wait3A_155 : memref<100000x8x128xf32, #tpu.memory_space<hbm>>) dst(%arg9 : memref<16x8x128xf32, #tpu.memory_space<vmem>>)
      %mul3A_156 = arith.constant 16 : i32
      %mul3A_157 = arith.muli %add3A_148, %mul3A_156 : i32
      %add3A_158 = arith.addi %mul3A_2, %mul3A_157 : i32
      %dma_wait3A_159 = arith.constant 0 : i32
      %dma_wait3A_160 = tpu.memref_slice %arg3[%add3A_158, %dma_wait3A_159] : memref<16384x16xf32, #tpu.memory_space<hbm>> -> memref<16x16xf32, #tpu.memory_space<hbm>>
      %dma_wait3A_161 = arith.constant 0 : i32
      %dma_wait3A_162 = tpu.memref_slice %arg3[%add3A_158, %dma_wait3A_161] : memref<16384x16xf32, #tpu.memory_space<hbm>> -> memref<16x16xf32, #tpu.memory_space<hbm>>
      tpu.wait_dma2 semaphore(%arg23 : memref<!tpu.dma_semaphore, #tpu.memory_space<semaphore_mem>>) src(%dma_wait3A_162 : memref<16x16xf32, #tpu.memory_space<hbm>>) dst(%arg13 : memref<16x16xf32, #tpu.memory_space<vmem>>)
      %ge3A_163 = arith.constant 2 : i32
      %ge3A_164 = arith.cmpi sge, %add3A_148, %ge3A_163 : i32
      %convert_element_type3A_165 = arith.extui %ge3A_164 : i1 to i32
      %cond3A_166 = arith.constant 0 : i32
      %cond3A_167 = arith.cmpi ne, %convert_element_type3A_165, %cond3A_166 : i32
      scf.if %cond3A_167 {
        %mul3A_229 = arith.constant 16 : i32
        %mul3A_230 = arith.muli %add3A_148, %mul3A_229 : i32
        %add3A_231 = arith.addi %mul3A_2, %mul3A_230 : i32
        %dma_wait3A_232 = arith.constant 0 : i32
        %dma_wait3A_233 = tpu.memref_slice %arg5[%add3A_231, %dma_wait3A_232] : memref<16384x128xf32, #tpu.memory_space<hbm>> -> memref<16x128xf32, #tpu.memory_space<hbm>>
        %dma_wait3A_234 = arith.constant 0 : i32
        %dma_wait3A_235 = tpu.memref_slice %arg5[%add3A_231, %dma_wait3A_234] : memref<16384x128xf32, #tpu.memory_space<hbm>> -> memref<16x128xf32, #tpu.memory_space<hbm>>
        tpu.wait_dma2 semaphore(%arg25 : memref<!tpu.dma_semaphore, #tpu.memory_space<semaphore_mem>>) src(%arg15 : memref<16x128xf32, #tpu.memory_space<vmem>>) dst(%dma_wait3A_235 : memref<16x128xf32, #tpu.memory_space<hbm>>)
      } else {
      }
      %scan3A_168 = arith.constant 0 : i32
      %scan3A_169 = arith.constant 0 : i32
      %scan3A_170 = arith.constant 16 : i32
      %scan3A_171 = arith.addi %scan3A_169, %scan3A_170 : i32
      %scan3A_172 = arith.constant 2 : i32
      scf.for %scan3A_229 = %scan3A_169 to %scan3A_171 step %scan3A_172  : i32 {
        %get3A = arith.index_cast %scan3A_229 : i32 to index
        %get3A_230 = arith.constant 0 : index
        %get3A_231 = tpu.vector_load %arg13[%get3A, %get3A_230] {strides = array<i32>} : memref<16x16xf32, #tpu.memory_space<vmem>>, vector<1x16xf32>,
        %get3A_232 = vector.shape_cast %get3A_231 : vector<1x16xf32> to vector<16xf32>
        %slice3A = vector.extract_strided_slice %get3A_232 {offsets = [0], sizes = [1], strides = [1]} : vector<16xf32> to vector<1xf32>
        %squeeze3A = vector.extract %slice3A[0] : f32 from vector<1xf32>
        %slice3A_233 = vector.extract_strided_slice %get3A_232 {offsets = [1], sizes = [1], strides = [1]} : vector<16xf32> to vector<1xf32>
        %squeeze3A_234 = vector.extract %slice3A_233[0] : f32 from vector<1xf32>
        %slice3A_235 = vector.extract_strided_slice %get3A_232 {offsets = [2], sizes = [1], strides = [1]} : vector<16xf32> to vector<1xf32>
        %squeeze3A_236 = vector.extract %slice3A_235[0] : f32 from vector<1xf32>
        %slice3A_237 = vector.extract_strided_slice %get3A_232 {offsets = [3], sizes = [1], strides = [1]} : vector<16xf32> to vector<1xf32>
        %squeeze3A_238 = vector.extract %slice3A_237[0] : f32 from vector<1xf32>
        %slice3A_239 = vector.extract_strided_slice %get3A_232 {offsets = [4], sizes = [1], strides = [1]} : vector<16xf32> to vector<1xf32>
        %squeeze3A_240 = vector.extract %slice3A_239[0] : f32 from vector<1xf32>
        %slice3A_241 = vector.extract_strided_slice %get3A_232 {offsets = [5], sizes = [1], strides = [1]} : vector<16xf32> to vector<1xf32>
        %squeeze3A_242 = vector.extract %slice3A_241[0] : f32 from vector<1xf32>
        %slice3A_243 = vector.extract_strided_slice %get3A_232 {offsets = [6], sizes = [1], strides = [1]} : vector<16xf32> to vector<1xf32>
        %squeeze3A_244 = vector.extract %slice3A_243[0] : f32 from vector<1xf32>
        %slice3A_245 = vector.extract_strided_slice %get3A_232 {offsets = [7], sizes = [1], strides = [1]} : vector<16xf32> to vector<1xf32>
        %squeeze3A_246 = vector.extract %slice3A_245[0] : f32 from vector<1xf32>
        %get3A_247 = arith.constant 0 : i32
        %get3A_248 = arith.index_cast %scan3A_229 : i32 to index
        %get3A_249 = arith.index_cast %get3A_247 : i32 to index
        %get3A_250 = arith.constant 0 : index
        %get3A_251 = tpu.vector_load %arg9[%get3A_248, %get3A_249, %get3A_250] {strides = array<i32>} : memref<16x8x128xf32, #tpu.memory_space<vmem>>, vector<1x1x16xf32>,
        %get3A_252 = vector.shape_cast %get3A_251 : vector<1x1x16xf32> to vector<16xf32>
        %get3A_253 = arith.constant 1 : i32
        %get3A_254 = arith.index_cast %scan3A_229 : i32 to index
        %get3A_255 = arith.index_cast %get3A_253 : i32 to index
        %get3A_256 = arith.constant 0 : index
        %get3A_257 = tpu.vector_load %arg9[%get3A_254, %get3A_255, %get3A_256] {strides = array<i32>} : memref<16x8x128xf32, #tpu.memory_space<vmem>>, vector<1x1x16xf32>,
        %get3A_258 = vector.shape_cast %get3A_257 : vector<1x1x16xf32> to vector<16xf32>
        %get3A_259 = arith.constant 2 : i32
        %get3A_260 = arith.index_cast %scan3A_229 : i32 to index
        %get3A_261 = arith.index_cast %get3A_259 : i32 to index
        %get3A_262 = arith.constant 0 : index
        %get3A_263 = tpu.vector_load %arg9[%get3A_260, %get3A_261, %get3A_262] {strides = array<i32>} : memref<16x8x128xf32, #tpu.memory_space<vmem>>, vector<1x1x16xf32>,
        %get3A_264 = vector.shape_cast %get3A_263 : vector<1x1x16xf32> to vector<16xf32>
        %get3A_265 = arith.constant 3 : i32
        %get3A_266 = arith.index_cast %scan3A_229 : i32 to index
        %get3A_267 = arith.index_cast %get3A_265 : i32 to index
        %get3A_268 = arith.constant 0 : index
        %get3A_269 = tpu.vector_load %arg9[%get3A_266, %get3A_267, %get3A_268] {strides = array<i32>} : memref<16x8x128xf32, #tpu.memory_space<vmem>>, vector<1x1x16xf32>,
        %get3A_270 = vector.shape_cast %get3A_269 : vector<1x1x16xf32> to vector<16xf32>
        %get3A_271 = arith.constant 4 : i32
        %get3A_272 = arith.index_cast %scan3A_229 : i32 to index
        %get3A_273 = arith.index_cast %get3A_271 : i32 to index
        %get3A_274 = arith.constant 0 : index
        %get3A_275 = tpu.vector_load %arg9[%get3A_272, %get3A_273, %get3A_274] {strides = array<i32>} : memref<16x8x128xf32, #tpu.memory_space<vmem>>, vector<1x1x16xf32>,
        %get3A_276 = vector.shape_cast %get3A_275 : vector<1x1x16xf32> to vector<16xf32>
        %get3A_277 = arith.constant 5 : i32
        %get3A_278 = arith.index_cast %scan3A_229 : i32 to index
        %get3A_279 = arith.index_cast %get3A_277 : i32 to index
        %get3A_280 = arith.constant 0 : index
        %get3A_281 = tpu.vector_load %arg9[%get3A_278, %get3A_279, %get3A_280] {strides = array<i32>} : memref<16x8x128xf32, #tpu.memory_space<vmem>>, vector<1x1x16xf32>,
        %get3A_282 = vector.shape_cast %get3A_281 : vector<1x1x16xf32> to vector<16xf32>
        %get3A_283 = arith.constant 6 : i32
        %get3A_284 = arith.index_cast %scan3A_229 : i32 to index
        %get3A_285 = arith.index_cast %get3A_283 : i32 to index
        %get3A_286 = arith.constant 0 : index
        %get3A_287 = tpu.vector_load %arg9[%get3A_284, %get3A_285, %get3A_286] {strides = array<i32>} : memref<16x8x128xf32, #tpu.memory_space<vmem>>, vector<1x1x16xf32>,
        %get3A_288 = vector.shape_cast %get3A_287 : vector<1x1x16xf32> to vector<16xf32>
        %get3A_289 = arith.constant 7 : i32
        %get3A_290 = arith.index_cast %scan3A_229 : i32 to index
        %get3A_291 = arith.index_cast %get3A_289 : i32 to index
        %get3A_292 = arith.constant 0 : index
        %get3A_293 = tpu.vector_load %arg9[%get3A_290, %get3A_291, %get3A_292] {strides = array<i32>} : memref<16x8x128xf32, #tpu.memory_space<vmem>>, vector<1x1x16xf32>,
        %get3A_294 = vector.shape_cast %get3A_293 : vector<1x1x16xf32> to vector<16xf32>
        %get3A_295 = arith.constant 0 : i32
        %get3A_296 = arith.index_cast %scan3A_229 : i32 to index
        %get3A_297 = arith.index_cast %get3A_295 : i32 to index
        %get3A_298 = arith.constant 16 : index
        %get3A_299 = tpu.vector_load %arg9[%get3A_296, %get3A_297, %get3A_298] {strides = array<i32>} : memref<16x8x128xf32, #tpu.memory_space<vmem>>, vector<1x1x16xf32>,
        %get3A_300 = vector.shape_cast %get3A_299 : vector<1x1x16xf32> to vector<16xf32>
        %get3A_301 = arith.constant 1 : i32
        %get3A_302 = arith.index_cast %scan3A_229 : i32 to index
        %get3A_303 = arith.index_cast %get3A_301 : i32 to index
        %get3A_304 = arith.constant 16 : index
        %get3A_305 = tpu.vector_load %arg9[%get3A_302, %get3A_303, %get3A_304] {strides = array<i32>} : memref<16x8x128xf32, #tpu.memory_space<vmem>>, vector<1x1x16xf32>,
        %get3A_306 = vector.shape_cast %get3A_305 : vector<1x1x16xf32> to vector<16xf32>
        %get3A_307 = arith.constant 2 : i32
        %get3A_308 = arith.index_cast %scan3A_229 : i32 to index
        %get3A_309 = arith.index_cast %get3A_307 : i32 to index
        %get3A_310 = arith.constant 16 : index
        %get3A_311 = tpu.vector_load %arg9[%get3A_308, %get3A_309, %get3A_310] {strides = array<i32>} : memref<16x8x128xf32, #tpu.memory_space<vmem>>, vector<1x1x16xf32>,
        %get3A_312 = vector.shape_cast %get3A_311 : vector<1x1x16xf32> to vector<16xf32>
        %get3A_313 = arith.constant 3 : i32
        %get3A_314 = arith.index_cast %scan3A_229 : i32 to index
        %get3A_315 = arith.index_cast %get3A_313 : i32 to index
        %get3A_316 = arith.constant 16 : index
        %get3A_317 = tpu.vector_load %arg9[%get3A_314, %get3A_315, %get3A_316] {strides = array<i32>} : memref<16x8x128xf32, #tpu.memory_space<vmem>>, vector<1x1x16xf32>,
        %get3A_318 = vector.shape_cast %get3A_317 : vector<1x1x16xf32> to vector<16xf32>
        %get3A_319 = arith.constant 4 : i32
        %get3A_320 = arith.index_cast %scan3A_229 : i32 to index
        %get3A_321 = arith.index_cast %get3A_319 : i32 to index
        %get3A_322 = arith.constant 16 : index
        %get3A_323 = tpu.vector_load %arg9[%get3A_320, %get3A_321, %get3A_322] {strides = array<i32>} : memref<16x8x128xf32, #tpu.memory_space<vmem>>, vector<1x1x16xf32>,
        %get3A_324 = vector.shape_cast %get3A_323 : vector<1x1x16xf32> to vector<16xf32>
        %get3A_325 = arith.constant 5 : i32
        %get3A_326 = arith.index_cast %scan3A_229 : i32 to index
        %get3A_327 = arith.index_cast %get3A_325 : i32 to index
        %get3A_328 = arith.constant 16 : index
        %get3A_329 = tpu.vector_load %arg9[%get3A_326, %get3A_327, %get3A_328] {strides = array<i32>} : memref<16x8x128xf32, #tpu.memory_space<vmem>>, vector<1x1x16xf32>,
        %get3A_330 = vector.shape_cast %get3A_329 : vector<1x1x16xf32> to vector<16xf32>
        %get3A_331 = arith.constant 6 : i32
        %get3A_332 = arith.index_cast %scan3A_229 : i32 to index
        %get3A_333 = arith.index_cast %get3A_331 : i32 to index
        %get3A_334 = arith.constant 16 : index
        %get3A_335 = tpu.vector_load %arg9[%get3A_332, %get3A_333, %get3A_334] {strides = array<i32>} : memref<16x8x128xf32, #tpu.memory_space<vmem>>, vector<1x1x16xf32>,
        %get3A_336 = vector.shape_cast %get3A_335 : vector<1x1x16xf32> to vector<16xf32>
        %get3A_337 = arith.constant 7 : i32
        %get3A_338 = arith.index_cast %scan3A_229 : i32 to index
        %get3A_339 = arith.index_cast %get3A_337 : i32 to index
        %get3A_340 = arith.constant 16 : index
        %get3A_341 = tpu.vector_load %arg9[%get3A_338, %get3A_339, %get3A_340] {strides = array<i32>} : memref<16x8x128xf32, #tpu.memory_space<vmem>>, vector<1x1x16xf32>,
        %get3A_342 = vector.shape_cast %get3A_341 : vector<1x1x16xf32> to vector<16xf32>
        %mul3A_343 = vector.broadcast %squeeze3A : f32 to vector<16xf32>
        %mul3A_344 = arith.mulf %get3A_252, %mul3A_343 : vector<16xf32>
        %mul3A_345 = vector.broadcast %squeeze3A_234 : f32 to vector<16xf32>
        %mul3A_346 = arith.mulf %get3A_258, %mul3A_345 : vector<16xf32>
        %mul3A_347 = vector.broadcast %squeeze3A_236 : f32 to vector<16xf32>
        %mul3A_348 = arith.mulf %get3A_264, %mul3A_347 : vector<16xf32>
        %mul3A_349 = vector.broadcast %squeeze3A_238 : f32 to vector<16xf32>
        %mul3A_350 = arith.mulf %get3A_270, %mul3A_349 : vector<16xf32>
        %mul3A_351 = vector.broadcast %squeeze3A_240 : f32 to vector<16xf32>
        %mul3A_352 = arith.mulf %get3A_276, %mul3A_351 : vector<16xf32>
        %mul3A_353 = vector.broadcast %squeeze3A_242 : f32 to vector<16xf32>
        %mul3A_354 = arith.mulf %get3A_282, %mul3A_353 : vector<16xf32>
        %mul3A_355 = vector.broadcast %squeeze3A_244 : f32 to vector<16xf32>
        %mul3A_356 = arith.mulf %get3A_288, %mul3A_355 : vector<16xf32>
        %mul3A_357 = vector.broadcast %squeeze3A_246 : f32 to vector<16xf32>
        %mul3A_358 = arith.mulf %get3A_294, %mul3A_357 : vector<16xf32>
        %add3A_359 = arith.addf %mul3A_344, %mul3A_346 : vector<16xf32>
        %add3A_360 = arith.addf %mul3A_348, %mul3A_350 : vector<16xf32>
        %add3A_361 = arith.addf %mul3A_352, %mul3A_354 : vector<16xf32>
        %add3A_362 = arith.addf %mul3A_356, %mul3A_358 : vector<16xf32>
        %add3A_363 = arith.addf %add3A_359, %add3A_360 : vector<16xf32>
        %add3A_364 = arith.addf %add3A_361, %add3A_362 : vector<16xf32>
        %add3A_365 = arith.addf %add3A_363, %add3A_364 : vector<16xf32>
        %swap3A = arith.index_cast %scan3A_229 : i32 to index
        %swap3A_366 = arith.constant 0 : index
        %swap3A_367 = tpu.vector_load %arg15[%swap3A, %swap3A_366] {strides = array<i32>} : memref<16x128xf32, #tpu.memory_space<vmem>>, vector<1x16xf32>,
        %swap3A_368 = vector.shape_cast %swap3A_367 : vector<1x16xf32> to vector<16xf32>
        %swap3A_369 = vector.shape_cast %add3A_365 : vector<16xf32> to vector<1x16xf32>
        tpu.vector_store %arg15[%swap3A, %swap3A_366], %swap3A_369 {strides = array<i32>} : memref<16x128xf32, #tpu.memory_space<vmem>>, vector<1x16xf32>,
        %get3A_370 = arith.constant 0 : i32
        %get3A_371 = arith.index_cast %scan3A_229 : i32 to index
        %get3A_372 = arith.index_cast %get3A_370 : i32 to index
        %get3A_373 = arith.constant 32 : index
        %get3A_374 = tpu.vector_load %arg9[%get3A_371, %get3A_372, %get3A_373] {strides = array<i32>} : memref<16x8x128xf32, #tpu.memory_space<vmem>>, vector<1x1x16xf32>,
        %get3A_375 = vector.shape_cast %get3A_374 : vector<1x1x16xf32> to vector<16xf32>
        %get3A_376 = arith.constant 1 : i32
        %get3A_377 = arith.index_cast %scan3A_229 : i32 to index
        %get3A_378 = arith.index_cast %get3A_376 : i32 to index
        %get3A_379 = arith.constant 32 : index
        %get3A_380 = tpu.vector_load %arg9[%get3A_377, %get3A_378, %get3A_379] {strides = array<i32>} : memref<16x8x128xf32, #tpu.memory_space<vmem>>, vector<1x1x16xf32>,
        %get3A_381 = vector.shape_cast %get3A_380 : vector<1x1x16xf32> to vector<16xf32>
        %get3A_382 = arith.constant 2 : i32
        %get3A_383 = arith.index_cast %scan3A_229 : i32 to index
        %get3A_384 = arith.index_cast %get3A_382 : i32 to index
        %get3A_385 = arith.constant 32 : index
        %get3A_386 = tpu.vector_load %arg9[%get3A_383, %get3A_384, %get3A_385] {strides = array<i32>} : memref<16x8x128xf32, #tpu.memory_space<vmem>>, vector<1x1x16xf32>,
        %get3A_387 = vector.shape_cast %get3A_386 : vector<1x1x16xf32> to vector<16xf32>
        %get3A_388 = arith.constant 3 : i32
        %get3A_389 = arith.index_cast %scan3A_229 : i32 to index
        %get3A_390 = arith.index_cast %get3A_388 : i32 to index
        %get3A_391 = arith.constant 32 : index
        %get3A_392 = tpu.vector_load %arg9[%get3A_389, %get3A_390, %get3A_391] {strides = array<i32>} : memref<16x8x128xf32, #tpu.memory_space<vmem>>, vector<1x1x16xf32>,
        %get3A_393 = vector.shape_cast %get3A_392 : vector<1x1x16xf32> to vector<16xf32>
        %get3A_394 = arith.constant 4 : i32
        %get3A_395 = arith.index_cast %scan3A_229 : i32 to index
        %get3A_396 = arith.index_cast %get3A_394 : i32 to index
        %get3A_397 = arith.constant 32 : index
        %get3A_398 = tpu.vector_load %arg9[%get3A_395, %get3A_396, %get3A_397] {strides = array<i32>} : memref<16x8x128xf32, #tpu.memory_space<vmem>>, vector<1x1x16xf32>,
        %get3A_399 = vector.shape_cast %get3A_398 : vector<1x1x16xf32> to vector<16xf32>
        %get3A_400 = arith.constant 5 : i32
        %get3A_401 = arith.index_cast %scan3A_229 : i32 to index
        %get3A_402 = arith.index_cast %get3A_400 : i32 to index
        %get3A_403 = arith.constant 32 : index
        %get3A_404 = tpu.vector_load %arg9[%get3A_401, %get3A_402, %get3A_403] {strides = array<i32>} : memref<16x8x128xf32, #tpu.memory_space<vmem>>, vector<1x1x16xf32>,
        %get3A_405 = vector.shape_cast %get3A_404 : vector<1x1x16xf32> to vector<16xf32>
        %get3A_406 = arith.constant 6 : i32
        %get3A_407 = arith.index_cast %scan3A_229 : i32 to index
        %get3A_408 = arith.index_cast %get3A_406 : i32 to index
        %get3A_409 = arith.constant 32 : index
        %get3A_410 = tpu.vector_load %arg9[%get3A_407, %get3A_408, %get3A_409] {strides = array<i32>} : memref<16x8x128xf32, #tpu.memory_space<vmem>>, vector<1x1x16xf32>,
        %get3A_411 = vector.shape_cast %get3A_410 : vector<1x1x16xf32> to vector<16xf32>
        %get3A_412 = arith.constant 7 : i32
        %get3A_413 = arith.index_cast %scan3A_229 : i32 to index
        %get3A_414 = arith.index_cast %get3A_412 : i32 to index
        %get3A_415 = arith.constant 32 : index
        %get3A_416 = tpu.vector_load %arg9[%get3A_413, %get3A_414, %get3A_415] {strides = array<i32>} : memref<16x8x128xf32, #tpu.memory_space<vmem>>, vector<1x1x16xf32>,
        %get3A_417 = vector.shape_cast %get3A_416 : vector<1x1x16xf32> to vector<16xf32>
        %mul3A_418 = vector.broadcast %squeeze3A : f32 to vector<16xf32>
        %mul3A_419 = arith.mulf %get3A_300, %mul3A_418 : vector<16xf32>
        %mul3A_420 = vector.broadcast %squeeze3A_234 : f32 to vector<16xf32>
        %mul3A_421 = arith.mulf %get3A_306, %mul3A_420 : vector<16xf32>
        %mul3A_422 = vector.broadcast %squeeze3A_236 : f32 to vector<16xf32>
        %mul3A_423 = arith.mulf %get3A_312, %mul3A_422 : vector<16xf32>
        %mul3A_424 = vector.broadcast %squeeze3A_238 : f32 to vector<16xf32>
        %mul3A_425 = arith.mulf %get3A_318, %mul3A_424 : vector<16xf32>
        %mul3A_426 = vector.broadcast %squeeze3A_240 : f32 to vector<16xf32>
        %mul3A_427 = arith.mulf %get3A_324, %mul3A_426 : vector<16xf32>
        %mul3A_428 = vector.broadcast %squeeze3A_242 : f32 to vector<16xf32>
        %mul3A_429 = arith.mulf %get3A_330, %mul3A_428 : vector<16xf32>
        %mul3A_430 = vector.broadcast %squeeze3A_244 : f32 to vector<16xf32>
        %mul3A_431 = arith.mulf %get3A_336, %mul3A_430 : vector<16xf32>
        %mul3A_432 = vector.broadcast %squeeze3A_246 : f32 to vector<16xf32>
        %mul3A_433 = arith.mulf %get3A_342, %mul3A_432 : vector<16xf32>
        %add3A_434 = arith.addf %mul3A_419, %mul3A_421 : vector<16xf32>
        %add3A_435 = arith.addf %mul3A_423, %mul3A_425 : vector<16xf32>
        %add3A_436 = arith.addf %mul3A_427, %mul3A_429 : vector<16xf32>
        %add3A_437 = arith.addf %mul3A_431, %mul3A_433 : vector<16xf32>
        %add3A_438 = arith.addf %add3A_434, %add3A_435 : vector<16xf32>
        %add3A_439 = arith.addf %add3A_436, %add3A_437 : vector<16xf32>
        %add3A_440 = arith.addf %add3A_438, %add3A_439 : vector<16xf32>
        %swap3A_441 = arith.index_cast %scan3A_229 : i32 to index
        %swap3A_442 = arith.constant 16 : index
        %swap3A_443 = tpu.vector_load %arg15[%swap3A_441, %swap3A_442] {strides = array<i32>} : memref<16x128xf32, #tpu.memory_space<vmem>>, vector<1x16xf32>,
        %swap3A_444 = vector.shape_cast %swap3A_443 : vector<1x16xf32> to vector<16xf32>
        %swap3A_445 = vector.shape_cast %add3A_440 : vector<16xf32> to vector<1x16xf32>
        tpu.vector_store %arg15[%swap3A_441, %swap3A_442], %swap3A_445 {strides = array<i32>} : memref<16x128xf32, #tpu.memory_space<vmem>>, vector<1x16xf32>,
        %get3A_446 = arith.constant 0 : i32
        %get3A_447 = arith.index_cast %scan3A_229 : i32 to index
        %get3A_448 = arith.index_cast %get3A_446 : i32 to index
        %get3A_449 = arith.constant 48 : index
        %get3A_450 = tpu.vector_load %arg9[%get3A_447, %get3A_448, %get3A_449] {strides = array<i32>} : memref<16x8x128xf32, #tpu.memory_space<vmem>>, vector<1x1x16xf32>,
        %get3A_451 = vector.shape_cast %get3A_450 : vector<1x1x16xf32> to vector<16xf32>
        %get3A_452 = arith.constant 1 : i32
        %get3A_453 = arith.index_cast %scan3A_229 : i32 to index
        %get3A_454 = arith.index_cast %get3A_452 : i32 to index
        %get3A_455 = arith.constant 48 : index
        %get3A_456 = tpu.vector_load %arg9[%get3A_453, %get3A_454, %get3A_455] {strides = array<i32>} : memref<16x8x128xf32, #tpu.memory_space<vmem>>, vector<1x1x16xf32>,
        %get3A_457 = vector.shape_cast %get3A_456 : vector<1x1x16xf32> to vector<16xf32>
        %get3A_458 = arith.constant 2 : i32
        %get3A_459 = arith.index_cast %scan3A_229 : i32 to index
        %get3A_460 = arith.index_cast %get3A_458 : i32 to index
        %get3A_461 = arith.constant 48 : index
        %get3A_462 = tpu.vector_load %arg9[%get3A_459, %get3A_460, %get3A_461] {strides = array<i32>} : memref<16x8x128xf32, #tpu.memory_space<vmem>>, vector<1x1x16xf32>,
        %get3A_463 = vector.shape_cast %get3A_462 : vector<1x1x16xf32> to vector<16xf32>
        %get3A_464 = arith.constant 3 : i32
        %get3A_465 = arith.index_cast %scan3A_229 : i32 to index
        %get3A_466 = arith.index_cast %get3A_464 : i32 to index
        %get3A_467 = arith.constant 48 : index
        %get3A_468 = tpu.vector_load %arg9[%get3A_465, %get3A_466, %get3A_467] {strides = array<i32>} : memref<16x8x128xf32, #tpu.memory_space<vmem>>, vector<1x1x16xf32>,
        %get3A_469 = vector.shape_cast %get3A_468 : vector<1x1x16xf32> to vector<16xf32>
        %get3A_470 = arith.constant 4 : i32
        %get3A_471 = arith.index_cast %scan3A_229 : i32 to index
        %get3A_472 = arith.index_cast %get3A_470 : i32 to index
        %get3A_473 = arith.constant 48 : index
        %get3A_474 = tpu.vector_load %arg9[%get3A_471, %get3A_472, %get3A_473] {strides = array<i32>} : memref<16x8x128xf32, #tpu.memory_space<vmem>>, vector<1x1x16xf32>,
        %get3A_475 = vector.shape_cast %get3A_474 : vector<1x1x16xf32> to vector<16xf32>
        %get3A_476 = arith.constant 5 : i32
        %get3A_477 = arith.index_cast %scan3A_229 : i32 to index
        %get3A_478 = arith.index_cast %get3A_476 : i32 to index
        %get3A_479 = arith.constant 48 : index
        %get3A_480 = tpu.vector_load %arg9[%get3A_477, %get3A_478, %get3A_479] {strides = array<i32>} : memref<16x8x128xf32, #tpu.memory_space<vmem>>, vector<1x1x16xf32>,
        %get3A_481 = vector.shape_cast %get3A_480 : vector<1x1x16xf32> to vector<16xf32>
        %get3A_482 = arith.constant 6 : i32
        %get3A_483 = arith.index_cast %scan3A_229 : i32 to index
        %get3A_484 = arith.index_cast %get3A_482 : i32 to index
        %get3A_485 = arith.constant 48 : index
        %get3A_486 = tpu.vector_load %arg9[%get3A_483, %get3A_484, %get3A_485] {strides = array<i32>} : memref<16x8x128xf32, #tpu.memory_space<vmem>>, vector<1x1x16xf32>,
        %get3A_487 = vector.shape_cast %get3A_486 : vector<1x1x16xf32> to vector<16xf32>
        %get3A_488 = arith.constant 7 : i32
        %get3A_489 = arith.index_cast %scan3A_229 : i32 to index
        %get3A_490 = arith.index_cast %get3A_488 : i32 to index
        %get3A_491 = arith.constant 48 : index
        %get3A_492 = tpu.vector_load %arg9[%get3A_489, %get3A_490, %get3A_491] {strides = array<i32>} : memref<16x8x128xf32, #tpu.memory_space<vmem>>, vector<1x1x16xf32>,
        %get3A_493 = vector.shape_cast %get3A_492 : vector<1x1x16xf32> to vector<16xf32>
        %mul3A_494 = vector.broadcast %squeeze3A : f32 to vector<16xf32>
        %mul3A_495 = arith.mulf %get3A_375, %mul3A_494 : vector<16xf32>
        %mul3A_496 = vector.broadcast %squeeze3A_234 : f32 to vector<16xf32>
        %mul3A_497 = arith.mulf %get3A_381, %mul3A_496 : vector<16xf32>
        %mul3A_498 = vector.broadcast %squeeze3A_236 : f32 to vector<16xf32>
        %mul3A_499 = arith.mulf %get3A_387, %mul3A_498 : vector<16xf32>
        %mul3A_500 = vector.broadcast %squeeze3A_238 : f32 to vector<16xf32>
        %mul3A_501 = arith.mulf %get3A_393, %mul3A_500 : vector<16xf32>
        %mul3A_502 = vector.broadcast %squeeze3A_240 : f32 to vector<16xf32>
        %mul3A_503 = arith.mulf %get3A_399, %mul3A_502 : vector<16xf32>
        %mul3A_504 = vector.broadcast %squeeze3A_242 : f32 to vector<16xf32>
        %mul3A_505 = arith.mulf %get3A_405, %mul3A_504 : vector<16xf32>
        %mul3A_506 = vector.broadcast %squeeze3A_244 : f32 to vector<16xf32>
        %mul3A_507 = arith.mulf %get3A_411, %mul3A_506 : vector<16xf32>
        %mul3A_508 = vector.broadcast %squeeze3A_246 : f32 to vector<16xf32>
        %mul3A_509 = arith.mulf %get3A_417, %mul3A_508 : vector<16xf32>
        %add3A_510 = arith.addf %mul3A_495, %mul3A_497 : vector<16xf32>
        %add3A_511 = arith.addf %mul3A_499, %mul3A_501 : vector<16xf32>
        %add3A_512 = arith.addf %mul3A_503, %mul3A_505 : vector<16xf32>
        %add3A_513 = arith.addf %mul3A_507, %mul3A_509 : vector<16xf32>
        %add3A_514 = arith.addf %add3A_510, %add3A_511 : vector<16xf32>
        %add3A_515 = arith.addf %add3A_512, %add3A_513 : vector<16xf32>
        %add3A_516 = arith.addf %add3A_514, %add3A_515 : vector<16xf32>
        %swap3A_517 = arith.index_cast %scan3A_229 : i32 to index
        %swap3A_518 = arith.constant 32 : index
        %swap3A_519 = tpu.vector_load %arg15[%swap3A_517, %swap3A_518] {strides = array<i32>} : memref<16x128xf32, #tpu.memory_space<vmem>>, vector<1x16xf32>,
        %swap3A_520 = vector.shape_cast %swap3A_519 : vector<1x16xf32> to vector<16xf32>
        %swap3A_521 = vector.shape_cast %add3A_516 : vector<16xf32> to vector<1x16xf32>
        tpu.vector_store %arg15[%swap3A_517, %swap3A_518], %swap3A_521 {strides = array<i32>} : memref<16x128xf32, #tpu.memory_space<vmem>>, vector<1x16xf32>,
        %get3A_522 = arith.constant 0 : i32
        %get3A_523 = arith.index_cast %scan3A_229 : i32 to index
        %get3A_524 = arith.index_cast %get3A_522 : i32 to index
        %get3A_525 = arith.constant 64 : index
        %get3A_526 = tpu.vector_load %arg9[%get3A_523, %get3A_524, %get3A_525] {strides = array<i32>} : memref<16x8x128xf32, #tpu.memory_space<vmem>>, vector<1x1x16xf32>,
        %get3A_527 = vector.shape_cast %get3A_526 : vector<1x1x16xf32> to vector<16xf32>
        %get3A_528 = arith.constant 1 : i32
        %get3A_529 = arith.index_cast %scan3A_229 : i32 to index
        %get3A_530 = arith.index_cast %get3A_528 : i32 to index
        %get3A_531 = arith.constant 64 : index
        %get3A_532 = tpu.vector_load %arg9[%get3A_529, %get3A_530, %get3A_531] {strides = array<i32>} : memref<16x8x128xf32, #tpu.memory_space<vmem>>, vector<1x1x16xf32>,
        %get3A_533 = vector.shape_cast %get3A_532 : vector<1x1x16xf32> to vector<16xf32>
        %get3A_534 = arith.constant 2 : i32
        %get3A_535 = arith.index_cast %scan3A_229 : i32 to index
        %get3A_536 = arith.index_cast %get3A_534 : i32 to index
        %get3A_537 = arith.constant 64 : index
        %get3A_538 = tpu.vector_load %arg9[%get3A_535, %get3A_536, %get3A_537] {strides = array<i32>} : memref<16x8x128xf32, #tpu.memory_space<vmem>>, vector<1x1x16xf32>,
        %get3A_539 = vector.shape_cast %get3A_538 : vector<1x1x16xf32> to vector<16xf32>
        %get3A_540 = arith.constant 3 : i32
        %get3A_541 = arith.index_cast %scan3A_229 : i32 to index
        %get3A_542 = arith.index_cast %get3A_540 : i32 to index
        %get3A_543 = arith.constant 64 : index
        %get3A_544 = tpu.vector_load %arg9[%get3A_541, %get3A_542, %get3A_543] {strides = array<i32>} : memref<16x8x128xf32, #tpu.memory_space<vmem>>, vector<1x1x16xf32>,
        %get3A_545 = vector.shape_cast %get3A_544 : vector<1x1x16xf32> to vector<16xf32>
        %get3A_546 = arith.constant 4 : i32
        %get3A_547 = arith.index_cast %scan3A_229 : i32 to index
        %get3A_548 = arith.index_cast %get3A_546 : i32 to index
        %get3A_549 = arith.constant 64 : index
        %get3A_550 = tpu.vector_load %arg9[%get3A_547, %get3A_548, %get3A_549] {strides = array<i32>} : memref<16x8x128xf32, #tpu.memory_space<vmem>>, vector<1x1x16xf32>,
        %get3A_551 = vector.shape_cast %get3A_550 : vector<1x1x16xf32> to vector<16xf32>
        %get3A_552 = arith.constant 5 : i32
        %get3A_553 = arith.index_cast %scan3A_229 : i32 to index
        %get3A_554 = arith.index_cast %get3A_552 : i32 to index
        %get3A_555 = arith.constant 64 : index
        %get3A_556 = tpu.vector_load %arg9[%get3A_553, %get3A_554, %get3A_555] {strides = array<i32>} : memref<16x8x128xf32, #tpu.memory_space<vmem>>, vector<1x1x16xf32>,
        %get3A_557 = vector.shape_cast %get3A_556 : vector<1x1x16xf32> to vector<16xf32>
        %get3A_558 = arith.constant 6 : i32
        %get3A_559 = arith.index_cast %scan3A_229 : i32 to index
        %get3A_560 = arith.index_cast %get3A_558 : i32 to index
        %get3A_561 = arith.constant 64 : index
        %get3A_562 = tpu.vector_load %arg9[%get3A_559, %get3A_560, %get3A_561] {strides = array<i32>} : memref<16x8x128xf32, #tpu.memory_space<vmem>>, vector<1x1x16xf32>,
        %get3A_563 = vector.shape_cast %get3A_562 : vector<1x1x16xf32> to vector<16xf32>
        %get3A_564 = arith.constant 7 : i32
        %get3A_565 = arith.index_cast %scan3A_229 : i32 to index
        %get3A_566 = arith.index_cast %get3A_564 : i32 to index
        %get3A_567 = arith.constant 64 : index
        %get3A_568 = tpu.vector_load %arg9[%get3A_565, %get3A_566, %get3A_567] {strides = array<i32>} : memref<16x8x128xf32, #tpu.memory_space<vmem>>, vector<1x1x16xf32>,
        %get3A_569 = vector.shape_cast %get3A_568 : vector<1x1x16xf32> to vector<16xf32>
        %mul3A_570 = vector.broadcast %squeeze3A : f32 to vector<16xf32>
        %mul3A_571 = arith.mulf %get3A_451, %mul3A_570 : vector<16xf32>
        %mul3A_572 = vector.broadcast %squeeze3A_234 : f32 to vector<16xf32>
        %mul3A_573 = arith.mulf %get3A_457, %mul3A_572 : vector<16xf32>
        %mul3A_574 = vector.broadcast %squeeze3A_236 : f32 to vector<16xf32>
        %mul3A_575 = arith.mulf %get3A_463, %mul3A_574 : vector<16xf32>
        %mul3A_576 = vector.broadcast %squeeze3A_238 : f32 to vector<16xf32>
        %mul3A_577 = arith.mulf %get3A_469, %mul3A_576 : vector<16xf32>
        %mul3A_578 = vector.broadcast %squeeze3A_240 : f32 to vector<16xf32>
        %mul3A_579 = arith.mulf %get3A_475, %mul3A_578 : vector<16xf32>
        %mul3A_580 = vector.broadcast %squeeze3A_242 : f32 to vector<16xf32>
        %mul3A_581 = arith.mulf %get3A_481, %mul3A_580 : vector<16xf32>
        %mul3A_582 = vector.broadcast %squeeze3A_244 : f32 to vector<16xf32>
        %mul3A_583 = arith.mulf %get3A_487, %mul3A_582 : vector<16xf32>
        %mul3A_584 = vector.broadcast %squeeze3A_246 : f32 to vector<16xf32>
        %mul3A_585 = arith.mulf %get3A_493, %mul3A_584 : vector<16xf32>
        %add3A_586 = arith.addf %mul3A_571, %mul3A_573 : vector<16xf32>
        %add3A_587 = arith.addf %mul3A_575, %mul3A_577 : vector<16xf32>
        %add3A_588 = arith.addf %mul3A_579, %mul3A_581 : vector<16xf32>
        %add3A_589 = arith.addf %mul3A_583, %mul3A_585 : vector<16xf32>
        %add3A_590 = arith.addf %add3A_586, %add3A_587 : vector<16xf32>
        %add3A_591 = arith.addf %add3A_588, %add3A_589 : vector<16xf32>
        %add3A_592 = arith.addf %add3A_590, %add3A_591 : vector<16xf32>
        %swap3A_593 = arith.index_cast %scan3A_229 : i32 to index
        %swap3A_594 = arith.constant 48 : index
        %swap3A_595 = tpu.vector_load %arg15[%swap3A_593, %swap3A_594] {strides = array<i32>} : memref<16x128xf32, #tpu.memory_space<vmem>>, vector<1x16xf32>,
        %swap3A_596 = vector.shape_cast %swap3A_595 : vector<1x16xf32> to vector<16xf32>
        %swap3A_597 = vector.shape_cast %add3A_592 : vector<16xf32> to vector<1x16xf32>
        tpu.vector_store %arg15[%swap3A_593, %swap3A_594], %swap3A_597 {strides = array<i32>} : memref<16x128xf32, #tpu.memory_space<vmem>>, vector<1x16xf32>,
        %get3A_598 = arith.constant 0 : i32
        %get3A_599 = arith.index_cast %scan3A_229 : i32 to index
        %get3A_600 = arith.index_cast %get3A_598 : i32 to index
        %get3A_601 = arith.constant 80 : index
        %get3A_602 = tpu.vector_load %arg9[%get3A_599, %get3A_600, %get3A_601] {strides = array<i32>} : memref<16x8x128xf32, #tpu.memory_space<vmem>>, vector<1x1x16xf32>,
        %get3A_603 = vector.shape_cast %get3A_602 : vector<1x1x16xf32> to vector<16xf32>
        %get3A_604 = arith.constant 1 : i32
        %get3A_605 = arith.index_cast %scan3A_229 : i32 to index
        %get3A_606 = arith.index_cast %get3A_604 : i32 to index
        %get3A_607 = arith.constant 80 : index
        %get3A_608 = tpu.vector_load %arg9[%get3A_605, %get3A_606, %get3A_607] {strides = array<i32>} : memref<16x8x128xf32, #tpu.memory_space<vmem>>, vector<1x1x16xf32>,
        %get3A_609 = vector.shape_cast %get3A_608 : vector<1x1x16xf32> to vector<16xf32>
        %get3A_610 = arith.constant 2 : i32
        %get3A_611 = arith.index_cast %scan3A_229 : i32 to index
        %get3A_612 = arith.index_cast %get3A_610 : i32 to index
        %get3A_613 = arith.constant 80 : index
        %get3A_614 = tpu.vector_load %arg9[%get3A_611, %get3A_612, %get3A_613] {strides = array<i32>} : memref<16x8x128xf32, #tpu.memory_space<vmem>>, vector<1x1x16xf32>,
        %get3A_615 = vector.shape_cast %get3A_614 : vector<1x1x16xf32> to vector<16xf32>
        %get3A_616 = arith.constant 3 : i32
        %get3A_617 = arith.index_cast %scan3A_229 : i32 to index
        %get3A_618 = arith.index_cast %get3A_616 : i32 to index
        %get3A_619 = arith.constant 80 : index
        %get3A_620 = tpu.vector_load %arg9[%get3A_617, %get3A_618, %get3A_619] {strides = array<i32>} : memref<16x8x128xf32, #tpu.memory_space<vmem>>, vector<1x1x16xf32>,
        %get3A_621 = vector.shape_cast %get3A_620 : vector<1x1x16xf32> to vector<16xf32>
        %get3A_622 = arith.constant 4 : i32
        %get3A_623 = arith.index_cast %scan3A_229 : i32 to index
        %get3A_624 = arith.index_cast %get3A_622 : i32 to index
        %get3A_625 = arith.constant 80 : index
        %get3A_626 = tpu.vector_load %arg9[%get3A_623, %get3A_624, %get3A_625] {strides = array<i32>} : memref<16x8x128xf32, #tpu.memory_space<vmem>>, vector<1x1x16xf32>,
        %get3A_627 = vector.shape_cast %get3A_626 : vector<1x1x16xf32> to vector<16xf32>
        %get3A_628 = arith.constant 5 : i32
        %get3A_629 = arith.index_cast %scan3A_229 : i32 to index
        %get3A_630 = arith.index_cast %get3A_628 : i32 to index
        %get3A_631 = arith.constant 80 : index
        %get3A_632 = tpu.vector_load %arg9[%get3A_629, %get3A_630, %get3A_631] {strides = array<i32>} : memref<16x8x128xf32, #tpu.memory_space<vmem>>, vector<1x1x16xf32>,
        %get3A_633 = vector.shape_cast %get3A_632 : vector<1x1x16xf32> to vector<16xf32>
        %get3A_634 = arith.constant 6 : i32
        %get3A_635 = arith.index_cast %scan3A_229 : i32 to index
        %get3A_636 = arith.index_cast %get3A_634 : i32 to index
        %get3A_637 = arith.constant 80 : index
        %get3A_638 = tpu.vector_load %arg9[%get3A_635, %get3A_636, %get3A_637] {strides = array<i32>} : memref<16x8x128xf32, #tpu.memory_space<vmem>>, vector<1x1x16xf32>,
        %get3A_639 = vector.shape_cast %get3A_638 : vector<1x1x16xf32> to vector<16xf32>
        %get3A_640 = arith.constant 7 : i32
        %get3A_641 = arith.index_cast %scan3A_229 : i32 to index
        %get3A_642 = arith.index_cast %get3A_640 : i32 to index
        %get3A_643 = arith.constant 80 : index
        %get3A_644 = tpu.vector_load %arg9[%get3A_641, %get3A_642, %get3A_643] {strides = array<i32>} : memref<16x8x128xf32, #tpu.memory_space<vmem>>, vector<1x1x16xf32>,
        %get3A_645 = vector.shape_cast %get3A_644 : vector<1x1x16xf32> to vector<16xf32>
        %mul3A_646 = vector.broadcast %squeeze3A : f32 to vector<16xf32>
        %mul3A_647 = arith.mulf %get3A_527, %mul3A_646 : vector<16xf32>
        %mul3A_648 = vector.broadcast %squeeze3A_234 : f32 to vector<16xf32>
        %mul3A_649 = arith.mulf %get3A_533, %mul3A_648 : vector<16xf32>
        %mul3A_650 = vector.broadcast %squeeze3A_236 : f32 to vector<16xf32>
        %mul3A_651 = arith.mulf %get3A_539, %mul3A_650 : vector<16xf32>
        %mul3A_652 = vector.broadcast %squeeze3A_238 : f32 to vector<16xf32>
        %mul3A_653 = arith.mulf %get3A_545, %mul3A_652 : vector<16xf32>
        %mul3A_654 = vector.broadcast %squeeze3A_240 : f32 to vector<16xf32>
        %mul3A_655 = arith.mulf %get3A_551, %mul3A_654 : vector<16xf32>
        %mul3A_656 = vector.broadcast %squeeze3A_242 : f32 to vector<16xf32>
        %mul3A_657 = arith.mulf %get3A_557, %mul3A_656 : vector<16xf32>
        %mul3A_658 = vector.broadcast %squeeze3A_244 : f32 to vector<16xf32>
        %mul3A_659 = arith.mulf %get3A_563, %mul3A_658 : vector<16xf32>
        %mul3A_660 = vector.broadcast %squeeze3A_246 : f32 to vector<16xf32>
        %mul3A_661 = arith.mulf %get3A_569, %mul3A_660 : vector<16xf32>
        %add3A_662 = arith.addf %mul3A_647, %mul3A_649 : vector<16xf32>
        %add3A_663 = arith.addf %mul3A_651, %mul3A_653 : vector<16xf32>
        %add3A_664 = arith.addf %mul3A_655, %mul3A_657 : vector<16xf32>
        %add3A_665 = arith.addf %mul3A_659, %mul3A_661 : vector<16xf32>
        %add3A_666 = arith.addf %add3A_662, %add3A_663 : vector<16xf32>
        %add3A_667 = arith.addf %add3A_664, %add3A_665 : vector<16xf32>
        %add3A_668 = arith.addf %add3A_666, %add3A_667 : vector<16xf32>
        %swap3A_669 = arith.index_cast %scan3A_229 : i32 to index
        %swap3A_670 = arith.constant 64 : index
        %swap3A_671 = tpu.vector_load %arg15[%swap3A_669, %swap3A_670] {strides = array<i32>} : memref<16x128xf32, #tpu.memory_space<vmem>>, vector<1x16xf32>,
        %swap3A_672 = vector.shape_cast %swap3A_671 : vector<1x16xf32> to vector<16xf32>
        %swap3A_673 = vector.shape_cast %add3A_668 : vector<16xf32> to vector<1x16xf32>
        tpu.vector_store %arg15[%swap3A_669, %swap3A_670], %swap3A_673 {strides = array<i32>} : memref<16x128xf32, #tpu.memory_space<vmem>>, vector<1x16xf32>,
        %get3A_674 = arith.constant 0 : i32
        %get3A_675 = arith.index_cast %scan3A_229 : i32 to index
        %get3A_676 = arith.index_cast %get3A_674 : i32 to index
        %get3A_677 = arith.constant 96 : index
        %get3A_678 = tpu.vector_load %arg9[%get3A_675, %get3A_676, %get3A_677] {strides = array<i32>} : memref<16x8x128xf32, #tpu.memory_space<vmem>>, vector<1x1x16xf32>,
        %get3A_679 = vector.shape_cast %get3A_678 : vector<1x1x16xf32> to vector<16xf32>
        %get3A_680 = arith.constant 1 : i32
        %get3A_681 = arith.index_cast %scan3A_229 : i32 to index
        %get3A_682 = arith.index_cast %get3A_680 : i32 to index
        %get3A_683 = arith.constant 96 : index
        %get3A_684 = tpu.vector_load %arg9[%get3A_681, %get3A_682, %get3A_683] {strides = array<i32>} : memref<16x8x128xf32, #tpu.memory_space<vmem>>, vector<1x1x16xf32>,
        %get3A_685 = vector.shape_cast %get3A_684 : vector<1x1x16xf32> to vector<16xf32>
        %get3A_686 = arith.constant 2 : i32
        %get3A_687 = arith.index_cast %scan3A_229 : i32 to index
        %get3A_688 = arith.index_cast %get3A_686 : i32 to index
        %get3A_689 = arith.constant 96 : index
        %get3A_690 = tpu.vector_load %arg9[%get3A_687, %get3A_688, %get3A_689] {strides = array<i32>} : memref<16x8x128xf32, #tpu.memory_space<vmem>>, vector<1x1x16xf32>,
        %get3A_691 = vector.shape_cast %get3A_690 : vector<1x1x16xf32> to vector<16xf32>
        %get3A_692 = arith.constant 3 : i32
        %get3A_693 = arith.index_cast %scan3A_229 : i32 to index
        %get3A_694 = arith.index_cast %get3A_692 : i32 to index
        %get3A_695 = arith.constant 96 : index
        %get3A_696 = tpu.vector_load %arg9[%get3A_693, %get3A_694, %get3A_695] {strides = array<i32>} : memref<16x8x128xf32, #tpu.memory_space<vmem>>, vector<1x1x16xf32>,
        %get3A_697 = vector.shape_cast %get3A_696 : vector<1x1x16xf32> to vector<16xf32>
        %get3A_698 = arith.constant 4 : i32
        %get3A_699 = arith.index_cast %scan3A_229 : i32 to index
        %get3A_700 = arith.index_cast %get3A_698 : i32 to index
        %get3A_701 = arith.constant 96 : index
        %get3A_702 = tpu.vector_load %arg9[%get3A_699, %get3A_700, %get3A_701] {strides = array<i32>} : memref<16x8x128xf32, #tpu.memory_space<vmem>>, vector<1x1x16xf32>,
        %get3A_703 = vector.shape_cast %get3A_702 : vector<1x1x16xf32> to vector<16xf32>
        %get3A_704 = arith.constant 5 : i32
        %get3A_705 = arith.index_cast %scan3A_229 : i32 to index
        %get3A_706 = arith.index_cast %get3A_704 : i32 to index
        %get3A_707 = arith.constant 96 : index
        %get3A_708 = tpu.vector_load %arg9[%get3A_705, %get3A_706, %get3A_707] {strides = array<i32>} : memref<16x8x128xf32, #tpu.memory_space<vmem>>, vector<1x1x16xf32>,
        %get3A_709 = vector.shape_cast %get3A_708 : vector<1x1x16xf32> to vector<16xf32>
        %get3A_710 = arith.constant 6 : i32
        %get3A_711 = arith.index_cast %scan3A_229 : i32 to index
        %get3A_712 = arith.index_cast %get3A_710 : i32 to index
        %get3A_713 = arith.constant 96 : index
        %get3A_714 = tpu.vector_load %arg9[%get3A_711, %get3A_712, %get3A_713] {strides = array<i32>} : memref<16x8x128xf32, #tpu.memory_space<vmem>>, vector<1x1x16xf32>,
        %get3A_715 = vector.shape_cast %get3A_714 : vector<1x1x16xf32> to vector<16xf32>
        %get3A_716 = arith.constant 7 : i32
        %get3A_717 = arith.index_cast %scan3A_229 : i32 to index
        %get3A_718 = arith.index_cast %get3A_716 : i32 to index
        %get3A_719 = arith.constant 96 : index
        %get3A_720 = tpu.vector_load %arg9[%get3A_717, %get3A_718, %get3A_719] {strides = array<i32>} : memref<16x8x128xf32, #tpu.memory_space<vmem>>, vector<1x1x16xf32>,
        %get3A_721 = vector.shape_cast %get3A_720 : vector<1x1x16xf32> to vector<16xf32>
        %mul3A_722 = vector.broadcast %squeeze3A : f32 to vector<16xf32>
        %mul3A_723 = arith.mulf %get3A_603, %mul3A_722 : vector<16xf32>
        %mul3A_724 = vector.broadcast %squeeze3A_234 : f32 to vector<16xf32>
        %mul3A_725 = arith.mulf %get3A_609, %mul3A_724 : vector<16xf32>
        %mul3A_726 = vector.broadcast %squeeze3A_236 : f32 to vector<16xf32>
        %mul3A_727 = arith.mulf %get3A_615, %mul3A_726 : vector<16xf32>
        %mul3A_728 = vector.broadcast %squeeze3A_238 : f32 to vector<16xf32>
        %mul3A_729 = arith.mulf %get3A_621, %mul3A_728 : vector<16xf32>
        %mul3A_730 = vector.broadcast %squeeze3A_240 : f32 to vector<16xf32>
        %mul3A_731 = arith.mulf %get3A_627, %mul3A_730 : vector<16xf32>
        %mul3A_732 = vector.broadcast %squeeze3A_242 : f32 to vector<16xf32>
        %mul3A_733 = arith.mulf %get3A_633, %mul3A_732 : vector<16xf32>
        %mul3A_734 = vector.broadcast %squeeze3A_244 : f32 to vector<16xf32>
        %mul3A_735 = arith.mulf %get3A_639, %mul3A_734 : vector<16xf32>
        %mul3A_736 = vector.broadcast %squeeze3A_246 : f32 to vector<16xf32>
        %mul3A_737 = arith.mulf %get3A_645, %mul3A_736 : vector<16xf32>
        %add3A_738 = arith.addf %mul3A_723, %mul3A_725 : vector<16xf32>
        %add3A_739 = arith.addf %mul3A_727, %mul3A_729 : vector<16xf32>
        %add3A_740 = arith.addf %mul3A_731, %mul3A_733 : vector<16xf32>
        %add3A_741 = arith.addf %mul3A_735, %mul3A_737 : vector<16xf32>
        %add3A_742 = arith.addf %add3A_738, %add3A_739 : vector<16xf32>
        %add3A_743 = arith.addf %add3A_740, %add3A_741 : vector<16xf32>
        %add3A_744 = arith.addf %add3A_742, %add3A_743 : vector<16xf32>
        %swap3A_745 = arith.index_cast %scan3A_229 : i32 to index
        %swap3A_746 = arith.constant 80 : index
        %swap3A_747 = tpu.vector_load %arg15[%swap3A_745, %swap3A_746] {strides = array<i32>} : memref<16x128xf32, #tpu.memory_space<vmem>>, vector<1x16xf32>,
        %swap3A_748 = vector.shape_cast %swap3A_747 : vector<1x16xf32> to vector<16xf32>
        %swap3A_749 = vector.shape_cast %add3A_744 : vector<16xf32> to vector<1x16xf32>
        tpu.vector_store %arg15[%swap3A_745, %swap3A_746], %swap3A_749 {strides = array<i32>} : memref<16x128xf32, #tpu.memory_space<vmem>>, vector<1x16xf32>,
        %get3A_750 = arith.constant 0 : i32
        %get3A_751 = arith.index_cast %scan3A_229 : i32 to index
        %get3A_752 = arith.index_cast %get3A_750 : i32 to index
        %get3A_753 = arith.constant 112 : index
        %get3A_754 = tpu.vector_load %arg9[%get3A_751, %get3A_752, %get3A_753] {strides = array<i32>} : memref<16x8x128xf32, #tpu.memory_space<vmem>>, vector<1x1x16xf32>,
        %get3A_755 = vector.shape_cast %get3A_754 : vector<1x1x16xf32> to vector<16xf32>
        %get3A_756 = arith.constant 1 : i32
        %get3A_757 = arith.index_cast %scan3A_229 : i32 to index
        %get3A_758 = arith.index_cast %get3A_756 : i32 to index
        %get3A_759 = arith.constant 112 : index
        %get3A_760 = tpu.vector_load %arg9[%get3A_757, %get3A_758, %get3A_759] {strides = array<i32>} : memref<16x8x128xf32, #tpu.memory_space<vmem>>, vector<1x1x16xf32>,
        %get3A_761 = vector.shape_cast %get3A_760 : vector<1x1x16xf32> to vector<16xf32>
        %get3A_762 = arith.constant 2 : i32
        %get3A_763 = arith.index_cast %scan3A_229 : i32 to index
        %get3A_764 = arith.index_cast %get3A_762 : i32 to index
        %get3A_765 = arith.constant 112 : index
        %get3A_766 = tpu.vector_load %arg9[%get3A_763, %get3A_764, %get3A_765] {strides = array<i32>} : memref<16x8x128xf32, #tpu.memory_space<vmem>>, vector<1x1x16xf32>,
        %get3A_767 = vector.shape_cast %get3A_766 : vector<1x1x16xf32> to vector<16xf32>
        %get3A_768 = arith.constant 3 : i32
        %get3A_769 = arith.index_cast %scan3A_229 : i32 to index
        %get3A_770 = arith.index_cast %get3A_768 : i32 to index
        %get3A_771 = arith.constant 112 : index
        %get3A_772 = tpu.vector_load %arg9[%get3A_769, %get3A_770, %get3A_771] {strides = array<i32>} : memref<16x8x128xf32, #tpu.memory_space<vmem>>, vector<1x1x16xf32>,
        %get3A_773 = vector.shape_cast %get3A_772 : vector<1x1x16xf32> to vector<16xf32>
        %get3A_774 = arith.constant 4 : i32
        %get3A_775 = arith.index_cast %scan3A_229 : i32 to index
        %get3A_776 = arith.index_cast %get3A_774 : i32 to index
        %get3A_777 = arith.constant 112 : index
        %get3A_778 = tpu.vector_load %arg9[%get3A_775, %get3A_776, %get3A_777] {strides = array<i32>} : memref<16x8x128xf32, #tpu.memory_space<vmem>>, vector<1x1x16xf32>,
        %get3A_779 = vector.shape_cast %get3A_778 : vector<1x1x16xf32> to vector<16xf32>
        %get3A_780 = arith.constant 5 : i32
        %get3A_781 = arith.index_cast %scan3A_229 : i32 to index
        %get3A_782 = arith.index_cast %get3A_780 : i32 to index
        %get3A_783 = arith.constant 112 : index
        %get3A_784 = tpu.vector_load %arg9[%get3A_781, %get3A_782, %get3A_783] {strides = array<i32>} : memref<16x8x128xf32, #tpu.memory_space<vmem>>, vector<1x1x16xf32>,
        %get3A_785 = vector.shape_cast %get3A_784 : vector<1x1x16xf32> to vector<16xf32>
        %get3A_786 = arith.constant 6 : i32
        %get3A_787 = arith.index_cast %scan3A_229 : i32 to index
        %get3A_788 = arith.index_cast %get3A_786 : i32 to index
        %get3A_789 = arith.constant 112 : index
        %get3A_790 = tpu.vector_load %arg9[%get3A_787, %get3A_788, %get3A_789] {strides = array<i32>} : memref<16x8x128xf32, #tpu.memory_space<vmem>>, vector<1x1x16xf32>,
        %get3A_791 = vector.shape_cast %get3A_790 : vector<1x1x16xf32> to vector<16xf32>
        %get3A_792 = arith.constant 7 : i32
        %get3A_793 = arith.index_cast %scan3A_229 : i32 to index
        %get3A_794 = arith.index_cast %get3A_792 : i32 to index
        %get3A_795 = arith.constant 112 : index
        %get3A_796 = tpu.vector_load %arg9[%get3A_793, %get3A_794, %get3A_795] {strides = array<i32>} : memref<16x8x128xf32, #tpu.memory_space<vmem>>, vector<1x1x16xf32>,
        %get3A_797 = vector.shape_cast %get3A_796 : vector<1x1x16xf32> to vector<16xf32>
        %mul3A_798 = vector.broadcast %squeeze3A : f32 to vector<16xf32>
        %mul3A_799 = arith.mulf %get3A_679, %mul3A_798 : vector<16xf32>
        %mul3A_800 = vector.broadcast %squeeze3A_234 : f32 to vector<16xf32>
        %mul3A_801 = arith.mulf %get3A_685, %mul3A_800 : vector<16xf32>
        %mul3A_802 = vector.broadcast %squeeze3A_236 : f32 to vector<16xf32>
        %mul3A_803 = arith.mulf %get3A_691, %mul3A_802 : vector<16xf32>
        %mul3A_804 = vector.broadcast %squeeze3A_238 : f32 to vector<16xf32>
        %mul3A_805 = arith.mulf %get3A_697, %mul3A_804 : vector<16xf32>
        %mul3A_806 = vector.broadcast %squeeze3A_240 : f32 to vector<16xf32>
        %mul3A_807 = arith.mulf %get3A_703, %mul3A_806 : vector<16xf32>
        %mul3A_808 = vector.broadcast %squeeze3A_242 : f32 to vector<16xf32>
        %mul3A_809 = arith.mulf %get3A_709, %mul3A_808 : vector<16xf32>
        %mul3A_810 = vector.broadcast %squeeze3A_244 : f32 to vector<16xf32>
        %mul3A_811 = arith.mulf %get3A_715, %mul3A_810 : vector<16xf32>
        %mul3A_812 = vector.broadcast %squeeze3A_246 : f32 to vector<16xf32>
        %mul3A_813 = arith.mulf %get3A_721, %mul3A_812 : vector<16xf32>
        %add3A_814 = arith.addf %mul3A_799, %mul3A_801 : vector<16xf32>
        %add3A_815 = arith.addf %mul3A_803, %mul3A_805 : vector<16xf32>
        %add3A_816 = arith.addf %mul3A_807, %mul3A_809 : vector<16xf32>
        %add3A_817 = arith.addf %mul3A_811, %mul3A_813 : vector<16xf32>
        %add3A_818 = arith.addf %add3A_814, %add3A_815 : vector<16xf32>
        %add3A_819 = arith.addf %add3A_816, %add3A_817 : vector<16xf32>
        %add3A_820 = arith.addf %add3A_818, %add3A_819 : vector<16xf32>
        %swap3A_821 = arith.index_cast %scan3A_229 : i32 to index
        %swap3A_822 = arith.constant 96 : index
        %swap3A_823 = tpu.vector_load %arg15[%swap3A_821, %swap3A_822] {strides = array<i32>} : memref<16x128xf32, #tpu.memory_space<vmem>>, vector<1x16xf32>,
        %swap3A_824 = vector.shape_cast %swap3A_823 : vector<1x16xf32> to vector<16xf32>
        %swap3A_825 = vector.shape_cast %add3A_820 : vector<16xf32> to vector<1x16xf32>
        tpu.vector_store %arg15[%swap3A_821, %swap3A_822], %swap3A_825 {strides = array<i32>} : memref<16x128xf32, #tpu.memory_space<vmem>>, vector<1x16xf32>,
        %mul3A_826 = vector.broadcast %squeeze3A : f32 to vector<16xf32>
        %mul3A_827 = arith.mulf %get3A_755, %mul3A_826 : vector<16xf32>
        %mul3A_828 = vector.broadcast %squeeze3A_234 : f32 to vector<16xf32>
        %mul3A_829 = arith.mulf %get3A_761, %mul3A_828 : vector<16xf32>
        %mul3A_830 = vector.broadcast %squeeze3A_236 : f32 to vector<16xf32>
        %mul3A_831 = arith.mulf %get3A_767, %mul3A_830 : vector<16xf32>
        %mul3A_832 = vector.broadcast %squeeze3A_238 : f32 to vector<16xf32>
        %mul3A_833 = arith.mulf %get3A_773, %mul3A_832 : vector<16xf32>
        %mul3A_834 = vector.broadcast %squeeze3A_240 : f32 to vector<16xf32>
        %mul3A_835 = arith.mulf %get3A_779, %mul3A_834 : vector<16xf32>
        %mul3A_836 = vector.broadcast %squeeze3A_242 : f32 to vector<16xf32>
        %mul3A_837 = arith.mulf %get3A_785, %mul3A_836 : vector<16xf32>
        %mul3A_838 = vector.broadcast %squeeze3A_244 : f32 to vector<16xf32>
        %mul3A_839 = arith.mulf %get3A_791, %mul3A_838 : vector<16xf32>
        %mul3A_840 = vector.broadcast %squeeze3A_246 : f32 to vector<16xf32>
        %mul3A_841 = arith.mulf %get3A_797, %mul3A_840 : vector<16xf32>
        %add3A_842 = arith.addf %mul3A_827, %mul3A_829 : vector<16xf32>
        %add3A_843 = arith.addf %mul3A_831, %mul3A_833 : vector<16xf32>
        %add3A_844 = arith.addf %mul3A_835, %mul3A_837 : vector<16xf32>
        %add3A_845 = arith.addf %mul3A_839, %mul3A_841 : vector<16xf32>
        %add3A_846 = arith.addf %add3A_842, %add3A_843 : vector<16xf32>
        %add3A_847 = arith.addf %add3A_844, %add3A_845 : vector<16xf32>
        %add3A_848 = arith.addf %add3A_846, %add3A_847 : vector<16xf32>
        %swap3A_849 = arith.index_cast %scan3A_229 : i32 to index
        %swap3A_850 = arith.constant 112 : index
        %swap3A_851 = tpu.vector_load %arg15[%swap3A_849, %swap3A_850] {strides = array<i32>} : memref<16x128xf32, #tpu.memory_space<vmem>>, vector<1x16xf32>,
        %swap3A_852 = vector.shape_cast %swap3A_851 : vector<1x16xf32> to vector<16xf32>
        %swap3A_853 = vector.shape_cast %add3A_848 : vector<16xf32> to vector<1x16xf32>
        tpu.vector_store %arg15[%swap3A_849, %swap3A_850], %swap3A_853 {strides = array<i32>} : memref<16x128xf32, #tpu.memory_space<vmem>>, vector<1x16xf32>,
        %scan3A_854 = arith.constant 1 : i32
        %scan3A_855 = arith.addi %scan3A_229, %scan3A_854 : i32
        %get3A_856 = arith.index_cast %scan3A_855 : i32 to index
        %get3A_857 = arith.constant 0 : index
        %get3A_858 = tpu.vector_load %arg13[%get3A_856, %get3A_857] {strides = array<i32>} : memref<16x16xf32, #tpu.memory_space<vmem>>, vector<1x16xf32>,
        %get3A_859 = vector.shape_cast %get3A_858 : vector<1x16xf32> to vector<16xf32>
        %slice3A_860 = vector.extract_strided_slice %get3A_859 {offsets = [0], sizes = [1], strides = [1]} : vector<16xf32> to vector<1xf32>
        %squeeze3A_861 = vector.extract %slice3A_860[0] : f32 from vector<1xf32>
        %slice3A_862 = vector.extract_strided_slice %get3A_859 {offsets = [1], sizes = [1], strides = [1]} : vector<16xf32> to vector<1xf32>
        %squeeze3A_863 = vector.extract %slice3A_862[0] : f32 from vector<1xf32>
        %slice3A_864 = vector.extract_strided_slice %get3A_859 {offsets = [2], sizes = [1], strides = [1]} : vector<16xf32> to vector<1xf32>
        %squeeze3A_865 = vector.extract %slice3A_864[0] : f32 from vector<1xf32>
        %slice3A_866 = vector.extract_strided_slice %get3A_859 {offsets = [3], sizes = [1], strides = [1]} : vector<16xf32> to vector<1xf32>
        %squeeze3A_867 = vector.extract %slice3A_866[0] : f32 from vector<1xf32>
        %slice3A_868 = vector.extract_strided_slice %get3A_859 {offsets = [4], sizes = [1], strides = [1]} : vector<16xf32> to vector<1xf32>
        %squeeze3A_869 = vector.extract %slice3A_868[0] : f32 from vector<1xf32>
        %slice3A_870 = vector.extract_strided_slice %get3A_859 {offsets = [5], sizes = [1], strides = [1]} : vector<16xf32> to vector<1xf32>
        %squeeze3A_871 = vector.extract %slice3A_870[0] : f32 from vector<1xf32>
        %slice3A_872 = vector.extract_strided_slice %get3A_859 {offsets = [6], sizes = [1], strides = [1]} : vector<16xf32> to vector<1xf32>
        %squeeze3A_873 = vector.extract %slice3A_872[0] : f32 from vector<1xf32>
        %slice3A_874 = vector.extract_strided_slice %get3A_859 {offsets = [7], sizes = [1], strides = [1]} : vector<16xf32> to vector<1xf32>
        %squeeze3A_875 = vector.extract %slice3A_874[0] : f32 from vector<1xf32>
        %get3A_876 = arith.constant 0 : i32
        %get3A_877 = arith.index_cast %scan3A_855 : i32 to index
        %get3A_878 = arith.index_cast %get3A_876 : i32 to index
        %get3A_879 = arith.constant 0 : index
        %get3A_880 = tpu.vector_load %arg9[%get3A_877, %get3A_878, %get3A_879] {strides = array<i32>} : memref<16x8x128xf32, #tpu.memory_space<vmem>>, vector<1x1x16xf32>,
        %get3A_881 = vector.shape_cast %get3A_880 : vector<1x1x16xf32> to vector<16xf32>
        %get3A_882 = arith.constant 1 : i32
        %get3A_883 = arith.index_cast %scan3A_855 : i32 to index
        %get3A_884 = arith.index_cast %get3A_882 : i32 to index
        %get3A_885 = arith.constant 0 : index
        %get3A_886 = tpu.vector_load %arg9[%get3A_883, %get3A_884, %get3A_885] {strides = array<i32>} : memref<16x8x128xf32, #tpu.memory_space<vmem>>, vector<1x1x16xf32>,
        %get3A_887 = vector.shape_cast %get3A_886 : vector<1x1x16xf32> to vector<16xf32>
        %get3A_888 = arith.constant 2 : i32
        %get3A_889 = arith.index_cast %scan3A_855 : i32 to index
        %get3A_890 = arith.index_cast %get3A_888 : i32 to index
        %get3A_891 = arith.constant 0 : index
        %get3A_892 = tpu.vector_load %arg9[%get3A_889, %get3A_890, %get3A_891] {strides = array<i32>} : memref<16x8x128xf32, #tpu.memory_space<vmem>>, vector<1x1x16xf32>,
        %get3A_893 = vector.shape_cast %get3A_892 : vector<1x1x16xf32> to vector<16xf32>
        %get3A_894 = arith.constant 3 : i32
        %get3A_895 = arith.index_cast %scan3A_855 : i32 to index
        %get3A_896 = arith.index_cast %get3A_894 : i32 to index
        %get3A_897 = arith.constant 0 : index
        %get3A_898 = tpu.vector_load %arg9[%get3A_895, %get3A_896, %get3A_897] {strides = array<i32>} : memref<16x8x128xf32, #tpu.memory_space<vmem>>, vector<1x1x16xf32>,
        %get3A_899 = vector.shape_cast %get3A_898 : vector<1x1x16xf32> to vector<16xf32>
        %get3A_900 = arith.constant 4 : i32
        %get3A_901 = arith.index_cast %scan3A_855 : i32 to index
        %get3A_902 = arith.index_cast %get3A_900 : i32 to index
        %get3A_903 = arith.constant 0 : index
        %get3A_904 = tpu.vector_load %arg9[%get3A_901, %get3A_902, %get3A_903] {strides = array<i32>} : memref<16x8x128xf32, #tpu.memory_space<vmem>>, vector<1x1x16xf32>,
        %get3A_905 = vector.shape_cast %get3A_904 : vector<1x1x16xf32> to vector<16xf32>
        %get3A_906 = arith.constant 5 : i32
        %get3A_907 = arith.index_cast %scan3A_855 : i32 to index
        %get3A_908 = arith.index_cast %get3A_906 : i32 to index
        %get3A_909 = arith.constant 0 : index
        %get3A_910 = tpu.vector_load %arg9[%get3A_907, %get3A_908, %get3A_909] {strides = array<i32>} : memref<16x8x128xf32, #tpu.memory_space<vmem>>, vector<1x1x16xf32>,
        %get3A_911 = vector.shape_cast %get3A_910 : vector<1x1x16xf32> to vector<16xf32>
        %get3A_912 = arith.constant 6 : i32
        %get3A_913 = arith.index_cast %scan3A_855 : i32 to index
        %get3A_914 = arith.index_cast %get3A_912 : i32 to index
        %get3A_915 = arith.constant 0 : index
        %get3A_916 = tpu.vector_load %arg9[%get3A_913, %get3A_914, %get3A_915] {strides = array<i32>} : memref<16x8x128xf32, #tpu.memory_space<vmem>>, vector<1x1x16xf32>,
        %get3A_917 = vector.shape_cast %get3A_916 : vector<1x1x16xf32> to vector<16xf32>
        %get3A_918 = arith.constant 7 : i32
        %get3A_919 = arith.index_cast %scan3A_855 : i32 to index
        %get3A_920 = arith.index_cast %get3A_918 : i32 to index
        %get3A_921 = arith.constant 0 : index
        %get3A_922 = tpu.vector_load %arg9[%get3A_919, %get3A_920, %get3A_921] {strides = array<i32>} : memref<16x8x128xf32, #tpu.memory_space<vmem>>, vector<1x1x16xf32>,
        %get3A_923 = vector.shape_cast %get3A_922 : vector<1x1x16xf32> to vector<16xf32>
        %get3A_924 = arith.constant 0 : i32
        %get3A_925 = arith.index_cast %scan3A_855 : i32 to index
        %get3A_926 = arith.index_cast %get3A_924 : i32 to index
        %get3A_927 = arith.constant 16 : index
        %get3A_928 = tpu.vector_load %arg9[%get3A_925, %get3A_926, %get3A_927] {strides = array<i32>} : memref<16x8x128xf32, #tpu.memory_space<vmem>>, vector<1x1x16xf32>,
        %get3A_929 = vector.shape_cast %get3A_928 : vector<1x1x16xf32> to vector<16xf32>
        %get3A_930 = arith.constant 1 : i32
        %get3A_931 = arith.index_cast %scan3A_855 : i32 to index
        %get3A_932 = arith.index_cast %get3A_930 : i32 to index
        %get3A_933 = arith.constant 16 : index
        %get3A_934 = tpu.vector_load %arg9[%get3A_931, %get3A_932, %get3A_933] {strides = array<i32>} : memref<16x8x128xf32, #tpu.memory_space<vmem>>, vector<1x1x16xf32>,
        %get3A_935 = vector.shape_cast %get3A_934 : vector<1x1x16xf32> to vector<16xf32>
        %get3A_936 = arith.constant 2 : i32
        %get3A_937 = arith.index_cast %scan3A_855 : i32 to index
        %get3A_938 = arith.index_cast %get3A_936 : i32 to index
        %get3A_939 = arith.constant 16 : index
        %get3A_940 = tpu.vector_load %arg9[%get3A_937, %get3A_938, %get3A_939] {strides = array<i32>} : memref<16x8x128xf32, #tpu.memory_space<vmem>>, vector<1x1x16xf32>,
        %get3A_941 = vector.shape_cast %get3A_940 : vector<1x1x16xf32> to vector<16xf32>
        %get3A_942 = arith.constant 3 : i32
        %get3A_943 = arith.index_cast %scan3A_855 : i32 to index
        %get3A_944 = arith.index_cast %get3A_942 : i32 to index
        %get3A_945 = arith.constant 16 : index
        %get3A_946 = tpu.vector_load %arg9[%get3A_943, %get3A_944, %get3A_945] {strides = array<i32>} : memref<16x8x128xf32, #tpu.memory_space<vmem>>, vector<1x1x16xf32>,
        %get3A_947 = vector.shape_cast %get3A_946 : vector<1x1x16xf32> to vector<16xf32>
        %get3A_948 = arith.constant 4 : i32
        %get3A_949 = arith.index_cast %scan3A_855 : i32 to index
        %get3A_950 = arith.index_cast %get3A_948 : i32 to index
        %get3A_951 = arith.constant 16 : index
        %get3A_952 = tpu.vector_load %arg9[%get3A_949, %get3A_950, %get3A_951] {strides = array<i32>} : memref<16x8x128xf32, #tpu.memory_space<vmem>>, vector<1x1x16xf32>,
        %get3A_953 = vector.shape_cast %get3A_952 : vector<1x1x16xf32> to vector<16xf32>
        %get3A_954 = arith.constant 5 : i32
        %get3A_955 = arith.index_cast %scan3A_855 : i32 to index
        %get3A_956 = arith.index_cast %get3A_954 : i32 to index
        %get3A_957 = arith.constant 16 : index
        %get3A_958 = tpu.vector_load %arg9[%get3A_955, %get3A_956, %get3A_957] {strides = array<i32>} : memref<16x8x128xf32, #tpu.memory_space<vmem>>, vector<1x1x16xf32>,
        %get3A_959 = vector.shape_cast %get3A_958 : vector<1x1x16xf32> to vector<16xf32>
        %get3A_960 = arith.constant 6 : i32
        %get3A_961 = arith.index_cast %scan3A_855 : i32 to index
        %get3A_962 = arith.index_cast %get3A_960 : i32 to index
        %get3A_963 = arith.constant 16 : index
        %get3A_964 = tpu.vector_load %arg9[%get3A_961, %get3A_962, %get3A_963] {strides = array<i32>} : memref<16x8x128xf32, #tpu.memory_space<vmem>>, vector<1x1x16xf32>,
        %get3A_965 = vector.shape_cast %get3A_964 : vector<1x1x16xf32> to vector<16xf32>
        %get3A_966 = arith.constant 7 : i32
        %get3A_967 = arith.index_cast %scan3A_855 : i32 to index
        %get3A_968 = arith.index_cast %get3A_966 : i32 to index
        %get3A_969 = arith.constant 16 : index
        %get3A_970 = tpu.vector_load %arg9[%get3A_967, %get3A_968, %get3A_969] {strides = array<i32>} : memref<16x8x128xf32, #tpu.memory_space<vmem>>, vector<1x1x16xf32>,
        %get3A_971 = vector.shape_cast %get3A_970 : vector<1x1x16xf32> to vector<16xf32>
        %mul3A_972 = vector.broadcast %squeeze3A_861 : f32 to vector<16xf32>
        %mul3A_973 = arith.mulf %get3A_881, %mul3A_972 : vector<16xf32>
        %mul3A_974 = vector.broadcast %squeeze3A_863 : f32 to vector<16xf32>
        %mul3A_975 = arith.mulf %get3A_887, %mul3A_974 : vector<16xf32>
        %mul3A_976 = vector.broadcast %squeeze3A_865 : f32 to vector<16xf32>
        %mul3A_977 = arith.mulf %get3A_893, %mul3A_976 : vector<16xf32>
        %mul3A_978 = vector.broadcast %squeeze3A_867 : f32 to vector<16xf32>
        %mul3A_979 = arith.mulf %get3A_899, %mul3A_978 : vector<16xf32>
        %mul3A_980 = vector.broadcast %squeeze3A_869 : f32 to vector<16xf32>
        %mul3A_981 = arith.mulf %get3A_905, %mul3A_980 : vector<16xf32>
        %mul3A_982 = vector.broadcast %squeeze3A_871 : f32 to vector<16xf32>
        %mul3A_983 = arith.mulf %get3A_911, %mul3A_982 : vector<16xf32>
        %mul3A_984 = vector.broadcast %squeeze3A_873 : f32 to vector<16xf32>
        %mul3A_985 = arith.mulf %get3A_917, %mul3A_984 : vector<16xf32>
        %mul3A_986 = vector.broadcast %squeeze3A_875 : f32 to vector<16xf32>
        %mul3A_987 = arith.mulf %get3A_923, %mul3A_986 : vector<16xf32>
        %add3A_988 = arith.addf %mul3A_973, %mul3A_975 : vector<16xf32>
        %add3A_989 = arith.addf %mul3A_977, %mul3A_979 : vector<16xf32>
        %add3A_990 = arith.addf %mul3A_981, %mul3A_983 : vector<16xf32>
        %add3A_991 = arith.addf %mul3A_985, %mul3A_987 : vector<16xf32>
        %add3A_992 = arith.addf %add3A_988, %add3A_989 : vector<16xf32>
        %add3A_993 = arith.addf %add3A_990, %add3A_991 : vector<16xf32>
        %add3A_994 = arith.addf %add3A_992, %add3A_993 : vector<16xf32>
        %swap3A_995 = arith.index_cast %scan3A_855 : i32 to index
        %swap3A_996 = arith.constant 0 : index
        %swap3A_997 = tpu.vector_load %arg15[%swap3A_995, %swap3A_996] {strides = array<i32>} : memref<16x128xf32, #tpu.memory_space<vmem>>, vector<1x16xf32>,
        %swap3A_998 = vector.shape_cast %swap3A_997 : vector<1x16xf32> to vector<16xf32>
        %swap3A_999 = vector.shape_cast %add3A_994 : vector<16xf32> to vector<1x16xf32>
        tpu.vector_store %arg15[%swap3A_995, %swap3A_996], %swap3A_999 {strides = array<i32>} : memref<16x128xf32, #tpu.memory_space<vmem>>, vector<1x16xf32>,
        %get3A_1000 = arith.constant 0 : i32
        %get3A_1001 = arith.index_cast %scan3A_855 : i32 to index
        %get3A_1002 = arith.index_cast %get3A_1000 : i32 to index
        %get3A_1003 = arith.constant 32 : index
        %get3A_1004 = tpu.vector_load %arg9[%get3A_1001, %get3A_1002, %get3A_1003] {strides = array<i32>} : memref<16x8x128xf32, #tpu.memory_space<vmem>>, vector<1x1x16xf32>,
        %get3A_1005 = vector.shape_cast %get3A_1004 : vector<1x1x16xf32> to vector<16xf32>
        %get3A_1006 = arith.constant 1 : i32
        %get3A_1007 = arith.index_cast %scan3A_855 : i32 to index
        %get3A_1008 = arith.index_cast %get3A_1006 : i32 to index
        %get3A_1009 = arith.constant 32 : index
        %get3A_1010 = tpu.vector_load %arg9[%get3A_1007, %get3A_1008, %get3A_1009] {strides = array<i32>} : memref<16x8x128xf32, #tpu.memory_space<vmem>>, vector<1x1x16xf32>,
        %get3A_1011 = vector.shape_cast %get3A_1010 : vector<1x1x16xf32> to vector<16xf32>
        %get3A_1012 = arith.constant 2 : i32
        %get3A_1013 = arith.index_cast %scan3A_855 : i32 to index
        %get3A_1014 = arith.index_cast %get3A_1012 : i32 to index
        %get3A_1015 = arith.constant 32 : index
        %get3A_1016 = tpu.vector_load %arg9[%get3A_1013, %get3A_1014, %get3A_1015] {strides = array<i32>} : memref<16x8x128xf32, #tpu.memory_space<vmem>>, vector<1x1x16xf32>,
        %get3A_1017 = vector.shape_cast %get3A_1016 : vector<1x1x16xf32> to vector<16xf32>
        %get3A_1018 = arith.constant 3 : i32
        %get3A_1019 = arith.index_cast %scan3A_855 : i32 to index
        %get3A_1020 = arith.index_cast %get3A_1018 : i32 to index
        %get3A_1021 = arith.constant 32 : index
        %get3A_1022 = tpu.vector_load %arg9[%get3A_1019, %get3A_1020, %get3A_1021] {strides = array<i32>} : memref<16x8x128xf32, #tpu.memory_space<vmem>>, vector<1x1x16xf32>,
        %get3A_1023 = vector.shape_cast %get3A_1022 : vector<1x1x16xf32> to vector<16xf32>
        %get3A_1024 = arith.constant 4 : i32
        %get3A_1025 = arith.index_cast %scan3A_855 : i32 to index
        %get3A_1026 = arith.index_cast %get3A_1024 : i32 to index
        %get3A_1027 = arith.constant 32 : index
        %get3A_1028 = tpu.vector_load %arg9[%get3A_1025, %get3A_1026, %get3A_1027] {strides = array<i32>} : memref<16x8x128xf32, #tpu.memory_space<vmem>>, vector<1x1x16xf32>,
        %get3A_1029 = vector.shape_cast %get3A_1028 : vector<1x1x16xf32> to vector<16xf32>
        %get3A_1030 = arith.constant 5 : i32
        %get3A_1031 = arith.index_cast %scan3A_855 : i32 to index
        %get3A_1032 = arith.index_cast %get3A_1030 : i32 to index
        %get3A_1033 = arith.constant 32 : index
        %get3A_1034 = tpu.vector_load %arg9[%get3A_1031, %get3A_1032, %get3A_1033] {strides = array<i32>} : memref<16x8x128xf32, #tpu.memory_space<vmem>>, vector<1x1x16xf32>,
        %get3A_1035 = vector.shape_cast %get3A_1034 : vector<1x1x16xf32> to vector<16xf32>
        %get3A_1036 = arith.constant 6 : i32
        %get3A_1037 = arith.index_cast %scan3A_855 : i32 to index
        %get3A_1038 = arith.index_cast %get3A_1036 : i32 to index
        %get3A_1039 = arith.constant 32 : index
        %get3A_1040 = tpu.vector_load %arg9[%get3A_1037, %get3A_1038, %get3A_1039] {strides = array<i32>} : memref<16x8x128xf32, #tpu.memory_space<vmem>>, vector<1x1x16xf32>,
        %get3A_1041 = vector.shape_cast %get3A_1040 : vector<1x1x16xf32> to vector<16xf32>
        %get3A_1042 = arith.constant 7 : i32
        %get3A_1043 = arith.index_cast %scan3A_855 : i32 to index
        %get3A_1044 = arith.index_cast %get3A_1042 : i32 to index
        %get3A_1045 = arith.constant 32 : index
        %get3A_1046 = tpu.vector_load %arg9[%get3A_1043, %get3A_1044, %get3A_1045] {strides = array<i32>} : memref<16x8x128xf32, #tpu.memory_space<vmem>>, vector<1x1x16xf32>,
        %get3A_1047 = vector.shape_cast %get3A_1046 : vector<1x1x16xf32> to vector<16xf32>
        %mul3A_1048 = vector.broadcast %squeeze3A_861 : f32 to vector<16xf32>
        %mul3A_1049 = arith.mulf %get3A_929, %mul3A_1048 : vector<16xf32>
        %mul3A_1050 = vector.broadcast %squeeze3A_863 : f32 to vector<16xf32>
        %mul3A_1051 = arith.mulf %get3A_935, %mul3A_1050 : vector<16xf32>
        %mul3A_1052 = vector.broadcast %squeeze3A_865 : f32 to vector<16xf32>
        %mul3A_1053 = arith.mulf %get3A_941, %mul3A_1052 : vector<16xf32>
        %mul3A_1054 = vector.broadcast %squeeze3A_867 : f32 to vector<16xf32>
        %mul3A_1055 = arith.mulf %get3A_947, %mul3A_1054 : vector<16xf32>
        %mul3A_1056 = vector.broadcast %squeeze3A_869 : f32 to vector<16xf32>
        %mul3A_1057 = arith.mulf %get3A_953, %mul3A_1056 : vector<16xf32>
        %mul3A_1058 = vector.broadcast %squeeze3A_871 : f32 to vector<16xf32>
        %mul3A_1059 = arith.mulf %get3A_959, %mul3A_1058 : vector<16xf32>
        %mul3A_1060 = vector.broadcast %squeeze3A_873 : f32 to vector<16xf32>
        %mul3A_1061 = arith.mulf %get3A_965, %mul3A_1060 : vector<16xf32>
        %mul3A_1062 = vector.broadcast %squeeze3A_875 : f32 to vector<16xf32>
        %mul3A_1063 = arith.mulf %get3A_971, %mul3A_1062 : vector<16xf32>
        %add3A_1064 = arith.addf %mul3A_1049, %mul3A_1051 : vector<16xf32>
        %add3A_1065 = arith.addf %mul3A_1053, %mul3A_1055 : vector<16xf32>
        %add3A_1066 = arith.addf %mul3A_1057, %mul3A_1059 : vector<16xf32>
        %add3A_1067 = arith.addf %mul3A_1061, %mul3A_1063 : vector<16xf32>
        %add3A_1068 = arith.addf %add3A_1064, %add3A_1065 : vector<16xf32>
        %add3A_1069 = arith.addf %add3A_1066, %add3A_1067 : vector<16xf32>
        %add3A_1070 = arith.addf %add3A_1068, %add3A_1069 : vector<16xf32>
        %swap3A_1071 = arith.index_cast %scan3A_855 : i32 to index
        %swap3A_1072 = arith.constant 16 : index
        %swap3A_1073 = tpu.vector_load %arg15[%swap3A_1071, %swap3A_1072] {strides = array<i32>} : memref<16x128xf32, #tpu.memory_space<vmem>>, vector<1x16xf32>,
        %swap3A_1074 = vector.shape_cast %swap3A_1073 : vector<1x16xf32> to vector<16xf32>
        %swap3A_1075 = vector.shape_cast %add3A_1070 : vector<16xf32> to vector<1x16xf32>
        tpu.vector_store %arg15[%swap3A_1071, %swap3A_1072], %swap3A_1075 {strides = array<i32>} : memref<16x128xf32, #tpu.memory_space<vmem>>, vector<1x16xf32>,
        %get3A_1076 = arith.constant 0 : i32
        %get3A_1077 = arith.index_cast %scan3A_855 : i32 to index
        %get3A_1078 = arith.index_cast %get3A_1076 : i32 to index
        %get3A_1079 = arith.constant 48 : index
        %get3A_1080 = tpu.vector_load %arg9[%get3A_1077, %get3A_1078, %get3A_1079] {strides = array<i32>} : memref<16x8x128xf32, #tpu.memory_space<vmem>>, vector<1x1x16xf32>,
        %get3A_1081 = vector.shape_cast %get3A_1080 : vector<1x1x16xf32> to vector<16xf32>
        %get3A_1082 = arith.constant 1 : i32
        %get3A_1083 = arith.index_cast %scan3A_855 : i32 to index
        %get3A_1084 = arith.index_cast %get3A_1082 : i32 to index
        %get3A_1085 = arith.constant 48 : index
        %get3A_1086 = tpu.vector_load %arg9[%get3A_1083, %get3A_1084, %get3A_1085] {strides = array<i32>} : memref<16x8x128xf32, #tpu.memory_space<vmem>>, vector<1x1x16xf32>,
        %get3A_1087 = vector.shape_cast %get3A_1086 : vector<1x1x16xf32> to vector<16xf32>
        %get3A_1088 = arith.constant 2 : i32
        %get3A_1089 = arith.index_cast %scan3A_855 : i32 to index
        %get3A_1090 = arith.index_cast %get3A_1088 : i32 to index
        %get3A_1091 = arith.constant 48 : index
        %get3A_1092 = tpu.vector_load %arg9[%get3A_1089, %get3A_1090, %get3A_1091] {strides = array<i32>} : memref<16x8x128xf32, #tpu.memory_space<vmem>>, vector<1x1x16xf32>,
        %get3A_1093 = vector.shape_cast %get3A_1092 : vector<1x1x16xf32> to vector<16xf32>
        %get3A_1094 = arith.constant 3 : i32
        %get3A_1095 = arith.index_cast %scan3A_855 : i32 to index
        %get3A_1096 = arith.index_cast %get3A_1094 : i32 to index
        %get3A_1097 = arith.constant 48 : index
        %get3A_1098 = tpu.vector_load %arg9[%get3A_1095, %get3A_1096, %get3A_1097] {strides = array<i32>} : memref<16x8x128xf32, #tpu.memory_space<vmem>>, vector<1x1x16xf32>,
        %get3A_1099 = vector.shape_cast %get3A_1098 : vector<1x1x16xf32> to vector<16xf32>
        %get3A_1100 = arith.constant 4 : i32
        %get3A_1101 = arith.index_cast %scan3A_855 : i32 to index
        %get3A_1102 = arith.index_cast %get3A_1100 : i32 to index
        %get3A_1103 = arith.constant 48 : index
        %get3A_1104 = tpu.vector_load %arg9[%get3A_1101, %get3A_1102, %get3A_1103] {strides = array<i32>} : memref<16x8x128xf32, #tpu.memory_space<vmem>>, vector<1x1x16xf32>,
        %get3A_1105 = vector.shape_cast %get3A_1104 : vector<1x1x16xf32> to vector<16xf32>
        %get3A_1106 = arith.constant 5 : i32
        %get3A_1107 = arith.index_cast %scan3A_855 : i32 to index
        %get3A_1108 = arith.index_cast %get3A_1106 : i32 to index
        %get3A_1109 = arith.constant 48 : index
        %get3A_1110 = tpu.vector_load %arg9[%get3A_1107, %get3A_1108, %get3A_1109] {strides = array<i32>} : memref<16x8x128xf32, #tpu.memory_space<vmem>>, vector<1x1x16xf32>,
        %get3A_1111 = vector.shape_cast %get3A_1110 : vector<1x1x16xf32> to vector<16xf32>
        %get3A_1112 = arith.constant 6 : i32
        %get3A_1113 = arith.index_cast %scan3A_855 : i32 to index
        %get3A_1114 = arith.index_cast %get3A_1112 : i32 to index
        %get3A_1115 = arith.constant 48 : index
        %get3A_1116 = tpu.vector_load %arg9[%get3A_1113, %get3A_1114, %get3A_1115] {strides = array<i32>} : memref<16x8x128xf32, #tpu.memory_space<vmem>>, vector<1x1x16xf32>,
        %get3A_1117 = vector.shape_cast %get3A_1116 : vector<1x1x16xf32> to vector<16xf32>
        %get3A_1118 = arith.constant 7 : i32
        %get3A_1119 = arith.index_cast %scan3A_855 : i32 to index
        %get3A_1120 = arith.index_cast %get3A_1118 : i32 to index
        %get3A_1121 = arith.constant 48 : index
        %get3A_1122 = tpu.vector_load %arg9[%get3A_1119, %get3A_1120, %get3A_1121] {strides = array<i32>} : memref<16x8x128xf32, #tpu.memory_space<vmem>>, vector<1x1x16xf32>,
        %get3A_1123 = vector.shape_cast %get3A_1122 : vector<1x1x16xf32> to vector<16xf32>
        %mul3A_1124 = vector.broadcast %squeeze3A_861 : f32 to vector<16xf32>
        %mul3A_1125 = arith.mulf %get3A_1005, %mul3A_1124 : vector<16xf32>
        %mul3A_1126 = vector.broadcast %squeeze3A_863 : f32 to vector<16xf32>
        %mul3A_1127 = arith.mulf %get3A_1011, %mul3A_1126 : vector<16xf32>
        %mul3A_1128 = vector.broadcast %squeeze3A_865 : f32 to vector<16xf32>
        %mul3A_1129 = arith.mulf %get3A_1017, %mul3A_1128 : vector<16xf32>
        %mul3A_1130 = vector.broadcast %squeeze3A_867 : f32 to vector<16xf32>
        %mul3A_1131 = arith.mulf %get3A_1023, %mul3A_1130 : vector<16xf32>
        %mul3A_1132 = vector.broadcast %squeeze3A_869 : f32 to vector<16xf32>
        %mul3A_1133 = arith.mulf %get3A_1029, %mul3A_1132 : vector<16xf32>
        %mul3A_1134 = vector.broadcast %squeeze3A_871 : f32 to vector<16xf32>
        %mul3A_1135 = arith.mulf %get3A_1035, %mul3A_1134 : vector<16xf32>
        %mul3A_1136 = vector.broadcast %squeeze3A_873 : f32 to vector<16xf32>
        %mul3A_1137 = arith.mulf %get3A_1041, %mul3A_1136 : vector<16xf32>
        %mul3A_1138 = vector.broadcast %squeeze3A_875 : f32 to vector<16xf32>
        %mul3A_1139 = arith.mulf %get3A_1047, %mul3A_1138 : vector<16xf32>
        %add3A_1140 = arith.addf %mul3A_1125, %mul3A_1127 : vector<16xf32>
        %add3A_1141 = arith.addf %mul3A_1129, %mul3A_1131 : vector<16xf32>
        %add3A_1142 = arith.addf %mul3A_1133, %mul3A_1135 : vector<16xf32>
        %add3A_1143 = arith.addf %mul3A_1137, %mul3A_1139 : vector<16xf32>
        %add3A_1144 = arith.addf %add3A_1140, %add3A_1141 : vector<16xf32>
        %add3A_1145 = arith.addf %add3A_1142, %add3A_1143 : vector<16xf32>
        %add3A_1146 = arith.addf %add3A_1144, %add3A_1145 : vector<16xf32>
        %swap3A_1147 = arith.index_cast %scan3A_855 : i32 to index
        %swap3A_1148 = arith.constant 32 : index
        %swap3A_1149 = tpu.vector_load %arg15[%swap3A_1147, %swap3A_1148] {strides = array<i32>} : memref<16x128xf32, #tpu.memory_space<vmem>>, vector<1x16xf32>,
        %swap3A_1150 = vector.shape_cast %swap3A_1149 : vector<1x16xf32> to vector<16xf32>
        %swap3A_1151 = vector.shape_cast %add3A_1146 : vector<16xf32> to vector<1x16xf32>
        tpu.vector_store %arg15[%swap3A_1147, %swap3A_1148], %swap3A_1151 {strides = array<i32>} : memref<16x128xf32, #tpu.memory_space<vmem>>, vector<1x16xf32>,
        %get3A_1152 = arith.constant 0 : i32
        %get3A_1153 = arith.index_cast %scan3A_855 : i32 to index
        %get3A_1154 = arith.index_cast %get3A_1152 : i32 to index
        %get3A_1155 = arith.constant 64 : index
        %get3A_1156 = tpu.vector_load %arg9[%get3A_1153, %get3A_1154, %get3A_1155] {strides = array<i32>} : memref<16x8x128xf32, #tpu.memory_space<vmem>>, vector<1x1x16xf32>,
        %get3A_1157 = vector.shape_cast %get3A_1156 : vector<1x1x16xf32> to vector<16xf32>
        %get3A_1158 = arith.constant 1 : i32
        %get3A_1159 = arith.index_cast %scan3A_855 : i32 to index
        %get3A_1160 = arith.index_cast %get3A_1158 : i32 to index
        %get3A_1161 = arith.constant 64 : index
        %get3A_1162 = tpu.vector_load %arg9[%get3A_1159, %get3A_1160, %get3A_1161] {strides = array<i32>} : memref<16x8x128xf32, #tpu.memory_space<vmem>>, vector<1x1x16xf32>,
        %get3A_1163 = vector.shape_cast %get3A_1162 : vector<1x1x16xf32> to vector<16xf32>
        %get3A_1164 = arith.constant 2 : i32
        %get3A_1165 = arith.index_cast %scan3A_855 : i32 to index
        %get3A_1166 = arith.index_cast %get3A_1164 : i32 to index
        %get3A_1167 = arith.constant 64 : index
        %get3A_1168 = tpu.vector_load %arg9[%get3A_1165, %get3A_1166, %get3A_1167] {strides = array<i32>} : memref<16x8x128xf32, #tpu.memory_space<vmem>>, vector<1x1x16xf32>,
        %get3A_1169 = vector.shape_cast %get3A_1168 : vector<1x1x16xf32> to vector<16xf32>
        %get3A_1170 = arith.constant 3 : i32
        %get3A_1171 = arith.index_cast %scan3A_855 : i32 to index
        %get3A_1172 = arith.index_cast %get3A_1170 : i32 to index
        %get3A_1173 = arith.constant 64 : index
        %get3A_1174 = tpu.vector_load %arg9[%get3A_1171, %get3A_1172, %get3A_1173] {strides = array<i32>} : memref<16x8x128xf32, #tpu.memory_space<vmem>>, vector<1x1x16xf32>,
        %get3A_1175 = vector.shape_cast %get3A_1174 : vector<1x1x16xf32> to vector<16xf32>
        %get3A_1176 = arith.constant 4 : i32
        %get3A_1177 = arith.index_cast %scan3A_855 : i32 to index
        %get3A_1178 = arith.index_cast %get3A_1176 : i32 to index
        %get3A_1179 = arith.constant 64 : index
        %get3A_1180 = tpu.vector_load %arg9[%get3A_1177, %get3A_1178, %get3A_1179] {strides = array<i32>} : memref<16x8x128xf32, #tpu.memory_space<vmem>>, vector<1x1x16xf32>,
        %get3A_1181 = vector.shape_cast %get3A_1180 : vector<1x1x16xf32> to vector<16xf32>
        %get3A_1182 = arith.constant 5 : i32
        %get3A_1183 = arith.index_cast %scan3A_855 : i32 to index
        %get3A_1184 = arith.index_cast %get3A_1182 : i32 to index
        %get3A_1185 = arith.constant 64 : index
        %get3A_1186 = tpu.vector_load %arg9[%get3A_1183, %get3A_1184, %get3A_1185] {strides = array<i32>} : memref<16x8x128xf32, #tpu.memory_space<vmem>>, vector<1x1x16xf32>,
        %get3A_1187 = vector.shape_cast %get3A_1186 : vector<1x1x16xf32> to vector<16xf32>
        %get3A_1188 = arith.constant 6 : i32
        %get3A_1189 = arith.index_cast %scan3A_855 : i32 to index
        %get3A_1190 = arith.index_cast %get3A_1188 : i32 to index
        %get3A_1191 = arith.constant 64 : index
        %get3A_1192 = tpu.vector_load %arg9[%get3A_1189, %get3A_1190, %get3A_1191] {strides = array<i32>} : memref<16x8x128xf32, #tpu.memory_space<vmem>>, vector<1x1x16xf32>,
        %get3A_1193 = vector.shape_cast %get3A_1192 : vector<1x1x16xf32> to vector<16xf32>
        %get3A_1194 = arith.constant 7 : i32
        %get3A_1195 = arith.index_cast %scan3A_855 : i32 to index
        %get3A_1196 = arith.index_cast %get3A_1194 : i32 to index
        %get3A_1197 = arith.constant 64 : index
        %get3A_1198 = tpu.vector_load %arg9[%get3A_1195, %get3A_1196, %get3A_1197] {strides = array<i32>} : memref<16x8x128xf32, #tpu.memory_space<vmem>>, vector<1x1x16xf32>,
        %get3A_1199 = vector.shape_cast %get3A_1198 : vector<1x1x16xf32> to vector<16xf32>
        %mul3A_1200 = vector.broadcast %squeeze3A_861 : f32 to vector<16xf32>
        %mul3A_1201 = arith.mulf %get3A_1081, %mul3A_1200 : vector<16xf32>
        %mul3A_1202 = vector.broadcast %squeeze3A_863 : f32 to vector<16xf32>
        %mul3A_1203 = arith.mulf %get3A_1087, %mul3A_1202 : vector<16xf32>
        %mul3A_1204 = vector.broadcast %squeeze3A_865 : f32 to vector<16xf32>
        %mul3A_1205 = arith.mulf %get3A_1093, %mul3A_1204 : vector<16xf32>
        %mul3A_1206 = vector.broadcast %squeeze3A_867 : f32 to vector<16xf32>
        %mul3A_1207 = arith.mulf %get3A_1099, %mul3A_1206 : vector<16xf32>
        %mul3A_1208 = vector.broadcast %squeeze3A_869 : f32 to vector<16xf32>
        %mul3A_1209 = arith.mulf %get3A_1105, %mul3A_1208 : vector<16xf32>
        %mul3A_1210 = vector.broadcast %squeeze3A_871 : f32 to vector<16xf32>
        %mul3A_1211 = arith.mulf %get3A_1111, %mul3A_1210 : vector<16xf32>
        %mul3A_1212 = vector.broadcast %squeeze3A_873 : f32 to vector<16xf32>
        %mul3A_1213 = arith.mulf %get3A_1117, %mul3A_1212 : vector<16xf32>
        %mul3A_1214 = vector.broadcast %squeeze3A_875 : f32 to vector<16xf32>
        %mul3A_1215 = arith.mulf %get3A_1123, %mul3A_1214 : vector<16xf32>
        %add3A_1216 = arith.addf %mul3A_1201, %mul3A_1203 : vector<16xf32>
        %add3A_1217 = arith.addf %mul3A_1205, %mul3A_1207 : vector<16xf32>
        %add3A_1218 = arith.addf %mul3A_1209, %mul3A_1211 : vector<16xf32>
        %add3A_1219 = arith.addf %mul3A_1213, %mul3A_1215 : vector<16xf32>
        %add3A_1220 = arith.addf %add3A_1216, %add3A_1217 : vector<16xf32>
        %add3A_1221 = arith.addf %add3A_1218, %add3A_1219 : vector<16xf32>
        %add3A_1222 = arith.addf %add3A_1220, %add3A_1221 : vector<16xf32>
        %swap3A_1223 = arith.index_cast %scan3A_855 : i32 to index
        %swap3A_1224 = arith.constant 48 : index
        %swap3A_1225 = tpu.vector_load %arg15[%swap3A_1223, %swap3A_1224] {strides = array<i32>} : memref<16x128xf32, #tpu.memory_space<vmem>>, vector<1x16xf32>,
        %swap3A_1226 = vector.shape_cast %swap3A_1225 : vector<1x16xf32> to vector<16xf32>
        %swap3A_1227 = vector.shape_cast %add3A_1222 : vector<16xf32> to vector<1x16xf32>
        tpu.vector_store %arg15[%swap3A_1223, %swap3A_1224], %swap3A_1227 {strides = array<i32>} : memref<16x128xf32, #tpu.memory_space<vmem>>, vector<1x16xf32>,
        %get3A_1228 = arith.constant 0 : i32
        %get3A_1229 = arith.index_cast %scan3A_855 : i32 to index
        %get3A_1230 = arith.index_cast %get3A_1228 : i32 to index
        %get3A_1231 = arith.constant 80 : index
        %get3A_1232 = tpu.vector_load %arg9[%get3A_1229, %get3A_1230, %get3A_1231] {strides = array<i32>} : memref<16x8x128xf32, #tpu.memory_space<vmem>>, vector<1x1x16xf32>,
        %get3A_1233 = vector.shape_cast %get3A_1232 : vector<1x1x16xf32> to vector<16xf32>
        %get3A_1234 = arith.constant 1 : i32
        %get3A_1235 = arith.index_cast %scan3A_855 : i32 to index
        %get3A_1236 = arith.index_cast %get3A_1234 : i32 to index
        %get3A_1237 = arith.constant 80 : index
        %get3A_1238 = tpu.vector_load %arg9[%get3A_1235, %get3A_1236, %get3A_1237] {strides = array<i32>} : memref<16x8x128xf32, #tpu.memory_space<vmem>>, vector<1x1x16xf32>,
        %get3A_1239 = vector.shape_cast %get3A_1238 : vector<1x1x16xf32> to vector<16xf32>
        %get3A_1240 = arith.constant 2 : i32
        %get3A_1241 = arith.index_cast %scan3A_855 : i32 to index
        %get3A_1242 = arith.index_cast %get3A_1240 : i32 to index
        %get3A_1243 = arith.constant 80 : index
        %get3A_1244 = tpu.vector_load %arg9[%get3A_1241, %get3A_1242, %get3A_1243] {strides = array<i32>} : memref<16x8x128xf32, #tpu.memory_space<vmem>>, vector<1x1x16xf32>,
        %get3A_1245 = vector.shape_cast %get3A_1244 : vector<1x1x16xf32> to vector<16xf32>
        %get3A_1246 = arith.constant 3 : i32
        %get3A_1247 = arith.index_cast %scan3A_855 : i32 to index
        %get3A_1248 = arith.index_cast %get3A_1246 : i32 to index
        %get3A_1249 = arith.constant 80 : index
        %get3A_1250 = tpu.vector_load %arg9[%get3A_1247, %get3A_1248, %get3A_1249] {strides = array<i32>} : memref<16x8x128xf32, #tpu.memory_space<vmem>>, vector<1x1x16xf32>,
        %get3A_1251 = vector.shape_cast %get3A_1250 : vector<1x1x16xf32> to vector<16xf32>
        %get3A_1252 = arith.constant 4 : i32
        %get3A_1253 = arith.index_cast %scan3A_855 : i32 to index
        %get3A_1254 = arith.index_cast %get3A_1252 : i32 to index
        %get3A_1255 = arith.constant 80 : index
        %get3A_1256 = tpu.vector_load %arg9[%get3A_1253, %get3A_1254, %get3A_1255] {strides = array<i32>} : memref<16x8x128xf32, #tpu.memory_space<vmem>>, vector<1x1x16xf32>,
        %get3A_1257 = vector.shape_cast %get3A_1256 : vector<1x1x16xf32> to vector<16xf32>
        %get3A_1258 = arith.constant 5 : i32
        %get3A_1259 = arith.index_cast %scan3A_855 : i32 to index
        %get3A_1260 = arith.index_cast %get3A_1258 : i32 to index
        %get3A_1261 = arith.constant 80 : index
        %get3A_1262 = tpu.vector_load %arg9[%get3A_1259, %get3A_1260, %get3A_1261] {strides = array<i32>} : memref<16x8x128xf32, #tpu.memory_space<vmem>>, vector<1x1x16xf32>,
        %get3A_1263 = vector.shape_cast %get3A_1262 : vector<1x1x16xf32> to vector<16xf32>
        %get3A_1264 = arith.constant 6 : i32
        %get3A_1265 = arith.index_cast %scan3A_855 : i32 to index
        %get3A_1266 = arith.index_cast %get3A_1264 : i32 to index
        %get3A_1267 = arith.constant 80 : index
        %get3A_1268 = tpu.vector_load %arg9[%get3A_1265, %get3A_1266, %get3A_1267] {strides = array<i32>} : memref<16x8x128xf32, #tpu.memory_space<vmem>>, vector<1x1x16xf32>,
        %get3A_1269 = vector.shape_cast %get3A_1268 : vector<1x1x16xf32> to vector<16xf32>
        %get3A_1270 = arith.constant 7 : i32
        %get3A_1271 = arith.index_cast %scan3A_855 : i32 to index
        %get3A_1272 = arith.index_cast %get3A_1270 : i32 to index
        %get3A_1273 = arith.constant 80 : index
        %get3A_1274 = tpu.vector_load %arg9[%get3A_1271, %get3A_1272, %get3A_1273] {strides = array<i32>} : memref<16x8x128xf32, #tpu.memory_space<vmem>>, vector<1x1x16xf32>,
        %get3A_1275 = vector.shape_cast %get3A_1274 : vector<1x1x16xf32> to vector<16xf32>
        %mul3A_1276 = vector.broadcast %squeeze3A_861 : f32 to vector<16xf32>
        %mul3A_1277 = arith.mulf %get3A_1157, %mul3A_1276 : vector<16xf32>
        %mul3A_1278 = vector.broadcast %squeeze3A_863 : f32 to vector<16xf32>
        %mul3A_1279 = arith.mulf %get3A_1163, %mul3A_1278 : vector<16xf32>
        %mul3A_1280 = vector.broadcast %squeeze3A_865 : f32 to vector<16xf32>
        %mul3A_1281 = arith.mulf %get3A_1169, %mul3A_1280 : vector<16xf32>
        %mul3A_1282 = vector.broadcast %squeeze3A_867 : f32 to vector<16xf32>
        %mul3A_1283 = arith.mulf %get3A_1175, %mul3A_1282 : vector<16xf32>
        %mul3A_1284 = vector.broadcast %squeeze3A_869 : f32 to vector<16xf32>
        %mul3A_1285 = arith.mulf %get3A_1181, %mul3A_1284 : vector<16xf32>
        %mul3A_1286 = vector.broadcast %squeeze3A_871 : f32 to vector<16xf32>
        %mul3A_1287 = arith.mulf %get3A_1187, %mul3A_1286 : vector<16xf32>
        %mul3A_1288 = vector.broadcast %squeeze3A_873 : f32 to vector<16xf32>
        %mul3A_1289 = arith.mulf %get3A_1193, %mul3A_1288 : vector<16xf32>
        %mul3A_1290 = vector.broadcast %squeeze3A_875 : f32 to vector<16xf32>
        %mul3A_1291 = arith.mulf %get3A_1199, %mul3A_1290 : vector<16xf32>
        %add3A_1292 = arith.addf %mul3A_1277, %mul3A_1279 : vector<16xf32>
        %add3A_1293 = arith.addf %mul3A_1281, %mul3A_1283 : vector<16xf32>
        %add3A_1294 = arith.addf %mul3A_1285, %mul3A_1287 : vector<16xf32>
        %add3A_1295 = arith.addf %mul3A_1289, %mul3A_1291 : vector<16xf32>
        %add3A_1296 = arith.addf %add3A_1292, %add3A_1293 : vector<16xf32>
        %add3A_1297 = arith.addf %add3A_1294, %add3A_1295 : vector<16xf32>
        %add3A_1298 = arith.addf %add3A_1296, %add3A_1297 : vector<16xf32>
        %swap3A_1299 = arith.index_cast %scan3A_855 : i32 to index
        %swap3A_1300 = arith.constant 64 : index
        %swap3A_1301 = tpu.vector_load %arg15[%swap3A_1299, %swap3A_1300] {strides = array<i32>} : memref<16x128xf32, #tpu.memory_space<vmem>>, vector<1x16xf32>,
        %swap3A_1302 = vector.shape_cast %swap3A_1301 : vector<1x16xf32> to vector<16xf32>
        %swap3A_1303 = vector.shape_cast %add3A_1298 : vector<16xf32> to vector<1x16xf32>
        tpu.vector_store %arg15[%swap3A_1299, %swap3A_1300], %swap3A_1303 {strides = array<i32>} : memref<16x128xf32, #tpu.memory_space<vmem>>, vector<1x16xf32>,
        %get3A_1304 = arith.constant 0 : i32
        %get3A_1305 = arith.index_cast %scan3A_855 : i32 to index
        %get3A_1306 = arith.index_cast %get3A_1304 : i32 to index
        %get3A_1307 = arith.constant 96 : index
        %get3A_1308 = tpu.vector_load %arg9[%get3A_1305, %get3A_1306, %get3A_1307] {strides = array<i32>} : memref<16x8x128xf32, #tpu.memory_space<vmem>>, vector<1x1x16xf32>,
        %get3A_1309 = vector.shape_cast %get3A_1308 : vector<1x1x16xf32> to vector<16xf32>
        %get3A_1310 = arith.constant 1 : i32
        %get3A_1311 = arith.index_cast %scan3A_855 : i32 to index
        %get3A_1312 = arith.index_cast %get3A_1310 : i32 to index
        %get3A_1313 = arith.constant 96 : index
        %get3A_1314 = tpu.vector_load %arg9[%get3A_1311, %get3A_1312, %get3A_1313] {strides = array<i32>} : memref<16x8x128xf32, #tpu.memory_space<vmem>>, vector<1x1x16xf32>,
        %get3A_1315 = vector.shape_cast %get3A_1314 : vector<1x1x16xf32> to vector<16xf32>
        %get3A_1316 = arith.constant 2 : i32
        %get3A_1317 = arith.index_cast %scan3A_855 : i32 to index
        %get3A_1318 = arith.index_cast %get3A_1316 : i32 to index
        %get3A_1319 = arith.constant 96 : index
        %get3A_1320 = tpu.vector_load %arg9[%get3A_1317, %get3A_1318, %get3A_1319] {strides = array<i32>} : memref<16x8x128xf32, #tpu.memory_space<vmem>>, vector<1x1x16xf32>,
        %get3A_1321 = vector.shape_cast %get3A_1320 : vector<1x1x16xf32> to vector<16xf32>
        %get3A_1322 = arith.constant 3 : i32
        %get3A_1323 = arith.index_cast %scan3A_855 : i32 to index
        %get3A_1324 = arith.index_cast %get3A_1322 : i32 to index
        %get3A_1325 = arith.constant 96 : index
        %get3A_1326 = tpu.vector_load %arg9[%get3A_1323, %get3A_1324, %get3A_1325] {strides = array<i32>} : memref<16x8x128xf32, #tpu.memory_space<vmem>>, vector<1x1x16xf32>,
        %get3A_1327 = vector.shape_cast %get3A_1326 : vector<1x1x16xf32> to vector<16xf32>
        %get3A_1328 = arith.constant 4 : i32
        %get3A_1329 = arith.index_cast %scan3A_855 : i32 to index
        %get3A_1330 = arith.index_cast %get3A_1328 : i32 to index
        %get3A_1331 = arith.constant 96 : index
        %get3A_1332 = tpu.vector_load %arg9[%get3A_1329, %get3A_1330, %get3A_1331] {strides = array<i32>} : memref<16x8x128xf32, #tpu.memory_space<vmem>>, vector<1x1x16xf32>,
        %get3A_1333 = vector.shape_cast %get3A_1332 : vector<1x1x16xf32> to vector<16xf32>
        %get3A_1334 = arith.constant 5 : i32
        %get3A_1335 = arith.index_cast %scan3A_855 : i32 to index
        %get3A_1336 = arith.index_cast %get3A_1334 : i32 to index
        %get3A_1337 = arith.constant 96 : index
        %get3A_1338 = tpu.vector_load %arg9[%get3A_1335, %get3A_1336, %get3A_1337] {strides = array<i32>} : memref<16x8x128xf32, #tpu.memory_space<vmem>>, vector<1x1x16xf32>,
        %get3A_1339 = vector.shape_cast %get3A_1338 : vector<1x1x16xf32> to vector<16xf32>
        %get3A_1340 = arith.constant 6 : i32
        %get3A_1341 = arith.index_cast %scan3A_855 : i32 to index
        %get3A_1342 = arith.index_cast %get3A_1340 : i32 to index
        %get3A_1343 = arith.constant 96 : index
        %get3A_1344 = tpu.vector_load %arg9[%get3A_1341, %get3A_1342, %get3A_1343] {strides = array<i32>} : memref<16x8x128xf32, #tpu.memory_space<vmem>>, vector<1x1x16xf32>,
        %get3A_1345 = vector.shape_cast %get3A_1344 : vector<1x1x16xf32> to vector<16xf32>
        %get3A_1346 = arith.constant 7 : i32
        %get3A_1347 = arith.index_cast %scan3A_855 : i32 to index
        %get3A_1348 = arith.index_cast %get3A_1346 : i32 to index
        %get3A_1349 = arith.constant 96 : index
        %get3A_1350 = tpu.vector_load %arg9[%get3A_1347, %get3A_1348, %get3A_1349] {strides = array<i32>} : memref<16x8x128xf32, #tpu.memory_space<vmem>>, vector<1x1x16xf32>,
        %get3A_1351 = vector.shape_cast %get3A_1350 : vector<1x1x16xf32> to vector<16xf32>
        %mul3A_1352 = vector.broadcast %squeeze3A_861 : f32 to vector<16xf32>
        %mul3A_1353 = arith.mulf %get3A_1233, %mul3A_1352 : vector<16xf32>
        %mul3A_1354 = vector.broadcast %squeeze3A_863 : f32 to vector<16xf32>
        %mul3A_1355 = arith.mulf %get3A_1239, %mul3A_1354 : vector<16xf32>
        %mul3A_1356 = vector.broadcast %squeeze3A_865 : f32 to vector<16xf32>
        %mul3A_1357 = arith.mulf %get3A_1245, %mul3A_1356 : vector<16xf32>
        %mul3A_1358 = vector.broadcast %squeeze3A_867 : f32 to vector<16xf32>
        %mul3A_1359 = arith.mulf %get3A_1251, %mul3A_1358 : vector<16xf32>
        %mul3A_1360 = vector.broadcast %squeeze3A_869 : f32 to vector<16xf32>
        %mul3A_1361 = arith.mulf %get3A_1257, %mul3A_1360 : vector<16xf32>
        %mul3A_1362 = vector.broadcast %squeeze3A_871 : f32 to vector<16xf32>
        %mul3A_1363 = arith.mulf %get3A_1263, %mul3A_1362 : vector<16xf32>
        %mul3A_1364 = vector.broadcast %squeeze3A_873 : f32 to vector<16xf32>
        %mul3A_1365 = arith.mulf %get3A_1269, %mul3A_1364 : vector<16xf32>
        %mul3A_1366 = vector.broadcast %squeeze3A_875 : f32 to vector<16xf32>
        %mul3A_1367 = arith.mulf %get3A_1275, %mul3A_1366 : vector<16xf32>
        %add3A_1368 = arith.addf %mul3A_1353, %mul3A_1355 : vector<16xf32>
        %add3A_1369 = arith.addf %mul3A_1357, %mul3A_1359 : vector<16xf32>
        %add3A_1370 = arith.addf %mul3A_1361, %mul3A_1363 : vector<16xf32>
        %add3A_1371 = arith.addf %mul3A_1365, %mul3A_1367 : vector<16xf32>
        %add3A_1372 = arith.addf %add3A_1368, %add3A_1369 : vector<16xf32>
        %add3A_1373 = arith.addf %add3A_1370, %add3A_1371 : vector<16xf32>
        %add3A_1374 = arith.addf %add3A_1372, %add3A_1373 : vector<16xf32>
        %swap3A_1375 = arith.index_cast %scan3A_855 : i32 to index
        %swap3A_1376 = arith.constant 80 : index
        %swap3A_1377 = tpu.vector_load %arg15[%swap3A_1375, %swap3A_1376] {strides = array<i32>} : memref<16x128xf32, #tpu.memory_space<vmem>>, vector<1x16xf32>,
        %swap3A_1378 = vector.shape_cast %swap3A_1377 : vector<1x16xf32> to vector<16xf32>
        %swap3A_1379 = vector.shape_cast %add3A_1374 : vector<16xf32> to vector<1x16xf32>
        tpu.vector_store %arg15[%swap3A_1375, %swap3A_1376], %swap3A_1379 {strides = array<i32>} : memref<16x128xf32, #tpu.memory_space<vmem>>, vector<1x16xf32>,
        %get3A_1380 = arith.constant 0 : i32
        %get3A_1381 = arith.index_cast %scan3A_855 : i32 to index
        %get3A_1382 = arith.index_cast %get3A_1380 : i32 to index
        %get3A_1383 = arith.constant 112 : index
        %get3A_1384 = tpu.vector_load %arg9[%get3A_1381, %get3A_1382, %get3A_1383] {strides = array<i32>} : memref<16x8x128xf32, #tpu.memory_space<vmem>>, vector<1x1x16xf32>,
        %get3A_1385 = vector.shape_cast %get3A_1384 : vector<1x1x16xf32> to vector<16xf32>
        %get3A_1386 = arith.constant 1 : i32
        %get3A_1387 = arith.index_cast %scan3A_855 : i32 to index
        %get3A_1388 = arith.index_cast %get3A_1386 : i32 to index
        %get3A_1389 = arith.constant 112 : index
        %get3A_1390 = tpu.vector_load %arg9[%get3A_1387, %get3A_1388, %get3A_1389] {strides = array<i32>} : memref<16x8x128xf32, #tpu.memory_space<vmem>>, vector<1x1x16xf32>,
        %get3A_1391 = vector.shape_cast %get3A_1390 : vector<1x1x16xf32> to vector<16xf32>
        %get3A_1392 = arith.constant 2 : i32
        %get3A_1393 = arith.index_cast %scan3A_855 : i32 to index
        %get3A_1394 = arith.index_cast %get3A_1392 : i32 to index
        %get3A_1395 = arith.constant 112 : index
        %get3A_1396 = tpu.vector_load %arg9[%get3A_1393, %get3A_1394, %get3A_1395] {strides = array<i32>} : memref<16x8x128xf32, #tpu.memory_space<vmem>>, vector<1x1x16xf32>,
        %get3A_1397 = vector.shape_cast %get3A_1396 : vector<1x1x16xf32> to vector<16xf32>
        %get3A_1398 = arith.constant 3 : i32
        %get3A_1399 = arith.index_cast %scan3A_855 : i32 to index
        %get3A_1400 = arith.index_cast %get3A_1398 : i32 to index
        %get3A_1401 = arith.constant 112 : index
        %get3A_1402 = tpu.vector_load %arg9[%get3A_1399, %get3A_1400, %get3A_1401] {strides = array<i32>} : memref<16x8x128xf32, #tpu.memory_space<vmem>>, vector<1x1x16xf32>,
        %get3A_1403 = vector.shape_cast %get3A_1402 : vector<1x1x16xf32> to vector<16xf32>
        %get3A_1404 = arith.constant 4 : i32
        %get3A_1405 = arith.index_cast %scan3A_855 : i32 to index
        %get3A_1406 = arith.index_cast %get3A_1404 : i32 to index
        %get3A_1407 = arith.constant 112 : index
        %get3A_1408 = tpu.vector_load %arg9[%get3A_1405, %get3A_1406, %get3A_1407] {strides = array<i32>} : memref<16x8x128xf32, #tpu.memory_space<vmem>>, vector<1x1x16xf32>,
        %get3A_1409 = vector.shape_cast %get3A_1408 : vector<1x1x16xf32> to vector<16xf32>
        %get3A_1410 = arith.constant 5 : i32
        %get3A_1411 = arith.index_cast %scan3A_855 : i32 to index
        %get3A_1412 = arith.index_cast %get3A_1410 : i32 to index
        %get3A_1413 = arith.constant 112 : index
        %get3A_1414 = tpu.vector_load %arg9[%get3A_1411, %get3A_1412, %get3A_1413] {strides = array<i32>} : memref<16x8x128xf32, #tpu.memory_space<vmem>>, vector<1x1x16xf32>,
        %get3A_1415 = vector.shape_cast %get3A_1414 : vector<1x1x16xf32> to vector<16xf32>
        %get3A_1416 = arith.constant 6 : i32
        %get3A_1417 = arith.index_cast %scan3A_855 : i32 to index
        %get3A_1418 = arith.index_cast %get3A_1416 : i32 to index
        %get3A_1419 = arith.constant 112 : index
        %get3A_1420 = tpu.vector_load %arg9[%get3A_1417, %get3A_1418, %get3A_1419] {strides = array<i32>} : memref<16x8x128xf32, #tpu.memory_space<vmem>>, vector<1x1x16xf32>,
        %get3A_1421 = vector.shape_cast %get3A_1420 : vector<1x1x16xf32> to vector<16xf32>
        %get3A_1422 = arith.constant 7 : i32
        %get3A_1423 = arith.index_cast %scan3A_855 : i32 to index
        %get3A_1424 = arith.index_cast %get3A_1422 : i32 to index
        %get3A_1425 = arith.constant 112 : index
        %get3A_1426 = tpu.vector_load %arg9[%get3A_1423, %get3A_1424, %get3A_1425] {strides = array<i32>} : memref<16x8x128xf32, #tpu.memory_space<vmem>>, vector<1x1x16xf32>,
        %get3A_1427 = vector.shape_cast %get3A_1426 : vector<1x1x16xf32> to vector<16xf32>
        %mul3A_1428 = vector.broadcast %squeeze3A_861 : f32 to vector<16xf32>
        %mul3A_1429 = arith.mulf %get3A_1309, %mul3A_1428 : vector<16xf32>
        %mul3A_1430 = vector.broadcast %squeeze3A_863 : f32 to vector<16xf32>
        %mul3A_1431 = arith.mulf %get3A_1315, %mul3A_1430 : vector<16xf32>
        %mul3A_1432 = vector.broadcast %squeeze3A_865 : f32 to vector<16xf32>
        %mul3A_1433 = arith.mulf %get3A_1321, %mul3A_1432 : vector<16xf32>
        %mul3A_1434 = vector.broadcast %squeeze3A_867 : f32 to vector<16xf32>
        %mul3A_1435 = arith.mulf %get3A_1327, %mul3A_1434 : vector<16xf32>
        %mul3A_1436 = vector.broadcast %squeeze3A_869 : f32 to vector<16xf32>
        %mul3A_1437 = arith.mulf %get3A_1333, %mul3A_1436 : vector<16xf32>
        %mul3A_1438 = vector.broadcast %squeeze3A_871 : f32 to vector<16xf32>
        %mul3A_1439 = arith.mulf %get3A_1339, %mul3A_1438 : vector<16xf32>
        %mul3A_1440 = vector.broadcast %squeeze3A_873 : f32 to vector<16xf32>
        %mul3A_1441 = arith.mulf %get3A_1345, %mul3A_1440 : vector<16xf32>
        %mul3A_1442 = vector.broadcast %squeeze3A_875 : f32 to vector<16xf32>
        %mul3A_1443 = arith.mulf %get3A_1351, %mul3A_1442 : vector<16xf32>
        %add3A_1444 = arith.addf %mul3A_1429, %mul3A_1431 : vector<16xf32>
        %add3A_1445 = arith.addf %mul3A_1433, %mul3A_1435 : vector<16xf32>
        %add3A_1446 = arith.addf %mul3A_1437, %mul3A_1439 : vector<16xf32>
        %add3A_1447 = arith.addf %mul3A_1441, %mul3A_1443 : vector<16xf32>
        %add3A_1448 = arith.addf %add3A_1444, %add3A_1445 : vector<16xf32>
        %add3A_1449 = arith.addf %add3A_1446, %add3A_1447 : vector<16xf32>
        %add3A_1450 = arith.addf %add3A_1448, %add3A_1449 : vector<16xf32>
        %swap3A_1451 = arith.index_cast %scan3A_855 : i32 to index
        %swap3A_1452 = arith.constant 96 : index
        %swap3A_1453 = tpu.vector_load %arg15[%swap3A_1451, %swap3A_1452] {strides = array<i32>} : memref<16x128xf32, #tpu.memory_space<vmem>>, vector<1x16xf32>,
        %swap3A_1454 = vector.shape_cast %swap3A_1453 : vector<1x16xf32> to vector<16xf32>
        %swap3A_1455 = vector.shape_cast %add3A_1450 : vector<16xf32> to vector<1x16xf32>
        tpu.vector_store %arg15[%swap3A_1451, %swap3A_1452], %swap3A_1455 {strides = array<i32>} : memref<16x128xf32, #tpu.memory_space<vmem>>, vector<1x16xf32>,
        %mul3A_1456 = vector.broadcast %squeeze3A_861 : f32 to vector<16xf32>
        %mul3A_1457 = arith.mulf %get3A_1385, %mul3A_1456 : vector<16xf32>
        %mul3A_1458 = vector.broadcast %squeeze3A_863 : f32 to vector<16xf32>
        %mul3A_1459 = arith.mulf %get3A_1391, %mul3A_1458 : vector<16xf32>
        %mul3A_1460 = vector.broadcast %squeeze3A_865 : f32 to vector<16xf32>
        %mul3A_1461 = arith.mulf %get3A_1397, %mul3A_1460 : vector<16xf32>
        %mul3A_1462 = vector.broadcast %squeeze3A_867 : f32 to vector<16xf32>
        %mul3A_1463 = arith.mulf %get3A_1403, %mul3A_1462 : vector<16xf32>
        %mul3A_1464 = vector.broadcast %squeeze3A_869 : f32 to vector<16xf32>
        %mul3A_1465 = arith.mulf %get3A_1409, %mul3A_1464 : vector<16xf32>
        %mul3A_1466 = vector.broadcast %squeeze3A_871 : f32 to vector<16xf32>
        %mul3A_1467 = arith.mulf %get3A_1415, %mul3A_1466 : vector<16xf32>
        %mul3A_1468 = vector.broadcast %squeeze3A_873 : f32 to vector<16xf32>
        %mul3A_1469 = arith.mulf %get3A_1421, %mul3A_1468 : vector<16xf32>
        %mul3A_1470 = vector.broadcast %squeeze3A_875 : f32 to vector<16xf32>
        %mul3A_1471 = arith.mulf %get3A_1427, %mul3A_1470 : vector<16xf32>
        %add3A_1472 = arith.addf %mul3A_1457, %mul3A_1459 : vector<16xf32>
        %add3A_1473 = arith.addf %mul3A_1461, %mul3A_1463 : vector<16xf32>
        %add3A_1474 = arith.addf %mul3A_1465, %mul3A_1467 : vector<16xf32>
        %add3A_1475 = arith.addf %mul3A_1469, %mul3A_1471 : vector<16xf32>
        %add3A_1476 = arith.addf %add3A_1472, %add3A_1473 : vector<16xf32>
        %add3A_1477 = arith.addf %add3A_1474, %add3A_1475 : vector<16xf32>
        %add3A_1478 = arith.addf %add3A_1476, %add3A_1477 : vector<16xf32>
        %swap3A_1479 = arith.index_cast %scan3A_855 : i32 to index
        %swap3A_1480 = arith.constant 112 : index
        %swap3A_1481 = tpu.vector_load %arg15[%swap3A_1479, %swap3A_1480] {strides = array<i32>} : memref<16x128xf32, #tpu.memory_space<vmem>>, vector<1x16xf32>,
        %swap3A_1482 = vector.shape_cast %swap3A_1481 : vector<1x16xf32> to vector<16xf32>
        %swap3A_1483 = vector.shape_cast %add3A_1478 : vector<16xf32> to vector<1x16xf32>
        tpu.vector_store %arg15[%swap3A_1479, %swap3A_1480], %swap3A_1483 {strides = array<i32>} : memref<16x128xf32, #tpu.memory_space<vmem>>, vector<1x16xf32>,
      }
      %scan3A_173 = arith.constant 16 : i32
      %mul3A_174 = arith.constant 16 : i32
      %mul3A_175 = arith.muli %add3A_148, %mul3A_174 : i32
      %add3A_176 = arith.addi %mul3A_2, %mul3A_175 : i32
      %dma_start3A_177 = arith.constant 0 : i32
      %dma_start3A_178 = tpu.memref_slice %arg5[%add3A_176, %dma_start3A_177] : memref<16384x128xf32, #tpu.memory_space<hbm>> -> memref<16x128xf32, #tpu.memory_space<hbm>>
      %dma_start3A_179 = arith.constant 0 : i32
      %dma_start3A_180 = tpu.memref_slice %arg5[%add3A_176, %dma_start3A_179] : memref<16384x128xf32, #tpu.memory_space<hbm>> -> memref<16x128xf32, #tpu.memory_space<hbm>>
      tpu.enqueue_dma source(%arg15 : memref<16x128xf32, #tpu.memory_space<vmem>>) target(%dma_start3A_180 : memref<16x128xf32, #tpu.memory_space<hbm>>) target_semaphore(%arg25 : memref<!tpu.dma_semaphore, #tpu.memory_space<semaphore_mem>>)
      %add3A_181 = arith.constant 4 : i32
      %add3A_182 = arith.addi %add3A_148, %add3A_181 : i32
      %lt3A_183 = arith.constant 32 : i32
      %lt3A_184 = arith.cmpi slt, %add3A_182, %lt3A_183 : i32
      %convert_element_type3A_185 = arith.extui %lt3A_184 : i1 to i32
      %cond3A_186 = arith.constant 0 : i32
      %cond3A_187 = arith.cmpi ne, %convert_element_type3A_185, %cond3A_186 : i32
      scf.if %cond3A_187 {
        %add3A_229 = arith.constant 4 : i32
        %add3A_230 = arith.addi %add3A_148, %add3A_229 : i32
        %mul3A_231 = arith.constant 16 : i32
        %mul3A_232 = arith.muli %add3A_230, %mul3A_231 : i32
        %dma_start3A_233 = tpu.memref_slice %arg6[%mul3A_232] : memref<512xi32, #tpu.memory_space<vmem>> -> memref<16xi32, #tpu.memory_space<vmem>>
        %dma_start3A_234 = arith.constant 0 : i32
        %dma_start3A_235 = arith.constant 0 : i32
        %dma_start3A_236 = arith.constant 0 : i32
        %dma_start3A_237 = tpu.memref_slice %arg4[%dma_start3A_234, %dma_start3A_235, %dma_start3A_236] : memref<100000x8x128xf32, #tpu.memory_space<hbm>> -> memref<100000x8x128xf32, #tpu.memory_space<hbm>>
        tpu.enqueue_indirect_dma source(%dma_start3A_237 : memref<100000x8x128xf32, #tpu.memory_space<hbm>>) target(%arg9 : memref<16x8x128xf32, #tpu.memory_space<vmem>>) offsets(%dma_start3A_233 : memref<16xi32, #tpu.memory_space<vmem>>) semaphore(%arg19 : memref<!tpu.dma_semaphore, #tpu.memory_space<semaphore_mem>>)
        %mul3A_238 = arith.constant 16 : i32
        %mul3A_239 = arith.muli %add3A_230, %mul3A_238 : i32
        %add3A_240 = arith.addi %mul3A_2, %mul3A_239 : i32
        %dma_start3A_241 = arith.constant 0 : i32
        %dma_start3A_242 = tpu.memref_slice %arg3[%add3A_240, %dma_start3A_241] : memref<16384x16xf32, #tpu.memory_space<hbm>> -> memref<16x16xf32, #tpu.memory_space<hbm>>
        %dma_start3A_243 = arith.constant 0 : i32
        %dma_start3A_244 = tpu.memref_slice %arg3[%add3A_240, %dma_start3A_243] : memref<16384x16xf32, #tpu.memory_space<hbm>> -> memref<16x16xf32, #tpu.memory_space<hbm>>
        tpu.enqueue_dma source(%dma_start3A_244 : memref<16x16xf32, #tpu.memory_space<hbm>>) target(%arg13 : memref<16x16xf32, #tpu.memory_space<vmem>>) target_semaphore(%arg23 : memref<!tpu.dma_semaphore, #tpu.memory_space<semaphore_mem>>)
      } else {
      }
      %add3A_188 = arith.constant 3 : i32
      %add3A_189 = arith.addi %mul3A_68, %add3A_188 : i32
      %mul3A_190 = arith.constant 16 : i32
      %mul3A_191 = arith.muli %add3A_189, %mul3A_190 : i32
      %dma_wait3A_192 = tpu.memref_slice %arg6[%mul3A_191] : memref<512xi32, #tpu.memory_space<vmem>> -> memref<16xi32, #tpu.memory_space<vmem>>
      %dma_wait3A_193 = arith.constant 0 : i32
      %dma_wait3A_194 = arith.constant 0 : i32
      %dma_wait3A_195 = arith.constant 0 : i32
      %dma_wait3A_196 = tpu.memref_slice %arg4[%dma_wait3A_193, %dma_wait3A_194, %dma_wait3A_195] : memref<100000x8x128xf32, #tpu.memory_space<hbm>> -> memref<100000x8x128xf32, #tpu.memory_space<hbm>>
      tpu.wait_indirect_dma semaphore(%arg20 : memref<!tpu.dma_semaphore, #tpu.memory_space<semaphore_mem>>) src(%dma_wait3A_196 : memref<100000x8x128xf32, #tpu.memory_space<hbm>>) dst(%arg10 : memref<16x8x128xf32, #tpu.memory_space<vmem>>)
      %mul3A_197 = arith.constant 16 : i32
      %mul3A_198 = arith.muli %add3A_189, %mul3A_197 : i32
      %add3A_199 = arith.addi %mul3A_2, %mul3A_198 : i32
      %dma_wait3A_200 = arith.constant 0 : i32
      %dma_wait3A_201 = tpu.memref_slice %arg3[%add3A_199, %dma_wait3A_200] : memref<16384x16xf32, #tpu.memory_space<hbm>> -> memref<16x16xf32, #tpu.memory_space<hbm>>
      %dma_wait3A_202 = arith.constant 0 : i32
      %dma_wait3A_203 = tpu.memref_slice %arg3[%add3A_199, %dma_wait3A_202] : memref<16384x16xf32, #tpu.memory_space<hbm>> -> memref<16x16xf32, #tpu.memory_space<hbm>>
      tpu.wait_dma2 semaphore(%arg24 : memref<!tpu.dma_semaphore, #tpu.memory_space<semaphore_mem>>) src(%dma_wait3A_203 : memref<16x16xf32, #tpu.memory_space<hbm>>) dst(%arg14 : memref<16x16xf32, #tpu.memory_space<vmem>>)
      %ge3A_204 = arith.constant 2 : i32
      %ge3A_205 = arith.cmpi sge, %add3A_189, %ge3A_204 : i32
      %convert_element_type3A_206 = arith.extui %ge3A_205 : i1 to i32
      %cond3A_207 = arith.constant 0 : i32
      %cond3A_208 = arith.cmpi ne, %convert_element_type3A_206, %cond3A_207 : i32
      scf.if %cond3A_208 {
        %mul3A_229 = arith.constant 16 : i32
        %mul3A_230 = arith.muli %add3A_189, %mul3A_229 : i32
        %add3A_231 = arith.addi %mul3A_2, %mul3A_230 : i32
        %dma_wait3A_232 = arith.constant 0 : i32
        %dma_wait3A_233 = tpu.memref_slice %arg5[%add3A_231, %dma_wait3A_232] : memref<16384x128xf32, #tpu.memory_space<hbm>> -> memref<16x128xf32, #tpu.memory_space<hbm>>
        %dma_wait3A_234 = arith.constant 0 : i32
        %dma_wait3A_235 = tpu.memref_slice %arg5[%add3A_231, %dma_wait3A_234] : memref<16384x128xf32, #tpu.memory_space<hbm>> -> memref<16x128xf32, #tpu.memory_space<hbm>>
        tpu.wait_dma2 semaphore(%arg26 : memref<!tpu.dma_semaphore, #tpu.memory_space<semaphore_mem>>) src(%arg16 : memref<16x128xf32, #tpu.memory_space<vmem>>) dst(%dma_wait3A_235 : memref<16x128xf32, #tpu.memory_space<hbm>>)
      } else {
      }
      %scan3A_209 = arith.constant 0 : i32
      %scan3A_210 = arith.constant 0 : i32
      %scan3A_211 = arith.constant 16 : i32
      %scan3A_212 = arith.addi %scan3A_210, %scan3A_211 : i32
      %scan3A_213 = arith.constant 2 : i32
      scf.for %scan3A_229 = %scan3A_210 to %scan3A_212 step %scan3A_213  : i32 {
        %get3A = arith.index_cast %scan3A_229 : i32 to index
        %get3A_230 = arith.constant 0 : index
        %get3A_231 = tpu.vector_load %arg14[%get3A, %get3A_230] {strides = array<i32>} : memref<16x16xf32, #tpu.memory_space<vmem>>, vector<1x16xf32>,
        %get3A_232 = vector.shape_cast %get3A_231 : vector<1x16xf32> to vector<16xf32>
        %slice3A = vector.extract_strided_slice %get3A_232 {offsets = [0], sizes = [1], strides = [1]} : vector<16xf32> to vector<1xf32>
        %squeeze3A = vector.extract %slice3A[0] : f32 from vector<1xf32>
        %slice3A_233 = vector.extract_strided_slice %get3A_232 {offsets = [1], sizes = [1], strides = [1]} : vector<16xf32> to vector<1xf32>
        %squeeze3A_234 = vector.extract %slice3A_233[0] : f32 from vector<1xf32>
        %slice3A_235 = vector.extract_strided_slice %get3A_232 {offsets = [2], sizes = [1], strides = [1]} : vector<16xf32> to vector<1xf32>
        %squeeze3A_236 = vector.extract %slice3A_235[0] : f32 from vector<1xf32>
        %slice3A_237 = vector.extract_strided_slice %get3A_232 {offsets = [3], sizes = [1], strides = [1]} : vector<16xf32> to vector<1xf32>
        %squeeze3A_238 = vector.extract %slice3A_237[0] : f32 from vector<1xf32>
        %slice3A_239 = vector.extract_strided_slice %get3A_232 {offsets = [4], sizes = [1], strides = [1]} : vector<16xf32> to vector<1xf32>
        %squeeze3A_240 = vector.extract %slice3A_239[0] : f32 from vector<1xf32>
        %slice3A_241 = vector.extract_strided_slice %get3A_232 {offsets = [5], sizes = [1], strides = [1]} : vector<16xf32> to vector<1xf32>
        %squeeze3A_242 = vector.extract %slice3A_241[0] : f32 from vector<1xf32>
        %slice3A_243 = vector.extract_strided_slice %get3A_232 {offsets = [6], sizes = [1], strides = [1]} : vector<16xf32> to vector<1xf32>
        %squeeze3A_244 = vector.extract %slice3A_243[0] : f32 from vector<1xf32>
        %slice3A_245 = vector.extract_strided_slice %get3A_232 {offsets = [7], sizes = [1], strides = [1]} : vector<16xf32> to vector<1xf32>
        %squeeze3A_246 = vector.extract %slice3A_245[0] : f32 from vector<1xf32>
        %get3A_247 = arith.constant 0 : i32
        %get3A_248 = arith.index_cast %scan3A_229 : i32 to index
        %get3A_249 = arith.index_cast %get3A_247 : i32 to index
        %get3A_250 = arith.constant 0 : index
        %get3A_251 = tpu.vector_load %arg10[%get3A_248, %get3A_249, %get3A_250] {strides = array<i32>} : memref<16x8x128xf32, #tpu.memory_space<vmem>>, vector<1x1x16xf32>,
        %get3A_252 = vector.shape_cast %get3A_251 : vector<1x1x16xf32> to vector<16xf32>
        %get3A_253 = arith.constant 1 : i32
        %get3A_254 = arith.index_cast %scan3A_229 : i32 to index
        %get3A_255 = arith.index_cast %get3A_253 : i32 to index
        %get3A_256 = arith.constant 0 : index
        %get3A_257 = tpu.vector_load %arg10[%get3A_254, %get3A_255, %get3A_256] {strides = array<i32>} : memref<16x8x128xf32, #tpu.memory_space<vmem>>, vector<1x1x16xf32>,
        %get3A_258 = vector.shape_cast %get3A_257 : vector<1x1x16xf32> to vector<16xf32>
        %get3A_259 = arith.constant 2 : i32
        %get3A_260 = arith.index_cast %scan3A_229 : i32 to index
        %get3A_261 = arith.index_cast %get3A_259 : i32 to index
        %get3A_262 = arith.constant 0 : index
        %get3A_263 = tpu.vector_load %arg10[%get3A_260, %get3A_261, %get3A_262] {strides = array<i32>} : memref<16x8x128xf32, #tpu.memory_space<vmem>>, vector<1x1x16xf32>,
        %get3A_264 = vector.shape_cast %get3A_263 : vector<1x1x16xf32> to vector<16xf32>
        %get3A_265 = arith.constant 3 : i32
        %get3A_266 = arith.index_cast %scan3A_229 : i32 to index
        %get3A_267 = arith.index_cast %get3A_265 : i32 to index
        %get3A_268 = arith.constant 0 : index
        %get3A_269 = tpu.vector_load %arg10[%get3A_266, %get3A_267, %get3A_268] {strides = array<i32>} : memref<16x8x128xf32, #tpu.memory_space<vmem>>, vector<1x1x16xf32>,
        %get3A_270 = vector.shape_cast %get3A_269 : vector<1x1x16xf32> to vector<16xf32>
        %get3A_271 = arith.constant 4 : i32
        %get3A_272 = arith.index_cast %scan3A_229 : i32 to index
        %get3A_273 = arith.index_cast %get3A_271 : i32 to index
        %get3A_274 = arith.constant 0 : index
        %get3A_275 = tpu.vector_load %arg10[%get3A_272, %get3A_273, %get3A_274] {strides = array<i32>} : memref<16x8x128xf32, #tpu.memory_space<vmem>>, vector<1x1x16xf32>,
        %get3A_276 = vector.shape_cast %get3A_275 : vector<1x1x16xf32> to vector<16xf32>
        %get3A_277 = arith.constant 5 : i32
        %get3A_278 = arith.index_cast %scan3A_229 : i32 to index
        %get3A_279 = arith.index_cast %get3A_277 : i32 to index
        %get3A_280 = arith.constant 0 : index
        %get3A_281 = tpu.vector_load %arg10[%get3A_278, %get3A_279, %get3A_280] {strides = array<i32>} : memref<16x8x128xf32, #tpu.memory_space<vmem>>, vector<1x1x16xf32>,
        %get3A_282 = vector.shape_cast %get3A_281 : vector<1x1x16xf32> to vector<16xf32>
        %get3A_283 = arith.constant 6 : i32
        %get3A_284 = arith.index_cast %scan3A_229 : i32 to index
        %get3A_285 = arith.index_cast %get3A_283 : i32 to index
        %get3A_286 = arith.constant 0 : index
        %get3A_287 = tpu.vector_load %arg10[%get3A_284, %get3A_285, %get3A_286] {strides = array<i32>} : memref<16x8x128xf32, #tpu.memory_space<vmem>>, vector<1x1x16xf32>,
        %get3A_288 = vector.shape_cast %get3A_287 : vector<1x1x16xf32> to vector<16xf32>
        %get3A_289 = arith.constant 7 : i32
        %get3A_290 = arith.index_cast %scan3A_229 : i32 to index
        %get3A_291 = arith.index_cast %get3A_289 : i32 to index
        %get3A_292 = arith.constant 0 : index
        %get3A_293 = tpu.vector_load %arg10[%get3A_290, %get3A_291, %get3A_292] {strides = array<i32>} : memref<16x8x128xf32, #tpu.memory_space<vmem>>, vector<1x1x16xf32>,
        %get3A_294 = vector.shape_cast %get3A_293 : vector<1x1x16xf32> to vector<16xf32>
        %get3A_295 = arith.constant 0 : i32
        %get3A_296 = arith.index_cast %scan3A_229 : i32 to index
        %get3A_297 = arith.index_cast %get3A_295 : i32 to index
        %get3A_298 = arith.constant 16 : index
        %get3A_299 = tpu.vector_load %arg10[%get3A_296, %get3A_297, %get3A_298] {strides = array<i32>} : memref<16x8x128xf32, #tpu.memory_space<vmem>>, vector<1x1x16xf32>,
        %get3A_300 = vector.shape_cast %get3A_299 : vector<1x1x16xf32> to vector<16xf32>
        %get3A_301 = arith.constant 1 : i32
        %get3A_302 = arith.index_cast %scan3A_229 : i32 to index
        %get3A_303 = arith.index_cast %get3A_301 : i32 to index
        %get3A_304 = arith.constant 16 : index
        %get3A_305 = tpu.vector_load %arg10[%get3A_302, %get3A_303, %get3A_304] {strides = array<i32>} : memref<16x8x128xf32, #tpu.memory_space<vmem>>, vector<1x1x16xf32>,
        %get3A_306 = vector.shape_cast %get3A_305 : vector<1x1x16xf32> to vector<16xf32>
        %get3A_307 = arith.constant 2 : i32
        %get3A_308 = arith.index_cast %scan3A_229 : i32 to index
        %get3A_309 = arith.index_cast %get3A_307 : i32 to index
        %get3A_310 = arith.constant 16 : index
        %get3A_311 = tpu.vector_load %arg10[%get3A_308, %get3A_309, %get3A_310] {strides = array<i32>} : memref<16x8x128xf32, #tpu.memory_space<vmem>>, vector<1x1x16xf32>,
        %get3A_312 = vector.shape_cast %get3A_311 : vector<1x1x16xf32> to vector<16xf32>
        %get3A_313 = arith.constant 3 : i32
        %get3A_314 = arith.index_cast %scan3A_229 : i32 to index
        %get3A_315 = arith.index_cast %get3A_313 : i32 to index
        %get3A_316 = arith.constant 16 : index
        %get3A_317 = tpu.vector_load %arg10[%get3A_314, %get3A_315, %get3A_316] {strides = array<i32>} : memref<16x8x128xf32, #tpu.memory_space<vmem>>, vector<1x1x16xf32>,
        %get3A_318 = vector.shape_cast %get3A_317 : vector<1x1x16xf32> to vector<16xf32>
        %get3A_319 = arith.constant 4 : i32
        %get3A_320 = arith.index_cast %scan3A_229 : i32 to index
        %get3A_321 = arith.index_cast %get3A_319 : i32 to index
        %get3A_322 = arith.constant 16 : index
        %get3A_323 = tpu.vector_load %arg10[%get3A_320, %get3A_321, %get3A_322] {strides = array<i32>} : memref<16x8x128xf32, #tpu.memory_space<vmem>>, vector<1x1x16xf32>,
        %get3A_324 = vector.shape_cast %get3A_323 : vector<1x1x16xf32> to vector<16xf32>
        %get3A_325 = arith.constant 5 : i32
        %get3A_326 = arith.index_cast %scan3A_229 : i32 to index
        %get3A_327 = arith.index_cast %get3A_325 : i32 to index
        %get3A_328 = arith.constant 16 : index
        %get3A_329 = tpu.vector_load %arg10[%get3A_326, %get3A_327, %get3A_328] {strides = array<i32>} : memref<16x8x128xf32, #tpu.memory_space<vmem>>, vector<1x1x16xf32>,
        %get3A_330 = vector.shape_cast %get3A_329 : vector<1x1x16xf32> to vector<16xf32>
        %get3A_331 = arith.constant 6 : i32
        %get3A_332 = arith.index_cast %scan3A_229 : i32 to index
        %get3A_333 = arith.index_cast %get3A_331 : i32 to index
        %get3A_334 = arith.constant 16 : index
        %get3A_335 = tpu.vector_load %arg10[%get3A_332, %get3A_333, %get3A_334] {strides = array<i32>} : memref<16x8x128xf32, #tpu.memory_space<vmem>>, vector<1x1x16xf32>,
        %get3A_336 = vector.shape_cast %get3A_335 : vector<1x1x16xf32> to vector<16xf32>
        %get3A_337 = arith.constant 7 : i32
        %get3A_338 = arith.index_cast %scan3A_229 : i32 to index
        %get3A_339 = arith.index_cast %get3A_337 : i32 to index
        %get3A_340 = arith.constant 16 : index
        %get3A_341 = tpu.vector_load %arg10[%get3A_338, %get3A_339, %get3A_340] {strides = array<i32>} : memref<16x8x128xf32, #tpu.memory_space<vmem>>, vector<1x1x16xf32>,
        %get3A_342 = vector.shape_cast %get3A_341 : vector<1x1x16xf32> to vector<16xf32>
        %mul3A_343 = vector.broadcast %squeeze3A : f32 to vector<16xf32>
        %mul3A_344 = arith.mulf %get3A_252, %mul3A_343 : vector<16xf32>
        %mul3A_345 = vector.broadcast %squeeze3A_234 : f32 to vector<16xf32>
        %mul3A_346 = arith.mulf %get3A_258, %mul3A_345 : vector<16xf32>
        %mul3A_347 = vector.broadcast %squeeze3A_236 : f32 to vector<16xf32>
        %mul3A_348 = arith.mulf %get3A_264, %mul3A_347 : vector<16xf32>
        %mul3A_349 = vector.broadcast %squeeze3A_238 : f32 to vector<16xf32>
        %mul3A_350 = arith.mulf %get3A_270, %mul3A_349 : vector<16xf32>
        %mul3A_351 = vector.broadcast %squeeze3A_240 : f32 to vector<16xf32>
        %mul3A_352 = arith.mulf %get3A_276, %mul3A_351 : vector<16xf32>
        %mul3A_353 = vector.broadcast %squeeze3A_242 : f32 to vector<16xf32>
        %mul3A_354 = arith.mulf %get3A_282, %mul3A_353 : vector<16xf32>
        %mul3A_355 = vector.broadcast %squeeze3A_244 : f32 to vector<16xf32>
        %mul3A_356 = arith.mulf %get3A_288, %mul3A_355 : vector<16xf32>
        %mul3A_357 = vector.broadcast %squeeze3A_246 : f32 to vector<16xf32>
        %mul3A_358 = arith.mulf %get3A_294, %mul3A_357 : vector<16xf32>
        %add3A_359 = arith.addf %mul3A_344, %mul3A_346 : vector<16xf32>
        %add3A_360 = arith.addf %mul3A_348, %mul3A_350 : vector<16xf32>
        %add3A_361 = arith.addf %mul3A_352, %mul3A_354 : vector<16xf32>
        %add3A_362 = arith.addf %mul3A_356, %mul3A_358 : vector<16xf32>
        %add3A_363 = arith.addf %add3A_359, %add3A_360 : vector<16xf32>
        %add3A_364 = arith.addf %add3A_361, %add3A_362 : vector<16xf32>
        %add3A_365 = arith.addf %add3A_363, %add3A_364 : vector<16xf32>
        %swap3A = arith.index_cast %scan3A_229 : i32 to index
        %swap3A_366 = arith.constant 0 : index
        %swap3A_367 = tpu.vector_load %arg16[%swap3A, %swap3A_366] {strides = array<i32>} : memref<16x128xf32, #tpu.memory_space<vmem>>, vector<1x16xf32>,
        %swap3A_368 = vector.shape_cast %swap3A_367 : vector<1x16xf32> to vector<16xf32>
        %swap3A_369 = vector.shape_cast %add3A_365 : vector<16xf32> to vector<1x16xf32>
        tpu.vector_store %arg16[%swap3A, %swap3A_366], %swap3A_369 {strides = array<i32>} : memref<16x128xf32, #tpu.memory_space<vmem>>, vector<1x16xf32>,
        %get3A_370 = arith.constant 0 : i32
        %get3A_371 = arith.index_cast %scan3A_229 : i32 to index
        %get3A_372 = arith.index_cast %get3A_370 : i32 to index
        %get3A_373 = arith.constant 32 : index
        %get3A_374 = tpu.vector_load %arg10[%get3A_371, %get3A_372, %get3A_373] {strides = array<i32>} : memref<16x8x128xf32, #tpu.memory_space<vmem>>, vector<1x1x16xf32>,
        %get3A_375 = vector.shape_cast %get3A_374 : vector<1x1x16xf32> to vector<16xf32>
        %get3A_376 = arith.constant 1 : i32
        %get3A_377 = arith.index_cast %scan3A_229 : i32 to index
        %get3A_378 = arith.index_cast %get3A_376 : i32 to index
        %get3A_379 = arith.constant 32 : index
        %get3A_380 = tpu.vector_load %arg10[%get3A_377, %get3A_378, %get3A_379] {strides = array<i32>} : memref<16x8x128xf32, #tpu.memory_space<vmem>>, vector<1x1x16xf32>,
        %get3A_381 = vector.shape_cast %get3A_380 : vector<1x1x16xf32> to vector<16xf32>
        %get3A_382 = arith.constant 2 : i32
        %get3A_383 = arith.index_cast %scan3A_229 : i32 to index
        %get3A_384 = arith.index_cast %get3A_382 : i32 to index
        %get3A_385 = arith.constant 32 : index
        %get3A_386 = tpu.vector_load %arg10[%get3A_383, %get3A_384, %get3A_385] {strides = array<i32>} : memref<16x8x128xf32, #tpu.memory_space<vmem>>, vector<1x1x16xf32>,
        %get3A_387 = vector.shape_cast %get3A_386 : vector<1x1x16xf32> to vector<16xf32>
        %get3A_388 = arith.constant 3 : i32
        %get3A_389 = arith.index_cast %scan3A_229 : i32 to index
        %get3A_390 = arith.index_cast %get3A_388 : i32 to index
        %get3A_391 = arith.constant 32 : index
        %get3A_392 = tpu.vector_load %arg10[%get3A_389, %get3A_390, %get3A_391] {strides = array<i32>} : memref<16x8x128xf32, #tpu.memory_space<vmem>>, vector<1x1x16xf32>,
        %get3A_393 = vector.shape_cast %get3A_392 : vector<1x1x16xf32> to vector<16xf32>
        %get3A_394 = arith.constant 4 : i32
        %get3A_395 = arith.index_cast %scan3A_229 : i32 to index
        %get3A_396 = arith.index_cast %get3A_394 : i32 to index
        %get3A_397 = arith.constant 32 : index
        %get3A_398 = tpu.vector_load %arg10[%get3A_395, %get3A_396, %get3A_397] {strides = array<i32>} : memref<16x8x128xf32, #tpu.memory_space<vmem>>, vector<1x1x16xf32>,
        %get3A_399 = vector.shape_cast %get3A_398 : vector<1x1x16xf32> to vector<16xf32>
        %get3A_400 = arith.constant 5 : i32
        %get3A_401 = arith.index_cast %scan3A_229 : i32 to index
        %get3A_402 = arith.index_cast %get3A_400 : i32 to index
        %get3A_403 = arith.constant 32 : index
        %get3A_404 = tpu.vector_load %arg10[%get3A_401, %get3A_402, %get3A_403] {strides = array<i32>} : memref<16x8x128xf32, #tpu.memory_space<vmem>>, vector<1x1x16xf32>,
        %get3A_405 = vector.shape_cast %get3A_404 : vector<1x1x16xf32> to vector<16xf32>
        %get3A_406 = arith.constant 6 : i32
        %get3A_407 = arith.index_cast %scan3A_229 : i32 to index
        %get3A_408 = arith.index_cast %get3A_406 : i32 to index
        %get3A_409 = arith.constant 32 : index
        %get3A_410 = tpu.vector_load %arg10[%get3A_407, %get3A_408, %get3A_409] {strides = array<i32>} : memref<16x8x128xf32, #tpu.memory_space<vmem>>, vector<1x1x16xf32>,
        %get3A_411 = vector.shape_cast %get3A_410 : vector<1x1x16xf32> to vector<16xf32>
        %get3A_412 = arith.constant 7 : i32
        %get3A_413 = arith.index_cast %scan3A_229 : i32 to index
        %get3A_414 = arith.index_cast %get3A_412 : i32 to index
        %get3A_415 = arith.constant 32 : index
        %get3A_416 = tpu.vector_load %arg10[%get3A_413, %get3A_414, %get3A_415] {strides = array<i32>} : memref<16x8x128xf32, #tpu.memory_space<vmem>>, vector<1x1x16xf32>,
        %get3A_417 = vector.shape_cast %get3A_416 : vector<1x1x16xf32> to vector<16xf32>
        %mul3A_418 = vector.broadcast %squeeze3A : f32 to vector<16xf32>
        %mul3A_419 = arith.mulf %get3A_300, %mul3A_418 : vector<16xf32>
        %mul3A_420 = vector.broadcast %squeeze3A_234 : f32 to vector<16xf32>
        %mul3A_421 = arith.mulf %get3A_306, %mul3A_420 : vector<16xf32>
        %mul3A_422 = vector.broadcast %squeeze3A_236 : f32 to vector<16xf32>
        %mul3A_423 = arith.mulf %get3A_312, %mul3A_422 : vector<16xf32>
        %mul3A_424 = vector.broadcast %squeeze3A_238 : f32 to vector<16xf32>
        %mul3A_425 = arith.mulf %get3A_318, %mul3A_424 : vector<16xf32>
        %mul3A_426 = vector.broadcast %squeeze3A_240 : f32 to vector<16xf32>
        %mul3A_427 = arith.mulf %get3A_324, %mul3A_426 : vector<16xf32>
        %mul3A_428 = vector.broadcast %squeeze3A_242 : f32 to vector<16xf32>
        %mul3A_429 = arith.mulf %get3A_330, %mul3A_428 : vector<16xf32>
        %mul3A_430 = vector.broadcast %squeeze3A_244 : f32 to vector<16xf32>
        %mul3A_431 = arith.mulf %get3A_336, %mul3A_430 : vector<16xf32>
        %mul3A_432 = vector.broadcast %squeeze3A_246 : f32 to vector<16xf32>
        %mul3A_433 = arith.mulf %get3A_342, %mul3A_432 : vector<16xf32>
        %add3A_434 = arith.addf %mul3A_419, %mul3A_421 : vector<16xf32>
        %add3A_435 = arith.addf %mul3A_423, %mul3A_425 : vector<16xf32>
        %add3A_436 = arith.addf %mul3A_427, %mul3A_429 : vector<16xf32>
        %add3A_437 = arith.addf %mul3A_431, %mul3A_433 : vector<16xf32>
        %add3A_438 = arith.addf %add3A_434, %add3A_435 : vector<16xf32>
        %add3A_439 = arith.addf %add3A_436, %add3A_437 : vector<16xf32>
        %add3A_440 = arith.addf %add3A_438, %add3A_439 : vector<16xf32>
        %swap3A_441 = arith.index_cast %scan3A_229 : i32 to index
        %swap3A_442 = arith.constant 16 : index
        %swap3A_443 = tpu.vector_load %arg16[%swap3A_441, %swap3A_442] {strides = array<i32>} : memref<16x128xf32, #tpu.memory_space<vmem>>, vector<1x16xf32>,
        %swap3A_444 = vector.shape_cast %swap3A_443 : vector<1x16xf32> to vector<16xf32>
        %swap3A_445 = vector.shape_cast %add3A_440 : vector<16xf32> to vector<1x16xf32>
        tpu.vector_store %arg16[%swap3A_441, %swap3A_442], %swap3A_445 {strides = array<i32>} : memref<16x128xf32, #tpu.memory_space<vmem>>, vector<1x16xf32>,
        %get3A_446 = arith.constant 0 : i32
        %get3A_447 = arith.index_cast %scan3A_229 : i32 to index
        %get3A_448 = arith.index_cast %get3A_446 : i32 to index
        %get3A_449 = arith.constant 48 : index
        %get3A_450 = tpu.vector_load %arg10[%get3A_447, %get3A_448, %get3A_449] {strides = array<i32>} : memref<16x8x128xf32, #tpu.memory_space<vmem>>, vector<1x1x16xf32>,
        %get3A_451 = vector.shape_cast %get3A_450 : vector<1x1x16xf32> to vector<16xf32>
        %get3A_452 = arith.constant 1 : i32
        %get3A_453 = arith.index_cast %scan3A_229 : i32 to index
        %get3A_454 = arith.index_cast %get3A_452 : i32 to index
        %get3A_455 = arith.constant 48 : index
        %get3A_456 = tpu.vector_load %arg10[%get3A_453, %get3A_454, %get3A_455] {strides = array<i32>} : memref<16x8x128xf32, #tpu.memory_space<vmem>>, vector<1x1x16xf32>,
        %get3A_457 = vector.shape_cast %get3A_456 : vector<1x1x16xf32> to vector<16xf32>
        %get3A_458 = arith.constant 2 : i32
        %get3A_459 = arith.index_cast %scan3A_229 : i32 to index
        %get3A_460 = arith.index_cast %get3A_458 : i32 to index
        %get3A_461 = arith.constant 48 : index
        %get3A_462 = tpu.vector_load %arg10[%get3A_459, %get3A_460, %get3A_461] {strides = array<i32>} : memref<16x8x128xf32, #tpu.memory_space<vmem>>, vector<1x1x16xf32>,
        %get3A_463 = vector.shape_cast %get3A_462 : vector<1x1x16xf32> to vector<16xf32>
        %get3A_464 = arith.constant 3 : i32
        %get3A_465 = arith.index_cast %scan3A_229 : i32 to index
        %get3A_466 = arith.index_cast %get3A_464 : i32 to index
        %get3A_467 = arith.constant 48 : index
        %get3A_468 = tpu.vector_load %arg10[%get3A_465, %get3A_466, %get3A_467] {strides = array<i32>} : memref<16x8x128xf32, #tpu.memory_space<vmem>>, vector<1x1x16xf32>,
        %get3A_469 = vector.shape_cast %get3A_468 : vector<1x1x16xf32> to vector<16xf32>
        %get3A_470 = arith.constant 4 : i32
        %get3A_471 = arith.index_cast %scan3A_229 : i32 to index
        %get3A_472 = arith.index_cast %get3A_470 : i32 to index
        %get3A_473 = arith.constant 48 : index
        %get3A_474 = tpu.vector_load %arg10[%get3A_471, %get3A_472, %get3A_473] {strides = array<i32>} : memref<16x8x128xf32, #tpu.memory_space<vmem>>, vector<1x1x16xf32>,
        %get3A_475 = vector.shape_cast %get3A_474 : vector<1x1x16xf32> to vector<16xf32>
        %get3A_476 = arith.constant 5 : i32
        %get3A_477 = arith.index_cast %scan3A_229 : i32 to index
        %get3A_478 = arith.index_cast %get3A_476 : i32 to index
        %get3A_479 = arith.constant 48 : index
        %get3A_480 = tpu.vector_load %arg10[%get3A_477, %get3A_478, %get3A_479] {strides = array<i32>} : memref<16x8x128xf32, #tpu.memory_space<vmem>>, vector<1x1x16xf32>,
        %get3A_481 = vector.shape_cast %get3A_480 : vector<1x1x16xf32> to vector<16xf32>
        %get3A_482 = arith.constant 6 : i32
        %get3A_483 = arith.index_cast %scan3A_229 : i32 to index
        %get3A_484 = arith.index_cast %get3A_482 : i32 to index
        %get3A_485 = arith.constant 48 : index
        %get3A_486 = tpu.vector_load %arg10[%get3A_483, %get3A_484, %get3A_485] {strides = array<i32>} : memref<16x8x128xf32, #tpu.memory_space<vmem>>, vector<1x1x16xf32>,
        %get3A_487 = vector.shape_cast %get3A_486 : vector<1x1x16xf32> to vector<16xf32>
        %get3A_488 = arith.constant 7 : i32
        %get3A_489 = arith.index_cast %scan3A_229 : i32 to index
        %get3A_490 = arith.index_cast %get3A_488 : i32 to index
        %get3A_491 = arith.constant 48 : index
        %get3A_492 = tpu.vector_load %arg10[%get3A_489, %get3A_490, %get3A_491] {strides = array<i32>} : memref<16x8x128xf32, #tpu.memory_space<vmem>>, vector<1x1x16xf32>,
        %get3A_493 = vector.shape_cast %get3A_492 : vector<1x1x16xf32> to vector<16xf32>
        %mul3A_494 = vector.broadcast %squeeze3A : f32 to vector<16xf32>
        %mul3A_495 = arith.mulf %get3A_375, %mul3A_494 : vector<16xf32>
        %mul3A_496 = vector.broadcast %squeeze3A_234 : f32 to vector<16xf32>
        %mul3A_497 = arith.mulf %get3A_381, %mul3A_496 : vector<16xf32>
        %mul3A_498 = vector.broadcast %squeeze3A_236 : f32 to vector<16xf32>
        %mul3A_499 = arith.mulf %get3A_387, %mul3A_498 : vector<16xf32>
        %mul3A_500 = vector.broadcast %squeeze3A_238 : f32 to vector<16xf32>
        %mul3A_501 = arith.mulf %get3A_393, %mul3A_500 : vector<16xf32>
        %mul3A_502 = vector.broadcast %squeeze3A_240 : f32 to vector<16xf32>
        %mul3A_503 = arith.mulf %get3A_399, %mul3A_502 : vector<16xf32>
        %mul3A_504 = vector.broadcast %squeeze3A_242 : f32 to vector<16xf32>
        %mul3A_505 = arith.mulf %get3A_405, %mul3A_504 : vector<16xf32>
        %mul3A_506 = vector.broadcast %squeeze3A_244 : f32 to vector<16xf32>
        %mul3A_507 = arith.mulf %get3A_411, %mul3A_506 : vector<16xf32>
        %mul3A_508 = vector.broadcast %squeeze3A_246 : f32 to vector<16xf32>
        %mul3A_509 = arith.mulf %get3A_417, %mul3A_508 : vector<16xf32>
        %add3A_510 = arith.addf %mul3A_495, %mul3A_497 : vector<16xf32>
        %add3A_511 = arith.addf %mul3A_499, %mul3A_501 : vector<16xf32>
        %add3A_512 = arith.addf %mul3A_503, %mul3A_505 : vector<16xf32>
        %add3A_513 = arith.addf %mul3A_507, %mul3A_509 : vector<16xf32>
        %add3A_514 = arith.addf %add3A_510, %add3A_511 : vector<16xf32>
        %add3A_515 = arith.addf %add3A_512, %add3A_513 : vector<16xf32>
        %add3A_516 = arith.addf %add3A_514, %add3A_515 : vector<16xf32>
        %swap3A_517 = arith.index_cast %scan3A_229 : i32 to index
        %swap3A_518 = arith.constant 32 : index
        %swap3A_519 = tpu.vector_load %arg16[%swap3A_517, %swap3A_518] {strides = array<i32>} : memref<16x128xf32, #tpu.memory_space<vmem>>, vector<1x16xf32>,
        %swap3A_520 = vector.shape_cast %swap3A_519 : vector<1x16xf32> to vector<16xf32>
        %swap3A_521 = vector.shape_cast %add3A_516 : vector<16xf32> to vector<1x16xf32>
        tpu.vector_store %arg16[%swap3A_517, %swap3A_518], %swap3A_521 {strides = array<i32>} : memref<16x128xf32, #tpu.memory_space<vmem>>, vector<1x16xf32>,
        %get3A_522 = arith.constant 0 : i32
        %get3A_523 = arith.index_cast %scan3A_229 : i32 to index
        %get3A_524 = arith.index_cast %get3A_522 : i32 to index
        %get3A_525 = arith.constant 64 : index
        %get3A_526 = tpu.vector_load %arg10[%get3A_523, %get3A_524, %get3A_525] {strides = array<i32>} : memref<16x8x128xf32, #tpu.memory_space<vmem>>, vector<1x1x16xf32>,
        %get3A_527 = vector.shape_cast %get3A_526 : vector<1x1x16xf32> to vector<16xf32>
        %get3A_528 = arith.constant 1 : i32
        %get3A_529 = arith.index_cast %scan3A_229 : i32 to index
        %get3A_530 = arith.index_cast %get3A_528 : i32 to index
        %get3A_531 = arith.constant 64 : index
        %get3A_532 = tpu.vector_load %arg10[%get3A_529, %get3A_530, %get3A_531] {strides = array<i32>} : memref<16x8x128xf32, #tpu.memory_space<vmem>>, vector<1x1x16xf32>,
        %get3A_533 = vector.shape_cast %get3A_532 : vector<1x1x16xf32> to vector<16xf32>
        %get3A_534 = arith.constant 2 : i32
        %get3A_535 = arith.index_cast %scan3A_229 : i32 to index
        %get3A_536 = arith.index_cast %get3A_534 : i32 to index
        %get3A_537 = arith.constant 64 : index
        %get3A_538 = tpu.vector_load %arg10[%get3A_535, %get3A_536, %get3A_537] {strides = array<i32>} : memref<16x8x128xf32, #tpu.memory_space<vmem>>, vector<1x1x16xf32>,
        %get3A_539 = vector.shape_cast %get3A_538 : vector<1x1x16xf32> to vector<16xf32>
        %get3A_540 = arith.constant 3 : i32
        %get3A_541 = arith.index_cast %scan3A_229 : i32 to index
        %get3A_542 = arith.index_cast %get3A_540 : i32 to index
        %get3A_543 = arith.constant 64 : index
        %get3A_544 = tpu.vector_load %arg10[%get3A_541, %get3A_542, %get3A_543] {strides = array<i32>} : memref<16x8x128xf32, #tpu.memory_space<vmem>>, vector<1x1x16xf32>,
        %get3A_545 = vector.shape_cast %get3A_544 : vector<1x1x16xf32> to vector<16xf32>
        %get3A_546 = arith.constant 4 : i32
        %get3A_547 = arith.index_cast %scan3A_229 : i32 to index
        %get3A_548 = arith.index_cast %get3A_546 : i32 to index
        %get3A_549 = arith.constant 64 : index
        %get3A_550 = tpu.vector_load %arg10[%get3A_547, %get3A_548, %get3A_549] {strides = array<i32>} : memref<16x8x128xf32, #tpu.memory_space<vmem>>, vector<1x1x16xf32>,
        %get3A_551 = vector.shape_cast %get3A_550 : vector<1x1x16xf32> to vector<16xf32>
        %get3A_552 = arith.constant 5 : i32
        %get3A_553 = arith.index_cast %scan3A_229 : i32 to index
        %get3A_554 = arith.index_cast %get3A_552 : i32 to index
        %get3A_555 = arith.constant 64 : index
        %get3A_556 = tpu.vector_load %arg10[%get3A_553, %get3A_554, %get3A_555] {strides = array<i32>} : memref<16x8x128xf32, #tpu.memory_space<vmem>>, vector<1x1x16xf32>,
        %get3A_557 = vector.shape_cast %get3A_556 : vector<1x1x16xf32> to vector<16xf32>
        %get3A_558 = arith.constant 6 : i32
        %get3A_559 = arith.index_cast %scan3A_229 : i32 to index
        %get3A_560 = arith.index_cast %get3A_558 : i32 to index
        %get3A_561 = arith.constant 64 : index
        %get3A_562 = tpu.vector_load %arg10[%get3A_559, %get3A_560, %get3A_561] {strides = array<i32>} : memref<16x8x128xf32, #tpu.memory_space<vmem>>, vector<1x1x16xf32>,
        %get3A_563 = vector.shape_cast %get3A_562 : vector<1x1x16xf32> to vector<16xf32>
        %get3A_564 = arith.constant 7 : i32
        %get3A_565 = arith.index_cast %scan3A_229 : i32 to index
        %get3A_566 = arith.index_cast %get3A_564 : i32 to index
        %get3A_567 = arith.constant 64 : index
        %get3A_568 = tpu.vector_load %arg10[%get3A_565, %get3A_566, %get3A_567] {strides = array<i32>} : memref<16x8x128xf32, #tpu.memory_space<vmem>>, vector<1x1x16xf32>,
        %get3A_569 = vector.shape_cast %get3A_568 : vector<1x1x16xf32> to vector<16xf32>
        %mul3A_570 = vector.broadcast %squeeze3A : f32 to vector<16xf32>
        %mul3A_571 = arith.mulf %get3A_451, %mul3A_570 : vector<16xf32>
        %mul3A_572 = vector.broadcast %squeeze3A_234 : f32 to vector<16xf32>
        %mul3A_573 = arith.mulf %get3A_457, %mul3A_572 : vector<16xf32>
        %mul3A_574 = vector.broadcast %squeeze3A_236 : f32 to vector<16xf32>
        %mul3A_575 = arith.mulf %get3A_463, %mul3A_574 : vector<16xf32>
        %mul3A_576 = vector.broadcast %squeeze3A_238 : f32 to vector<16xf32>
        %mul3A_577 = arith.mulf %get3A_469, %mul3A_576 : vector<16xf32>
        %mul3A_578 = vector.broadcast %squeeze3A_240 : f32 to vector<16xf32>
        %mul3A_579 = arith.mulf %get3A_475, %mul3A_578 : vector<16xf32>
        %mul3A_580 = vector.broadcast %squeeze3A_242 : f32 to vector<16xf32>
        %mul3A_581 = arith.mulf %get3A_481, %mul3A_580 : vector<16xf32>
        %mul3A_582 = vector.broadcast %squeeze3A_244 : f32 to vector<16xf32>
        %mul3A_583 = arith.mulf %get3A_487, %mul3A_582 : vector<16xf32>
        %mul3A_584 = vector.broadcast %squeeze3A_246 : f32 to vector<16xf32>
        %mul3A_585 = arith.mulf %get3A_493, %mul3A_584 : vector<16xf32>
        %add3A_586 = arith.addf %mul3A_571, %mul3A_573 : vector<16xf32>
        %add3A_587 = arith.addf %mul3A_575, %mul3A_577 : vector<16xf32>
        %add3A_588 = arith.addf %mul3A_579, %mul3A_581 : vector<16xf32>
        %add3A_589 = arith.addf %mul3A_583, %mul3A_585 : vector<16xf32>
        %add3A_590 = arith.addf %add3A_586, %add3A_587 : vector<16xf32>
        %add3A_591 = arith.addf %add3A_588, %add3A_589 : vector<16xf32>
        %add3A_592 = arith.addf %add3A_590, %add3A_591 : vector<16xf32>
        %swap3A_593 = arith.index_cast %scan3A_229 : i32 to index
        %swap3A_594 = arith.constant 48 : index
        %swap3A_595 = tpu.vector_load %arg16[%swap3A_593, %swap3A_594] {strides = array<i32>} : memref<16x128xf32, #tpu.memory_space<vmem>>, vector<1x16xf32>,
        %swap3A_596 = vector.shape_cast %swap3A_595 : vector<1x16xf32> to vector<16xf32>
        %swap3A_597 = vector.shape_cast %add3A_592 : vector<16xf32> to vector<1x16xf32>
        tpu.vector_store %arg16[%swap3A_593, %swap3A_594], %swap3A_597 {strides = array<i32>} : memref<16x128xf32, #tpu.memory_space<vmem>>, vector<1x16xf32>,
        %get3A_598 = arith.constant 0 : i32
        %get3A_599 = arith.index_cast %scan3A_229 : i32 to index
        %get3A_600 = arith.index_cast %get3A_598 : i32 to index
        %get3A_601 = arith.constant 80 : index
        %get3A_602 = tpu.vector_load %arg10[%get3A_599, %get3A_600, %get3A_601] {strides = array<i32>} : memref<16x8x128xf32, #tpu.memory_space<vmem>>, vector<1x1x16xf32>,
        %get3A_603 = vector.shape_cast %get3A_602 : vector<1x1x16xf32> to vector<16xf32>
        %get3A_604 = arith.constant 1 : i32
        %get3A_605 = arith.index_cast %scan3A_229 : i32 to index
        %get3A_606 = arith.index_cast %get3A_604 : i32 to index
        %get3A_607 = arith.constant 80 : index
        %get3A_608 = tpu.vector_load %arg10[%get3A_605, %get3A_606, %get3A_607] {strides = array<i32>} : memref<16x8x128xf32, #tpu.memory_space<vmem>>, vector<1x1x16xf32>,
        %get3A_609 = vector.shape_cast %get3A_608 : vector<1x1x16xf32> to vector<16xf32>
        %get3A_610 = arith.constant 2 : i32
        %get3A_611 = arith.index_cast %scan3A_229 : i32 to index
        %get3A_612 = arith.index_cast %get3A_610 : i32 to index
        %get3A_613 = arith.constant 80 : index
        %get3A_614 = tpu.vector_load %arg10[%get3A_611, %get3A_612, %get3A_613] {strides = array<i32>} : memref<16x8x128xf32, #tpu.memory_space<vmem>>, vector<1x1x16xf32>,
        %get3A_615 = vector.shape_cast %get3A_614 : vector<1x1x16xf32> to vector<16xf32>
        %get3A_616 = arith.constant 3 : i32
        %get3A_617 = arith.index_cast %scan3A_229 : i32 to index
        %get3A_618 = arith.index_cast %get3A_616 : i32 to index
        %get3A_619 = arith.constant 80 : index
        %get3A_620 = tpu.vector_load %arg10[%get3A_617, %get3A_618, %get3A_619] {strides = array<i32>} : memref<16x8x128xf32, #tpu.memory_space<vmem>>, vector<1x1x16xf32>,
        %get3A_621 = vector.shape_cast %get3A_620 : vector<1x1x16xf32> to vector<16xf32>
        %get3A_622 = arith.constant 4 : i32
        %get3A_623 = arith.index_cast %scan3A_229 : i32 to index
        %get3A_624 = arith.index_cast %get3A_622 : i32 to index
        %get3A_625 = arith.constant 80 : index
        %get3A_626 = tpu.vector_load %arg10[%get3A_623, %get3A_624, %get3A_625] {strides = array<i32>} : memref<16x8x128xf32, #tpu.memory_space<vmem>>, vector<1x1x16xf32>,
        %get3A_627 = vector.shape_cast %get3A_626 : vector<1x1x16xf32> to vector<16xf32>
        %get3A_628 = arith.constant 5 : i32
        %get3A_629 = arith.index_cast %scan3A_229 : i32 to index
        %get3A_630 = arith.index_cast %get3A_628 : i32 to index
        %get3A_631 = arith.constant 80 : index
        %get3A_632 = tpu.vector_load %arg10[%get3A_629, %get3A_630, %get3A_631] {strides = array<i32>} : memref<16x8x128xf32, #tpu.memory_space<vmem>>, vector<1x1x16xf32>,
        %get3A_633 = vector.shape_cast %get3A_632 : vector<1x1x16xf32> to vector<16xf32>
        %get3A_634 = arith.constant 6 : i32
        %get3A_635 = arith.index_cast %scan3A_229 : i32 to index
        %get3A_636 = arith.index_cast %get3A_634 : i32 to index
        %get3A_637 = arith.constant 80 : index
        %get3A_638 = tpu.vector_load %arg10[%get3A_635, %get3A_636, %get3A_637] {strides = array<i32>} : memref<16x8x128xf32, #tpu.memory_space<vmem>>, vector<1x1x16xf32>,
        %get3A_639 = vector.shape_cast %get3A_638 : vector<1x1x16xf32> to vector<16xf32>
        %get3A_640 = arith.constant 7 : i32
        %get3A_641 = arith.index_cast %scan3A_229 : i32 to index
        %get3A_642 = arith.index_cast %get3A_640 : i32 to index
        %get3A_643 = arith.constant 80 : index
        %get3A_644 = tpu.vector_load %arg10[%get3A_641, %get3A_642, %get3A_643] {strides = array<i32>} : memref<16x8x128xf32, #tpu.memory_space<vmem>>, vector<1x1x16xf32>,
        %get3A_645 = vector.shape_cast %get3A_644 : vector<1x1x16xf32> to vector<16xf32>
        %mul3A_646 = vector.broadcast %squeeze3A : f32 to vector<16xf32>
        %mul3A_647 = arith.mulf %get3A_527, %mul3A_646 : vector<16xf32>
        %mul3A_648 = vector.broadcast %squeeze3A_234 : f32 to vector<16xf32>
        %mul3A_649 = arith.mulf %get3A_533, %mul3A_648 : vector<16xf32>
        %mul3A_650 = vector.broadcast %squeeze3A_236 : f32 to vector<16xf32>
        %mul3A_651 = arith.mulf %get3A_539, %mul3A_650 : vector<16xf32>
        %mul3A_652 = vector.broadcast %squeeze3A_238 : f32 to vector<16xf32>
        %mul3A_653 = arith.mulf %get3A_545, %mul3A_652 : vector<16xf32>
        %mul3A_654 = vector.broadcast %squeeze3A_240 : f32 to vector<16xf32>
        %mul3A_655 = arith.mulf %get3A_551, %mul3A_654 : vector<16xf32>
        %mul3A_656 = vector.broadcast %squeeze3A_242 : f32 to vector<16xf32>
        %mul3A_657 = arith.mulf %get3A_557, %mul3A_656 : vector<16xf32>
        %mul3A_658 = vector.broadcast %squeeze3A_244 : f32 to vector<16xf32>
        %mul3A_659 = arith.mulf %get3A_563, %mul3A_658 : vector<16xf32>
        %mul3A_660 = vector.broadcast %squeeze3A_246 : f32 to vector<16xf32>
        %mul3A_661 = arith.mulf %get3A_569, %mul3A_660 : vector<16xf32>
        %add3A_662 = arith.addf %mul3A_647, %mul3A_649 : vector<16xf32>
        %add3A_663 = arith.addf %mul3A_651, %mul3A_653 : vector<16xf32>
        %add3A_664 = arith.addf %mul3A_655, %mul3A_657 : vector<16xf32>
        %add3A_665 = arith.addf %mul3A_659, %mul3A_661 : vector<16xf32>
        %add3A_666 = arith.addf %add3A_662, %add3A_663 : vector<16xf32>
        %add3A_667 = arith.addf %add3A_664, %add3A_665 : vector<16xf32>
        %add3A_668 = arith.addf %add3A_666, %add3A_667 : vector<16xf32>
        %swap3A_669 = arith.index_cast %scan3A_229 : i32 to index
        %swap3A_670 = arith.constant 64 : index
        %swap3A_671 = tpu.vector_load %arg16[%swap3A_669, %swap3A_670] {strides = array<i32>} : memref<16x128xf32, #tpu.memory_space<vmem>>, vector<1x16xf32>,
        %swap3A_672 = vector.shape_cast %swap3A_671 : vector<1x16xf32> to vector<16xf32>
        %swap3A_673 = vector.shape_cast %add3A_668 : vector<16xf32> to vector<1x16xf32>
        tpu.vector_store %arg16[%swap3A_669, %swap3A_670], %swap3A_673 {strides = array<i32>} : memref<16x128xf32, #tpu.memory_space<vmem>>, vector<1x16xf32>,
        %get3A_674 = arith.constant 0 : i32
        %get3A_675 = arith.index_cast %scan3A_229 : i32 to index
        %get3A_676 = arith.index_cast %get3A_674 : i32 to index
        %get3A_677 = arith.constant 96 : index
        %get3A_678 = tpu.vector_load %arg10[%get3A_675, %get3A_676, %get3A_677] {strides = array<i32>} : memref<16x8x128xf32, #tpu.memory_space<vmem>>, vector<1x1x16xf32>,
        %get3A_679 = vector.shape_cast %get3A_678 : vector<1x1x16xf32> to vector<16xf32>
        %get3A_680 = arith.constant 1 : i32
        %get3A_681 = arith.index_cast %scan3A_229 : i32 to index
        %get3A_682 = arith.index_cast %get3A_680 : i32 to index
        %get3A_683 = arith.constant 96 : index
        %get3A_684 = tpu.vector_load %arg10[%get3A_681, %get3A_682, %get3A_683] {strides = array<i32>} : memref<16x8x128xf32, #tpu.memory_space<vmem>>, vector<1x1x16xf32>,
        %get3A_685 = vector.shape_cast %get3A_684 : vector<1x1x16xf32> to vector<16xf32>
        %get3A_686 = arith.constant 2 : i32
        %get3A_687 = arith.index_cast %scan3A_229 : i32 to index
        %get3A_688 = arith.index_cast %get3A_686 : i32 to index
        %get3A_689 = arith.constant 96 : index
        %get3A_690 = tpu.vector_load %arg10[%get3A_687, %get3A_688, %get3A_689] {strides = array<i32>} : memref<16x8x128xf32, #tpu.memory_space<vmem>>, vector<1x1x16xf32>,
        %get3A_691 = vector.shape_cast %get3A_690 : vector<1x1x16xf32> to vector<16xf32>
        %get3A_692 = arith.constant 3 : i32
        %get3A_693 = arith.index_cast %scan3A_229 : i32 to index
        %get3A_694 = arith.index_cast %get3A_692 : i32 to index
        %get3A_695 = arith.constant 96 : index
        %get3A_696 = tpu.vector_load %arg10[%get3A_693, %get3A_694, %get3A_695] {strides = array<i32>} : memref<16x8x128xf32, #tpu.memory_space<vmem>>, vector<1x1x16xf32>,
        %get3A_697 = vector.shape_cast %get3A_696 : vector<1x1x16xf32> to vector<16xf32>
        %get3A_698 = arith.constant 4 : i32
        %get3A_699 = arith.index_cast %scan3A_229 : i32 to index
        %get3A_700 = arith.index_cast %get3A_698 : i32 to index
        %get3A_701 = arith.constant 96 : index
        %get3A_702 = tpu.vector_load %arg10[%get3A_699, %get3A_700, %get3A_701] {strides = array<i32>} : memref<16x8x128xf32, #tpu.memory_space<vmem>>, vector<1x1x16xf32>,
        %get3A_703 = vector.shape_cast %get3A_702 : vector<1x1x16xf32> to vector<16xf32>
        %get3A_704 = arith.constant 5 : i32
        %get3A_705 = arith.index_cast %scan3A_229 : i32 to index
        %get3A_706 = arith.index_cast %get3A_704 : i32 to index
        %get3A_707 = arith.constant 96 : index
        %get3A_708 = tpu.vector_load %arg10[%get3A_705, %get3A_706, %get3A_707] {strides = array<i32>} : memref<16x8x128xf32, #tpu.memory_space<vmem>>, vector<1x1x16xf32>,
        %get3A_709 = vector.shape_cast %get3A_708 : vector<1x1x16xf32> to vector<16xf32>
        %get3A_710 = arith.constant 6 : i32
        %get3A_711 = arith.index_cast %scan3A_229 : i32 to index
        %get3A_712 = arith.index_cast %get3A_710 : i32 to index
        %get3A_713 = arith.constant 96 : index
        %get3A_714 = tpu.vector_load %arg10[%get3A_711, %get3A_712, %get3A_713] {strides = array<i32>} : memref<16x8x128xf32, #tpu.memory_space<vmem>>, vector<1x1x16xf32>,
        %get3A_715 = vector.shape_cast %get3A_714 : vector<1x1x16xf32> to vector<16xf32>
        %get3A_716 = arith.constant 7 : i32
        %get3A_717 = arith.index_cast %scan3A_229 : i32 to index
        %get3A_718 = arith.index_cast %get3A_716 : i32 to index
        %get3A_719 = arith.constant 96 : index
        %get3A_720 = tpu.vector_load %arg10[%get3A_717, %get3A_718, %get3A_719] {strides = array<i32>} : memref<16x8x128xf32, #tpu.memory_space<vmem>>, vector<1x1x16xf32>,
        %get3A_721 = vector.shape_cast %get3A_720 : vector<1x1x16xf32> to vector<16xf32>
        %mul3A_722 = vector.broadcast %squeeze3A : f32 to vector<16xf32>
        %mul3A_723 = arith.mulf %get3A_603, %mul3A_722 : vector<16xf32>
        %mul3A_724 = vector.broadcast %squeeze3A_234 : f32 to vector<16xf32>
        %mul3A_725 = arith.mulf %get3A_609, %mul3A_724 : vector<16xf32>
        %mul3A_726 = vector.broadcast %squeeze3A_236 : f32 to vector<16xf32>
        %mul3A_727 = arith.mulf %get3A_615, %mul3A_726 : vector<16xf32>
        %mul3A_728 = vector.broadcast %squeeze3A_238 : f32 to vector<16xf32>
        %mul3A_729 = arith.mulf %get3A_621, %mul3A_728 : vector<16xf32>
        %mul3A_730 = vector.broadcast %squeeze3A_240 : f32 to vector<16xf32>
        %mul3A_731 = arith.mulf %get3A_627, %mul3A_730 : vector<16xf32>
        %mul3A_732 = vector.broadcast %squeeze3A_242 : f32 to vector<16xf32>
        %mul3A_733 = arith.mulf %get3A_633, %mul3A_732 : vector<16xf32>
        %mul3A_734 = vector.broadcast %squeeze3A_244 : f32 to vector<16xf32>
        %mul3A_735 = arith.mulf %get3A_639, %mul3A_734 : vector<16xf32>
        %mul3A_736 = vector.broadcast %squeeze3A_246 : f32 to vector<16xf32>
        %mul3A_737 = arith.mulf %get3A_645, %mul3A_736 : vector<16xf32>
        %add3A_738 = arith.addf %mul3A_723, %mul3A_725 : vector<16xf32>
        %add3A_739 = arith.addf %mul3A_727, %mul3A_729 : vector<16xf32>
        %add3A_740 = arith.addf %mul3A_731, %mul3A_733 : vector<16xf32>
        %add3A_741 = arith.addf %mul3A_735, %mul3A_737 : vector<16xf32>
        %add3A_742 = arith.addf %add3A_738, %add3A_739 : vector<16xf32>
        %add3A_743 = arith.addf %add3A_740, %add3A_741 : vector<16xf32>
        %add3A_744 = arith.addf %add3A_742, %add3A_743 : vector<16xf32>
        %swap3A_745 = arith.index_cast %scan3A_229 : i32 to index
        %swap3A_746 = arith.constant 80 : index
        %swap3A_747 = tpu.vector_load %arg16[%swap3A_745, %swap3A_746] {strides = array<i32>} : memref<16x128xf32, #tpu.memory_space<vmem>>, vector<1x16xf32>,
        %swap3A_748 = vector.shape_cast %swap3A_747 : vector<1x16xf32> to vector<16xf32>
        %swap3A_749 = vector.shape_cast %add3A_744 : vector<16xf32> to vector<1x16xf32>
        tpu.vector_store %arg16[%swap3A_745, %swap3A_746], %swap3A_749 {strides = array<i32>} : memref<16x128xf32, #tpu.memory_space<vmem>>, vector<1x16xf32>,
        %get3A_750 = arith.constant 0 : i32
        %get3A_751 = arith.index_cast %scan3A_229 : i32 to index
        %get3A_752 = arith.index_cast %get3A_750 : i32 to index
        %get3A_753 = arith.constant 112 : index
        %get3A_754 = tpu.vector_load %arg10[%get3A_751, %get3A_752, %get3A_753] {strides = array<i32>} : memref<16x8x128xf32, #tpu.memory_space<vmem>>, vector<1x1x16xf32>,
        %get3A_755 = vector.shape_cast %get3A_754 : vector<1x1x16xf32> to vector<16xf32>
        %get3A_756 = arith.constant 1 : i32
        %get3A_757 = arith.index_cast %scan3A_229 : i32 to index
        %get3A_758 = arith.index_cast %get3A_756 : i32 to index
        %get3A_759 = arith.constant 112 : index
        %get3A_760 = tpu.vector_load %arg10[%get3A_757, %get3A_758, %get3A_759] {strides = array<i32>} : memref<16x8x128xf32, #tpu.memory_space<vmem>>, vector<1x1x16xf32>,
        %get3A_761 = vector.shape_cast %get3A_760 : vector<1x1x16xf32> to vector<16xf32>
        %get3A_762 = arith.constant 2 : i32
        %get3A_763 = arith.index_cast %scan3A_229 : i32 to index
        %get3A_764 = arith.index_cast %get3A_762 : i32 to index
        %get3A_765 = arith.constant 112 : index
        %get3A_766 = tpu.vector_load %arg10[%get3A_763, %get3A_764, %get3A_765] {strides = array<i32>} : memref<16x8x128xf32, #tpu.memory_space<vmem>>, vector<1x1x16xf32>,
        %get3A_767 = vector.shape_cast %get3A_766 : vector<1x1x16xf32> to vector<16xf32>
        %get3A_768 = arith.constant 3 : i32
        %get3A_769 = arith.index_cast %scan3A_229 : i32 to index
        %get3A_770 = arith.index_cast %get3A_768 : i32 to index
        %get3A_771 = arith.constant 112 : index
        %get3A_772 = tpu.vector_load %arg10[%get3A_769, %get3A_770, %get3A_771] {strides = array<i32>} : memref<16x8x128xf32, #tpu.memory_space<vmem>>, vector<1x1x16xf32>,
        %get3A_773 = vector.shape_cast %get3A_772 : vector<1x1x16xf32> to vector<16xf32>
        %get3A_774 = arith.constant 4 : i32
        %get3A_775 = arith.index_cast %scan3A_229 : i32 to index
        %get3A_776 = arith.index_cast %get3A_774 : i32 to index
        %get3A_777 = arith.constant 112 : index
        %get3A_778 = tpu.vector_load %arg10[%get3A_775, %get3A_776, %get3A_777] {strides = array<i32>} : memref<16x8x128xf32, #tpu.memory_space<vmem>>, vector<1x1x16xf32>,
        %get3A_779 = vector.shape_cast %get3A_778 : vector<1x1x16xf32> to vector<16xf32>
        %get3A_780 = arith.constant 5 : i32
        %get3A_781 = arith.index_cast %scan3A_229 : i32 to index
        %get3A_782 = arith.index_cast %get3A_780 : i32 to index
        %get3A_783 = arith.constant 112 : index
        %get3A_784 = tpu.vector_load %arg10[%get3A_781, %get3A_782, %get3A_783] {strides = array<i32>} : memref<16x8x128xf32, #tpu.memory_space<vmem>>, vector<1x1x16xf32>,
        %get3A_785 = vector.shape_cast %get3A_784 : vector<1x1x16xf32> to vector<16xf32>
        %get3A_786 = arith.constant 6 : i32
        %get3A_787 = arith.index_cast %scan3A_229 : i32 to index
        %get3A_788 = arith.index_cast %get3A_786 : i32 to index
        %get3A_789 = arith.constant 112 : index
        %get3A_790 = tpu.vector_load %arg10[%get3A_787, %get3A_788, %get3A_789] {strides = array<i32>} : memref<16x8x128xf32, #tpu.memory_space<vmem>>, vector<1x1x16xf32>,
        %get3A_791 = vector.shape_cast %get3A_790 : vector<1x1x16xf32> to vector<16xf32>
        %get3A_792 = arith.constant 7 : i32
        %get3A_793 = arith.index_cast %scan3A_229 : i32 to index
        %get3A_794 = arith.index_cast %get3A_792 : i32 to index
        %get3A_795 = arith.constant 112 : index
        %get3A_796 = tpu.vector_load %arg10[%get3A_793, %get3A_794, %get3A_795] {strides = array<i32>} : memref<16x8x128xf32, #tpu.memory_space<vmem>>, vector<1x1x16xf32>,
        %get3A_797 = vector.shape_cast %get3A_796 : vector<1x1x16xf32> to vector<16xf32>
        %mul3A_798 = vector.broadcast %squeeze3A : f32 to vector<16xf32>
        %mul3A_799 = arith.mulf %get3A_679, %mul3A_798 : vector<16xf32>
        %mul3A_800 = vector.broadcast %squeeze3A_234 : f32 to vector<16xf32>
        %mul3A_801 = arith.mulf %get3A_685, %mul3A_800 : vector<16xf32>
        %mul3A_802 = vector.broadcast %squeeze3A_236 : f32 to vector<16xf32>
        %mul3A_803 = arith.mulf %get3A_691, %mul3A_802 : vector<16xf32>
        %mul3A_804 = vector.broadcast %squeeze3A_238 : f32 to vector<16xf32>
        %mul3A_805 = arith.mulf %get3A_697, %mul3A_804 : vector<16xf32>
        %mul3A_806 = vector.broadcast %squeeze3A_240 : f32 to vector<16xf32>
        %mul3A_807 = arith.mulf %get3A_703, %mul3A_806 : vector<16xf32>
        %mul3A_808 = vector.broadcast %squeeze3A_242 : f32 to vector<16xf32>
        %mul3A_809 = arith.mulf %get3A_709, %mul3A_808 : vector<16xf32>
        %mul3A_810 = vector.broadcast %squeeze3A_244 : f32 to vector<16xf32>
        %mul3A_811 = arith.mulf %get3A_715, %mul3A_810 : vector<16xf32>
        %mul3A_812 = vector.broadcast %squeeze3A_246 : f32 to vector<16xf32>
        %mul3A_813 = arith.mulf %get3A_721, %mul3A_812 : vector<16xf32>
        %add3A_814 = arith.addf %mul3A_799, %mul3A_801 : vector<16xf32>
        %add3A_815 = arith.addf %mul3A_803, %mul3A_805 : vector<16xf32>
        %add3A_816 = arith.addf %mul3A_807, %mul3A_809 : vector<16xf32>
        %add3A_817 = arith.addf %mul3A_811, %mul3A_813 : vector<16xf32>
        %add3A_818 = arith.addf %add3A_814, %add3A_815 : vector<16xf32>
        %add3A_819 = arith.addf %add3A_816, %add3A_817 : vector<16xf32>
        %add3A_820 = arith.addf %add3A_818, %add3A_819 : vector<16xf32>
        %swap3A_821 = arith.index_cast %scan3A_229 : i32 to index
        %swap3A_822 = arith.constant 96 : index
        %swap3A_823 = tpu.vector_load %arg16[%swap3A_821, %swap3A_822] {strides = array<i32>} : memref<16x128xf32, #tpu.memory_space<vmem>>, vector<1x16xf32>,
        %swap3A_824 = vector.shape_cast %swap3A_823 : vector<1x16xf32> to vector<16xf32>
        %swap3A_825 = vector.shape_cast %add3A_820 : vector<16xf32> to vector<1x16xf32>
        tpu.vector_store %arg16[%swap3A_821, %swap3A_822], %swap3A_825 {strides = array<i32>} : memref<16x128xf32, #tpu.memory_space<vmem>>, vector<1x16xf32>,
        %mul3A_826 = vector.broadcast %squeeze3A : f32 to vector<16xf32>
        %mul3A_827 = arith.mulf %get3A_755, %mul3A_826 : vector<16xf32>
        %mul3A_828 = vector.broadcast %squeeze3A_234 : f32 to vector<16xf32>
        %mul3A_829 = arith.mulf %get3A_761, %mul3A_828 : vector<16xf32>
        %mul3A_830 = vector.broadcast %squeeze3A_236 : f32 to vector<16xf32>
        %mul3A_831 = arith.mulf %get3A_767, %mul3A_830 : vector<16xf32>
        %mul3A_832 = vector.broadcast %squeeze3A_238 : f32 to vector<16xf32>
        %mul3A_833 = arith.mulf %get3A_773, %mul3A_832 : vector<16xf32>
        %mul3A_834 = vector.broadcast %squeeze3A_240 : f32 to vector<16xf32>
        %mul3A_835 = arith.mulf %get3A_779, %mul3A_834 : vector<16xf32>
        %mul3A_836 = vector.broadcast %squeeze3A_242 : f32 to vector<16xf32>
        %mul3A_837 = arith.mulf %get3A_785, %mul3A_836 : vector<16xf32>
        %mul3A_838 = vector.broadcast %squeeze3A_244 : f32 to vector<16xf32>
        %mul3A_839 = arith.mulf %get3A_791, %mul3A_838 : vector<16xf32>
        %mul3A_840 = vector.broadcast %squeeze3A_246 : f32 to vector<16xf32>
        %mul3A_841 = arith.mulf %get3A_797, %mul3A_840 : vector<16xf32>
        %add3A_842 = arith.addf %mul3A_827, %mul3A_829 : vector<16xf32>
        %add3A_843 = arith.addf %mul3A_831, %mul3A_833 : vector<16xf32>
        %add3A_844 = arith.addf %mul3A_835, %mul3A_837 : vector<16xf32>
        %add3A_845 = arith.addf %mul3A_839, %mul3A_841 : vector<16xf32>
        %add3A_846 = arith.addf %add3A_842, %add3A_843 : vector<16xf32>
        %add3A_847 = arith.addf %add3A_844, %add3A_845 : vector<16xf32>
        %add3A_848 = arith.addf %add3A_846, %add3A_847 : vector<16xf32>
        %swap3A_849 = arith.index_cast %scan3A_229 : i32 to index
        %swap3A_850 = arith.constant 112 : index
        %swap3A_851 = tpu.vector_load %arg16[%swap3A_849, %swap3A_850] {strides = array<i32>} : memref<16x128xf32, #tpu.memory_space<vmem>>, vector<1x16xf32>,
        %swap3A_852 = vector.shape_cast %swap3A_851 : vector<1x16xf32> to vector<16xf32>
        %swap3A_853 = vector.shape_cast %add3A_848 : vector<16xf32> to vector<1x16xf32>
        tpu.vector_store %arg16[%swap3A_849, %swap3A_850], %swap3A_853 {strides = array<i32>} : memref<16x128xf32, #tpu.memory_space<vmem>>, vector<1x16xf32>,
        %scan3A_854 = arith.constant 1 : i32
        %scan3A_855 = arith.addi %scan3A_229, %scan3A_854 : i32
        %get3A_856 = arith.index_cast %scan3A_855 : i32 to index
        %get3A_857 = arith.constant 0 : index
        %get3A_858 = tpu.vector_load %arg14[%get3A_856, %get3A_857] {strides = array<i32>} : memref<16x16xf32, #tpu.memory_space<vmem>>, vector<1x16xf32>,
        %get3A_859 = vector.shape_cast %get3A_858 : vector<1x16xf32> to vector<16xf32>
        %slice3A_860 = vector.extract_strided_slice %get3A_859 {offsets = [0], sizes = [1], strides = [1]} : vector<16xf32> to vector<1xf32>
        %squeeze3A_861 = vector.extract %slice3A_860[0] : f32 from vector<1xf32>
        %slice3A_862 = vector.extract_strided_slice %get3A_859 {offsets = [1], sizes = [1], strides = [1]} : vector<16xf32> to vector<1xf32>
        %squeeze3A_863 = vector.extract %slice3A_862[0] : f32 from vector<1xf32>
        %slice3A_864 = vector.extract_strided_slice %get3A_859 {offsets = [2], sizes = [1], strides = [1]} : vector<16xf32> to vector<1xf32>
        %squeeze3A_865 = vector.extract %slice3A_864[0] : f32 from vector<1xf32>
        %slice3A_866 = vector.extract_strided_slice %get3A_859 {offsets = [3], sizes = [1], strides = [1]} : vector<16xf32> to vector<1xf32>
        %squeeze3A_867 = vector.extract %slice3A_866[0] : f32 from vector<1xf32>
        %slice3A_868 = vector.extract_strided_slice %get3A_859 {offsets = [4], sizes = [1], strides = [1]} : vector<16xf32> to vector<1xf32>
        %squeeze3A_869 = vector.extract %slice3A_868[0] : f32 from vector<1xf32>
        %slice3A_870 = vector.extract_strided_slice %get3A_859 {offsets = [5], sizes = [1], strides = [1]} : vector<16xf32> to vector<1xf32>
        %squeeze3A_871 = vector.extract %slice3A_870[0] : f32 from vector<1xf32>
        %slice3A_872 = vector.extract_strided_slice %get3A_859 {offsets = [6], sizes = [1], strides = [1]} : vector<16xf32> to vector<1xf32>
        %squeeze3A_873 = vector.extract %slice3A_872[0] : f32 from vector<1xf32>
        %slice3A_874 = vector.extract_strided_slice %get3A_859 {offsets = [7], sizes = [1], strides = [1]} : vector<16xf32> to vector<1xf32>
        %squeeze3A_875 = vector.extract %slice3A_874[0] : f32 from vector<1xf32>
        %get3A_876 = arith.constant 0 : i32
        %get3A_877 = arith.index_cast %scan3A_855 : i32 to index
        %get3A_878 = arith.index_cast %get3A_876 : i32 to index
        %get3A_879 = arith.constant 0 : index
        %get3A_880 = tpu.vector_load %arg10[%get3A_877, %get3A_878, %get3A_879] {strides = array<i32>} : memref<16x8x128xf32, #tpu.memory_space<vmem>>, vector<1x1x16xf32>,
        %get3A_881 = vector.shape_cast %get3A_880 : vector<1x1x16xf32> to vector<16xf32>
        %get3A_882 = arith.constant 1 : i32
        %get3A_883 = arith.index_cast %scan3A_855 : i32 to index
        %get3A_884 = arith.index_cast %get3A_882 : i32 to index
        %get3A_885 = arith.constant 0 : index
        %get3A_886 = tpu.vector_load %arg10[%get3A_883, %get3A_884, %get3A_885] {strides = array<i32>} : memref<16x8x128xf32, #tpu.memory_space<vmem>>, vector<1x1x16xf32>,
        %get3A_887 = vector.shape_cast %get3A_886 : vector<1x1x16xf32> to vector<16xf32>
        %get3A_888 = arith.constant 2 : i32
        %get3A_889 = arith.index_cast %scan3A_855 : i32 to index
        %get3A_890 = arith.index_cast %get3A_888 : i32 to index
        %get3A_891 = arith.constant 0 : index
        %get3A_892 = tpu.vector_load %arg10[%get3A_889, %get3A_890, %get3A_891] {strides = array<i32>} : memref<16x8x128xf32, #tpu.memory_space<vmem>>, vector<1x1x16xf32>,
        %get3A_893 = vector.shape_cast %get3A_892 : vector<1x1x16xf32> to vector<16xf32>
        %get3A_894 = arith.constant 3 : i32
        %get3A_895 = arith.index_cast %scan3A_855 : i32 to index
        %get3A_896 = arith.index_cast %get3A_894 : i32 to index
        %get3A_897 = arith.constant 0 : index
        %get3A_898 = tpu.vector_load %arg10[%get3A_895, %get3A_896, %get3A_897] {strides = array<i32>} : memref<16x8x128xf32, #tpu.memory_space<vmem>>, vector<1x1x16xf32>,
        %get3A_899 = vector.shape_cast %get3A_898 : vector<1x1x16xf32> to vector<16xf32>
        %get3A_900 = arith.constant 4 : i32
        %get3A_901 = arith.index_cast %scan3A_855 : i32 to index
        %get3A_902 = arith.index_cast %get3A_900 : i32 to index
        %get3A_903 = arith.constant 0 : index
        %get3A_904 = tpu.vector_load %arg10[%get3A_901, %get3A_902, %get3A_903] {strides = array<i32>} : memref<16x8x128xf32, #tpu.memory_space<vmem>>, vector<1x1x16xf32>,
        %get3A_905 = vector.shape_cast %get3A_904 : vector<1x1x16xf32> to vector<16xf32>
        %get3A_906 = arith.constant 5 : i32
        %get3A_907 = arith.index_cast %scan3A_855 : i32 to index
        %get3A_908 = arith.index_cast %get3A_906 : i32 to index
        %get3A_909 = arith.constant 0 : index
        %get3A_910 = tpu.vector_load %arg10[%get3A_907, %get3A_908, %get3A_909] {strides = array<i32>} : memref<16x8x128xf32, #tpu.memory_space<vmem>>, vector<1x1x16xf32>,
        %get3A_911 = vector.shape_cast %get3A_910 : vector<1x1x16xf32> to vector<16xf32>
        %get3A_912 = arith.constant 6 : i32
        %get3A_913 = arith.index_cast %scan3A_855 : i32 to index
        %get3A_914 = arith.index_cast %get3A_912 : i32 to index
        %get3A_915 = arith.constant 0 : index
        %get3A_916 = tpu.vector_load %arg10[%get3A_913, %get3A_914, %get3A_915] {strides = array<i32>} : memref<16x8x128xf32, #tpu.memory_space<vmem>>, vector<1x1x16xf32>,
        %get3A_917 = vector.shape_cast %get3A_916 : vector<1x1x16xf32> to vector<16xf32>
        %get3A_918 = arith.constant 7 : i32
        %get3A_919 = arith.index_cast %scan3A_855 : i32 to index
        %get3A_920 = arith.index_cast %get3A_918 : i32 to index
        %get3A_921 = arith.constant 0 : index
        %get3A_922 = tpu.vector_load %arg10[%get3A_919, %get3A_920, %get3A_921] {strides = array<i32>} : memref<16x8x128xf32, #tpu.memory_space<vmem>>, vector<1x1x16xf32>,
        %get3A_923 = vector.shape_cast %get3A_922 : vector<1x1x16xf32> to vector<16xf32>
        %get3A_924 = arith.constant 0 : i32
        %get3A_925 = arith.index_cast %scan3A_855 : i32 to index
        %get3A_926 = arith.index_cast %get3A_924 : i32 to index
        %get3A_927 = arith.constant 16 : index
        %get3A_928 = tpu.vector_load %arg10[%get3A_925, %get3A_926, %get3A_927] {strides = array<i32>} : memref<16x8x128xf32, #tpu.memory_space<vmem>>, vector<1x1x16xf32>,
        %get3A_929 = vector.shape_cast %get3A_928 : vector<1x1x16xf32> to vector<16xf32>
        %get3A_930 = arith.constant 1 : i32
        %get3A_931 = arith.index_cast %scan3A_855 : i32 to index
        %get3A_932 = arith.index_cast %get3A_930 : i32 to index
        %get3A_933 = arith.constant 16 : index
        %get3A_934 = tpu.vector_load %arg10[%get3A_931, %get3A_932, %get3A_933] {strides = array<i32>} : memref<16x8x128xf32, #tpu.memory_space<vmem>>, vector<1x1x16xf32>,
        %get3A_935 = vector.shape_cast %get3A_934 : vector<1x1x16xf32> to vector<16xf32>
        %get3A_936 = arith.constant 2 : i32
        %get3A_937 = arith.index_cast %scan3A_855 : i32 to index
        %get3A_938 = arith.index_cast %get3A_936 : i32 to index
        %get3A_939 = arith.constant 16 : index
        %get3A_940 = tpu.vector_load %arg10[%get3A_937, %get3A_938, %get3A_939] {strides = array<i32>} : memref<16x8x128xf32, #tpu.memory_space<vmem>>, vector<1x1x16xf32>,
        %get3A_941 = vector.shape_cast %get3A_940 : vector<1x1x16xf32> to vector<16xf32>
        %get3A_942 = arith.constant 3 : i32
        %get3A_943 = arith.index_cast %scan3A_855 : i32 to index
        %get3A_944 = arith.index_cast %get3A_942 : i32 to index
        %get3A_945 = arith.constant 16 : index
        %get3A_946 = tpu.vector_load %arg10[%get3A_943, %get3A_944, %get3A_945] {strides = array<i32>} : memref<16x8x128xf32, #tpu.memory_space<vmem>>, vector<1x1x16xf32>,
        %get3A_947 = vector.shape_cast %get3A_946 : vector<1x1x16xf32> to vector<16xf32>
        %get3A_948 = arith.constant 4 : i32
        %get3A_949 = arith.index_cast %scan3A_855 : i32 to index
        %get3A_950 = arith.index_cast %get3A_948 : i32 to index
        %get3A_951 = arith.constant 16 : index
        %get3A_952 = tpu.vector_load %arg10[%get3A_949, %get3A_950, %get3A_951] {strides = array<i32>} : memref<16x8x128xf32, #tpu.memory_space<vmem>>, vector<1x1x16xf32>,
        %get3A_953 = vector.shape_cast %get3A_952 : vector<1x1x16xf32> to vector<16xf32>
        %get3A_954 = arith.constant 5 : i32
        %get3A_955 = arith.index_cast %scan3A_855 : i32 to index
        %get3A_956 = arith.index_cast %get3A_954 : i32 to index
        %get3A_957 = arith.constant 16 : index
        %get3A_958 = tpu.vector_load %arg10[%get3A_955, %get3A_956, %get3A_957] {strides = array<i32>} : memref<16x8x128xf32, #tpu.memory_space<vmem>>, vector<1x1x16xf32>,
        %get3A_959 = vector.shape_cast %get3A_958 : vector<1x1x16xf32> to vector<16xf32>
        %get3A_960 = arith.constant 6 : i32
        %get3A_961 = arith.index_cast %scan3A_855 : i32 to index
        %get3A_962 = arith.index_cast %get3A_960 : i32 to index
        %get3A_963 = arith.constant 16 : index
        %get3A_964 = tpu.vector_load %arg10[%get3A_961, %get3A_962, %get3A_963] {strides = array<i32>} : memref<16x8x128xf32, #tpu.memory_space<vmem>>, vector<1x1x16xf32>,
        %get3A_965 = vector.shape_cast %get3A_964 : vector<1x1x16xf32> to vector<16xf32>
        %get3A_966 = arith.constant 7 : i32
        %get3A_967 = arith.index_cast %scan3A_855 : i32 to index
        %get3A_968 = arith.index_cast %get3A_966 : i32 to index
        %get3A_969 = arith.constant 16 : index
        %get3A_970 = tpu.vector_load %arg10[%get3A_967, %get3A_968, %get3A_969] {strides = array<i32>} : memref<16x8x128xf32, #tpu.memory_space<vmem>>, vector<1x1x16xf32>,
        %get3A_971 = vector.shape_cast %get3A_970 : vector<1x1x16xf32> to vector<16xf32>
        %mul3A_972 = vector.broadcast %squeeze3A_861 : f32 to vector<16xf32>
        %mul3A_973 = arith.mulf %get3A_881, %mul3A_972 : vector<16xf32>
        %mul3A_974 = vector.broadcast %squeeze3A_863 : f32 to vector<16xf32>
        %mul3A_975 = arith.mulf %get3A_887, %mul3A_974 : vector<16xf32>
        %mul3A_976 = vector.broadcast %squeeze3A_865 : f32 to vector<16xf32>
        %mul3A_977 = arith.mulf %get3A_893, %mul3A_976 : vector<16xf32>
        %mul3A_978 = vector.broadcast %squeeze3A_867 : f32 to vector<16xf32>
        %mul3A_979 = arith.mulf %get3A_899, %mul3A_978 : vector<16xf32>
        %mul3A_980 = vector.broadcast %squeeze3A_869 : f32 to vector<16xf32>
        %mul3A_981 = arith.mulf %get3A_905, %mul3A_980 : vector<16xf32>
        %mul3A_982 = vector.broadcast %squeeze3A_871 : f32 to vector<16xf32>
        %mul3A_983 = arith.mulf %get3A_911, %mul3A_982 : vector<16xf32>
        %mul3A_984 = vector.broadcast %squeeze3A_873 : f32 to vector<16xf32>
        %mul3A_985 = arith.mulf %get3A_917, %mul3A_984 : vector<16xf32>
        %mul3A_986 = vector.broadcast %squeeze3A_875 : f32 to vector<16xf32>
        %mul3A_987 = arith.mulf %get3A_923, %mul3A_986 : vector<16xf32>
        %add3A_988 = arith.addf %mul3A_973, %mul3A_975 : vector<16xf32>
        %add3A_989 = arith.addf %mul3A_977, %mul3A_979 : vector<16xf32>
        %add3A_990 = arith.addf %mul3A_981, %mul3A_983 : vector<16xf32>
        %add3A_991 = arith.addf %mul3A_985, %mul3A_987 : vector<16xf32>
        %add3A_992 = arith.addf %add3A_988, %add3A_989 : vector<16xf32>
        %add3A_993 = arith.addf %add3A_990, %add3A_991 : vector<16xf32>
        %add3A_994 = arith.addf %add3A_992, %add3A_993 : vector<16xf32>
        %swap3A_995 = arith.index_cast %scan3A_855 : i32 to index
        %swap3A_996 = arith.constant 0 : index
        %swap3A_997 = tpu.vector_load %arg16[%swap3A_995, %swap3A_996] {strides = array<i32>} : memref<16x128xf32, #tpu.memory_space<vmem>>, vector<1x16xf32>,
        %swap3A_998 = vector.shape_cast %swap3A_997 : vector<1x16xf32> to vector<16xf32>
        %swap3A_999 = vector.shape_cast %add3A_994 : vector<16xf32> to vector<1x16xf32>
        tpu.vector_store %arg16[%swap3A_995, %swap3A_996], %swap3A_999 {strides = array<i32>} : memref<16x128xf32, #tpu.memory_space<vmem>>, vector<1x16xf32>,
        %get3A_1000 = arith.constant 0 : i32
        %get3A_1001 = arith.index_cast %scan3A_855 : i32 to index
        %get3A_1002 = arith.index_cast %get3A_1000 : i32 to index
        %get3A_1003 = arith.constant 32 : index
        %get3A_1004 = tpu.vector_load %arg10[%get3A_1001, %get3A_1002, %get3A_1003] {strides = array<i32>} : memref<16x8x128xf32, #tpu.memory_space<vmem>>, vector<1x1x16xf32>,
        %get3A_1005 = vector.shape_cast %get3A_1004 : vector<1x1x16xf32> to vector<16xf32>
        %get3A_1006 = arith.constant 1 : i32
        %get3A_1007 = arith.index_cast %scan3A_855 : i32 to index
        %get3A_1008 = arith.index_cast %get3A_1006 : i32 to index
        %get3A_1009 = arith.constant 32 : index
        %get3A_1010 = tpu.vector_load %arg10[%get3A_1007, %get3A_1008, %get3A_1009] {strides = array<i32>} : memref<16x8x128xf32, #tpu.memory_space<vmem>>, vector<1x1x16xf32>,
        %get3A_1011 = vector.shape_cast %get3A_1010 : vector<1x1x16xf32> to vector<16xf32>
        %get3A_1012 = arith.constant 2 : i32
        %get3A_1013 = arith.index_cast %scan3A_855 : i32 to index
        %get3A_1014 = arith.index_cast %get3A_1012 : i32 to index
        %get3A_1015 = arith.constant 32 : index
        %get3A_1016 = tpu.vector_load %arg10[%get3A_1013, %get3A_1014, %get3A_1015] {strides = array<i32>} : memref<16x8x128xf32, #tpu.memory_space<vmem>>, vector<1x1x16xf32>,
        %get3A_1017 = vector.shape_cast %get3A_1016 : vector<1x1x16xf32> to vector<16xf32>
        %get3A_1018 = arith.constant 3 : i32
        %get3A_1019 = arith.index_cast %scan3A_855 : i32 to index
        %get3A_1020 = arith.index_cast %get3A_1018 : i32 to index
        %get3A_1021 = arith.constant 32 : index
        %get3A_1022 = tpu.vector_load %arg10[%get3A_1019, %get3A_1020, %get3A_1021] {strides = array<i32>} : memref<16x8x128xf32, #tpu.memory_space<vmem>>, vector<1x1x16xf32>,
        %get3A_1023 = vector.shape_cast %get3A_1022 : vector<1x1x16xf32> to vector<16xf32>
        %get3A_1024 = arith.constant 4 : i32
        %get3A_1025 = arith.index_cast %scan3A_855 : i32 to index
        %get3A_1026 = arith.index_cast %get3A_1024 : i32 to index
        %get3A_1027 = arith.constant 32 : index
        %get3A_1028 = tpu.vector_load %arg10[%get3A_1025, %get3A_1026, %get3A_1027] {strides = array<i32>} : memref<16x8x128xf32, #tpu.memory_space<vmem>>, vector<1x1x16xf32>,
        %get3A_1029 = vector.shape_cast %get3A_1028 : vector<1x1x16xf32> to vector<16xf32>
        %get3A_1030 = arith.constant 5 : i32
        %get3A_1031 = arith.index_cast %scan3A_855 : i32 to index
        %get3A_1032 = arith.index_cast %get3A_1030 : i32 to index
        %get3A_1033 = arith.constant 32 : index
        %get3A_1034 = tpu.vector_load %arg10[%get3A_1031, %get3A_1032, %get3A_1033] {strides = array<i32>} : memref<16x8x128xf32, #tpu.memory_space<vmem>>, vector<1x1x16xf32>,
        %get3A_1035 = vector.shape_cast %get3A_1034 : vector<1x1x16xf32> to vector<16xf32>
        %get3A_1036 = arith.constant 6 : i32
        %get3A_1037 = arith.index_cast %scan3A_855 : i32 to index
        %get3A_1038 = arith.index_cast %get3A_1036 : i32 to index
        %get3A_1039 = arith.constant 32 : index
        %get3A_1040 = tpu.vector_load %arg10[%get3A_1037, %get3A_1038, %get3A_1039] {strides = array<i32>} : memref<16x8x128xf32, #tpu.memory_space<vmem>>, vector<1x1x16xf32>,
        %get3A_1041 = vector.shape_cast %get3A_1040 : vector<1x1x16xf32> to vector<16xf32>
        %get3A_1042 = arith.constant 7 : i32
        %get3A_1043 = arith.index_cast %scan3A_855 : i32 to index
        %get3A_1044 = arith.index_cast %get3A_1042 : i32 to index
        %get3A_1045 = arith.constant 32 : index
        %get3A_1046 = tpu.vector_load %arg10[%get3A_1043, %get3A_1044, %get3A_1045] {strides = array<i32>} : memref<16x8x128xf32, #tpu.memory_space<vmem>>, vector<1x1x16xf32>,
        %get3A_1047 = vector.shape_cast %get3A_1046 : vector<1x1x16xf32> to vector<16xf32>
        %mul3A_1048 = vector.broadcast %squeeze3A_861 : f32 to vector<16xf32>
        %mul3A_1049 = arith.mulf %get3A_929, %mul3A_1048 : vector<16xf32>
        %mul3A_1050 = vector.broadcast %squeeze3A_863 : f32 to vector<16xf32>
        %mul3A_1051 = arith.mulf %get3A_935, %mul3A_1050 : vector<16xf32>
        %mul3A_1052 = vector.broadcast %squeeze3A_865 : f32 to vector<16xf32>
        %mul3A_1053 = arith.mulf %get3A_941, %mul3A_1052 : vector<16xf32>
        %mul3A_1054 = vector.broadcast %squeeze3A_867 : f32 to vector<16xf32>
        %mul3A_1055 = arith.mulf %get3A_947, %mul3A_1054 : vector<16xf32>
        %mul3A_1056 = vector.broadcast %squeeze3A_869 : f32 to vector<16xf32>
        %mul3A_1057 = arith.mulf %get3A_953, %mul3A_1056 : vector<16xf32>
        %mul3A_1058 = vector.broadcast %squeeze3A_871 : f32 to vector<16xf32>
        %mul3A_1059 = arith.mulf %get3A_959, %mul3A_1058 : vector<16xf32>
        %mul3A_1060 = vector.broadcast %squeeze3A_873 : f32 to vector<16xf32>
        %mul3A_1061 = arith.mulf %get3A_965, %mul3A_1060 : vector<16xf32>
        %mul3A_1062 = vector.broadcast %squeeze3A_875 : f32 to vector<16xf32>
        %mul3A_1063 = arith.mulf %get3A_971, %mul3A_1062 : vector<16xf32>
        %add3A_1064 = arith.addf %mul3A_1049, %mul3A_1051 : vector<16xf32>
        %add3A_1065 = arith.addf %mul3A_1053, %mul3A_1055 : vector<16xf32>
        %add3A_1066 = arith.addf %mul3A_1057, %mul3A_1059 : vector<16xf32>
        %add3A_1067 = arith.addf %mul3A_1061, %mul3A_1063 : vector<16xf32>
        %add3A_1068 = arith.addf %add3A_1064, %add3A_1065 : vector<16xf32>
        %add3A_1069 = arith.addf %add3A_1066, %add3A_1067 : vector<16xf32>
        %add3A_1070 = arith.addf %add3A_1068, %add3A_1069 : vector<16xf32>
        %swap3A_1071 = arith.index_cast %scan3A_855 : i32 to index
        %swap3A_1072 = arith.constant 16 : index
        %swap3A_1073 = tpu.vector_load %arg16[%swap3A_1071, %swap3A_1072] {strides = array<i32>} : memref<16x128xf32, #tpu.memory_space<vmem>>, vector<1x16xf32>,
        %swap3A_1074 = vector.shape_cast %swap3A_1073 : vector<1x16xf32> to vector<16xf32>
        %swap3A_1075 = vector.shape_cast %add3A_1070 : vector<16xf32> to vector<1x16xf32>
        tpu.vector_store %arg16[%swap3A_1071, %swap3A_1072], %swap3A_1075 {strides = array<i32>} : memref<16x128xf32, #tpu.memory_space<vmem>>, vector<1x16xf32>,
        %get3A_1076 = arith.constant 0 : i32
        %get3A_1077 = arith.index_cast %scan3A_855 : i32 to index
        %get3A_1078 = arith.index_cast %get3A_1076 : i32 to index
        %get3A_1079 = arith.constant 48 : index
        %get3A_1080 = tpu.vector_load %arg10[%get3A_1077, %get3A_1078, %get3A_1079] {strides = array<i32>} : memref<16x8x128xf32, #tpu.memory_space<vmem>>, vector<1x1x16xf32>,
        %get3A_1081 = vector.shape_cast %get3A_1080 : vector<1x1x16xf32> to vector<16xf32>
        %get3A_1082 = arith.constant 1 : i32
        %get3A_1083 = arith.index_cast %scan3A_855 : i32 to index
        %get3A_1084 = arith.index_cast %get3A_1082 : i32 to index
        %get3A_1085 = arith.constant 48 : index
        %get3A_1086 = tpu.vector_load %arg10[%get3A_1083, %get3A_1084, %get3A_1085] {strides = array<i32>} : memref<16x8x128xf32, #tpu.memory_space<vmem>>, vector<1x1x16xf32>,
        %get3A_1087 = vector.shape_cast %get3A_1086 : vector<1x1x16xf32> to vector<16xf32>
        %get3A_1088 = arith.constant 2 : i32
        %get3A_1089 = arith.index_cast %scan3A_855 : i32 to index
        %get3A_1090 = arith.index_cast %get3A_1088 : i32 to index
        %get3A_1091 = arith.constant 48 : index
        %get3A_1092 = tpu.vector_load %arg10[%get3A_1089, %get3A_1090, %get3A_1091] {strides = array<i32>} : memref<16x8x128xf32, #tpu.memory_space<vmem>>, vector<1x1x16xf32>,
        %get3A_1093 = vector.shape_cast %get3A_1092 : vector<1x1x16xf32> to vector<16xf32>
        %get3A_1094 = arith.constant 3 : i32
        %get3A_1095 = arith.index_cast %scan3A_855 : i32 to index
        %get3A_1096 = arith.index_cast %get3A_1094 : i32 to index
        %get3A_1097 = arith.constant 48 : index
        %get3A_1098 = tpu.vector_load %arg10[%get3A_1095, %get3A_1096, %get3A_1097] {strides = array<i32>} : memref<16x8x128xf32, #tpu.memory_space<vmem>>, vector<1x1x16xf32>,
        %get3A_1099 = vector.shape_cast %get3A_1098 : vector<1x1x16xf32> to vector<16xf32>
        %get3A_1100 = arith.constant 4 : i32
        %get3A_1101 = arith.index_cast %scan3A_855 : i32 to index
        %get3A_1102 = arith.index_cast %get3A_1100 : i32 to index
        %get3A_1103 = arith.constant 48 : index
        %get3A_1104 = tpu.vector_load %arg10[%get3A_1101, %get3A_1102, %get3A_1103] {strides = array<i32>} : memref<16x8x128xf32, #tpu.memory_space<vmem>>, vector<1x1x16xf32>,
        %get3A_1105 = vector.shape_cast %get3A_1104 : vector<1x1x16xf32> to vector<16xf32>
        %get3A_1106 = arith.constant 5 : i32
        %get3A_1107 = arith.index_cast %scan3A_855 : i32 to index
        %get3A_1108 = arith.index_cast %get3A_1106 : i32 to index
        %get3A_1109 = arith.constant 48 : index
        %get3A_1110 = tpu.vector_load %arg10[%get3A_1107, %get3A_1108, %get3A_1109] {strides = array<i32>} : memref<16x8x128xf32, #tpu.memory_space<vmem>>, vector<1x1x16xf32>,
        %get3A_1111 = vector.shape_cast %get3A_1110 : vector<1x1x16xf32> to vector<16xf32>
        %get3A_1112 = arith.constant 6 : i32
        %get3A_1113 = arith.index_cast %scan3A_855 : i32 to index
        %get3A_1114 = arith.index_cast %get3A_1112 : i32 to index
        %get3A_1115 = arith.constant 48 : index
        %get3A_1116 = tpu.vector_load %arg10[%get3A_1113, %get3A_1114, %get3A_1115] {strides = array<i32>} : memref<16x8x128xf32, #tpu.memory_space<vmem>>, vector<1x1x16xf32>,
        %get3A_1117 = vector.shape_cast %get3A_1116 : vector<1x1x16xf32> to vector<16xf32>
        %get3A_1118 = arith.constant 7 : i32
        %get3A_1119 = arith.index_cast %scan3A_855 : i32 to index
        %get3A_1120 = arith.index_cast %get3A_1118 : i32 to index
        %get3A_1121 = arith.constant 48 : index
        %get3A_1122 = tpu.vector_load %arg10[%get3A_1119, %get3A_1120, %get3A_1121] {strides = array<i32>} : memref<16x8x128xf32, #tpu.memory_space<vmem>>, vector<1x1x16xf32>,
        %get3A_1123 = vector.shape_cast %get3A_1122 : vector<1x1x16xf32> to vector<16xf32>
        %mul3A_1124 = vector.broadcast %squeeze3A_861 : f32 to vector<16xf32>
        %mul3A_1125 = arith.mulf %get3A_1005, %mul3A_1124 : vector<16xf32>
        %mul3A_1126 = vector.broadcast %squeeze3A_863 : f32 to vector<16xf32>
        %mul3A_1127 = arith.mulf %get3A_1011, %mul3A_1126 : vector<16xf32>
        %mul3A_1128 = vector.broadcast %squeeze3A_865 : f32 to vector<16xf32>
        %mul3A_1129 = arith.mulf %get3A_1017, %mul3A_1128 : vector<16xf32>
        %mul3A_1130 = vector.broadcast %squeeze3A_867 : f32 to vector<16xf32>
        %mul3A_1131 = arith.mulf %get3A_1023, %mul3A_1130 : vector<16xf32>
        %mul3A_1132 = vector.broadcast %squeeze3A_869 : f32 to vector<16xf32>
        %mul3A_1133 = arith.mulf %get3A_1029, %mul3A_1132 : vector<16xf32>
        %mul3A_1134 = vector.broadcast %squeeze3A_871 : f32 to vector<16xf32>
        %mul3A_1135 = arith.mulf %get3A_1035, %mul3A_1134 : vector<16xf32>
        %mul3A_1136 = vector.broadcast %squeeze3A_873 : f32 to vector<16xf32>
        %mul3A_1137 = arith.mulf %get3A_1041, %mul3A_1136 : vector<16xf32>
        %mul3A_1138 = vector.broadcast %squeeze3A_875 : f32 to vector<16xf32>
        %mul3A_1139 = arith.mulf %get3A_1047, %mul3A_1138 : vector<16xf32>
        %add3A_1140 = arith.addf %mul3A_1125, %mul3A_1127 : vector<16xf32>
        %add3A_1141 = arith.addf %mul3A_1129, %mul3A_1131 : vector<16xf32>
        %add3A_1142 = arith.addf %mul3A_1133, %mul3A_1135 : vector<16xf32>
        %add3A_1143 = arith.addf %mul3A_1137, %mul3A_1139 : vector<16xf32>
        %add3A_1144 = arith.addf %add3A_1140, %add3A_1141 : vector<16xf32>
        %add3A_1145 = arith.addf %add3A_1142, %add3A_1143 : vector<16xf32>
        %add3A_1146 = arith.addf %add3A_1144, %add3A_1145 : vector<16xf32>
        %swap3A_1147 = arith.index_cast %scan3A_855 : i32 to index
        %swap3A_1148 = arith.constant 32 : index
        %swap3A_1149 = tpu.vector_load %arg16[%swap3A_1147, %swap3A_1148] {strides = array<i32>} : memref<16x128xf32, #tpu.memory_space<vmem>>, vector<1x16xf32>,
        %swap3A_1150 = vector.shape_cast %swap3A_1149 : vector<1x16xf32> to vector<16xf32>
        %swap3A_1151 = vector.shape_cast %add3A_1146 : vector<16xf32> to vector<1x16xf32>
        tpu.vector_store %arg16[%swap3A_1147, %swap3A_1148], %swap3A_1151 {strides = array<i32>} : memref<16x128xf32, #tpu.memory_space<vmem>>, vector<1x16xf32>,
        %get3A_1152 = arith.constant 0 : i32
        %get3A_1153 = arith.index_cast %scan3A_855 : i32 to index
        %get3A_1154 = arith.index_cast %get3A_1152 : i32 to index
        %get3A_1155 = arith.constant 64 : index
        %get3A_1156 = tpu.vector_load %arg10[%get3A_1153, %get3A_1154, %get3A_1155] {strides = array<i32>} : memref<16x8x128xf32, #tpu.memory_space<vmem>>, vector<1x1x16xf32>,
        %get3A_1157 = vector.shape_cast %get3A_1156 : vector<1x1x16xf32> to vector<16xf32>
        %get3A_1158 = arith.constant 1 : i32
        %get3A_1159 = arith.index_cast %scan3A_855 : i32 to index
        %get3A_1160 = arith.index_cast %get3A_1158 : i32 to index
        %get3A_1161 = arith.constant 64 : index
        %get3A_1162 = tpu.vector_load %arg10[%get3A_1159, %get3A_1160, %get3A_1161] {strides = array<i32>} : memref<16x8x128xf32, #tpu.memory_space<vmem>>, vector<1x1x16xf32>,
        %get3A_1163 = vector.shape_cast %get3A_1162 : vector<1x1x16xf32> to vector<16xf32>
        %get3A_1164 = arith.constant 2 : i32
        %get3A_1165 = arith.index_cast %scan3A_855 : i32 to index
        %get3A_1166 = arith.index_cast %get3A_1164 : i32 to index
        %get3A_1167 = arith.constant 64 : index
        %get3A_1168 = tpu.vector_load %arg10[%get3A_1165, %get3A_1166, %get3A_1167] {strides = array<i32>} : memref<16x8x128xf32, #tpu.memory_space<vmem>>, vector<1x1x16xf32>,
        %get3A_1169 = vector.shape_cast %get3A_1168 : vector<1x1x16xf32> to vector<16xf32>
        %get3A_1170 = arith.constant 3 : i32
        %get3A_1171 = arith.index_cast %scan3A_855 : i32 to index
        %get3A_1172 = arith.index_cast %get3A_1170 : i32 to index
        %get3A_1173 = arith.constant 64 : index
        %get3A_1174 = tpu.vector_load %arg10[%get3A_1171, %get3A_1172, %get3A_1173] {strides = array<i32>} : memref<16x8x128xf32, #tpu.memory_space<vmem>>, vector<1x1x16xf32>,
        %get3A_1175 = vector.shape_cast %get3A_1174 : vector<1x1x16xf32> to vector<16xf32>
        %get3A_1176 = arith.constant 4 : i32
        %get3A_1177 = arith.index_cast %scan3A_855 : i32 to index
        %get3A_1178 = arith.index_cast %get3A_1176 : i32 to index
        %get3A_1179 = arith.constant 64 : index
        %get3A_1180 = tpu.vector_load %arg10[%get3A_1177, %get3A_1178, %get3A_1179] {strides = array<i32>} : memref<16x8x128xf32, #tpu.memory_space<vmem>>, vector<1x1x16xf32>,
        %get3A_1181 = vector.shape_cast %get3A_1180 : vector<1x1x16xf32> to vector<16xf32>
        %get3A_1182 = arith.constant 5 : i32
        %get3A_1183 = arith.index_cast %scan3A_855 : i32 to index
        %get3A_1184 = arith.index_cast %get3A_1182 : i32 to index
        %get3A_1185 = arith.constant 64 : index
        %get3A_1186 = tpu.vector_load %arg10[%get3A_1183, %get3A_1184, %get3A_1185] {strides = array<i32>} : memref<16x8x128xf32, #tpu.memory_space<vmem>>, vector<1x1x16xf32>,
        %get3A_1187 = vector.shape_cast %get3A_1186 : vector<1x1x16xf32> to vector<16xf32>
        %get3A_1188 = arith.constant 6 : i32
        %get3A_1189 = arith.index_cast %scan3A_855 : i32 to index
        %get3A_1190 = arith.index_cast %get3A_1188 : i32 to index
        %get3A_1191 = arith.constant 64 : index
        %get3A_1192 = tpu.vector_load %arg10[%get3A_1189, %get3A_1190, %get3A_1191] {strides = array<i32>} : memref<16x8x128xf32, #tpu.memory_space<vmem>>, vector<1x1x16xf32>,
        %get3A_1193 = vector.shape_cast %get3A_1192 : vector<1x1x16xf32> to vector<16xf32>
        %get3A_1194 = arith.constant 7 : i32
        %get3A_1195 = arith.index_cast %scan3A_855 : i32 to index
        %get3A_1196 = arith.index_cast %get3A_1194 : i32 to index
        %get3A_1197 = arith.constant 64 : index
        %get3A_1198 = tpu.vector_load %arg10[%get3A_1195, %get3A_1196, %get3A_1197] {strides = array<i32>} : memref<16x8x128xf32, #tpu.memory_space<vmem>>, vector<1x1x16xf32>,
        %get3A_1199 = vector.shape_cast %get3A_1198 : vector<1x1x16xf32> to vector<16xf32>
        %mul3A_1200 = vector.broadcast %squeeze3A_861 : f32 to vector<16xf32>
        %mul3A_1201 = arith.mulf %get3A_1081, %mul3A_1200 : vector<16xf32>
        %mul3A_1202 = vector.broadcast %squeeze3A_863 : f32 to vector<16xf32>
        %mul3A_1203 = arith.mulf %get3A_1087, %mul3A_1202 : vector<16xf32>
        %mul3A_1204 = vector.broadcast %squeeze3A_865 : f32 to vector<16xf32>
        %mul3A_1205 = arith.mulf %get3A_1093, %mul3A_1204 : vector<16xf32>
        %mul3A_1206 = vector.broadcast %squeeze3A_867 : f32 to vector<16xf32>
        %mul3A_1207 = arith.mulf %get3A_1099, %mul3A_1206 : vector<16xf32>
        %mul3A_1208 = vector.broadcast %squeeze3A_869 : f32 to vector<16xf32>
        %mul3A_1209 = arith.mulf %get3A_1105, %mul3A_1208 : vector<16xf32>
        %mul3A_1210 = vector.broadcast %squeeze3A_871 : f32 to vector<16xf32>
        %mul3A_1211 = arith.mulf %get3A_1111, %mul3A_1210 : vector<16xf32>
        %mul3A_1212 = vector.broadcast %squeeze3A_873 : f32 to vector<16xf32>
        %mul3A_1213 = arith.mulf %get3A_1117, %mul3A_1212 : vector<16xf32>
        %mul3A_1214 = vector.broadcast %squeeze3A_875 : f32 to vector<16xf32>
        %mul3A_1215 = arith.mulf %get3A_1123, %mul3A_1214 : vector<16xf32>
        %add3A_1216 = arith.addf %mul3A_1201, %mul3A_1203 : vector<16xf32>
        %add3A_1217 = arith.addf %mul3A_1205, %mul3A_1207 : vector<16xf32>
        %add3A_1218 = arith.addf %mul3A_1209, %mul3A_1211 : vector<16xf32>
        %add3A_1219 = arith.addf %mul3A_1213, %mul3A_1215 : vector<16xf32>
        %add3A_1220 = arith.addf %add3A_1216, %add3A_1217 : vector<16xf32>
        %add3A_1221 = arith.addf %add3A_1218, %add3A_1219 : vector<16xf32>
        %add3A_1222 = arith.addf %add3A_1220, %add3A_1221 : vector<16xf32>
        %swap3A_1223 = arith.index_cast %scan3A_855 : i32 to index
        %swap3A_1224 = arith.constant 48 : index
        %swap3A_1225 = tpu.vector_load %arg16[%swap3A_1223, %swap3A_1224] {strides = array<i32>} : memref<16x128xf32, #tpu.memory_space<vmem>>, vector<1x16xf32>,
        %swap3A_1226 = vector.shape_cast %swap3A_1225 : vector<1x16xf32> to vector<16xf32>
        %swap3A_1227 = vector.shape_cast %add3A_1222 : vector<16xf32> to vector<1x16xf32>
        tpu.vector_store %arg16[%swap3A_1223, %swap3A_1224], %swap3A_1227 {strides = array<i32>} : memref<16x128xf32, #tpu.memory_space<vmem>>, vector<1x16xf32>,
        %get3A_1228 = arith.constant 0 : i32
        %get3A_1229 = arith.index_cast %scan3A_855 : i32 to index
        %get3A_1230 = arith.index_cast %get3A_1228 : i32 to index
        %get3A_1231 = arith.constant 80 : index
        %get3A_1232 = tpu.vector_load %arg10[%get3A_1229, %get3A_1230, %get3A_1231] {strides = array<i32>} : memref<16x8x128xf32, #tpu.memory_space<vmem>>, vector<1x1x16xf32>,
        %get3A_1233 = vector.shape_cast %get3A_1232 : vector<1x1x16xf32> to vector<16xf32>
        %get3A_1234 = arith.constant 1 : i32
        %get3A_1235 = arith.index_cast %scan3A_855 : i32 to index
        %get3A_1236 = arith.index_cast %get3A_1234 : i32 to index
        %get3A_1237 = arith.constant 80 : index
        %get3A_1238 = tpu.vector_load %arg10[%get3A_1235, %get3A_1236, %get3A_1237] {strides = array<i32>} : memref<16x8x128xf32, #tpu.memory_space<vmem>>, vector<1x1x16xf32>,
        %get3A_1239 = vector.shape_cast %get3A_1238 : vector<1x1x16xf32> to vector<16xf32>
        %get3A_1240 = arith.constant 2 : i32
        %get3A_1241 = arith.index_cast %scan3A_855 : i32 to index
        %get3A_1242 = arith.index_cast %get3A_1240 : i32 to index
        %get3A_1243 = arith.constant 80 : index
        %get3A_1244 = tpu.vector_load %arg10[%get3A_1241, %get3A_1242, %get3A_1243] {strides = array<i32>} : memref<16x8x128xf32, #tpu.memory_space<vmem>>, vector<1x1x16xf32>,
        %get3A_1245 = vector.shape_cast %get3A_1244 : vector<1x1x16xf32> to vector<16xf32>
        %get3A_1246 = arith.constant 3 : i32
        %get3A_1247 = arith.index_cast %scan3A_855 : i32 to index
        %get3A_1248 = arith.index_cast %get3A_1246 : i32 to index
        %get3A_1249 = arith.constant 80 : index
        %get3A_1250 = tpu.vector_load %arg10[%get3A_1247, %get3A_1248, %get3A_1249] {strides = array<i32>} : memref<16x8x128xf32, #tpu.memory_space<vmem>>, vector<1x1x16xf32>,
        %get3A_1251 = vector.shape_cast %get3A_1250 : vector<1x1x16xf32> to vector<16xf32>
        %get3A_1252 = arith.constant 4 : i32
        %get3A_1253 = arith.index_cast %scan3A_855 : i32 to index
        %get3A_1254 = arith.index_cast %get3A_1252 : i32 to index
        %get3A_1255 = arith.constant 80 : index
        %get3A_1256 = tpu.vector_load %arg10[%get3A_1253, %get3A_1254, %get3A_1255] {strides = array<i32>} : memref<16x8x128xf32, #tpu.memory_space<vmem>>, vector<1x1x16xf32>,
        %get3A_1257 = vector.shape_cast %get3A_1256 : vector<1x1x16xf32> to vector<16xf32>
        %get3A_1258 = arith.constant 5 : i32
        %get3A_1259 = arith.index_cast %scan3A_855 : i32 to index
        %get3A_1260 = arith.index_cast %get3A_1258 : i32 to index
        %get3A_1261 = arith.constant 80 : index
        %get3A_1262 = tpu.vector_load %arg10[%get3A_1259, %get3A_1260, %get3A_1261] {strides = array<i32>} : memref<16x8x128xf32, #tpu.memory_space<vmem>>, vector<1x1x16xf32>,
        %get3A_1263 = vector.shape_cast %get3A_1262 : vector<1x1x16xf32> to vector<16xf32>
        %get3A_1264 = arith.constant 6 : i32
        %get3A_1265 = arith.index_cast %scan3A_855 : i32 to index
        %get3A_1266 = arith.index_cast %get3A_1264 : i32 to index
        %get3A_1267 = arith.constant 80 : index
        %get3A_1268 = tpu.vector_load %arg10[%get3A_1265, %get3A_1266, %get3A_1267] {strides = array<i32>} : memref<16x8x128xf32, #tpu.memory_space<vmem>>, vector<1x1x16xf32>,
        %get3A_1269 = vector.shape_cast %get3A_1268 : vector<1x1x16xf32> to vector<16xf32>
        %get3A_1270 = arith.constant 7 : i32
        %get3A_1271 = arith.index_cast %scan3A_855 : i32 to index
        %get3A_1272 = arith.index_cast %get3A_1270 : i32 to index
        %get3A_1273 = arith.constant 80 : index
        %get3A_1274 = tpu.vector_load %arg10[%get3A_1271, %get3A_1272, %get3A_1273] {strides = array<i32>} : memref<16x8x128xf32, #tpu.memory_space<vmem>>, vector<1x1x16xf32>,
        %get3A_1275 = vector.shape_cast %get3A_1274 : vector<1x1x16xf32> to vector<16xf32>
        %mul3A_1276 = vector.broadcast %squeeze3A_861 : f32 to vector<16xf32>
        %mul3A_1277 = arith.mulf %get3A_1157, %mul3A_1276 : vector<16xf32>
        %mul3A_1278 = vector.broadcast %squeeze3A_863 : f32 to vector<16xf32>
        %mul3A_1279 = arith.mulf %get3A_1163, %mul3A_1278 : vector<16xf32>
        %mul3A_1280 = vector.broadcast %squeeze3A_865 : f32 to vector<16xf32>
        %mul3A_1281 = arith.mulf %get3A_1169, %mul3A_1280 : vector<16xf32>
        %mul3A_1282 = vector.broadcast %squeeze3A_867 : f32 to vector<16xf32>
        %mul3A_1283 = arith.mulf %get3A_1175, %mul3A_1282 : vector<16xf32>
        %mul3A_1284 = vector.broadcast %squeeze3A_869 : f32 to vector<16xf32>
        %mul3A_1285 = arith.mulf %get3A_1181, %mul3A_1284 : vector<16xf32>
        %mul3A_1286 = vector.broadcast %squeeze3A_871 : f32 to vector<16xf32>
        %mul3A_1287 = arith.mulf %get3A_1187, %mul3A_1286 : vector<16xf32>
        %mul3A_1288 = vector.broadcast %squeeze3A_873 : f32 to vector<16xf32>
        %mul3A_1289 = arith.mulf %get3A_1193, %mul3A_1288 : vector<16xf32>
        %mul3A_1290 = vector.broadcast %squeeze3A_875 : f32 to vector<16xf32>
        %mul3A_1291 = arith.mulf %get3A_1199, %mul3A_1290 : vector<16xf32>
        %add3A_1292 = arith.addf %mul3A_1277, %mul3A_1279 : vector<16xf32>
        %add3A_1293 = arith.addf %mul3A_1281, %mul3A_1283 : vector<16xf32>
        %add3A_1294 = arith.addf %mul3A_1285, %mul3A_1287 : vector<16xf32>
        %add3A_1295 = arith.addf %mul3A_1289, %mul3A_1291 : vector<16xf32>
        %add3A_1296 = arith.addf %add3A_1292, %add3A_1293 : vector<16xf32>
        %add3A_1297 = arith.addf %add3A_1294, %add3A_1295 : vector<16xf32>
        %add3A_1298 = arith.addf %add3A_1296, %add3A_1297 : vector<16xf32>
        %swap3A_1299 = arith.index_cast %scan3A_855 : i32 to index
        %swap3A_1300 = arith.constant 64 : index
        %swap3A_1301 = tpu.vector_load %arg16[%swap3A_1299, %swap3A_1300] {strides = array<i32>} : memref<16x128xf32, #tpu.memory_space<vmem>>, vector<1x16xf32>,
        %swap3A_1302 = vector.shape_cast %swap3A_1301 : vector<1x16xf32> to vector<16xf32>
        %swap3A_1303 = vector.shape_cast %add3A_1298 : vector<16xf32> to vector<1x16xf32>
        tpu.vector_store %arg16[%swap3A_1299, %swap3A_1300], %swap3A_1303 {strides = array<i32>} : memref<16x128xf32, #tpu.memory_space<vmem>>, vector<1x16xf32>,
        %get3A_1304 = arith.constant 0 : i32
        %get3A_1305 = arith.index_cast %scan3A_855 : i32 to index
        %get3A_1306 = arith.index_cast %get3A_1304 : i32 to index
        %get3A_1307 = arith.constant 96 : index
        %get3A_1308 = tpu.vector_load %arg10[%get3A_1305, %get3A_1306, %get3A_1307] {strides = array<i32>} : memref<16x8x128xf32, #tpu.memory_space<vmem>>, vector<1x1x16xf32>,
        %get3A_1309 = vector.shape_cast %get3A_1308 : vector<1x1x16xf32> to vector<16xf32>
        %get3A_1310 = arith.constant 1 : i32
        %get3A_1311 = arith.index_cast %scan3A_855 : i32 to index
        %get3A_1312 = arith.index_cast %get3A_1310 : i32 to index
        %get3A_1313 = arith.constant 96 : index
        %get3A_1314 = tpu.vector_load %arg10[%get3A_1311, %get3A_1312, %get3A_1313] {strides = array<i32>} : memref<16x8x128xf32, #tpu.memory_space<vmem>>, vector<1x1x16xf32>,
        %get3A_1315 = vector.shape_cast %get3A_1314 : vector<1x1x16xf32> to vector<16xf32>
        %get3A_1316 = arith.constant 2 : i32
        %get3A_1317 = arith.index_cast %scan3A_855 : i32 to index
        %get3A_1318 = arith.index_cast %get3A_1316 : i32 to index
        %get3A_1319 = arith.constant 96 : index
        %get3A_1320 = tpu.vector_load %arg10[%get3A_1317, %get3A_1318, %get3A_1319] {strides = array<i32>} : memref<16x8x128xf32, #tpu.memory_space<vmem>>, vector<1x1x16xf32>,
        %get3A_1321 = vector.shape_cast %get3A_1320 : vector<1x1x16xf32> to vector<16xf32>
        %get3A_1322 = arith.constant 3 : i32
        %get3A_1323 = arith.index_cast %scan3A_855 : i32 to index
        %get3A_1324 = arith.index_cast %get3A_1322 : i32 to index
        %get3A_1325 = arith.constant 96 : index
        %get3A_1326 = tpu.vector_load %arg10[%get3A_1323, %get3A_1324, %get3A_1325] {strides = array<i32>} : memref<16x8x128xf32, #tpu.memory_space<vmem>>, vector<1x1x16xf32>,
        %get3A_1327 = vector.shape_cast %get3A_1326 : vector<1x1x16xf32> to vector<16xf32>
        %get3A_1328 = arith.constant 4 : i32
        %get3A_1329 = arith.index_cast %scan3A_855 : i32 to index
        %get3A_1330 = arith.index_cast %get3A_1328 : i32 to index
        %get3A_1331 = arith.constant 96 : index
        %get3A_1332 = tpu.vector_load %arg10[%get3A_1329, %get3A_1330, %get3A_1331] {strides = array<i32>} : memref<16x8x128xf32, #tpu.memory_space<vmem>>, vector<1x1x16xf32>,
        %get3A_1333 = vector.shape_cast %get3A_1332 : vector<1x1x16xf32> to vector<16xf32>
        %get3A_1334 = arith.constant 5 : i32
        %get3A_1335 = arith.index_cast %scan3A_855 : i32 to index
        %get3A_1336 = arith.index_cast %get3A_1334 : i32 to index
        %get3A_1337 = arith.constant 96 : index
        %get3A_1338 = tpu.vector_load %arg10[%get3A_1335, %get3A_1336, %get3A_1337] {strides = array<i32>} : memref<16x8x128xf32, #tpu.memory_space<vmem>>, vector<1x1x16xf32>,
        %get3A_1339 = vector.shape_cast %get3A_1338 : vector<1x1x16xf32> to vector<16xf32>
        %get3A_1340 = arith.constant 6 : i32
        %get3A_1341 = arith.index_cast %scan3A_855 : i32 to index
        %get3A_1342 = arith.index_cast %get3A_1340 : i32 to index
        %get3A_1343 = arith.constant 96 : index
        %get3A_1344 = tpu.vector_load %arg10[%get3A_1341, %get3A_1342, %get3A_1343] {strides = array<i32>} : memref<16x8x128xf32, #tpu.memory_space<vmem>>, vector<1x1x16xf32>,
        %get3A_1345 = vector.shape_cast %get3A_1344 : vector<1x1x16xf32> to vector<16xf32>
        %get3A_1346 = arith.constant 7 : i32
        %get3A_1347 = arith.index_cast %scan3A_855 : i32 to index
        %get3A_1348 = arith.index_cast %get3A_1346 : i32 to index
        %get3A_1349 = arith.constant 96 : index
        %get3A_1350 = tpu.vector_load %arg10[%get3A_1347, %get3A_1348, %get3A_1349] {strides = array<i32>} : memref<16x8x128xf32, #tpu.memory_space<vmem>>, vector<1x1x16xf32>,
        %get3A_1351 = vector.shape_cast %get3A_1350 : vector<1x1x16xf32> to vector<16xf32>
        %mul3A_1352 = vector.broadcast %squeeze3A_861 : f32 to vector<16xf32>
        %mul3A_1353 = arith.mulf %get3A_1233, %mul3A_1352 : vector<16xf32>
        %mul3A_1354 = vector.broadcast %squeeze3A_863 : f32 to vector<16xf32>
        %mul3A_1355 = arith.mulf %get3A_1239, %mul3A_1354 : vector<16xf32>
        %mul3A_1356 = vector.broadcast %squeeze3A_865 : f32 to vector<16xf32>
        %mul3A_1357 = arith.mulf %get3A_1245, %mul3A_1356 : vector<16xf32>
        %mul3A_1358 = vector.broadcast %squeeze3A_867 : f32 to vector<16xf32>
        %mul3A_1359 = arith.mulf %get3A_1251, %mul3A_1358 : vector<16xf32>
        %mul3A_1360 = vector.broadcast %squeeze3A_869 : f32 to vector<16xf32>
        %mul3A_1361 = arith.mulf %get3A_1257, %mul3A_1360 : vector<16xf32>
        %mul3A_1362 = vector.broadcast %squeeze3A_871 : f32 to vector<16xf32>
        %mul3A_1363 = arith.mulf %get3A_1263, %mul3A_1362 : vector<16xf32>
        %mul3A_1364 = vector.broadcast %squeeze3A_873 : f32 to vector<16xf32>
        %mul3A_1365 = arith.mulf %get3A_1269, %mul3A_1364 : vector<16xf32>
        %mul3A_1366 = vector.broadcast %squeeze3A_875 : f32 to vector<16xf32>
        %mul3A_1367 = arith.mulf %get3A_1275, %mul3A_1366 : vector<16xf32>
        %add3A_1368 = arith.addf %mul3A_1353, %mul3A_1355 : vector<16xf32>
        %add3A_1369 = arith.addf %mul3A_1357, %mul3A_1359 : vector<16xf32>
        %add3A_1370 = arith.addf %mul3A_1361, %mul3A_1363 : vector<16xf32>
        %add3A_1371 = arith.addf %mul3A_1365, %mul3A_1367 : vector<16xf32>
        %add3A_1372 = arith.addf %add3A_1368, %add3A_1369 : vector<16xf32>
        %add3A_1373 = arith.addf %add3A_1370, %add3A_1371 : vector<16xf32>
        %add3A_1374 = arith.addf %add3A_1372, %add3A_1373 : vector<16xf32>
        %swap3A_1375 = arith.index_cast %scan3A_855 : i32 to index
        %swap3A_1376 = arith.constant 80 : index
        %swap3A_1377 = tpu.vector_load %arg16[%swap3A_1375, %swap3A_1376] {strides = array<i32>} : memref<16x128xf32, #tpu.memory_space<vmem>>, vector<1x16xf32>,
        %swap3A_1378 = vector.shape_cast %swap3A_1377 : vector<1x16xf32> to vector<16xf32>
        %swap3A_1379 = vector.shape_cast %add3A_1374 : vector<16xf32> to vector<1x16xf32>
        tpu.vector_store %arg16[%swap3A_1375, %swap3A_1376], %swap3A_1379 {strides = array<i32>} : memref<16x128xf32, #tpu.memory_space<vmem>>, vector<1x16xf32>,
        %get3A_1380 = arith.constant 0 : i32
        %get3A_1381 = arith.index_cast %scan3A_855 : i32 to index
        %get3A_1382 = arith.index_cast %get3A_1380 : i32 to index
        %get3A_1383 = arith.constant 112 : index
        %get3A_1384 = tpu.vector_load %arg10[%get3A_1381, %get3A_1382, %get3A_1383] {strides = array<i32>} : memref<16x8x128xf32, #tpu.memory_space<vmem>>, vector<1x1x16xf32>,
        %get3A_1385 = vector.shape_cast %get3A_1384 : vector<1x1x16xf32> to vector<16xf32>
        %get3A_1386 = arith.constant 1 : i32
        %get3A_1387 = arith.index_cast %scan3A_855 : i32 to index
        %get3A_1388 = arith.index_cast %get3A_1386 : i32 to index
        %get3A_1389 = arith.constant 112 : index
        %get3A_1390 = tpu.vector_load %arg10[%get3A_1387, %get3A_1388, %get3A_1389] {strides = array<i32>} : memref<16x8x128xf32, #tpu.memory_space<vmem>>, vector<1x1x16xf32>,
        %get3A_1391 = vector.shape_cast %get3A_1390 : vector<1x1x16xf32> to vector<16xf32>
        %get3A_1392 = arith.constant 2 : i32
        %get3A_1393 = arith.index_cast %scan3A_855 : i32 to index
        %get3A_1394 = arith.index_cast %get3A_1392 : i32 to index
        %get3A_1395 = arith.constant 112 : index
        %get3A_1396 = tpu.vector_load %arg10[%get3A_1393, %get3A_1394, %get3A_1395] {strides = array<i32>} : memref<16x8x128xf32, #tpu.memory_space<vmem>>, vector<1x1x16xf32>,
        %get3A_1397 = vector.shape_cast %get3A_1396 : vector<1x1x16xf32> to vector<16xf32>
        %get3A_1398 = arith.constant 3 : i32
        %get3A_1399 = arith.index_cast %scan3A_855 : i32 to index
        %get3A_1400 = arith.index_cast %get3A_1398 : i32 to index
        %get3A_1401 = arith.constant 112 : index
        %get3A_1402 = tpu.vector_load %arg10[%get3A_1399, %get3A_1400, %get3A_1401] {strides = array<i32>} : memref<16x8x128xf32, #tpu.memory_space<vmem>>, vector<1x1x16xf32>,
        %get3A_1403 = vector.shape_cast %get3A_1402 : vector<1x1x16xf32> to vector<16xf32>
        %get3A_1404 = arith.constant 4 : i32
        %get3A_1405 = arith.index_cast %scan3A_855 : i32 to index
        %get3A_1406 = arith.index_cast %get3A_1404 : i32 to index
        %get3A_1407 = arith.constant 112 : index
        %get3A_1408 = tpu.vector_load %arg10[%get3A_1405, %get3A_1406, %get3A_1407] {strides = array<i32>} : memref<16x8x128xf32, #tpu.memory_space<vmem>>, vector<1x1x16xf32>,
        %get3A_1409 = vector.shape_cast %get3A_1408 : vector<1x1x16xf32> to vector<16xf32>
        %get3A_1410 = arith.constant 5 : i32
        %get3A_1411 = arith.index_cast %scan3A_855 : i32 to index
        %get3A_1412 = arith.index_cast %get3A_1410 : i32 to index
        %get3A_1413 = arith.constant 112 : index
        %get3A_1414 = tpu.vector_load %arg10[%get3A_1411, %get3A_1412, %get3A_1413] {strides = array<i32>} : memref<16x8x128xf32, #tpu.memory_space<vmem>>, vector<1x1x16xf32>,
        %get3A_1415 = vector.shape_cast %get3A_1414 : vector<1x1x16xf32> to vector<16xf32>
        %get3A_1416 = arith.constant 6 : i32
        %get3A_1417 = arith.index_cast %scan3A_855 : i32 to index
        %get3A_1418 = arith.index_cast %get3A_1416 : i32 to index
        %get3A_1419 = arith.constant 112 : index
        %get3A_1420 = tpu.vector_load %arg10[%get3A_1417, %get3A_1418, %get3A_1419] {strides = array<i32>} : memref<16x8x128xf32, #tpu.memory_space<vmem>>, vector<1x1x16xf32>,
        %get3A_1421 = vector.shape_cast %get3A_1420 : vector<1x1x16xf32> to vector<16xf32>
        %get3A_1422 = arith.constant 7 : i32
        %get3A_1423 = arith.index_cast %scan3A_855 : i32 to index
        %get3A_1424 = arith.index_cast %get3A_1422 : i32 to index
        %get3A_1425 = arith.constant 112 : index
        %get3A_1426 = tpu.vector_load %arg10[%get3A_1423, %get3A_1424, %get3A_1425] {strides = array<i32>} : memref<16x8x128xf32, #tpu.memory_space<vmem>>, vector<1x1x16xf32>,
        %get3A_1427 = vector.shape_cast %get3A_1426 : vector<1x1x16xf32> to vector<16xf32>
        %mul3A_1428 = vector.broadcast %squeeze3A_861 : f32 to vector<16xf32>
        %mul3A_1429 = arith.mulf %get3A_1309, %mul3A_1428 : vector<16xf32>
        %mul3A_1430 = vector.broadcast %squeeze3A_863 : f32 to vector<16xf32>
        %mul3A_1431 = arith.mulf %get3A_1315, %mul3A_1430 : vector<16xf32>
        %mul3A_1432 = vector.broadcast %squeeze3A_865 : f32 to vector<16xf32>
        %mul3A_1433 = arith.mulf %get3A_1321, %mul3A_1432 : vector<16xf32>
        %mul3A_1434 = vector.broadcast %squeeze3A_867 : f32 to vector<16xf32>
        %mul3A_1435 = arith.mulf %get3A_1327, %mul3A_1434 : vector<16xf32>
        %mul3A_1436 = vector.broadcast %squeeze3A_869 : f32 to vector<16xf32>
        %mul3A_1437 = arith.mulf %get3A_1333, %mul3A_1436 : vector<16xf32>
        %mul3A_1438 = vector.broadcast %squeeze3A_871 : f32 to vector<16xf32>
        %mul3A_1439 = arith.mulf %get3A_1339, %mul3A_1438 : vector<16xf32>
        %mul3A_1440 = vector.broadcast %squeeze3A_873 : f32 to vector<16xf32>
        %mul3A_1441 = arith.mulf %get3A_1345, %mul3A_1440 : vector<16xf32>
        %mul3A_1442 = vector.broadcast %squeeze3A_875 : f32 to vector<16xf32>
        %mul3A_1443 = arith.mulf %get3A_1351, %mul3A_1442 : vector<16xf32>
        %add3A_1444 = arith.addf %mul3A_1429, %mul3A_1431 : vector<16xf32>
        %add3A_1445 = arith.addf %mul3A_1433, %mul3A_1435 : vector<16xf32>
        %add3A_1446 = arith.addf %mul3A_1437, %mul3A_1439 : vector<16xf32>
        %add3A_1447 = arith.addf %mul3A_1441, %mul3A_1443 : vector<16xf32>
        %add3A_1448 = arith.addf %add3A_1444, %add3A_1445 : vector<16xf32>
        %add3A_1449 = arith.addf %add3A_1446, %add3A_1447 : vector<16xf32>
        %add3A_1450 = arith.addf %add3A_1448, %add3A_1449 : vector<16xf32>
        %swap3A_1451 = arith.index_cast %scan3A_855 : i32 to index
        %swap3A_1452 = arith.constant 96 : index
        %swap3A_1453 = tpu.vector_load %arg16[%swap3A_1451, %swap3A_1452] {strides = array<i32>} : memref<16x128xf32, #tpu.memory_space<vmem>>, vector<1x16xf32>,
        %swap3A_1454 = vector.shape_cast %swap3A_1453 : vector<1x16xf32> to vector<16xf32>
        %swap3A_1455 = vector.shape_cast %add3A_1450 : vector<16xf32> to vector<1x16xf32>
        tpu.vector_store %arg16[%swap3A_1451, %swap3A_1452], %swap3A_1455 {strides = array<i32>} : memref<16x128xf32, #tpu.memory_space<vmem>>, vector<1x16xf32>,
        %mul3A_1456 = vector.broadcast %squeeze3A_861 : f32 to vector<16xf32>
        %mul3A_1457 = arith.mulf %get3A_1385, %mul3A_1456 : vector<16xf32>
        %mul3A_1458 = vector.broadcast %squeeze3A_863 : f32 to vector<16xf32>
        %mul3A_1459 = arith.mulf %get3A_1391, %mul3A_1458 : vector<16xf32>
        %mul3A_1460 = vector.broadcast %squeeze3A_865 : f32 to vector<16xf32>
        %mul3A_1461 = arith.mulf %get3A_1397, %mul3A_1460 : vector<16xf32>
        %mul3A_1462 = vector.broadcast %squeeze3A_867 : f32 to vector<16xf32>
        %mul3A_1463 = arith.mulf %get3A_1403, %mul3A_1462 : vector<16xf32>
        %mul3A_1464 = vector.broadcast %squeeze3A_869 : f32 to vector<16xf32>
        %mul3A_1465 = arith.mulf %get3A_1409, %mul3A_1464 : vector<16xf32>
        %mul3A_1466 = vector.broadcast %squeeze3A_871 : f32 to vector<16xf32>
        %mul3A_1467 = arith.mulf %get3A_1415, %mul3A_1466 : vector<16xf32>
        %mul3A_1468 = vector.broadcast %squeeze3A_873 : f32 to vector<16xf32>
        %mul3A_1469 = arith.mulf %get3A_1421, %mul3A_1468 : vector<16xf32>
        %mul3A_1470 = vector.broadcast %squeeze3A_875 : f32 to vector<16xf32>
        %mul3A_1471 = arith.mulf %get3A_1427, %mul3A_1470 : vector<16xf32>
        %add3A_1472 = arith.addf %mul3A_1457, %mul3A_1459 : vector<16xf32>
        %add3A_1473 = arith.addf %mul3A_1461, %mul3A_1463 : vector<16xf32>
        %add3A_1474 = arith.addf %mul3A_1465, %mul3A_1467 : vector<16xf32>
        %add3A_1475 = arith.addf %mul3A_1469, %mul3A_1471 : vector<16xf32>
        %add3A_1476 = arith.addf %add3A_1472, %add3A_1473 : vector<16xf32>
        %add3A_1477 = arith.addf %add3A_1474, %add3A_1475 : vector<16xf32>
        %add3A_1478 = arith.addf %add3A_1476, %add3A_1477 : vector<16xf32>
        %swap3A_1479 = arith.index_cast %scan3A_855 : i32 to index
        %swap3A_1480 = arith.constant 112 : index
        %swap3A_1481 = tpu.vector_load %arg16[%swap3A_1479, %swap3A_1480] {strides = array<i32>} : memref<16x128xf32, #tpu.memory_space<vmem>>, vector<1x16xf32>,
        %swap3A_1482 = vector.shape_cast %swap3A_1481 : vector<1x16xf32> to vector<16xf32>
        %swap3A_1483 = vector.shape_cast %add3A_1478 : vector<16xf32> to vector<1x16xf32>
        tpu.vector_store %arg16[%swap3A_1479, %swap3A_1480], %swap3A_1483 {strides = array<i32>} : memref<16x128xf32, #tpu.memory_space<vmem>>, vector<1x16xf32>,
      }
      %scan3A_214 = arith.constant 16 : i32
      %mul3A_215 = arith.constant 16 : i32
      %mul3A_216 = arith.muli %add3A_189, %mul3A_215 : i32
      %add3A_217 = arith.addi %mul3A_2, %mul3A_216 : i32
      %dma_start3A_218 = arith.constant 0 : i32
      %dma_start3A_219 = tpu.memref_slice %arg5[%add3A_217, %dma_start3A_218] : memref<16384x128xf32, #tpu.memory_space<hbm>> -> memref<16x128xf32, #tpu.memory_space<hbm>>
      %dma_start3A_220 = arith.constant 0 : i32
      %dma_start3A_221 = tpu.memref_slice %arg5[%add3A_217, %dma_start3A_220] : memref<16384x128xf32, #tpu.memory_space<hbm>> -> memref<16x128xf32, #tpu.memory_space<hbm>>
      tpu.enqueue_dma source(%arg16 : memref<16x128xf32, #tpu.memory_space<vmem>>) target(%dma_start3A_221 : memref<16x128xf32, #tpu.memory_space<hbm>>) target_semaphore(%arg26 : memref<!tpu.dma_semaphore, #tpu.memory_space<semaphore_mem>>)
      %add3A_222 = arith.constant 4 : i32
      %add3A_223 = arith.addi %add3A_189, %add3A_222 : i32
      %lt3A_224 = arith.constant 32 : i32
      %lt3A_225 = arith.cmpi slt, %add3A_223, %lt3A_224 : i32
      %convert_element_type3A_226 = arith.extui %lt3A_225 : i1 to i32
      %cond3A_227 = arith.constant 0 : i32
      %cond3A_228 = arith.cmpi ne, %convert_element_type3A_226, %cond3A_227 : i32
      scf.if %cond3A_228 {
        %add3A_229 = arith.constant 4 : i32
        %add3A_230 = arith.addi %add3A_189, %add3A_229 : i32
        %mul3A_231 = arith.constant 16 : i32
        %mul3A_232 = arith.muli %add3A_230, %mul3A_231 : i32
        %dma_start3A_233 = tpu.memref_slice %arg6[%mul3A_232] : memref<512xi32, #tpu.memory_space<vmem>> -> memref<16xi32, #tpu.memory_space<vmem>>
        %dma_start3A_234 = arith.constant 0 : i32
        %dma_start3A_235 = arith.constant 0 : i32
        %dma_start3A_236 = arith.constant 0 : i32
        %dma_start3A_237 = tpu.memref_slice %arg4[%dma_start3A_234, %dma_start3A_235, %dma_start3A_236] : memref<100000x8x128xf32, #tpu.memory_space<hbm>> -> memref<100000x8x128xf32, #tpu.memory_space<hbm>>
        tpu.enqueue_indirect_dma source(%dma_start3A_237 : memref<100000x8x128xf32, #tpu.memory_space<hbm>>) target(%arg10 : memref<16x8x128xf32, #tpu.memory_space<vmem>>) offsets(%dma_start3A_233 : memref<16xi32, #tpu.memory_space<vmem>>) semaphore(%arg20 : memref<!tpu.dma_semaphore, #tpu.memory_space<semaphore_mem>>)
        %mul3A_238 = arith.constant 16 : i32
        %mul3A_239 = arith.muli %add3A_230, %mul3A_238 : i32
        %add3A_240 = arith.addi %mul3A_2, %mul3A_239 : i32
        %dma_start3A_241 = arith.constant 0 : i32
        %dma_start3A_242 = tpu.memref_slice %arg3[%add3A_240, %dma_start3A_241] : memref<16384x16xf32, #tpu.memory_space<hbm>> -> memref<16x16xf32, #tpu.memory_space<hbm>>
        %dma_start3A_243 = arith.constant 0 : i32
        %dma_start3A_244 = tpu.memref_slice %arg3[%add3A_240, %dma_start3A_243] : memref<16384x16xf32, #tpu.memory_space<hbm>> -> memref<16x16xf32, #tpu.memory_space<hbm>>
        tpu.enqueue_dma source(%dma_start3A_244 : memref<16x16xf32, #tpu.memory_space<hbm>>) target(%arg14 : memref<16x16xf32, #tpu.memory_space<vmem>>) target_semaphore(%arg24 : memref<!tpu.dma_semaphore, #tpu.memory_space<semaphore_mem>>)
      } else {
      }
    }
    %scan3A_54 = arith.constant 8 : i32
    %add3A_55 = arith.constant 0 : i32
    %add3A_56 = arith.addi %mul3A_2, %add3A_55 : i32
    %dma_wait3A = arith.constant 0 : i32
    %dma_wait3A_57 = tpu.memref_slice %arg5[%add3A_56, %dma_wait3A] : memref<16384x128xf32, #tpu.memory_space<hbm>> -> memref<16x128xf32, #tpu.memory_space<hbm>>
    %dma_wait3A_58 = arith.constant 0 : i32
    %dma_wait3A_59 = tpu.memref_slice %arg5[%add3A_56, %dma_wait3A_58] : memref<16384x128xf32, #tpu.memory_space<hbm>> -> memref<16x128xf32, #tpu.memory_space<hbm>>
    tpu.wait_dma2 semaphore(%arg25 : memref<!tpu.dma_semaphore, #tpu.memory_space<semaphore_mem>>) src(%arg15 : memref<16x128xf32, #tpu.memory_space<vmem>>) dst(%dma_wait3A_59 : memref<16x128xf32, #tpu.memory_space<hbm>>)
    %add3A_60 = arith.constant 16 : i32
    %add3A_61 = arith.addi %mul3A_2, %add3A_60 : i32
    %dma_wait3A_62 = arith.constant 0 : i32
    %dma_wait3A_63 = tpu.memref_slice %arg5[%add3A_61, %dma_wait3A_62] : memref<16384x128xf32, #tpu.memory_space<hbm>> -> memref<16x128xf32, #tpu.memory_space<hbm>>
    %dma_wait3A_64 = arith.constant 0 : i32
    %dma_wait3A_65 = tpu.memref_slice %arg5[%add3A_61, %dma_wait3A_64] : memref<16384x128xf32, #tpu.memory_space<hbm>> -> memref<16x128xf32, #tpu.memory_space<hbm>>
    tpu.wait_dma2 semaphore(%arg26 : memref<!tpu.dma_semaphore, #tpu.memory_space<semaphore_mem>>) src(%arg16 : memref<16x128xf32, #tpu.memory_space<vmem>>) dst(%dma_wait3A_65 : memref<16x128xf32, #tpu.memory_space<hbm>>)
    return
  }
}

module attributes {stable_mosaic.version = 14 : i64} {
  func.func @_gates_body(%arg0: i32, %arg1: memref<4096x512xf32, #tpu.memory_space<vmem>>, %arg2: memref<512x8xf32, #tpu.memory_space<vmem>>, %arg3: memref<1x8xf32, #tpu.memory_space<vmem>>, %arg4: memref<4096x16xf32, #tpu.memory_space<vmem>>) attributes {dimension_semantics = [#tpu.dimension_semantics<arbitrary>], iteration_bounds = array<i64: 4>, scalar_prefetch = 0 : i64, scratch_operands = 0 : i64, tpu.core_type = #tpu.core_type<tc>, window_params = [{transform_indices = @transform_0, window_bounds = array<i64: 4096, 512>}, {pipeline_mode = #tpu.pipeline_mode<synchronous>, transform_indices = @transform_1, window_bounds = array<i64: 512, 8>}, {pipeline_mode = #tpu.pipeline_mode<synchronous>, transform_indices = @transform_2, window_bounds = array<i64: 1, 8>}, {transform_indices = @transform_3, window_bounds = array<i64: 4096, 16>}]} {
    %get3A = arith.constant 0 : index
    %get3A_0 = arith.constant 0 : index
    %get3A_1 = vector.load %arg1[%get3A, %get3A_0] : memref<4096x512xf32, #tpu.memory_space<vmem>>, vector<4096x512xf32>
    %get3A_2 = arith.constant 0 : index
    %get3A_3 = arith.constant 0 : index
    %get3A_4 = vector.load %arg2[%get3A_2, %get3A_3] : memref<512x8xf32, #tpu.memory_space<vmem>>, vector<512x8xf32>
    %dot_general3A = arith.constant dense<0.000000e+00> : vector<4096x8xf32>
    %dot_general3A_5 = tpu.matmul %get3A_1, %get3A_4, %dot_general3A {dimension_numbers = #tpu.dot_dimension_numbers<[1], [0], [0], [1], [0, 0, 1, 1], [], []>, transpose_lhs_hint = false} : vector<4096x512xf32>, vector<512x8xf32>, vector<4096x8xf32> -> vector<4096x8xf32>
    %get3A_6 = arith.constant 0 : index
    %get3A_7 = arith.constant 0 : index
    %get3A_8 = vector.load %arg3[%get3A_6, %get3A_7] : memref<1x8xf32, #tpu.memory_space<vmem>>, vector<1x8xf32>
    %add3A = vector.broadcast %get3A_8 : vector<1x8xf32> to vector<4096x8xf32>
    %add3A_9 = arith.addf %dot_general3A_5, %add3A : vector<4096x8xf32>
    %reduce_max3A = arith.constant dense<0xFF800000> : vector<4096xf32>
    %reduce_max3A_10 = vector.multi_reduction <maximumf>, %add3A_9, %reduce_max3A [1] : vector<4096x8xf32> to vector<4096xf32>
    %broadcast_in_dim3A = vector.shape_cast %reduce_max3A_10 : vector<4096xf32> to vector<4096x1xf32>
    %sub3A = vector.broadcast %broadcast_in_dim3A : vector<4096x1xf32> to vector<4096x8xf32>
    %sub3A_11 = arith.subf %add3A_9, %sub3A : vector<4096x8xf32>
    %exp3A = math.exp %sub3A_11 : vector<4096x8xf32>
    %reduce_sum3A = arith.constant dense<0.000000e+00> : vector<4096xf32>
    %reduce_sum3A_12 = vector.multi_reduction <add>, %exp3A, %reduce_sum3A [1] : vector<4096x8xf32> to vector<4096xf32>
    %broadcast_in_dim3A_13 = vector.shape_cast %reduce_sum3A_12 : vector<4096xf32> to vector<4096x1xf32>
    %div3A = vector.broadcast %broadcast_in_dim3A_13 : vector<4096x1xf32> to vector<4096x8xf32>
    %div3A_14 = arith.divf %exp3A, %div3A : vector<4096x8xf32>
    %broadcast_in_dim3A_15 = arith.constant 0.000000e+00 : f32
    %broadcast_in_dim3A_16 = vector.broadcast %broadcast_in_dim3A_15 : f32 to vector<4096x8xf32>
    %concatenate3A = tpu.concatenate %div3A_14, %broadcast_in_dim3A_16 in 1 : vector<4096x8xf32>, vector<4096x8xf32> -> vector<4096x16xf32>
    %swap3A = arith.constant 0 : index
    %swap3A_17 = arith.constant 0 : index
    %swap3A_18 = vector.load %arg4[%swap3A, %swap3A_17] : memref<4096x16xf32, #tpu.memory_space<vmem>>, vector<4096x16xf32>
    tpu.vector_store %arg4[%swap3A, %swap3A_17], %concatenate3A {strides = array<i32>} : memref<4096x16xf32, #tpu.memory_space<vmem>>, vector<4096x16xf32>,
    return
  }
  func.func @transform_0(%arg0: i32) -> (i32, i32) {
    %c0_i32 = arith.constant 0 : i32
    %c0_i32_0 = arith.constant 0 : i32
    return %arg0, %c0_i32 : i32, i32
  }
  func.func @transform_1(%arg0: i32) -> (i32, i32) {
    %c0_i32 = arith.constant 0 : i32
    %c0_i32_0 = arith.constant 0 : i32
    %c0_i32_1 = arith.constant 0 : i32
    return %c0_i32, %c0_i32_0 : i32, i32
  }
  func.func @transform_2(%arg0: i32) -> (i32, i32) {
    %c0_i32 = arith.constant 0 : i32
    %c0_i32_0 = arith.constant 0 : i32
    %c0_i32_1 = arith.constant 0 : i32
    return %c0_i32, %c0_i32_0 : i32, i32
  }
  func.func @transform_3(%arg0: i32) -> (i32, i32) {
    %c0_i32 = arith.constant 0 : i32
    %c0_i32_0 = arith.constant 0 : i32
    return %arg0, %c0_i32 : i32, i32
  }
}

</mosaic_0001>

<sc_bundles>
// kernel: kernel.4.cloned.1.call-start
scs
__scs_entry_jumppad:
0x0: {  	(pc) =	sbr.rel $0x88, $3  }
0x1: {  	(tag) =	ssettag $0x0;
	lr =	simm.s32 $0x1  }
0x2: {  	[smem:$0x3F9C] =	sst lr;
	_ =	strace $0xD0000000  }
0x3: {  	_ = 	snop  }
0x4: {  	_ = 	snop  }
0x5: {  	_ = 	snop  }
0x6: {  	_ = 	snop  }
0x7: {  	_ = 	snop  }
__scs_overlays_trampoline_lowered:
0x8: {  	[smem:$0x3FAB] =	sst s0  }
0x9: {  	[smem:$0x3FAC] =	sst s1  }
0xa: {  	[smem:$0x3FAD] =	sst s2  }
0xb: {  	[smem:$0x3FAE] =	sst s3  }
0xc: {  	[smem:$0x3FAF] =	sst s4  }
0xd: {  	[smem:$0x3FB0] =	sst s5  }
0xe: {  	[smem:$0x3FB1] =	sst s6  }
0xf: {  	[smem:$0x3FB2] =	sst s7  }
0x10: {  	[smem:$0x3FB3] =	sst s8  }
0x11: {  	[smem:$0x3FB4] =	sst s9;
	s0 =	simm.s32 @!p0 $0x0  }
0x12: {  	s1 =	sld [smem:$0x3F9A];
	s0 =	simm.s32 @p0 $0x1  }
0x13: {  	[smem:$0x3FB5] =	sst s0;
	s0 =	simm.s32 @!p1 $0x0  }
0x14: {  	s2 =	sld [smem:$0x3F99];
	s0 =	simm.s32 @p1 $0x1  }
0x15: {  	[smem:$0x3FB6] =	sst s0;
	s0 =	simm.s32 @!p2 $0x0  }
0x16: {  	s3 =	sld [smem:$0x3FDB];
	s0 =	simm.s32 @p2 $0x1  }
0x17: {  	s4 =	simm.s32 $0x1BF5;
	[smem:$0x3FB8] =	sst s0  }
0x18: {  	s0 =	sld [smem:$0x3F9B];
	_ =	swait.ge [sflag:s4], $0x0  }
0x19: {  	s7 =	sld [smem:$0x3F9C]  }
0x1a: {  	s8 =	sadd.s32 $0xFFFFE003, lr  }
0x1b: {  	s9 =	sadd.s32 $0xFFFFFEF7, lr;
	s5 =	simm.s32 $0xFFFFFFFF;
	p2 =	slt.u32 s8, $0xFFFFF086  }
0x1c: {  	p1 =	slt.u32 s9, $0xF7A;
	s5 =	simm.s32 @!p2 $0x0  }
0x1d: {  	s5 =	simm.s32 @p1 $0x1;
	p0 =	seq.s32 s7, s2  }
0x1e: {  	s7 =	smul.u32 @!p0 $0xF7A, s2;
	p2 =	seq.s32 @!p0 s5, $0x0  }
0x1f: {  	s9 =	smul.u32 $0xF7A, s1;
	s8 =	simm.s32 @!p0 $0x1BF5;
	p2 =	por !p2, p0  }
0x20: {  	[sflag:s8] =	ssyncset.s32 @!p0 $0xFFFFF086;
	s6 =	sadd.s32 @!p0 s3, s7;
	s7 =	simm.s32 @!p0 $0x108  }
0x21: {  	s3 =	sadd.s32 s3, s9;
	s6 =	sadd.s32 @!p0 $0x88, s6;
	s7 =	simm.s32 @p2 $0x1082  }
0x22: {  	[simem:s7], [sflag:s8] =	dma.local @!p0 [hbm:s6], $0xF7A  }
0x23: {  	s9 =	sor.u32 $0xD0000000, s2;
	s6 =	simm.s32 $0x108;
	_ =	swait.ge @!p0 [sflag:s8], $0x0  }
0x24: {  	s3 =	sadd.s32 $0x88, s3;
	s6 =	simm.s32 @!p1 $0x1082;
	[sflag:s4] =	ssyncset.s32 $0xFFFFF086  }
0x25: {  	[simem:s6], [sflag:s4] =	dma.local [hbm:s3], $0xF7A  }
0x26: {  	[smem:$0x3F9C] =	sst s1;
	(tag) =	ssettag s2;
	_ =	strace s9  }
0x27: {  	s1 =	sld [smem:$0x3FAC]  }
0x28: {  	s2 =	sld [smem:$0x3FAD]  }
0x29: {  	s4 =	sld [smem:$0x3FAF]  }
0x2a: {  	p0 =	seq.s32 s5, $0x0;
	s5 =	sld [smem:$0x3FB0]  }
0x2b: {  	s6 =	sld [smem:$0x3FB1]  }
0x2c: {  	s7 =	sld [smem:$0x3FB2]  }
0x2d: {  	s3 =	simm.s32 $0x108;
	s8 =	sld [smem:$0x3FB3]  }
0x2e: {  	s3 =	simm.s32 @!p0 $0x1082;
	s9 =	sld [smem:$0x3FB4]  }
0x2f: {  	lr =	sadd.s32 s0, s3;
	s0 =	sld [smem:$0x3FAB]  }
0x30: {  	s3 =	sld [smem:$0x3FAE]  }
0x31: {  	[smem:$0x3FB7] =	sst s10  }
0x32: {  	s10 =	sld [smem:$0x3FB5];
	_ =	sdelay $0x3  }
0x33: {  	p0 =	seq.s32 s10, $0x1;
	s10 =	sld [smem:$0x3FB7];
	_ =	sdelay $0x3  }
0x34: {  	[smem:$0x3FB7] =	sst s10  }
0x35: {  	s10 =	sld [smem:$0x3FB6];
	_ =	sdelay $0x3  }
0x36: {  	p1 =	seq.s32 s10, $0x1;
	s10 =	sld [smem:$0x3FB7];
	_ =	sdelay $0x3  }
0x37: {  	[smem:$0x3FB7] =	sst s10  }
0x38: {  	s10 =	sld [smem:$0x3FB8]  }
0x39: {  	_ = 	snop;
	(pc) =	sbr.ind lr, $3  }
0x3a: {  	_ = 	snop  }
0x3b: {  	_ = 	snop  }
0x3c: {  	p2 =	seq.s32 s10, $0x1;
	s10 =	sld [smem:$0x3FB7]  }
0x3d: {  	_ =	shalt  }
0x3e: {  	_ =	shalt  }
0x3f: {  	_ =	shalt  }
0x40: {  	_ =	shalt  }
0x41: {  	_ =	shalt  }
0x42: {  	_ =	shalt  }
0x43: {  	_ =	shalt  }
0x44: {  	_ =	shalt  }
0x45: {  	_ =	shalt  }
0x46: {  	_ =	shalt  }
0x47: {  	_ =	shalt  }
0x48: {  	_ =	shalt  }
0x49: {  	_ =	shalt  }
0x4a: {  	_ =	shalt  }
0x4b: {  	_ =	shalt  }
0x4c: {  	_ =	shalt  }
0x4d: {  	_ =	shalt  }
0x4e: {  	_ =	shalt  }
0x4f: {  	_ =	shalt  }
0x50: {  	_ =	shalt  }
0x51: {  	_ =	shalt  }
0x52: {  	_ =	shalt  }
0x53: {  	_ =	shalt  }
0x54: {  	_ =	shalt  }
0x55: {  	_ =	shalt  }
0x56: {  	_ =	shalt  }
0x57: {  	_ =	shalt  }
0x58: {  	_ =	shalt  }
0x59: {  	_ =	shalt  }
0x5a: {  	_ =	shalt  }
0x5b: {  	_ =	shalt  }
0x5c: {  	_ =	shalt  }
0x5d: {  	_ =	shalt  }
0x5e: {  	_ =	shalt  }
0x5f: {  	_ =	shalt  }
0x60: {  	_ =	shalt  }
0x61: {  	_ =	shalt  }
0x62: {  	_ =	shalt  }
0x63: {  	_ =	shalt  }
0x64: {  	_ =	shalt  }
0x65: {  	_ =	shalt  }
0x66: {  	_ =	shalt  }
0x67: {  	_ =	shalt  }
0x68: {  	_ =	shalt  }
0x69: {  	_ =	shalt  }
0x6a: {  	_ =	shalt  }
0x6b: {  	_ =	shalt  }
0x6c: {  	_ =	shalt  }
0x6d: {  	_ =	shalt  }
0x6e: {  	_ =	shalt  }
0x6f: {  	_ =	shalt  }
0x70: {  	_ =	shalt  }
0x71: {  	_ =	shalt  }
0x72: {  	_ =	shalt  }
0x73: {  	_ =	shalt  }
0x74: {  	_ =	shalt  }
0x75: {  	_ =	shalt  }
0x76: {  	_ =	shalt  }
0x77: {  	_ =	shalt  }
0x78: {  	_ =	shalt  }
0x79: {  	_ =	shalt  }
0x7a: {  	_ =	shalt  }
0x7b: {  	_ =	shalt  }
0x7c: {  	_ =	shalt  }
0x7d: {  	_ =	shalt  }
0x7e: {  	_ =	shalt  }
0x7f: {  	_ =	shalt  }
0x80: {  	_ =	shalt  }
0x81: {  	_ =	shalt  }
0x82: {  	_ =	shalt  }
0x83: {  	_ =	shalt  }
0x84: {  	_ =	shalt  }
0x85: {  	_ =	shalt  }
0x86: {  	_ =	shalt  }
0x87: {  	_ =	shalt  }
.Lfunc_end0:
.L_simem_size_0:
called_computation_lowered:
.L_overlay_start_0:
0x88: {  	s2 =	sld [smem:$0x3FD9]  }
0x89: {  	s3 =	sld [smem:$0x3FFE];
	_ =	sdelay $0x1  }
0x8a: {  	s1 =	srdreg.scid  }
0x8b: {  	s0 =	sand.u32 $0x1, s1  }
0x8c: {  	s17 =	sshll.u32 s0, $0xA;
	s2 =	sadd.s32 s3, s2  }
0x8d: {  	s2 =	sadd.s32 s2, s17  }
0x8e: {  	[smem:$0x3FC3] =	sst s2  }
0x8f: {  	_ = 	snop  }
0x90: {  	s2 =	sld [smem:$0x3FC9]  }
0x91: {  	s18 =	sld [smem:$0x3FC7]  }
0x92: {  	s4 =	sld [smem:$0x3FD0];
	(tm) =	ssettm $0x1  }
0x93: {  	s5 =	sld [smem:$0x3FFB];
	_ =	sdelay $0x3  }
0x94: {  	_ =	strace s5  }
0x95: {  	s5 =	sld [smem:$0x3FFC];
	_ =	sdelay $0x3  }
0x96: {  	_ =	strace s5  }
0x97: {  	s5 =	sld [smem:$0x3FFD];
	_ =	sdelay $0x3  }
0x98: {  	_ =	strace s5  }
0x99: {  	_ =	strace $0x8FFFFFFF  }
0x9a: {  	s19 =	sld [smem:$0x3FDB];
	_ =	sdelay $0x1  }
0x9b: {  	s6 =	simm.s32 $_scs_section_size  }
0x9c: {  	s7 =	simm.s32 $_size__tile_overlayer_lowered;
	s8 =	simm.s32 $_tile_overlayer_lowered  }
0x9d: {  	s22 =	simm.s32 $0x1BFF;
	s21 =	sshll.u32 s8, $0x1;
	s5 =	sadd.s32 s6, s19  }
0x9e: {  	s9 =	simm.s32 $0x0;
	s20 =	sshll.u32 s7, $0x1;
	s7 =	sadd.s32 s21, s5  }
0x9f: {  	[timem:s9], [sflag:s22] =	dma.local [hbm:s7], s20  }
0xa0: {  	_ =	swait.ge [sflag:s22], s20  }
0xa1: {  	s6 =	ssub.s32 $0x0, s20;
	[sflag:s22] =	ssyncset.done $0x0  }
0xa2: {  	[sflag:s22] =	ssyncadd.s32 s6;
	_ =	sdelay $0x1  }
0xa3: {  	s23 =	simm.s32 $0x1B8B  }
0xa4: {  	_ =	swait.ge [sflag:s23], $0x1  }
0xa5: {  	[sflag:s23] =	ssyncset.done $0x0  }
0xa6: {  	s25 =	simm.s32 $0x1B8E;
	s24 =	sld [smem:$0x3FFE];
	[sflag:s23] =	ssyncadd.s32 $0xFFFFFFFF  }
0xa7: {  	s26 =	simm.s32 $execute0_lowered;
	[smem:$0x3FD2] =	sst s25  }
0xa8: {  	s7 =	sshll.u32 s26, $0x1;
	_ =	strace $0x80000046;
	[dreg:$0x1] =	wrdreg $0xFFFFFFFF  }
0xa9: {  	s28 =	simm.s32 $_size_execute0_lowered;
	s5 =	sadd.s32 s5, s7;
	[dreg:$0x0] =	wrdreg $0x0  }
0xaa: {  	s7 =	sshll.u32 s28, $0x1;
	[dreg:$0x2] =	wrdreg s5  }
0xab: {  	[dreg:$0x3] =	wrdreg s7  }
0xac: {  	[dreg:$0x4] =	wrdreg $0xC0  }
0xad: {  	_ =	task [dreg:s9], $0x5FFFF  }
0xae: {  	[dreg:$0x1] =	wrdreg $0xFFFFFFFF  }
0xaf: {  	[dreg:$0x0] =	wrdreg $0x60  }
0xb0: {  	[dreg:$0x2] =	wrdreg s2  }
0xb1: {  	[dreg:$0x3] =	wrdreg s24  }
0xb2: {  	[dreg:$0x4] =	wrdreg s18  }
0xb3: {  	[dreg:$0x5] =	wrdreg s4  }
0xb4: {  	[dreg:$0x6] =	wrdreg $0x9  }
0xb5: {  	_ =	task.clear_ibuf [dreg:s9], $0x7FFFF;
	_ =	strace $0x90000046  }
0xb6: {  	s29 =	simm.s32 $0x9;
	_ =	strace $0x80000048  }
0xb7: {  	_ =	swait.ge [sflag:s29], $0x1  }
0xb8: {  	[sflag:s29] =	ssyncadd.s32 $0xFFFFFFFF  }
0xb9: {  	_ =	strace $0x90000048  }
0xba: {  	_ =	sfence  }
0xbb: {  	s30 =	sld [smem:$0x0];
	_ =	sdelay $0x2  }
0xbc: {  	s31 =	sshll.u32 s1, $0xD;
	s1 =	sshrl.u32 s1, $0x2  }
0xbd: {  	s3 =	sand.u32 $0x4000, s31;
	s1 =	sadd.s32 s1, s30  }
0xbe: {  	s0 =	sor.u32 s3, s0;
	s1 =	sshll.u32 s1, $0x11  }
0xbf: {  	s0 =	sor.u32 s1, s0  }
0xc0: {  	s0 =	sadd.s32 $0x8F2B, s0  }
0xc1: {  	[sflag:s0] =	ssyncadd.remote.s32 $0x1  }
0xc2: {  	_ =	sfence.sel $0xFFFF  }
0xc3: {  	[dreg:$0x0] =	wrdreg $0xFFFFFFFF;
	(pc) =	sbr.abs _section_cstart, $3  }
0xc4: {  	[dreg:$0x1] =	wrdreg $0xFFFFFFFF  }
0xc5: {  	_ =	task.clear_ibuf [dreg:s9], $0x2FFFF;
	_ =	strace $0x9FFFFFFF  }
0xc6: {  	(tm) =	ssettm $0x7FFFFFFF  }
0xc7: {  	_ =	shalt  }
tec
execute0_lowered:
.L_overlay_start_1:
0x0: {  	(tag) =	ssettag $0x1  }
0x1: {  	s0 =	rddreg [dreg:$0x0]  }
0x2: {  	s3 =	rddreg [dreg:$0x1]  }
0x3: {  	s1 =	rddreg [dreg:$0x2]  }
0x4: {  	s2 =	rddreg [dreg:$0x3];
	s4 =	simm.s32 $0x0  }
0x5: {  	s5 =	srdreg.scid;
	s7 =	stileid.u32;
	s14 =	simm.s32 $0xB  }
0x6: {  	s15 =	simm.s32 $0x10;
	s28 =	simm.s32 $0x5;
	s29 =	simm.s32 $0x12200  }
0x7: {  	s30 =	simm.s32 $0x2;
	s31 =	simm.s32 $0x6;
	s16 =	simm.s32 $0x7  }
0x8: {  	s17 =	simm.s32 $0x9;
	s18 =	simm.s32 $0x4;
	s6 =	sand.u32 $0x1, s5  }
0x9: {  	s19 =	simm.s32 $0x8;
	s7 =	sshll.u32 s7, $0xA;
	s8 =	sshll.u32 s6, $0x9  }
0xa: {  	[smem:$0x7FF] =	sst s4;
	s21 =	ssub.s32 $0x2, s6;
	s6 =	sor.u32 s8, s7  }
0xb: {  	s5 =	sadd.s32 $0x800, s3;
	_ =	strace $0x80000047;
	s8 =	sshrl.u32 s6, $0x3  }
0xc: {  	s22 =	sshrl.u32 s21, $0x1;
	s9 =	sshll.u32 s6, $0x4;
	s0 =	sadd.s32 s0, s8  }
0xd: {  	s3 =	ssub.s32 s21, s22;
	s23 =	sadd.s32 s5, s9;
	[dreg:$0x5] =	wrdreg s0  }
0xe: {  	s20 =	simm.s32 $0xA;
	s26 =	smax.u32 s3, $0x1;
	[dreg:$0x6] =	wrdreg s23  }
.Ltmp0:
0xf: {  	s24 =	sadd.s32 $0x100, s23;
	[dreg:$0xa] =	wrdreg s26;
	(pc) =	sbr.rel .LBB2_1-.Ltmp0, $4  }
0x10: {  	s21 =	simm.s32 $0x0;
	s25 =	sadd.s32 $0x200, s23;
	[dreg:$0x7] =	wrdreg s24  }
0x11: {  	s12 =	sadd.s32 s2, s9;
	s0 =	sadd.s32 $0x300, s23;
	[dreg:$0x8] =	wrdreg s25  }
0x12: {  	s3 =	simm.s32 $0x3;
	s26 =	simm.s32 $0x1;
	[dreg:$0x9] =	wrdreg s0  }
0x13: {  	s24 =	simm.s32 $0xC200;
	s25 =	simm.s32 $0x11A00;
	s0 =	simm.s32 $0x12A00  }
.LBB2_12:
0x14: {  	_ =	swait.ge [sflag:s17], $0x800  }
0x15: {  	[sflag:s17] =	ssyncset.done $0x0  }
0x16: {  	[sflag:s17] =	ssyncadd.s32 $0xFFFFF800  }
0x17: {  	_ =	swait.ge [sflag:s20], $0x800  }
0x18: {  	s21 =	sadd.s32 $0x1, s21;
	s7 =	rddreg [dreg:$0xa]  }
0x19: {  	p0 =	sne.s32 s21, s7  }
.Ltmp1:
0x1a: {  	_ = 	snop;
	(pc) =	sbr.rel @!p0 .LBB2_13-.Ltmp1, $3  }
0x1b: {  	_ =	sdelay $0x1  }
0x1c: {  	[sflag:s20] =	ssyncset.done $0x0  }
0x1d: {  	[sflag:s20] =	ssyncadd.s32 $0xFFFFF800  }
.LBB2_1:
0x1e: {  	s7 =	rddreg [dreg:$0x5]  }
0x1f: {  	[tilespmem:s4], [sflag:$0xB] =	stream.linear.gather [hbm4b:s7+s4], $0x200, $0x38;
	[tilespmem:$0x13200] =	vst v63  }
0x20: {  	_ =	swait.ge [sflag:s14], $0x200  }
0x21: {  	[sflag:s14] =	ssyncset.done $0x0  }
0x22: {  	s10 =	simm.s32 $0x200;
	[sflag:s14] =	ssyncadd.s32 $0xFFFFFE00  }
0x23: {  	[tilespmem:s10], [sflag:$0x1] =	stream.indirect.gather [hbm4b:s1+s15], $0x400, s4, s15, $0xb8;
	[tilespmem:$0x13200] =	vst v63  }
0x24: {  	s8 =	simm.s32 $0x10200;
	s11 =	rddreg [dreg:$0x6]  }
0x25: {  	[tilespmem:s8], [sflag:$0x5] =	stream.linear.gather [hbm4b:s11+s4], $0x800, $0x38;
	[tilespmem:$0x13200] =	vst v63  }
0x26: {  	s13 =	simm.s32 $0x4200  }
0x27: {  	[tilespmem:s13], [sflag:$0x2] =	stream.indirect.gather [hbm4b:s1+s15], $0x400, s15, s15, $0xb8;
	[tilespmem:$0x13200] =	vst v63  }
0x28: {  	s23 =	simm.s32 $0x10A00;
	s22 =	rddreg [dreg:$0x7]  }
0x29: {  	[tilespmem:s23], [sflag:$0x6] =	stream.linear.gather [hbm4b:s22+s4], $0x800, $0x38;
	[tilespmem:$0x13200] =	vst v63  }
0x2a: {  	s9 =	simm.s32 $0x20;
	s10 =	simm.s32 $0x8200  }
0x2b: {  	[tilespmem:s10], [sflag:$0x3] =	stream.indirect.gather [hbm4b:s1+s15], $0x400, s9, s15, $0xb8;
	[tilespmem:$0x13200] =	vst v63  }
0x2c: {  	s11 =	rddreg [dreg:$0x8];
	s13 =	simm.s32 $0x11200  }
0x2d: {  	[tilespmem:s13], [sflag:$0x7] =	stream.linear.gather [hbm4b:s11+s4], $0x800, $0x38;
	[tilespmem:$0x13200] =	vst v63  }
0x2e: {  	s22 =	simm.s32 $0x30  }
0x2f: {  	[tilespmem:s24], [sflag:$0x4] =	stream.indirect.gather [hbm4b:s1+s15], $0x400, s22, s15, $0xb8;
	[tilespmem:$0x13200] =	vst v63  }
0x30: {  	s23 =	rddreg [dreg:$0x9];
	s22 =	simm.s32 $0x0  }
0x31: {  	[tilespmem:s25], [sflag:$0x8] =	stream.linear.gather [hbm4b:s23+s4], $0x800, $0x38;
	[tilespmem:$0x13200] =	vst v63  }
.LBB2_2:
0x32: {  	_ =	swait.ge [sflag:s26], $0x4000  }
0x33: {  	[sflag:s26] =	ssyncset.done $0x0  }
0x34: {  	[sflag:s26] =	ssyncadd.s32 $0xFFFFC000  }
0x35: {  	_ =	swait.ge [sflag:s28], $0x800  }
0x36: {  	p1 =	seq.s32 s22, $0x0;
	[sflag:s28] =	ssyncset.done $0x0  }
0x37: {  	s7 =	simm.s32 @!p1 $0x9;
	[sflag:s28] =	ssyncadd.s32 $0xFFFFF800  }
0x38: {  	s23 =	sshll.u32 s22, $0x6;
	_ =	swait.ge @!p1 [sflag:s7], $0x800  }
0x39: {  	s9 =	simm.s32 $0x12280;
	s10 =	simm.s32 $0x10280;
	[sflag:s7] =	ssyncset.done @!p1 $0x0  }
0x3a: {  	s11 =	simm.s32 $0x600;
	[sflag:s7] =	ssyncadd.s32 @!p1 $0xFFFFF800;
	s7 =	simm.s32 $0xFFFFFFFE  }
.LBB2_3:
0x3b: {  	v7 =	vld [tilespmem:s10+$0xFFFFFF80]  }
0x3c: {  	v4 =	vld [tilespmem:s11+$0xFFFFFC00]  }
0x3d: {  	v5 =	vld [tilespmem:s11+$0xFFFFFC80]  }
0x3e: {  	v6 =	vld [tilespmem:s11+$0xFFFFFD00]  }
0x3f: {  	v8 =	vld [tilespmem:s11+$0xFFFFFD80]  }
0x40: {  	v9 =	vld [tilespmem:s11+$0xFFFFFE00]  }
0x41: {  	v10 =	vld [tilespmem:s11+$0xFFFFFE80];
	v0 =	vbroadcast v7, $0x0;
	v1 =	vbroadcast v7, $0x1  }
0x42: {  	v11 =	vld [tilespmem:s11+$0xFFFFFF00];
	v2 =	vbroadcast v7, $0x2;
	v3 =	vbroadcast v7, $0x3  }
0x43: {  	v12 =	vld [tilespmem:s11+$0xFFFFFF80];
	v13 =	vmul.f32 v0, v4;
	v14 =	vmul.f32 v5, v1  }
0x44: {  	v16 =	vld [tilespmem:s11+$0xFFFFFC10];
	v15 =	vmul.f32 v6, v2;
	v8 =	vmul.f32 v8, v3  }
0x45: {  	v17 =	vld [tilespmem:s11+$0xFFFFFC90];
	v4 =	vbroadcast v7, $0x4;
	v5 =	vbroadcast v7, $0x5  }
0x46: {  	v18 =	vld [tilespmem:s11+$0xFFFFFD10];
	v6 =	vbroadcast v7, $0x6;
	v7 =	vbroadcast v7, $0x7  }
0x47: {  	v19 =	vld [tilespmem:s11+$0xFFFFFD90];
	v9 =	vmul.f32 v9, v4;
	v10 =	vmul.f32 v10, v5  }
0x48: {  	v20 =	vld [tilespmem:s11+$0xFFFFFE10];
	v11 =	vmul.f32 v11, v6;
	v12 =	vmul.f32 v12, v7  }
0x49: {  	v22 =	vld [tilespmem:s11+$0xFFFFFF10];
	v13 =	vadd.f32 v14, v13;
	v8 =	vadd.f32 v8, v15  }
0x4a: {  	v23 =	vld [tilespmem:s11+$0xFFFFFF90];
	v9 =	vadd.f32 v10, v9;
	v21 =	vadd.f32 v12, v11  }
0x4b: {  	v63 =	vld [tilespmem:s11+$0xFFFFFE90]  }
0x4c: {  	v8 =	vadd.f32 v8, v13;
	v9 =	vadd.f32 v21, v9  }
0x4d: {  	v24 =	vmul.f32 v16, v0;
	v25 =	vmul.f32 v17, v1  }
0x4e: {  	v26 =	vmul.f32 v18, v2;
	v27 =	vmul.f32 v19, v3;
	v8 =	vadd.f32 v9, v8  }
0x4f: {  	v11 =	vmul.f32 v22, v6;
	v12 =	vmul.f32 v23, v7  }
0x50: {  	v28 =	vmul.f32 v20, v4;
	v14 =	vmul.f32 v63, v5;
	[tilespmem:s9+$0xFFFFFF80] =	vst v8  }
0x51: {  	v31 =	vadd.f32 v27, v26;
	v11 =	vadd.f32 v12, v11;
	v29 =	vld [tilespmem:s11+$0xFFFFFC20]  }
0x52: {  	v9 =	vadd.f32 v25, v24;
	v8 =	vadd.f32 v14, v28;
	v30 =	vld [tilespmem:s11+$0xFFFFFCA0]  }
0x53: {  	v32 =	vld [tilespmem:s11+$0xFFFFFD20]  }
0x54: {  	v9 =	vadd.f32 v31, v9;
	v33 =	vld [tilespmem:s11+$0xFFFFFDA0];
	v8 =	vadd.f32 v11, v8  }
0x55: {  	v34 =	vld [tilespmem:s11+$0xFFFFFE20]  }
0x56: {  	v35 =	vld [tilespmem:s11+$0xFFFFFEA0];
	v8 =	vadd.f32 v8, v9  }
0x57: {  	v36 =	vld [tilespmem:s11+$0xFFFFFF20]  }
0x58: {  	v37 =	vld [tilespmem:s11+$0xFFFFFFA0];
	[tilespmem:s9+$0xFFFFFF90] =	vst v8  }
0x59: {  	v8 =	vld [tilespmem:s11+$0xFFFFFC30]  }
0x5a: {  	v38 =	vmul.f32 v29, v0;
	v39 =	vmul.f32 v30, v1;
	v40 =	vld [tilespmem:s11+$0xFFFFFCB0]  }
0x5b: {  	v13 =	vmul.f32 v32, v2;
	v12 =	vmul.f32 v33, v3;
	v41 =	vld [tilespmem:s11+$0xFFFFFD30]  }
0x5c: {  	v14 =	vmul.f32 v34, v4;
	v10 =	vmul.f32 v35, v5;
	v42 =	vld [tilespmem:s11+$0xFFFFFDB0]  }
0x5d: {  	v11 =	vmul.f32 v36, v6;
	v9 =	vmul.f32 v37, v7;
	v43 =	vld [tilespmem:s11+$0xFFFFFE30]  }
0x5e: {  	v44 =	vld [tilespmem:s11+$0xFFFFFEB0];
	v15 =	vadd.f32 v39, v38;
	v12 =	vadd.f32 v12, v13  }
0x5f: {  	v45 =	vld [tilespmem:s11+$0xFFFFFF30];
	v10 =	vadd.f32 v10, v14;
	v9 =	vadd.f32 v9, v11  }
0x60: {  	v46 =	vld [tilespmem:s11+$0xFFFFFFB0]  }
0x61: {  	v12 =	vadd.f32 v12, v15;
	v9 =	vadd.f32 v9, v10  }
0x62: {  	v8 =	vmul.f32 v8, v0;
	v47 =	vmul.f32 v40, v1  }
0x63: {  	v9 =	vadd.f32 v9, v12;
	v48 =	vmul.f32 v41, v2;
	v49 =	vmul.f32 v42, v3  }
0x64: {  	v50 =	vmul.f32 v43, v4;
	v13 =	vmul.f32 v44, v5  }
0x65: {  	v11 =	vmul.f32 v45, v6;
	v14 =	vmul.f32 v46, v7;
	[tilespmem:s9+$0xFFFFFFA0] =	vst v9  }
0x66: {  	v8 =	vadd.f32 v47, v8;
	v53 =	vadd.f32 v49, v48;
	v51 =	vld [tilespmem:s11+$0xFFFFFC40]  }
0x67: {  	v9 =	vadd.f32 v13, v50;
	v11 =	vadd.f32 v14, v11;
	v52 =	vld [tilespmem:s11+$0xFFFFFCC0]  }
0x68: {  	v54 =	vld [tilespmem:s11+$0xFFFFFD40]  }
0x69: {  	v55 =	vld [tilespmem:s11+$0xFFFFFDC0];
	v8 =	vadd.f32 v53, v8;
	v9 =	vadd.f32 v11, v9  }
0x6a: {  	v56 =	vld [tilespmem:s11+$0xFFFFFE40]  }
0x6b: {  	v57 =	vld [tilespmem:s11+$0xFFFFFEC0];
	v8 =	vadd.f32 v9, v8  }
0x6c: {  	v58 =	vld [tilespmem:s11+$0xFFFFFF40]  }
0x6d: {  	v59 =	vld [tilespmem:s11+$0xFFFFFFC0];
	[tilespmem:s9+$0xFFFFFFB0] =	vst v8  }
0x6e: {  	v8 =	vld [tilespmem:s11+$0xFFFFFC50]  }
0x6f: {  	v60 =	vmul.f32 v51, v0;
	v61 =	vmul.f32 v52, v1;
	v62 =	vld [tilespmem:s11+$0xFFFFFCD0]  }
0x70: {  	v12 =	vmul.f32 v54, v2;
	v13 =	vmul.f32 v55, v3;
	v63 =	vld [tilespmem:s11+$0xFFFFFD50]  }
0x71: {  	v14 =	vmul.f32 v56, v4;
	v10 =	vmul.f32 v57, v5;
	v24 =	vld [tilespmem:s11+$0xFFFFFDD0]  }
0x72: {  	v11 =	vmul.f32 v58, v6;
	v9 =	vmul.f32 v59, v7;
	v25 =	vld [tilespmem:s11+$0xFFFFFE50]  }
0x73: {  	v26 =	vld [tilespmem:s11+$0xFFFFFED0];
	v15 =	vadd.f32 v61, v60;
	v12 =	vadd.f32 v13, v12  }
0x74: {  	v27 =	vld [tilespmem:s11+$0xFFFFFF50];
	v10 =	vadd.f32 v10, v14;
	v9 =	vadd.f32 v9, v11  }
0x75: {  	v28 =	vld [tilespmem:s11+$0xFFFFFFD0]  }
0x76: {  	v12 =	vadd.f32 v12, v15;
	v9 =	vadd.f32 v9, v10  }
0x77: {  	v8 =	vmul.f32 v8, v0;
	v29 =	vmul.f32 v62, v1  }
0x78: {  	v9 =	vadd.f32 v9, v12;
	v30 =	vmul.f32 v63, v2;
	v31 =	vmul.f32 v24, v3  }
0x79: {  	v32 =	vmul.f32 v25, v4;
	v13 =	vmul.f32 v26, v5  }
0x7a: {  	v11 =	vmul.f32 v27, v6;
	v14 =	vmul.f32 v28, v7;
	[tilespmem:s9+$0xFFFFFFC0] =	vst v9  }
0x7b: {  	v8 =	vadd.f32 v29, v8;
	v35 =	vadd.f32 v31, v30;
	v33 =	vld [tilespmem:s11+$0xFFFFFC60]  }
0x7c: {  	v9 =	vadd.f32 v13, v32;
	v11 =	vadd.f32 v14, v11;
	v34 =	vld [tilespmem:s11+$0xFFFFFCE0]  }
0x7d: {  	v36 =	vld [tilespmem:s11+$0xFFFFFD60]  }
0x7e: {  	v37 =	vld [tilespmem:s11+$0xFFFFFDE0];
	v8 =	vadd.f32 v35, v8;
	v9 =	vadd.f32 v11, v9  }
0x7f: {  	v38 =	vld [tilespmem:s11+$0xFFFFFE60]  }
0x80: {  	v39 =	vld [tilespmem:s11+$0xFFFFFEE0];
	v8 =	vadd.f32 v9, v8  }
0x81: {  	v40 =	vld [tilespmem:s11+$0xFFFFFF60]  }
0x82: {  	v41 =	vld [tilespmem:s11+$0xFFFFFFE0];
	[tilespmem:s9+$0xFFFFFFD0] =	vst v8  }
0x83: {  	v8 =	vld [tilespmem:s11+$0xFFFFFC70]  }
0x84: {  	v42 =	vld [tilespmem:s11+$0xFFFFFCF0]  }
0x85: {  	v43 =	vld [tilespmem:s11+$0xFFFFFD70]  }
0x86: {  	v44 =	vld [tilespmem:s11+$0xFFFFFDF0]  }
0x87: {  	v45 =	vld [tilespmem:s11+$0xFFFFFE70]  }
0x88: {  	v16 =	vmul.f32 v33, v0;
	v17 =	vmul.f32 v34, v1;
	v21 =	vld [tilespmem:s11+$0xFFFFFEF0]  }
0x89: {  	v12 =	vmul.f32 v36, v2;
	v13 =	vmul.f32 v37, v3;
	v22 =	vld [tilespmem:s11+$0xFFFFFF70]  }
0x8a: {  	v14 =	vmul.f32 v38, v4;
	v10 =	vmul.f32 v39, v5;
	v23 =	vld [tilespmem:s11+$0xFFFFFFF0]  }
0x8b: {  	v11 =	vmul.f32 v40, v6;
	v9 =	vmul.f32 v41, v7  }
0x8c: {  	v16 =	vadd.f32 v17, v16;
	v0 =	vmul.f32 v8, v0;
	v1 =	vmul.f32 v42, v1  }
0x8d: {  	v46 =	vadd.f32 v13, v12;
	v2 =	vmul.f32 v43, v2;
	v3 =	vmul.f32 v44, v3  }
0x8e: {  	v10 =	vadd.f32 v10, v14;
	v4 =	vmul.f32 v45, v4;
	v5 =	vmul.f32 v21, v5  }
0x8f: {  	v9 =	vadd.f32 v9, v11;
	v6 =	vmul.f32 v22, v6;
	v7 =	vmul.f32 v23, v7  }
0x90: {  	v0 =	vadd.f32 v1, v0;
	v47 =	vadd.f32 v3, v2  }
0x91: {  	v48 =	vadd.f32 v5, v4;
	v49 =	vadd.f32 v7, v6  }
0x92: {  	v50 =	vadd.f32 v46, v16;
	v51 =	vadd.f32 v9, v10  }
0x93: {  	v0 =	vadd.f32 v47, v0;
	v52 =	vadd.f32 v49, v48  }
0x94: {  	v53 =	vadd.f32 v51, v50  }
0x95: {  	v0 =	vadd.f32 v52, v0  }
0x96: {  	[tilespmem:s9+$0xFFFFFFE0] =	vst v53  }
0x97: {  	[tilespmem:s9+$0xFFFFFFF0] =	vst v0  }
0x98: {  	v54 =	vld [tilespmem:s10+$0x0]  }
0x99: {  	v55 =	vld [tilespmem:s11+$0x0]  }
0x9a: {  	v56 =	vld [tilespmem:s11+$0x80]  }
0x9b: {  	v57 =	vld [tilespmem:s11+$0x100]  }
0x9c: {  	v58 =	vld [tilespmem:s11+$0x180]  }
0x9d: {  	v59 =	vld [tilespmem:s11+$0x200]  }
0x9e: {  	v60 =	vld [tilespmem:s11+$0x280];
	v0 =	vbroadcast v54, $0x0;
	v1 =	vbroadcast v54, $0x1  }
0x9f: {  	v61 =	vld [tilespmem:s11+$0x300];
	v2 =	vbroadcast v54, $0x2;
	v3 =	vbroadcast v54, $0x3  }
0xa0: {  	v62 =	vld [tilespmem:s11+$0x380];
	v4 =	vbroadcast v54, $0x4;
	v5 =	vbroadcast v54, $0x5  }
0xa1: {  	v26 =	vld [tilespmem:s11+$0x10];
	v6 =	vbroadcast v54, $0x6;
	v7 =	vbroadcast v54, $0x7  }
0xa2: {  	v27 =	vld [tilespmem:s11+$0x90];
	v63 =	vmul.f32 v0, v55;
	v24 =	vmul.f32 v56, v1  }
0xa3: {  	v28 =	vld [tilespmem:s11+$0x110];
	v25 =	vmul.f32 v57, v2;
	v8 =	vmul.f32 v58, v3  }
0xa4: {  	v29 =	vld [tilespmem:s11+$0x190];
	v9 =	vmul.f32 v59, v4;
	v10 =	vmul.f32 v60, v5  }
0xa5: {  	v30 =	vld [tilespmem:s11+$0x210];
	v11 =	vmul.f32 v61, v6;
	v12 =	vmul.f32 v62, v7  }
0xa6: {  	v33 =	vld [tilespmem:s11+$0x310];
	v13 =	vadd.f32 v24, v63;
	v8 =	vadd.f32 v8, v25  }
0xa7: {  	v34 =	vld [tilespmem:s11+$0x390];
	v9 =	vadd.f32 v10, v9;
	v32 =	vadd.f32 v12, v11  }
0xa8: {  	v31 =	vld [tilespmem:s11+$0x290]  }
0xa9: {  	v8 =	vadd.f32 v8, v13;
	v9 =	vadd.f32 v32, v9  }
0xaa: {  	v35 =	vmul.f32 v26, v0;
	v36 =	vmul.f32 v27, v1  }
0xab: {  	v37 =	vmul.f32 v28, v2;
	v38 =	vmul.f32 v29, v3;
	v8 =	vadd.f32 v9, v8  }
0xac: {  	v11 =	vmul.f32 v33, v6;
	v12 =	vmul.f32 v34, v7  }
0xad: {  	v39 =	vmul.f32 v30, v4;
	v14 =	vmul.f32 v31, v5;
	[tilespmem:s9+$0x0] =	vst v8  }
0xae: {  	v42 =	vadd.f32 v38, v37;
	v11 =	vadd.f32 v12, v11;
	v40 =	vld [tilespmem:s11+$0x20]  }
0xaf: {  	v9 =	vadd.f32 v36, v35;
	v8 =	vadd.f32 v14, v39;
	v41 =	vld [tilespmem:s11+$0xA0]  }
0xb0: {  	v43 =	vld [tilespmem:s11+$0x120]  }
0xb1: {  	v9 =	vadd.f32 v42, v9;
	v44 =	vld [tilespmem:s11+$0x1A0];
	v8 =	vadd.f32 v11, v8  }
0xb2: {  	v45 =	vld [tilespmem:s11+$0x220]  }
0xb3: {  	v46 =	vld [tilespmem:s11+$0x2A0];
	v8 =	vadd.f32 v8, v9  }
0xb4: {  	v47 =	vld [tilespmem:s11+$0x320]  }
0xb5: {  	v48 =	vld [tilespmem:s11+$0x3A0];
	[tilespmem:s9+$0x10] =	vst v8  }
0xb6: {  	v8 =	vld [tilespmem:s11+$0x30]  }
0xb7: {  	v49 =	vmul.f32 v40, v0;
	v50 =	vmul.f32 v41, v1;
	v51 =	vld [tilespmem:s11+$0xB0]  }
0xb8: {  	v13 =	vmul.f32 v43, v2;
	v12 =	vmul.f32 v44, v3;
	v52 =	vld [tilespmem:s11+$0x130]  }
0xb9: {  	v14 =	vmul.f32 v45, v4;
	v10 =	vmul.f32 v46, v5;
	v53 =	vld [tilespmem:s11+$0x1B0]  }
0xba: {  	v11 =	vmul.f32 v47, v6;
	v9 =	vmul.f32 v48, v7;
	v54 =	vld [tilespmem:s11+$0x230]  }
0xbb: {  	v55 =	vld [tilespmem:s11+$0x2B0];
	v15 =	vadd.f32 v50, v49;
	v12 =	vadd.f32 v12, v13  }
0xbc: {  	v56 =	vld [tilespmem:s11+$0x330];
	v10 =	vadd.f32 v10, v14;
	v9 =	vadd.f32 v9, v11  }
0xbd: {  	v57 =	vld [tilespmem:s11+$0x3B0]  }
0xbe: {  	v12 =	vadd.f32 v12, v15;
	v9 =	vadd.f32 v9, v10  }
0xbf: {  	v8 =	vmul.f32 v8, v0;
	v58 =	vmul.f32 v51, v1  }
0xc0: {  	v9 =	vadd.f32 v9, v12;
	v59 =	vmul.f32 v52, v2;
	v60 =	vmul.f32 v53, v3  }
0xc1: {  	v61 =	vmul.f32 v54, v4;
	v13 =	vmul.f32 v55, v5  }
0xc2: {  	v11 =	vmul.f32 v56, v6;
	v14 =	vmul.f32 v57, v7;
	[tilespmem:s9+$0x20] =	vst v9  }
0xc3: {  	v8 =	vadd.f32 v58, v8;
	v20 =	vadd.f32 v60, v59;
	v62 =	vld [tilespmem:s11+$0x40]  }
0xc4: {  	v9 =	vadd.f32 v13, v61;
	v11 =	vadd.f32 v14, v11;
	v63 =	vld [tilespmem:s11+$0xC0]  }
0xc5: {  	v21 =	vld [tilespmem:s11+$0x140]  }
0xc6: {  	v22 =	vld [tilespmem:s11+$0x1C0];
	v8 =	vadd.f32 v20, v8;
	v9 =	vadd.f32 v11, v9  }
0xc7: {  	v23 =	vld [tilespmem:s11+$0x240]  }
0xc8: {  	v24 =	vld [tilespmem:s11+$0x2C0];
	v8 =	vadd.f32 v9, v8  }
0xc9: {  	v25 =	vld [tilespmem:s11+$0x340]  }
0xca: {  	v26 =	vld [tilespmem:s11+$0x3C0];
	[tilespmem:s9+$0x30] =	vst v8  }
0xcb: {  	v8 =	vld [tilespmem:s11+$0x50]  }
0xcc: {  	v27 =	vmul.f32 v62, v0;
	v28 =	vmul.f32 v63, v1;
	v29 =	vld [tilespmem:s11+$0xD0]  }
0xcd: {  	v12 =	vmul.f32 v21, v2;
	v13 =	vmul.f32 v22, v3;
	v30 =	vld [tilespmem:s11+$0x150]  }
0xce: {  	v14 =	vmul.f32 v23, v4;
	v10 =	vmul.f32 v24, v5;
	v31 =	vld [tilespmem:s11+$0x1D0]  }
0xcf: {  	v11 =	vmul.f32 v25, v6;
	v9 =	vmul.f32 v26, v7;
	v32 =	vld [tilespmem:s11+$0x250]  }
0xd0: {  	v33 =	vld [tilespmem:s11+$0x2D0];
	v15 =	vadd.f32 v28, v27;
	v12 =	vadd.f32 v13, v12  }
0xd1: {  	v34 =	vld [tilespmem:s11+$0x350];
	v10 =	vadd.f32 v10, v14;
	v9 =	vadd.f32 v9, v11  }
0xd2: {  	v35 =	vld [tilespmem:s11+$0x3D0]  }
0xd3: {  	v12 =	vadd.f32 v12, v15;
	v9 =	vadd.f32 v9, v10  }
0xd4: {  	v8 =	vmul.f32 v8, v0;
	v36 =	vmul.f32 v29, v1  }
0xd5: {  	v9 =	vadd.f32 v9, v12;
	v37 =	vmul.f32 v30, v2;
	v38 =	vmul.f32 v31, v3  }
0xd6: {  	v39 =	vmul.f32 v32, v4;
	v13 =	vmul.f32 v33, v5  }
0xd7: {  	v11 =	vmul.f32 v34, v6;
	v14 =	vmul.f32 v35, v7;
	[tilespmem:s9+$0x40] =	vst v9  }
0xd8: {  	v8 =	vadd.f32 v36, v8;
	v42 =	vadd.f32 v38, v37;
	v40 =	vld [tilespmem:s11+$0x60]  }
0xd9: {  	v9 =	vadd.f32 v13, v39;
	v11 =	vadd.f32 v14, v11;
	v41 =	vld [tilespmem:s11+$0xE0]  }
0xda: {  	v43 =	vld [tilespmem:s11+$0x160]  }
0xdb: {  	v44 =	vld [tilespmem:s11+$0x1E0];
	v8 =	vadd.f32 v42, v8;
	v9 =	vadd.f32 v11, v9  }
0xdc: {  	v45 =	vld [tilespmem:s11+$0x260]  }
0xdd: {  	v46 =	vld [tilespmem:s11+$0x2E0];
	v8 =	vadd.f32 v9, v8  }
0xde: {  	v47 =	vld [tilespmem:s11+$0x360]  }
0xdf: {  	v48 =	vld [tilespmem:s11+$0x3E0];
	[tilespmem:s9+$0x50] =	vst v8  }
0xe0: {  	v8 =	vld [tilespmem:s11+$0x70]  }
0xe1: {  	v49 =	vld [tilespmem:s11+$0xF0]  }
0xe2: {  	v50 =	vld [tilespmem:s11+$0x170]  }
0xe3: {  	v51 =	vld [tilespmem:s11+$0x1F0]  }
0xe4: {  	v52 =	vld [tilespmem:s11+$0x270]  }
0xe5: {  	v16 =	vmul.f32 v40, v0;
	v17 =	vmul.f32 v41, v1;
	v53 =	vld [tilespmem:s11+$0x2F0]  }
0xe6: {  	v12 =	vmul.f32 v43, v2;
	v13 =	vmul.f32 v44, v3;
	v54 =	vld [tilespmem:s11+$0x370]  }
0xe7: {  	v14 =	vmul.f32 v45, v4;
	v10 =	vmul.f32 v46, v5;
	v55 =	vld [tilespmem:s11+$0x3F0]  }
0xe8: {  	v11 =	vmul.f32 v47, v6;
	v9 =	vmul.f32 v48, v7  }
0xe9: {  	v16 =	vadd.f32 v17, v16;
	v0 =	vmul.f32 v8, v0;
	v1 =	vmul.f32 v49, v1  }
0xea: {  	v56 =	vadd.f32 v13, v12;
	v2 =	vmul.f32 v50, v2;
	v3 =	vmul.f32 v51, v3  }
0xeb: {  	v10 =	vadd.f32 v10, v14;
	v4 =	vmul.f32 v52, v4;
	v5 =	vmul.f32 v53, v5  }
0xec: {  	v9 =	vadd.f32 v9, v11;
	v6 =	vmul.f32 v54, v6;
	v7 =	vmul.f32 v55, v7  }
0xed: {  	v0 =	vadd.f32 v1, v0;
	v57 =	vadd.f32 v3, v2  }
0xee: {  	s7 =	sadd.s32 $0x2, s7;
	v58 =	vadd.f32 v5, v4;
	v59 =	vadd.f32 v7, v6  }
0xef: {  	p0 =	slt.u32 s7, $0xE;
	v60 =	vadd.f32 v56, v16;
	v61 =	vadd.f32 v9, v10  }
.Ltmp2:
0xf0: {  	v0 =	vadd.f32 v57, v0;
	v62 =	vadd.f32 v59, v58;
	(pc) =	sbr.rel @p0 .LBB2_3-.Ltmp2, $4  }
0xf1: {  	v63 =	vadd.f32 v61, v60  }
0xf2: {  	v0 =	vadd.f32 v62, v0  }
0xf3: {  	[tilespmem:s9+$0x60] =	vst v63  }
0xf4: {  	s10 =	sadd.s32 $0x100, s10;
	s11 =	sadd.s32 $0x800, s11;
	[tilespmem:s9+$0x70] =	vst v0;
	s9 =	sadd.s32 $0x100, s9  }
0xf5: {  	s7 =	sshll.u32 s22, $0xA  }
0xf6: {  	p0 =	seq.s32 s22, $0x7;
	s7 =	sadd.s32 s7, s12  }
0xf7: {  	[hbm4b:s7+s4] =	stream.linear.scatter [tilespmem:s29], [sflag:$0x9], $0x800, $0x38;
	[tilespmem:$0x13200] =	vst v63  }
0xf8: {  	s8 =	simm.s32 @!p0 $0x10;
	s9 =	simm.s32 @!p0 $0x200;
	s7 =	sadd.s32 @!p0 $0x40, s23  }
0xf9: {  	[tilespmem:s9], [sflag:$0x1] =	stream.indirect.gather @!p0 [hbm4b:s1+s8], $0x400, s7, s8, $0xb8;
	[tilespmem:$0x13200] =	vst v63  }
0xfa: {  	s7 =	sadd.s32 @!p0 s6, s7  }
0xfb: {  	s7 =	sshll.u32 @!p0 s7, $0x4  }
0xfc: {  	s8 =	simm.s32 @!p0 $0x0;
	s9 =	simm.s32 @!p0 $0x10200;
	s7 =	sadd.s32 @!p0 s5, s7  }
0xfd: {  	[tilespmem:s9], [sflag:$0x5] =	stream.linear.gather @!p0 [hbm4b:s7+s8], $0x800, $0x38;
	[tilespmem:$0x13200] =	vst v63  }
0xfe: {  	_ =	swait.ge [sflag:s30], $0x4000  }
0xff: {  	[sflag:s30] =	ssyncset.done $0x0  }
0x100: {  	[sflag:s30] =	ssyncadd.s32 $0xFFFFC000  }
0x101: {  	_ =	swait.ge [sflag:s31], $0x800  }
0x102: {  	[sflag:s31] =	ssyncset.done $0x0  }
0x103: {  	s8 =	simm.s32 @!p1 $0xA;
	[sflag:s31] =	ssyncadd.s32 $0xFFFFF800  }
0x104: {  	s10 =	simm.s32 $0xFFFFFFFE;
	s11 =	simm.s32 $0x12A80;
	_ =	swait.ge @!p1 [sflag:s8], $0x800  }
0x105: {  	s13 =	simm.s32 $0x10A80;
	s7 =	sadd.s32 s23, s6;
	[sflag:s8] =	ssyncset.done @!p1 $0x0  }
0x106: {  	s9 =	sadd.s32 $0x10, s7;
	[sflag:s8] =	ssyncadd.s32 @!p1 $0xFFFFF800;
	s8 =	simm.s32 $0x4600  }
.LBB2_5:
0x107: {  	v7 =	vld [tilespmem:s13+$0xFFFFFF80]  }
0x108: {  	v4 =	vld [tilespmem:s8+$0xFFFFFC00]  }
0x109: {  	v5 =	vld [tilespmem:s8+$0xFFFFFC80]  }
0x10a: {  	v6 =	vld [tilespmem:s8+$0xFFFFFD00]  }
0x10b: {  	v8 =	vld [tilespmem:s8+$0xFFFFFD80]  }
0x10c: {  	v9 =	vld [tilespmem:s8+$0xFFFFFE00]  }
0x10d: {  	v10 =	vld [tilespmem:s8+$0xFFFFFE80];
	v0 =	vbroadcast v7, $0x0;
	v1 =	vbroadcast v7, $0x1  }
0x10e: {  	v11 =	vld [tilespmem:s8+$0xFFFFFF00];
	v2 =	vbroadcast v7, $0x2;
	v3 =	vbroadcast v7, $0x3  }
0x10f: {  	v12 =	vld [tilespmem:s8+$0xFFFFFF80];
	v13 =	vmul.f32 v0, v4;
	v14 =	vmul.f32 v5, v1  }
0x110: {  	v16 =	vld [tilespmem:s8+$0xFFFFFC10];
	v15 =	vmul.f32 v6, v2;
	v8 =	vmul.f32 v8, v3  }
0x111: {  	v17 =	vld [tilespmem:s8+$0xFFFFFC90];
	v4 =	vbroadcast v7, $0x4;
	v5 =	vbroadcast v7, $0x5  }
0x112: {  	v18 =	vld [tilespmem:s8+$0xFFFFFD10];
	v6 =	vbroadcast v7, $0x6;
	v7 =	vbroadcast v7, $0x7  }
0x113: {  	v19 =	vld [tilespmem:s8+$0xFFFFFD90];
	v9 =	vmul.f32 v9, v4;
	v10 =	vmul.f32 v10, v5  }
0x114: {  	v20 =	vld [tilespmem:s8+$0xFFFFFE10];
	v11 =	vmul.f32 v11, v6;
	v12 =	vmul.f32 v12, v7  }
0x115: {  	v22 =	vld [tilespmem:s8+$0xFFFFFF10];
	v13 =	vadd.f32 v14, v13;
	v8 =	vadd.f32 v8, v15  }
0x116: {  	v23 =	vld [tilespmem:s8+$0xFFFFFF90];
	v9 =	vadd.f32 v10, v9;
	v21 =	vadd.f32 v12, v11  }
0x117: {  	v63 =	vld [tilespmem:s8+$0xFFFFFE90]  }
0x118: {  	v8 =	vadd.f32 v8, v13;
	v9 =	vadd.f32 v21, v9  }
0x119: {  	v24 =	vmul.f32 v16, v0;
	v25 =	vmul.f32 v17, v1  }
0x11a: {  	v26 =	vmul.f32 v18, v2;
	v27 =	vmul.f32 v19, v3;
	v8 =	vadd.f32 v9, v8  }
0x11b: {  	v11 =	vmul.f32 v22, v6;
	v12 =	vmul.f32 v23, v7  }
0x11c: {  	v28 =	vmul.f32 v20, v4;
	v14 =	vmul.f32 v63, v5;
	[tilespmem:s11+$0xFFFFFF80] =	vst v8  }
0x11d: {  	v31 =	vadd.f32 v27, v26;
	v11 =	vadd.f32 v12, v11;
	v29 =	vld [tilespmem:s8+$0xFFFFFC20]  }
0x11e: {  	v9 =	vadd.f32 v25, v24;
	v8 =	vadd.f32 v14, v28;
	v30 =	vld [tilespmem:s8+$0xFFFFFCA0]  }
0x11f: {  	v32 =	vld [tilespmem:s8+$0xFFFFFD20]  }
0x120: {  	v9 =	vadd.f32 v31, v9;
	v33 =	vld [tilespmem:s8+$0xFFFFFDA0];
	v8 =	vadd.f32 v11, v8  }
0x121: {  	v34 =	vld [tilespmem:s8+$0xFFFFFE20]  }
0x122: {  	v35 =	vld [tilespmem:s8+$0xFFFFFEA0];
	v8 =	vadd.f32 v8, v9  }
0x123: {  	v36 =	vld [tilespmem:s8+$0xFFFFFF20]  }
0x124: {  	v37 =	vld [tilespmem:s8+$0xFFFFFFA0];
	[tilespmem:s11+$0xFFFFFF90] =	vst v8  }
0x125: {  	v8 =	vld [tilespmem:s8+$0xFFFFFC30]  }
0x126: {  	v38 =	vmul.f32 v29, v0;
	v39 =	vmul.f32 v30, v1;
	v40 =	vld [tilespmem:s8+$0xFFFFFCB0]  }
0x127: {  	v13 =	vmul.f32 v32, v2;
	v12 =	vmul.f32 v33, v3;
	v41 =	vld [tilespmem:s8+$0xFFFFFD30]  }
0x128: {  	v14 =	vmul.f32 v34, v4;
	v10 =	vmul.f32 v35, v5;
	v42 =	vld [tilespmem:s8+$0xFFFFFDB0]  }
0x129: {  	v11 =	vmul.f32 v36, v6;
	v9 =	vmul.f32 v37, v7;
	v43 =	vld [tilespmem:s8+$0xFFFFFE30]  }
0x12a: {  	v44 =	vld [tilespmem:s8+$0xFFFFFEB0];
	v15 =	vadd.f32 v39, v38;
	v12 =	vadd.f32 v12, v13  }
0x12b: {  	v45 =	vld [tilespmem:s8+$0xFFFFFF30];
	v10 =	vadd.f32 v10, v14;
	v9 =	vadd.f32 v9, v11  }
0x12c: {  	v46 =	vld [tilespmem:s8+$0xFFFFFFB0]  }
0x12d: {  	v12 =	vadd.f32 v12, v15;
	v9 =	vadd.f32 v9, v10  }
0x12e: {  	v8 =	vmul.f32 v8, v0;
	v47 =	vmul.f32 v40, v1  }
0x12f: {  	v9 =	vadd.f32 v9, v12;
	v48 =	vmul.f32 v41, v2;
	v49 =	vmul.f32 v42, v3  }
0x130: {  	v50 =	vmul.f32 v43, v4;
	v13 =	vmul.f32 v44, v5  }
0x131: {  	v11 =	vmul.f32 v45, v6;
	v14 =	vmul.f32 v46, v7;
	[tilespmem:s11+$0xFFFFFFA0] =	vst v9  }
0x132: {  	v8 =	vadd.f32 v47, v8;
	v53 =	vadd.f32 v49, v48;
	v51 =	vld [tilespmem:s8+$0xFFFFFC40]  }
0x133: {  	v9 =	vadd.f32 v13, v50;
	v11 =	vadd.f32 v14, v11;
	v52 =	vld [tilespmem:s8+$0xFFFFFCC0]  }
0x134: {  	v54 =	vld [tilespmem:s8+$0xFFFFFD40]  }
0x135: {  	v55 =	vld [tilespmem:s8+$0xFFFFFDC0];
	v8 =	vadd.f32 v53, v8;
	v9 =	vadd.f32 v11, v9  }
0x136: {  	v56 =	vld [tilespmem:s8+$0xFFFFFE40]  }
0x137: {  	v57 =	vld [tilespmem:s8+$0xFFFFFEC0];
	v8 =	vadd.f32 v9, v8  }
0x138: {  	v58 =	vld [tilespmem:s8+$0xFFFFFF40]  }
0x139: {  	v59 =	vld [tilespmem:s8+$0xFFFFFFC0];
	[tilespmem:s11+$0xFFFFFFB0] =	vst v8  }
0x13a: {  	v8 =	vld [tilespmem:s8+$0xFFFFFC50]  }
0x13b: {  	v60 =	vmul.f32 v51, v0;
	v61 =	vmul.f32 v52, v1;
	v62 =	vld [tilespmem:s8+$0xFFFFFCD0]  }
0x13c: {  	v12 =	vmul.f32 v54, v2;
	v13 =	vmul.f32 v55, v3;
	v63 =	vld [tilespmem:s8+$0xFFFFFD50]  }
0x13d: {  	v14 =	vmul.f32 v56, v4;
	v10 =	vmul.f32 v57, v5;
	v24 =	vld [tilespmem:s8+$0xFFFFFDD0]  }
0x13e: {  	v11 =	vmul.f32 v58, v6;
	v9 =	vmul.f32 v59, v7;
	v25 =	vld [tilespmem:s8+$0xFFFFFE50]  }
0x13f: {  	v26 =	vld [tilespmem:s8+$0xFFFFFED0];
	v15 =	vadd.f32 v61, v60;
	v12 =	vadd.f32 v13, v12  }
0x140: {  	v27 =	vld [tilespmem:s8+$0xFFFFFF50];
	v10 =	vadd.f32 v10, v14;
	v9 =	vadd.f32 v9, v11  }
0x141: {  	v28 =	vld [tilespmem:s8+$0xFFFFFFD0]  }
0x142: {  	v12 =	vadd.f32 v12, v15;
	v9 =	vadd.f32 v9, v10  }
0x143: {  	v8 =	vmul.f32 v8, v0;
	v29 =	vmul.f32 v62, v1  }
0x144: {  	v9 =	vadd.f32 v9, v12;
	v30 =	vmul.f32 v63, v2;
	v31 =	vmul.f32 v24, v3  }
0x145: {  	v32 =	vmul.f32 v25, v4;
	v13 =	vmul.f32 v26, v5  }
0x146: {  	v11 =	vmul.f32 v27, v6;
	v14 =	vmul.f32 v28, v7;
	[tilespmem:s11+$0xFFFFFFC0] =	vst v9  }
0x147: {  	v8 =	vadd.f32 v29, v8;
	v35 =	vadd.f32 v31, v30;
	v33 =	vld [tilespmem:s8+$0xFFFFFC60]  }
0x148: {  	v9 =	vadd.f32 v13, v32;
	v11 =	vadd.f32 v14, v11;
	v34 =	vld [tilespmem:s8+$0xFFFFFCE0]  }
0x149: {  	v36 =	vld [tilespmem:s8+$0xFFFFFD60]  }
0x14a: {  	v37 =	vld [tilespmem:s8+$0xFFFFFDE0];
	v8 =	vadd.f32 v35, v8;
	v9 =	vadd.f32 v11, v9  }
0x14b: {  	v38 =	vld [tilespmem:s8+$0xFFFFFE60]  }
0x14c: {  	v39 =	vld [tilespmem:s8+$0xFFFFFEE0];
	v8 =	vadd.f32 v9, v8  }
0x14d: {  	v40 =	vld [tilespmem:s8+$0xFFFFFF60]  }
0x14e: {  	v41 =	vld [tilespmem:s8+$0xFFFFFFE0];
	[tilespmem:s11+$0xFFFFFFD0] =	vst v8  }
0x14f: {  	v8 =	vld [tilespmem:s8+$0xFFFFFC70]  }
0x150: {  	v42 =	vld [tilespmem:s8+$0xFFFFFCF0]  }
0x151: {  	v43 =	vld [tilespmem:s8+$0xFFFFFD70]  }
0x152: {  	v44 =	vld [tilespmem:s8+$0xFFFFFDF0]  }
0x153: {  	v45 =	vld [tilespmem:s8+$0xFFFFFE70]  }
0x154: {  	v16 =	vmul.f32 v33, v0;
	v17 =	vmul.f32 v34, v1;
	v21 =	vld [tilespmem:s8+$0xFFFFFEF0]  }
0x155: {  	v12 =	vmul.f32 v36, v2;
	v13 =	vmul.f32 v37, v3;
	v22 =	vld [tilespmem:s8+$0xFFFFFF70]  }
0x156: {  	v14 =	vmul.f32 v38, v4;
	v10 =	vmul.f32 v39, v5;
	v23 =	vld [tilespmem:s8+$0xFFFFFFF0]  }
0x157: {  	v11 =	vmul.f32 v40, v6;
	v9 =	vmul.f32 v41, v7  }
0x158: {  	v16 =	vadd.f32 v17, v16;
	v0 =	vmul.f32 v8, v0;
	v1 =	vmul.f32 v42, v1  }
0x159: {  	v46 =	vadd.f32 v13, v12;
	v2 =	vmul.f32 v43, v2;
	v3 =	vmul.f32 v44, v3  }
0x15a: {  	v10 =	vadd.f32 v10, v14;
	v4 =	vmul.f32 v45, v4;
	v5 =	vmul.f32 v21, v5  }
0x15b: {  	v9 =	vadd.f32 v9, v11;
	v6 =	vmul.f32 v22, v6;
	v7 =	vmul.f32 v23, v7  }
0x15c: {  	v0 =	vadd.f32 v1, v0;
	v47 =	vadd.f32 v3, v2  }
0x15d: {  	v48 =	vadd.f32 v5, v4;
	v49 =	vadd.f32 v7, v6  }
0x15e: {  	v50 =	vadd.f32 v46, v16;
	v51 =	vadd.f32 v9, v10  }
0x15f: {  	v0 =	vadd.f32 v47, v0;
	v52 =	vadd.f32 v49, v48  }
0x160: {  	v53 =	vadd.f32 v51, v50  }
0x161: {  	v0 =	vadd.f32 v52, v0  }
0x162: {  	[tilespmem:s11+$0xFFFFFFE0] =	vst v53  }
0x163: {  	[tilespmem:s11+$0xFFFFFFF0] =	vst v0  }
0x164: {  	v54 =	vld [tilespmem:s13+$0x0]  }
0x165: {  	v55 =	vld [tilespmem:s8+$0x0]  }
0x166: {  	v56 =	vld [tilespmem:s8+$0x80]  }
0x167: {  	v57 =	vld [tilespmem:s8+$0x100]  }
0x168: {  	v58 =	vld [tilespmem:s8+$0x180]  }
0x169: {  	v59 =	vld [tilespmem:s8+$0x200]  }
0x16a: {  	v60 =	vld [tilespmem:s8+$0x280];
	v0 =	vbroadcast v54, $0x0;
	v1 =	vbroadcast v54, $0x1  }
0x16b: {  	v61 =	vld [tilespmem:s8+$0x300];
	v2 =	vbroadcast v54, $0x2;
	v3 =	vbroadcast v54, $0x3  }
0x16c: {  	v62 =	vld [tilespmem:s8+$0x380];
	v4 =	vbroadcast v54, $0x4;
	v5 =	vbroadcast v54, $0x5  }
0x16d: {  	v26 =	vld [tilespmem:s8+$0x10];
	v6 =	vbroadcast v54, $0x6;
	v7 =	vbroadcast v54, $0x7  }
0x16e: {  	v27 =	vld [tilespmem:s8+$0x90];
	v63 =	vmul.f32 v0, v55;
	v24 =	vmul.f32 v56, v1  }
0x16f: {  	v28 =	vld [tilespmem:s8+$0x110];
	v25 =	vmul.f32 v57, v2;
	v8 =	vmul.f32 v58, v3  }
0x170: {  	v29 =	vld [tilespmem:s8+$0x190];
	v9 =	vmul.f32 v59, v4;
	v10 =	vmul.f32 v60, v5  }
0x171: {  	v30 =	vld [tilespmem:s8+$0x210];
	v11 =	vmul.f32 v61, v6;
	v12 =	vmul.f32 v62, v7  }
0x172: {  	v33 =	vld [tilespmem:s8+$0x310];
	v13 =	vadd.f32 v24, v63;
	v8 =	vadd.f32 v8, v25  }
0x173: {  	v34 =	vld [tilespmem:s8+$0x390];
	v9 =	vadd.f32 v10, v9;
	v32 =	vadd.f32 v12, v11  }
0x174: {  	v31 =	vld [tilespmem:s8+$0x290]  }
0x175: {  	v8 =	vadd.f32 v8, v13;
	v9 =	vadd.f32 v32, v9  }
0x176: {  	v35 =	vmul.f32 v26, v0;
	v36 =	vmul.f32 v27, v1  }
0x177: {  	v37 =	vmul.f32 v28, v2;
	v38 =	vmul.f32 v29, v3;
	v8 =	vadd.f32 v9, v8  }
0x178: {  	v11 =	vmul.f32 v33, v6;
	v12 =	vmul.f32 v34, v7  }
0x179: {  	v39 =	vmul.f32 v30, v4;
	v14 =	vmul.f32 v31, v5;
	[tilespmem:s11+$0x0] =	vst v8  }
0x17a: {  	v42 =	vadd.f32 v38, v37;
	v11 =	vadd.f32 v12, v11;
	v40 =	vld [tilespmem:s8+$0x20]  }
0x17b: {  	v9 =	vadd.f32 v36, v35;
	v8 =	vadd.f32 v14, v39;
	v41 =	vld [tilespmem:s8+$0xA0]  }
0x17c: {  	v43 =	vld [tilespmem:s8+$0x120]  }
0x17d: {  	v9 =	vadd.f32 v42, v9;
	v44 =	vld [tilespmem:s8+$0x1A0];
	v8 =	vadd.f32 v11, v8  }
0x17e: {  	v45 =	vld [tilespmem:s8+$0x220]  }
0x17f: {  	v46 =	vld [tilespmem:s8+$0x2A0];
	v8 =	vadd.f32 v8, v9  }
0x180: {  	v47 =	vld [tilespmem:s8+$0x320]  }
0x181: {  	v48 =	vld [tilespmem:s8+$0x3A0];
	[tilespmem:s11+$0x10] =	vst v8  }
0x182: {  	v8 =	vld [tilespmem:s8+$0x30]  }
0x183: {  	v49 =	vmul.f32 v40, v0;
	v50 =	vmul.f32 v41, v1;
	v51 =	vld [tilespmem:s8+$0xB0]  }
0x184: {  	v13 =	vmul.f32 v43, v2;
	v12 =	vmul.f32 v44, v3;
	v52 =	vld [tilespmem:s8+$0x130]  }
0x185: {  	v14 =	vmul.f32 v45, v4;
	v10 =	vmul.f32 v46, v5;
	v53 =	vld [tilespmem:s8+$0x1B0]  }
0x186: {  	v11 =	vmul.f32 v47, v6;
	v9 =	vmul.f32 v48, v7;
	v54 =	vld [tilespmem:s8+$0x230]  }
0x187: {  	v55 =	vld [tilespmem:s8+$0x2B0];
	v15 =	vadd.f32 v50, v49;
	v12 =	vadd.f32 v12, v13  }
0x188: {  	v56 =	vld [tilespmem:s8+$0x330];
	v10 =	vadd.f32 v10, v14;
	v9 =	vadd.f32 v9, v11  }
0x189: {  	v57 =	vld [tilespmem:s8+$0x3B0]  }
0x18a: {  	v12 =	vadd.f32 v12, v15;
	v9 =	vadd.f32 v9, v10  }
0x18b: {  	v8 =	vmul.f32 v8, v0;
	v58 =	vmul.f32 v51, v1  }
0x18c: {  	v9 =	vadd.f32 v9, v12;
	v59 =	vmul.f32 v52, v2;
	v60 =	vmul.f32 v53, v3  }
0x18d: {  	v61 =	vmul.f32 v54, v4;
	v13 =	vmul.f32 v55, v5  }
0x18e: {  	v11 =	vmul.f32 v56, v6;
	v14 =	vmul.f32 v57, v7;
	[tilespmem:s11+$0x20] =	vst v9  }
0x18f: {  	v8 =	vadd.f32 v58, v8;
	v20 =	vadd.f32 v60, v59;
	v62 =	vld [tilespmem:s8+$0x40]  }
0x190: {  	v9 =	vadd.f32 v13, v61;
	v11 =	vadd.f32 v14, v11;
	v63 =	vld [tilespmem:s8+$0xC0]  }
0x191: {  	v21 =	vld [tilespmem:s8+$0x140]  }
0x192: {  	v22 =	vld [tilespmem:s8+$0x1C0];
	v8 =	vadd.f32 v20, v8;
	v9 =	vadd.f32 v11, v9  }
0x193: {  	v23 =	vld [tilespmem:s8+$0x240]  }
0x194: {  	v24 =	vld [tilespmem:s8+$0x2C0];
	v8 =	vadd.f32 v9, v8  }
0x195: {  	v25 =	vld [tilespmem:s8+$0x340]  }
0x196: {  	v26 =	vld [tilespmem:s8+$0x3C0];
	[tilespmem:s11+$0x30] =	vst v8  }
0x197: {  	v8 =	vld [tilespmem:s8+$0x50]  }
0x198: {  	v27 =	vmul.f32 v62, v0;
	v28 =	vmul.f32 v63, v1;
	v29 =	vld [tilespmem:s8+$0xD0]  }
0x199: {  	v12 =	vmul.f32 v21, v2;
	v13 =	vmul.f32 v22, v3;
	v30 =	vld [tilespmem:s8+$0x150]  }
0x19a: {  	v14 =	vmul.f32 v23, v4;
	v10 =	vmul.f32 v24, v5;
	v31 =	vld [tilespmem:s8+$0x1D0]  }
0x19b: {  	v11 =	vmul.f32 v25, v6;
	v9 =	vmul.f32 v26, v7;
	v32 =	vld [tilespmem:s8+$0x250]  }
0x19c: {  	v33 =	vld [tilespmem:s8+$0x2D0];
	v15 =	vadd.f32 v28, v27;
	v12 =	vadd.f32 v13, v12  }
0x19d: {  	v34 =	vld [tilespmem:s8+$0x350];
	v10 =	vadd.f32 v10, v14;
	v9 =	vadd.f32 v9, v11  }
0x19e: {  	v35 =	vld [tilespmem:s8+$0x3D0]  }
0x19f: {  	v12 =	vadd.f32 v12, v15;
	v9 =	vadd.f32 v9, v10  }
0x1a0: {  	v8 =	vmul.f32 v8, v0;
	v36 =	vmul.f32 v29, v1  }
0x1a1: {  	v9 =	vadd.f32 v9, v12;
	v37 =	vmul.f32 v30, v2;
	v38 =	vmul.f32 v31, v3  }
0x1a2: {  	v39 =	vmul.f32 v32, v4;
	v13 =	vmul.f32 v33, v5  }
0x1a3: {  	v11 =	vmul.f32 v34, v6;
	v14 =	vmul.f32 v35, v7;
	[tilespmem:s11+$0x40] =	vst v9  }
0x1a4: {  	v8 =	vadd.f32 v36, v8;
	v42 =	vadd.f32 v38, v37;
	v40 =	vld [tilespmem:s8+$0x60]  }
0x1a5: {  	v9 =	vadd.f32 v13, v39;
	v11 =	vadd.f32 v14, v11;
	v41 =	vld [tilespmem:s8+$0xE0]  }
0x1a6: {  	v43 =	vld [tilespmem:s8+$0x160]  }
0x1a7: {  	v44 =	vld [tilespmem:s8+$0x1E0];
	v8 =	vadd.f32 v42, v8;
	v9 =	vadd.f32 v11, v9  }
0x1a8: {  	v45 =	vld [tilespmem:s8+$0x260]  }
0x1a9: {  	v46 =	vld [tilespmem:s8+$0x2E0];
	v8 =	vadd.f32 v9, v8  }
0x1aa: {  	v47 =	vld [tilespmem:s8+$0x360]  }
0x1ab: {  	v48 =	vld [tilespmem:s8+$0x3E0];
	[tilespmem:s11+$0x50] =	vst v8  }
0x1ac: {  	v8 =	vld [tilespmem:s8+$0x70]  }
0x1ad: {  	v49 =	vld [tilespmem:s8+$0xF0]  }
0x1ae: {  	v50 =	vld [tilespmem:s8+$0x170]  }
0x1af: {  	v51 =	vld [tilespmem:s8+$0x1F0]  }
0x1b0: {  	v52 =	vld [tilespmem:s8+$0x270]  }
0x1b1: {  	v16 =	vmul.f32 v40, v0;
	v17 =	vmul.f32 v41, v1;
	v53 =	vld [tilespmem:s8+$0x2F0]  }
0x1b2: {  	v12 =	vmul.f32 v43, v2;
	v13 =	vmul.f32 v44, v3;
	v54 =	vld [tilespmem:s8+$0x370]  }
0x1b3: {  	v14 =	vmul.f32 v45, v4;
	v10 =	vmul.f32 v46, v5;
	v55 =	vld [tilespmem:s8+$0x3F0]  }
0x1b4: {  	v11 =	vmul.f32 v47, v6;
	v9 =	vmul.f32 v48, v7  }
0x1b5: {  	v16 =	vadd.f32 v17, v16;
	v0 =	vmul.f32 v8, v0;
	v1 =	vmul.f32 v49, v1  }
0x1b6: {  	v56 =	vadd.f32 v13, v12;
	v2 =	vmul.f32 v50, v2;
	v3 =	vmul.f32 v51, v3  }
0x1b7: {  	v10 =	vadd.f32 v10, v14;
	v4 =	vmul.f32 v52, v4;
	v5 =	vmul.f32 v53, v5  }
0x1b8: {  	v9 =	vadd.f32 v9, v11;
	v6 =	vmul.f32 v54, v6;
	v7 =	vmul.f32 v55, v7  }
0x1b9: {  	v0 =	vadd.f32 v1, v0;
	v57 =	vadd.f32 v3, v2  }
0x1ba: {  	s10 =	sadd.s32 $0x2, s10;
	v58 =	vadd.f32 v5, v4;
	v59 =	vadd.f32 v7, v6  }
0x1bb: {  	p1 =	slt.u32 s10, $0xE;
	v60 =	vadd.f32 v56, v16;
	v61 =	vadd.f32 v9, v10  }
.Ltmp3:
0x1bc: {  	v0 =	vadd.f32 v57, v0;
	v62 =	vadd.f32 v59, v58;
	(pc) =	sbr.rel @p1 .LBB2_5-.Ltmp3, $4  }
0x1bd: {  	v63 =	vadd.f32 v61, v60  }
0x1be: {  	v0 =	vadd.f32 v62, v0  }
0x1bf: {  	[tilespmem:s11+$0x60] =	vst v63  }
0x1c0: {  	s13 =	sadd.s32 $0x100, s13;
	s8 =	sadd.s32 $0x800, s8;
	[tilespmem:s11+$0x70] =	vst v0;
	s11 =	sadd.s32 $0x100, s11  }
0x1c1: {  	s8 =	sshll.u32 s9, $0x4  }
0x1c2: {  	s8 =	sadd.s32 s2, s8  }
0x1c3: {  	[hbm4b:s8+s4] =	stream.linear.scatter [tilespmem:s0], [sflag:$0xA], $0x800, $0x38;
	[tilespmem:$0x13200] =	vst v63  }
0x1c4: {  	s9 =	simm.s32 @!p0 $0x10;
	s10 =	simm.s32 @!p0 $0x4200;
	s8 =	sadd.s32 @!p0 $0x50, s23  }
0x1c5: {  	[tilespmem:s10], [sflag:$0x2] =	stream.indirect.gather @!p0 [hbm4b:s1+s9], $0x400, s8, s9, $0xb8;
	[tilespmem:$0x13200] =	vst v63  }
0x1c6: {  	s8 =	sadd.s32 @!p0 s6, s8  }
0x1c7: {  	s8 =	sshll.u32 @!p0 s8, $0x4  }
0x1c8: {  	s9 =	simm.s32 @!p0 $0x0;
	s10 =	simm.s32 @!p0 $0x10A00;
	s8 =	sadd.s32 @!p0 s5, s8  }
0x1c9: {  	[tilespmem:s10], [sflag:$0x6] =	stream.linear.gather @!p0 [hbm4b:s8+s9], $0x800, $0x38;
	[tilespmem:$0x13200] =	vst v63  }
0x1ca: {  	_ =	swait.ge [sflag:s3], $0x4000  }
0x1cb: {  	[sflag:s3] =	ssyncset.done $0x0  }
0x1cc: {  	[sflag:s3] =	ssyncadd.s32 $0xFFFFC000  }
0x1cd: {  	_ =	swait.ge [sflag:s16], $0x800  }
0x1ce: {  	[sflag:s16] =	ssyncset.done $0x0  }
0x1cf: {  	[sflag:s16] =	ssyncadd.s32 $0xFFFFF800  }
0x1d0: {  	_ =	swait.ge [sflag:s17], $0x800  }
0x1d1: {  	s11 =	simm.s32 $0x11280;
	s9 =	simm.s32 $0xFFFFFFFE;
	[sflag:s17] =	ssyncset.done $0x0  }
0x1d2: {  	s10 =	simm.s32 $0x12280;
	s8 =	simm.s32 $0x8600;
	[sflag:s17] =	ssyncadd.s32 $0xFFFFF800  }
.LBB2_7:
0x1d3: {  	v7 =	vld [tilespmem:s11+$0xFFFFFF80]  }
0x1d4: {  	v4 =	vld [tilespmem:s8+$0xFFFFFC00]  }
0x1d5: {  	v5 =	vld [tilespmem:s8+$0xFFFFFC80]  }
0x1d6: {  	v6 =	vld [tilespmem:s8+$0xFFFFFD00]  }
0x1d7: {  	v8 =	vld [tilespmem:s8+$0xFFFFFD80]  }
0x1d8: {  	v9 =	vld [tilespmem:s8+$0xFFFFFE00]  }
0x1d9: {  	v10 =	vld [tilespmem:s8+$0xFFFFFE80];
	v0 =	vbroadcast v7, $0x0;
	v1 =	vbroadcast v7, $0x1  }
0x1da: {  	v11 =	vld [tilespmem:s8+$0xFFFFFF00];
	v2 =	vbroadcast v7, $0x2;
	v3 =	vbroadcast v7, $0x3  }
0x1db: {  	v12 =	vld [tilespmem:s8+$0xFFFFFF80];
	v13 =	vmul.f32 v0, v4;
	v14 =	vmul.f32 v5, v1  }
0x1dc: {  	v16 =	vld [tilespmem:s8+$0xFFFFFC10];
	v15 =	vmul.f32 v6, v2;
	v8 =	vmul.f32 v8, v3  }
0x1dd: {  	v17 =	vld [tilespmem:s8+$0xFFFFFC90];
	v4 =	vbroadcast v7, $0x4;
	v5 =	vbroadcast v7, $0x5  }
0x1de: {  	v18 =	vld [tilespmem:s8+$0xFFFFFD10];
	v6 =	vbroadcast v7, $0x6;
	v7 =	vbroadcast v7, $0x7  }
0x1df: {  	v19 =	vld [tilespmem:s8+$0xFFFFFD90];
	v9 =	vmul.f32 v9, v4;
	v10 =	vmul.f32 v10, v5  }
0x1e0: {  	v20 =	vld [tilespmem:s8+$0xFFFFFE10];
	v11 =	vmul.f32 v11, v6;
	v12 =	vmul.f32 v12, v7  }
0x1e1: {  	v22 =	vld [tilespmem:s8+$0xFFFFFF10];
	v13 =	vadd.f32 v14, v13;
	v8 =	vadd.f32 v8, v15  }
0x1e2: {  	v23 =	vld [tilespmem:s8+$0xFFFFFF90];
	v9 =	vadd.f32 v10, v9;
	v21 =	vadd.f32 v12, v11  }
0x1e3: {  	v63 =	vld [tilespmem:s8+$0xFFFFFE90]  }
0x1e4: {  	v8 =	vadd.f32 v8, v13;
	v9 =	vadd.f32 v21, v9  }
0x1e5: {  	v24 =	vmul.f32 v16, v0;
	v25 =	vmul.f32 v17, v1  }
0x1e6: {  	v26 =	vmul.f32 v18, v2;
	v27 =	vmul.f32 v19, v3;
	v8 =	vadd.f32 v9, v8  }
0x1e7: {  	v11 =	vmul.f32 v22, v6;
	v12 =	vmul.f32 v23, v7  }
0x1e8: {  	v28 =	vmul.f32 v20, v4;
	v14 =	vmul.f32 v63, v5;
	[tilespmem:s10+$0xFFFFFF80] =	vst v8  }
0x1e9: {  	v31 =	vadd.f32 v27, v26;
	v11 =	vadd.f32 v12, v11;
	v29 =	vld [tilespmem:s8+$0xFFFFFC20]  }
0x1ea: {  	v9 =	vadd.f32 v25, v24;
	v8 =	vadd.f32 v14, v28;
	v30 =	vld [tilespmem:s8+$0xFFFFFCA0]  }
0x1eb: {  	v32 =	vld [tilespmem:s8+$0xFFFFFD20]  }
0x1ec: {  	v9 =	vadd.f32 v31, v9;
	v33 =	vld [tilespmem:s8+$0xFFFFFDA0];
	v8 =	vadd.f32 v11, v8  }
0x1ed: {  	v34 =	vld [tilespmem:s8+$0xFFFFFE20]  }
0x1ee: {  	v35 =	vld [tilespmem:s8+$0xFFFFFEA0];
	v8 =	vadd.f32 v8, v9  }
0x1ef: {  	v36 =	vld [tilespmem:s8+$0xFFFFFF20]  }
0x1f0: {  	v37 =	vld [tilespmem:s8+$0xFFFFFFA0];
	[tilespmem:s10+$0xFFFFFF90] =	vst v8  }
0x1f1: {  	v8 =	vld [tilespmem:s8+$0xFFFFFC30]  }
0x1f2: {  	v38 =	vmul.f32 v29, v0;
	v39 =	vmul.f32 v30, v1;
	v40 =	vld [tilespmem:s8+$0xFFFFFCB0]  }
0x1f3: {  	v13 =	vmul.f32 v32, v2;
	v12 =	vmul.f32 v33, v3;
	v41 =	vld [tilespmem:s8+$0xFFFFFD30]  }
0x1f4: {  	v14 =	vmul.f32 v34, v4;
	v10 =	vmul.f32 v35, v5;
	v42 =	vld [tilespmem:s8+$0xFFFFFDB0]  }
0x1f5: {  	v11 =	vmul.f32 v36, v6;
	v9 =	vmul.f32 v37, v7;
	v43 =	vld [tilespmem:s8+$0xFFFFFE30]  }
0x1f6: {  	v44 =	vld [tilespmem:s8+$0xFFFFFEB0];
	v15 =	vadd.f32 v39, v38;
	v12 =	vadd.f32 v12, v13  }
0x1f7: {  	v45 =	vld [tilespmem:s8+$0xFFFFFF30];
	v10 =	vadd.f32 v10, v14;
	v9 =	vadd.f32 v9, v11  }
0x1f8: {  	v46 =	vld [tilespmem:s8+$0xFFFFFFB0]  }
0x1f9: {  	v12 =	vadd.f32 v12, v15;
	v9 =	vadd.f32 v9, v10  }
0x1fa: {  	v8 =	vmul.f32 v8, v0;
	v47 =	vmul.f32 v40, v1  }
0x1fb: {  	v9 =	vadd.f32 v9, v12;
	v48 =	vmul.f32 v41, v2;
	v49 =	vmul.f32 v42, v3  }
0x1fc: {  	v50 =	vmul.f32 v43, v4;
	v13 =	vmul.f32 v44, v5  }
0x1fd: {  	v11 =	vmul.f32 v45, v6;
	v14 =	vmul.f32 v46, v7;
	[tilespmem:s10+$0xFFFFFFA0] =	vst v9  }
0x1fe: {  	v8 =	vadd.f32 v47, v8;
	v53 =	vadd.f32 v49, v48;
	v51 =	vld [tilespmem:s8+$0xFFFFFC40]  }
0x1ff: {  	v9 =	vadd.f32 v13, v50;
	v11 =	vadd.f32 v14, v11;
	v52 =	vld [tilespmem:s8+$0xFFFFFCC0]  }
0x200: {  	v54 =	vld [tilespmem:s8+$0xFFFFFD40]  }
0x201: {  	v55 =	vld [tilespmem:s8+$0xFFFFFDC0];
	v8 =	vadd.f32 v53, v8;
	v9 =	vadd.f32 v11, v9  }
0x202: {  	v56 =	vld [tilespmem:s8+$0xFFFFFE40]  }
0x203: {  	v57 =	vld [tilespmem:s8+$0xFFFFFEC0];
	v8 =	vadd.f32 v9, v8  }
0x204: {  	v58 =	vld [tilespmem:s8+$0xFFFFFF40]  }
0x205: {  	v59 =	vld [tilespmem:s8+$0xFFFFFFC0];
	[tilespmem:s10+$0xFFFFFFB0] =	vst v8  }
0x206: {  	v8 =	vld [tilespmem:s8+$0xFFFFFC50]  }
0x207: {  	v60 =	vmul.f32 v51, v0;
	v61 =	vmul.f32 v52, v1;
	v62 =	vld [tilespmem:s8+$0xFFFFFCD0]  }
0x208: {  	v12 =	vmul.f32 v54, v2;
	v13 =	vmul.f32 v55, v3;
	v63 =	vld [tilespmem:s8+$0xFFFFFD50]  }
0x209: {  	v14 =	vmul.f32 v56, v4;
	v10 =	vmul.f32 v57, v5;
	v24 =	vld [tilespmem:s8+$0xFFFFFDD0]  }
0x20a: {  	v11 =	vmul.f32 v58, v6;
	v9 =	vmul.f32 v59, v7;
	v25 =	vld [tilespmem:s8+$0xFFFFFE50]  }
0x20b: {  	v26 =	vld [tilespmem:s8+$0xFFFFFED0];
	v15 =	vadd.f32 v61, v60;
	v12 =	vadd.f32 v13, v12  }
0x20c: {  	v27 =	vld [tilespmem:s8+$0xFFFFFF50];
	v10 =	vadd.f32 v10, v14;
	v9 =	vadd.f32 v9, v11  }
0x20d: {  	v28 =	vld [tilespmem:s8+$0xFFFFFFD0]  }
0x20e: {  	v12 =	vadd.f32 v12, v15;
	v9 =	vadd.f32 v9, v10  }
0x20f: {  	v8 =	vmul.f32 v8, v0;
	v29 =	vmul.f32 v62, v1  }
0x210: {  	v9 =	vadd.f32 v9, v12;
	v30 =	vmul.f32 v63, v2;
	v31 =	vmul.f32 v24, v3  }
0x211: {  	v32 =	vmul.f32 v25, v4;
	v13 =	vmul.f32 v26, v5  }
0x212: {  	v11 =	vmul.f32 v27, v6;
	v14 =	vmul.f32 v28, v7;
	[tilespmem:s10+$0xFFFFFFC0] =	vst v9  }
0x213: {  	v8 =	vadd.f32 v29, v8;
	v35 =	vadd.f32 v31, v30;
	v33 =	vld [tilespmem:s8+$0xFFFFFC60]  }
0x214: {  	v9 =	vadd.f32 v13, v32;
	v11 =	vadd.f32 v14, v11;
	v34 =	vld [tilespmem:s8+$0xFFFFFCE0]  }
0x215: {  	v36 =	vld [tilespmem:s8+$0xFFFFFD60]  }
0x216: {  	v37 =	vld [tilespmem:s8+$0xFFFFFDE0];
	v8 =	vadd.f32 v35, v8;
	v9 =	vadd.f32 v11, v9  }
0x217: {  	v38 =	vld [tilespmem:s8+$0xFFFFFE60]  }
0x218: {  	v39 =	vld [tilespmem:s8+$0xFFFFFEE0];
	v8 =	vadd.f32 v9, v8  }
0x219: {  	v40 =	vld [tilespmem:s8+$0xFFFFFF60]  }
0x21a: {  	v41 =	vld [tilespmem:s8+$0xFFFFFFE0];
	[tilespmem:s10+$0xFFFFFFD0] =	vst v8  }
0x21b: {  	v8 =	vld [tilespmem:s8+$0xFFFFFC70]  }
0x21c: {  	v42 =	vld [tilespmem:s8+$0xFFFFFCF0]  }
0x21d: {  	v43 =	vld [tilespmem:s8+$0xFFFFFD70]  }
0x21e: {  	v44 =	vld [tilespmem:s8+$0xFFFFFDF0]  }
0x21f: {  	v45 =	vld [tilespmem:s8+$0xFFFFFE70]  }
0x220: {  	v16 =	vmul.f32 v33, v0;
	v17 =	vmul.f32 v34, v1;
	v21 =	vld [tilespmem:s8+$0xFFFFFEF0]  }
0x221: {  	v12 =	vmul.f32 v36, v2;
	v13 =	vmul.f32 v37, v3;
	v22 =	vld [tilespmem:s8+$0xFFFFFF70]  }
0x222: {  	v14 =	vmul.f32 v38, v4;
	v10 =	vmul.f32 v39, v5;
	v23 =	vld [tilespmem:s8+$0xFFFFFFF0]  }
0x223: {  	v11 =	vmul.f32 v40, v6;
	v9 =	vmul.f32 v41, v7  }
0x224: {  	v16 =	vadd.f32 v17, v16;
	v0 =	vmul.f32 v8, v0;
	v1 =	vmul.f32 v42, v1  }
0x225: {  	v46 =	vadd.f32 v13, v12;
	v2 =	vmul.f32 v43, v2;
	v3 =	vmul.f32 v44, v3  }
0x226: {  	v10 =	vadd.f32 v10, v14;
	v4 =	vmul.f32 v45, v4;
	v5 =	vmul.f32 v21, v5  }
0x227: {  	v9 =	vadd.f32 v9, v11;
	v6 =	vmul.f32 v22, v6;
	v7 =	vmul.f32 v23, v7  }
0x228: {  	v0 =	vadd.f32 v1, v0;
	v47 =	vadd.f32 v3, v2  }
0x229: {  	v48 =	vadd.f32 v5, v4;
	v49 =	vadd.f32 v7, v6  }
0x22a: {  	v50 =	vadd.f32 v46, v16;
	v51 =	vadd.f32 v9, v10  }
0x22b: {  	v0 =	vadd.f32 v47, v0;
	v52 =	vadd.f32 v49, v48  }
0x22c: {  	v53 =	vadd.f32 v51, v50  }
0x22d: {  	v0 =	vadd.f32 v52, v0  }
0x22e: {  	[tilespmem:s10+$0xFFFFFFE0] =	vst v53  }
0x22f: {  	[tilespmem:s10+$0xFFFFFFF0] =	vst v0  }
0x230: {  	v54 =	vld [tilespmem:s11+$0x0]  }
0x231: {  	v55 =	vld [tilespmem:s8+$0x0]  }
0x232: {  	v56 =	vld [tilespmem:s8+$0x80]  }
0x233: {  	v57 =	vld [tilespmem:s8+$0x100]  }
0x234: {  	v58 =	vld [tilespmem:s8+$0x180]  }
0x235: {  	v59 =	vld [tilespmem:s8+$0x200]  }
0x236: {  	v60 =	vld [tilespmem:s8+$0x280];
	v0 =	vbroadcast v54, $0x0;
	v1 =	vbroadcast v54, $0x1  }
0x237: {  	v61 =	vld [tilespmem:s8+$0x300];
	v2 =	vbroadcast v54, $0x2;
	v3 =	vbroadcast v54, $0x3  }
0x238: {  	v62 =	vld [tilespmem:s8+$0x380];
	v4 =	vbroadcast v54, $0x4;
	v5 =	vbroadcast v54, $0x5  }
0x239: {  	v26 =	vld [tilespmem:s8+$0x10];
	v6 =	vbroadcast v54, $0x6;
	v7 =	vbroadcast v54, $0x7  }
0x23a: {  	v27 =	vld [tilespmem:s8+$0x90];
	v63 =	vmul.f32 v0, v55;
	v24 =	vmul.f32 v56, v1  }
0x23b: {  	v28 =	vld [tilespmem:s8+$0x110];
	v25 =	vmul.f32 v57, v2;
	v8 =	vmul.f32 v58, v3  }
0x23c: {  	v29 =	vld [tilespmem:s8+$0x190];
	v9 =	vmul.f32 v59, v4;
	v10 =	vmul.f32 v60, v5  }
0x23d: {  	v30 =	vld [tilespmem:s8+$0x210];
	v11 =	vmul.f32 v61, v6;
	v12 =	vmul.f32 v62, v7  }
0x23e: {  	v33 =	vld [tilespmem:s8+$0x310];
	v13 =	vadd.f32 v24, v63;
	v8 =	vadd.f32 v8, v25  }
0x23f: {  	v34 =	vld [tilespmem:s8+$0x390];
	v9 =	vadd.f32 v10, v9;
	v32 =	vadd.f32 v12, v11  }
0x240: {  	v31 =	vld [tilespmem:s8+$0x290]  }
0x241: {  	v8 =	vadd.f32 v8, v13;
	v9 =	vadd.f32 v32, v9  }
0x242: {  	v35 =	vmul.f32 v26, v0;
	v36 =	vmul.f32 v27, v1  }
0x243: {  	v37 =	vmul.f32 v28, v2;
	v38 =	vmul.f32 v29, v3;
	v8 =	vadd.f32 v9, v8  }
0x244: {  	v11 =	vmul.f32 v33, v6;
	v12 =	vmul.f32 v34, v7  }
0x245: {  	v39 =	vmul.f32 v30, v4;
	v14 =	vmul.f32 v31, v5;
	[tilespmem:s10+$0x0] =	vst v8  }
0x246: {  	v42 =	vadd.f32 v38, v37;
	v11 =	vadd.f32 v12, v11;
	v40 =	vld [tilespmem:s8+$0x20]  }
0x247: {  	v9 =	vadd.f32 v36, v35;
	v8 =	vadd.f32 v14, v39;
	v41 =	vld [tilespmem:s8+$0xA0]  }
0x248: {  	v43 =	vld [tilespmem:s8+$0x120]  }
0x249: {  	v9 =	vadd.f32 v42, v9;
	v44 =	vld [tilespmem:s8+$0x1A0];
	v8 =	vadd.f32 v11, v8  }
0x24a: {  	v45 =	vld [tilespmem:s8+$0x220]  }
0x24b: {  	v46 =	vld [tilespmem:s8+$0x2A0];
	v8 =	vadd.f32 v8, v9  }
0x24c: {  	v47 =	vld [tilespmem:s8+$0x320]  }
0x24d: {  	v48 =	vld [tilespmem:s8+$0x3A0];
	[tilespmem:s10+$0x10] =	vst v8  }
0x24e: {  	v8 =	vld [tilespmem:s8+$0x30]  }
0x24f: {  	v49 =	vmul.f32 v40, v0;
	v50 =	vmul.f32 v41, v1;
	v51 =	vld [tilespmem:s8+$0xB0]  }
0x250: {  	v13 =	vmul.f32 v43, v2;
	v12 =	vmul.f32 v44, v3;
	v52 =	vld [tilespmem:s8+$0x130]  }
0x251: {  	v14 =	vmul.f32 v45, v4;
	v10 =	vmul.f32 v46, v5;
	v53 =	vld [tilespmem:s8+$0x1B0]  }
0x252: {  	v11 =	vmul.f32 v47, v6;
	v9 =	vmul.f32 v48, v7;
	v54 =	vld [tilespmem:s8+$0x230]  }
0x253: {  	v55 =	vld [tilespmem:s8+$0x2B0];
	v15 =	vadd.f32 v50, v49;
	v12 =	vadd.f32 v12, v13  }
0x254: {  	v56 =	vld [tilespmem:s8+$0x330];
	v10 =	vadd.f32 v10, v14;
	v9 =	vadd.f32 v9, v11  }
0x255: {  	v57 =	vld [tilespmem:s8+$0x3B0]  }
0x256: {  	v12 =	vadd.f32 v12, v15;
	v9 =	vadd.f32 v9, v10  }
0x257: {  	v8 =	vmul.f32 v8, v0;
	v58 =	vmul.f32 v51, v1  }
0x258: {  	v9 =	vadd.f32 v9, v12;
	v59 =	vmul.f32 v52, v2;
	v60 =	vmul.f32 v53, v3  }
0x259: {  	v61 =	vmul.f32 v54, v4;
	v13 =	vmul.f32 v55, v5  }
0x25a: {  	v11 =	vmul.f32 v56, v6;
	v14 =	vmul.f32 v57, v7;
	[tilespmem:s10+$0x20] =	vst v9  }
0x25b: {  	v8 =	vadd.f32 v58, v8;
	v20 =	vadd.f32 v60, v59;
	v62 =	vld [tilespmem:s8+$0x40]  }
0x25c: {  	v9 =	vadd.f32 v13, v61;
	v11 =	vadd.f32 v14, v11;
	v63 =	vld [tilespmem:s8+$0xC0]  }
0x25d: {  	v21 =	vld [tilespmem:s8+$0x140]  }
0x25e: {  	v22 =	vld [tilespmem:s8+$0x1C0];
	v8 =	vadd.f32 v20, v8;
	v9 =	vadd.f32 v11, v9  }
0x25f: {  	v23 =	vld [tilespmem:s8+$0x240]  }
0x260: {  	v24 =	vld [tilespmem:s8+$0x2C0];
	v8 =	vadd.f32 v9, v8  }
0x261: {  	v25 =	vld [tilespmem:s8+$0x340]  }
0x262: {  	v26 =	vld [tilespmem:s8+$0x3C0];
	[tilespmem:s10+$0x30] =	vst v8  }
0x263: {  	v8 =	vld [tilespmem:s8+$0x50]  }
0x264: {  	v27 =	vmul.f32 v62, v0;
	v28 =	vmul.f32 v63, v1;
	v29 =	vld [tilespmem:s8+$0xD0]  }
0x265: {  	v12 =	vmul.f32 v21, v2;
	v13 =	vmul.f32 v22, v3;
	v30 =	vld [tilespmem:s8+$0x150]  }
0x266: {  	v14 =	vmul.f32 v23, v4;
	v10 =	vmul.f32 v24, v5;
	v31 =	vld [tilespmem:s8+$0x1D0]  }
0x267: {  	v11 =	vmul.f32 v25, v6;
	v9 =	vmul.f32 v26, v7;
	v32 =	vld [tilespmem:s8+$0x250]  }
0x268: {  	v33 =	vld [tilespmem:s8+$0x2D0];
	v15 =	vadd.f32 v28, v27;
	v12 =	vadd.f32 v13, v12  }
0x269: {  	v34 =	vld [tilespmem:s8+$0x350];
	v10 =	vadd.f32 v10, v14;
	v9 =	vadd.f32 v9, v11  }
0x26a: {  	v35 =	vld [tilespmem:s8+$0x3D0]  }
0x26b: {  	v12 =	vadd.f32 v12, v15;
	v9 =	vadd.f32 v9, v10  }
0x26c: {  	v8 =	vmul.f32 v8, v0;
	v36 =	vmul.f32 v29, v1  }
0x26d: {  	v9 =	vadd.f32 v9, v12;
	v37 =	vmul.f32 v30, v2;
	v38 =	vmul.f32 v31, v3  }
0x26e: {  	v39 =	vmul.f32 v32, v4;
	v13 =	vmul.f32 v33, v5  }
0x26f: {  	v11 =	vmul.f32 v34, v6;
	v14 =	vmul.f32 v35, v7;
	[tilespmem:s10+$0x40] =	vst v9  }
0x270: {  	v8 =	vadd.f32 v36, v8;
	v42 =	vadd.f32 v38, v37;
	v40 =	vld [tilespmem:s8+$0x60]  }
0x271: {  	v9 =	vadd.f32 v13, v39;
	v11 =	vadd.f32 v14, v11;
	v41 =	vld [tilespmem:s8+$0xE0]  }
0x272: {  	v43 =	vld [tilespmem:s8+$0x160]  }
0x273: {  	v44 =	vld [tilespmem:s8+$0x1E0];
	v8 =	vadd.f32 v42, v8;
	v9 =	vadd.f32 v11, v9  }
0x274: {  	v45 =	vld [tilespmem:s8+$0x260]  }
0x275: {  	v46 =	vld [tilespmem:s8+$0x2E0];
	v8 =	vadd.f32 v9, v8  }
0x276: {  	v47 =	vld [tilespmem:s8+$0x360]  }
0x277: {  	v48 =	vld [tilespmem:s8+$0x3E0];
	[tilespmem:s10+$0x50] =	vst v8  }
0x278: {  	v8 =	vld [tilespmem:s8+$0x70]  }
0x279: {  	v49 =	vld [tilespmem:s8+$0xF0]  }
0x27a: {  	v50 =	vld [tilespmem:s8+$0x170]  }
0x27b: {  	v51 =	vld [tilespmem:s8+$0x1F0]  }
0x27c: {  	v52 =	vld [tilespmem:s8+$0x270]  }
0x27d: {  	v16 =	vmul.f32 v40, v0;
	v17 =	vmul.f32 v41, v1;
	v53 =	vld [tilespmem:s8+$0x2F0]  }
0x27e: {  	v12 =	vmul.f32 v43, v2;
	v13 =	vmul.f32 v44, v3;
	v54 =	vld [tilespmem:s8+$0x370]  }
0x27f: {  	v14 =	vmul.f32 v45, v4;
	v10 =	vmul.f32 v46, v5;
	v55 =	vld [tilespmem:s8+$0x3F0]  }
0x280: {  	v11 =	vmul.f32 v47, v6;
	v9 =	vmul.f32 v48, v7  }
0x281: {  	v16 =	vadd.f32 v17, v16;
	v0 =	vmul.f32 v8, v0;
	v1 =	vmul.f32 v49, v1  }
0x282: {  	v56 =	vadd.f32 v13, v12;
	v2 =	vmul.f32 v50, v2;
	v3 =	vmul.f32 v51, v3  }
0x283: {  	v10 =	vadd.f32 v10, v14;
	v4 =	vmul.f32 v52, v4;
	v5 =	vmul.f32 v53, v5  }
0x284: {  	v9 =	vadd.f32 v9, v11;
	v6 =	vmul.f32 v54, v6;
	v7 =	vmul.f32 v55, v7  }
0x285: {  	v0 =	vadd.f32 v1, v0;
	v57 =	vadd.f32 v3, v2  }
0x286: {  	s9 =	sadd.s32 $0x2, s9;
	v58 =	vadd.f32 v5, v4;
	v59 =	vadd.f32 v7, v6  }
0x287: {  	p1 =	slt.u32 s9, $0xE;
	v60 =	vadd.f32 v56, v16;
	v61 =	vadd.f32 v9, v10  }
.Ltmp4:
0x288: {  	v0 =	vadd.f32 v57, v0;
	v62 =	vadd.f32 v59, v58;
	(pc) =	sbr.rel @p1 .LBB2_7-.Ltmp4, $4  }
0x289: {  	v63 =	vadd.f32 v61, v60  }
0x28a: {  	v0 =	vadd.f32 v62, v0  }
0x28b: {  	[tilespmem:s10+$0x60] =	vst v63  }
0x28c: {  	s11 =	sadd.s32 $0x100, s11;
	s8 =	sadd.s32 $0x800, s8;
	[tilespmem:s10+$0x70] =	vst v0;
	s10 =	sadd.s32 $0x100, s10  }
0x28d: {  	s7 =	sshll.u32 s7, $0x4  }
0x28e: {  	s7 =	sadd.s32 s2, s7  }
0x28f: {  	s8 =	sadd.s32 $0x200, s7  }
0x290: {  	[hbm4b:s8+s4] =	stream.linear.scatter [tilespmem:s29], [sflag:$0x9], $0x800, $0x38;
	[tilespmem:$0x13200] =	vst v63  }
0x291: {  	s9 =	simm.s32 @!p0 $0x10;
	s10 =	simm.s32 @!p0 $0x8200;
	s8 =	sadd.s32 @!p0 $0x60, s23  }
0x292: {  	[tilespmem:s10], [sflag:$0x3] =	stream.indirect.gather @!p0 [hbm4b:s1+s9], $0x400, s8, s9, $0xb8;
	[tilespmem:$0x13200] =	vst v63  }
0x293: {  	s8 =	sadd.s32 @!p0 s6, s8  }
0x294: {  	s8 =	sshll.u32 @!p0 s8, $0x4  }
0x295: {  	s9 =	simm.s32 @!p0 $0x0;
	s10 =	simm.s32 @!p0 $0x11200;
	s8 =	sadd.s32 @!p0 s5, s8  }
0x296: {  	[tilespmem:s10], [sflag:$0x7] =	stream.linear.gather @!p0 [hbm4b:s8+s9], $0x800, $0x38;
	[tilespmem:$0x13200] =	vst v63  }
0x297: {  	_ =	swait.ge [sflag:s18], $0x4000  }
0x298: {  	[sflag:s18] =	ssyncset.done $0x0  }
0x299: {  	[sflag:s18] =	ssyncadd.s32 $0xFFFFC000  }
0x29a: {  	_ =	swait.ge [sflag:s19], $0x800  }
0x29b: {  	[sflag:s19] =	ssyncset.done $0x0  }
0x29c: {  	[sflag:s19] =	ssyncadd.s32 $0xFFFFF800  }
0x29d: {  	_ =	swait.ge [sflag:s20], $0x800  }
0x29e: {  	s11 =	simm.s32 $0x11A80;
	s9 =	simm.s32 $0xFFFFFFFE;
	[sflag:s20] =	ssyncset.done $0x0  }
0x29f: {  	s10 =	simm.s32 $0x12A80;
	s8 =	simm.s32 $0xC600;
	[sflag:s20] =	ssyncadd.s32 $0xFFFFF800  }
.LBB2_9:
0x2a0: {  	v7 =	vld [tilespmem:s11+$0xFFFFFF80]  }
0x2a1: {  	v4 =	vld [tilespmem:s8+$0xFFFFFC00]  }
0x2a2: {  	v5 =	vld [tilespmem:s8+$0xFFFFFC80]  }
0x2a3: {  	v6 =	vld [tilespmem:s8+$0xFFFFFD00]  }
0x2a4: {  	v8 =	vld [tilespmem:s8+$0xFFFFFD80]  }
0x2a5: {  	v9 =	vld [tilespmem:s8+$0xFFFFFE00]  }
0x2a6: {  	v10 =	vld [tilespmem:s8+$0xFFFFFE80];
	v0 =	vbroadcast v7, $0x0;
	v1 =	vbroadcast v7, $0x1  }
0x2a7: {  	v11 =	vld [tilespmem:s8+$0xFFFFFF00];
	v2 =	vbroadcast v7, $0x2;
	v3 =	vbroadcast v7, $0x3  }
0x2a8: {  	v12 =	vld [tilespmem:s8+$0xFFFFFF80];
	v13 =	vmul.f32 v0, v4;
	v14 =	vmul.f32 v5, v1  }
0x2a9: {  	v16 =	vld [tilespmem:s8+$0xFFFFFC10];
	v15 =	vmul.f32 v6, v2;
	v8 =	vmul.f32 v8, v3  }
0x2aa: {  	v17 =	vld [tilespmem:s8+$0xFFFFFC90];
	v4 =	vbroadcast v7, $0x4;
	v5 =	vbroadcast v7, $0x5  }
0x2ab: {  	v18 =	vld [tilespmem:s8+$0xFFFFFD10];
	v6 =	vbroadcast v7, $0x6;
	v7 =	vbroadcast v7, $0x7  }
0x2ac: {  	v19 =	vld [tilespmem:s8+$0xFFFFFD90];
	v9 =	vmul.f32 v9, v4;
	v10 =	vmul.f32 v10, v5  }
0x2ad: {  	v20 =	vld [tilespmem:s8+$0xFFFFFE10];
	v11 =	vmul.f32 v11, v6;
	v12 =	vmul.f32 v12, v7  }
0x2ae: {  	v22 =	vld [tilespmem:s8+$0xFFFFFF10];
	v13 =	vadd.f32 v14, v13;
	v8 =	vadd.f32 v8, v15  }
0x2af: {  	v23 =	vld [tilespmem:s8+$0xFFFFFF90];
	v9 =	vadd.f32 v10, v9;
	v21 =	vadd.f32 v12, v11  }
0x2b0: {  	v63 =	vld [tilespmem:s8+$0xFFFFFE90]  }
0x2b1: {  	v8 =	vadd.f32 v8, v13;
	v9 =	vadd.f32 v21, v9  }
0x2b2: {  	v24 =	vmul.f32 v16, v0;
	v25 =	vmul.f32 v17, v1  }
0x2b3: {  	v26 =	vmul.f32 v18, v2;
	v27 =	vmul.f32 v19, v3;
	v8 =	vadd.f32 v9, v8  }
0x2b4: {  	v11 =	vmul.f32 v22, v6;
	v12 =	vmul.f32 v23, v7  }
0x2b5: {  	v28 =	vmul.f32 v20, v4;
	v14 =	vmul.f32 v63, v5;
	[tilespmem:s10+$0xFFFFFF80] =	vst v8  }
0x2b6: {  	v31 =	vadd.f32 v27, v26;
	v11 =	vadd.f32 v12, v11;
	v29 =	vld [tilespmem:s8+$0xFFFFFC20]  }
0x2b7: {  	v9 =	vadd.f32 v25, v24;
	v8 =	vadd.f32 v14, v28;
	v30 =	vld [tilespmem:s8+$0xFFFFFCA0]  }
0x2b8: {  	v32 =	vld [tilespmem:s8+$0xFFFFFD20]  }
0x2b9: {  	v9 =	vadd.f32 v31, v9;
	v33 =	vld [tilespmem:s8+$0xFFFFFDA0];
	v8 =	vadd.f32 v11, v8  }
0x2ba: {  	v34 =	vld [tilespmem:s8+$0xFFFFFE20]  }
0x2bb: {  	v35 =	vld [tilespmem:s8+$0xFFFFFEA0];
	v8 =	vadd.f32 v8, v9  }
0x2bc: {  	v36 =	vld [tilespmem:s8+$0xFFFFFF20]  }
0x2bd: {  	v37 =	vld [tilespmem:s8+$0xFFFFFFA0];
	[tilespmem:s10+$0xFFFFFF90] =	vst v8  }
0x2be: {  	v8 =	vld [tilespmem:s8+$0xFFFFFC30]  }
0x2bf: {  	v38 =	vmul.f32 v29, v0;
	v39 =	vmul.f32 v30, v1;
	v40 =	vld [tilespmem:s8+$0xFFFFFCB0]  }
0x2c0: {  	v13 =	vmul.f32 v32, v2;
	v12 =	vmul.f32 v33, v3;
	v41 =	vld [tilespmem:s8+$0xFFFFFD30]  }
0x2c1: {  	v14 =	vmul.f32 v34, v4;
	v10 =	vmul.f32 v35, v5;
	v42 =	vld [tilespmem:s8+$0xFFFFFDB0]  }
0x2c2: {  	v11 =	vmul.f32 v36, v6;
	v9 =	vmul.f32 v37, v7;
	v43 =	vld [tilespmem:s8+$0xFFFFFE30]  }
0x2c3: {  	v44 =	vld [tilespmem:s8+$0xFFFFFEB0];
	v15 =	vadd.f32 v39, v38;
	v12 =	vadd.f32 v12, v13  }
0x2c4: {  	v45 =	vld [tilespmem:s8+$0xFFFFFF30];
	v10 =	vadd.f32 v10, v14;
	v9 =	vadd.f32 v9, v11  }
0x2c5: {  	v46 =	vld [tilespmem:s8+$0xFFFFFFB0]  }
0x2c6: {  	v12 =	vadd.f32 v12, v15;
	v9 =	vadd.f32 v9, v10  }
0x2c7: {  	v8 =	vmul.f32 v8, v0;
	v47 =	vmul.f32 v40, v1  }
0x2c8: {  	v9 =	vadd.f32 v9, v12;
	v48 =	vmul.f32 v41, v2;
	v49 =	vmul.f32 v42, v3  }
0x2c9: {  	v50 =	vmul.f32 v43, v4;
	v13 =	vmul.f32 v44, v5  }
0x2ca: {  	v11 =	vmul.f32 v45, v6;
	v14 =	vmul.f32 v46, v7;
	[tilespmem:s10+$0xFFFFFFA0] =	vst v9  }
0x2cb: {  	v8 =	vadd.f32 v47, v8;
	v53 =	vadd.f32 v49, v48;
	v51 =	vld [tilespmem:s8+$0xFFFFFC40]  }
0x2cc: {  	v9 =	vadd.f32 v13, v50;
	v11 =	vadd.f32 v14, v11;
	v52 =	vld [tilespmem:s8+$0xFFFFFCC0]  }
0x2cd: {  	v54 =	vld [tilespmem:s8+$0xFFFFFD40]  }
0x2ce: {  	v55 =	vld [tilespmem:s8+$0xFFFFFDC0];
	v8 =	vadd.f32 v53, v8;
	v9 =	vadd.f32 v11, v9  }
0x2cf: {  	v56 =	vld [tilespmem:s8+$0xFFFFFE40]  }
0x2d0: {  	v57 =	vld [tilespmem:s8+$0xFFFFFEC0];
	v8 =	vadd.f32 v9, v8  }
0x2d1: {  	v58 =	vld [tilespmem:s8+$0xFFFFFF40]  }
0x2d2: {  	v59 =	vld [tilespmem:s8+$0xFFFFFFC0];
	[tilespmem:s10+$0xFFFFFFB0] =	vst v8  }
0x2d3: {  	v8 =	vld [tilespmem:s8+$0xFFFFFC50]  }
0x2d4: {  	v60 =	vmul.f32 v51, v0;
	v61 =	vmul.f32 v52, v1;
	v62 =	vld [tilespmem:s8+$0xFFFFFCD0]  }
0x2d5: {  	v12 =	vmul.f32 v54, v2;
	v13 =	vmul.f32 v55, v3;
	v63 =	vld [tilespmem:s8+$0xFFFFFD50]  }
0x2d6: {  	v14 =	vmul.f32 v56, v4;
	v10 =	vmul.f32 v57, v5;
	v24 =	vld [tilespmem:s8+$0xFFFFFDD0]  }
0x2d7: {  	v11 =	vmul.f32 v58, v6;
	v9 =	vmul.f32 v59, v7;
	v25 =	vld [tilespmem:s8+$0xFFFFFE50]  }
0x2d8: {  	v26 =	vld [tilespmem:s8+$0xFFFFFED0];
	v15 =	vadd.f32 v61, v60;
	v12 =	vadd.f32 v13, v12  }
0x2d9: {  	v27 =	vld [tilespmem:s8+$0xFFFFFF50];
	v10 =	vadd.f32 v10, v14;
	v9 =	vadd.f32 v9, v11  }
0x2da: {  	v28 =	vld [tilespmem:s8+$0xFFFFFFD0]  }
0x2db: {  	v12 =	vadd.f32 v12, v15;
	v9 =	vadd.f32 v9, v10  }
0x2dc: {  	v8 =	vmul.f32 v8, v0;
	v29 =	vmul.f32 v62, v1  }
0x2dd: {  	v9 =	vadd.f32 v9, v12;
	v30 =	vmul.f32 v63, v2;
	v31 =	vmul.f32 v24, v3  }
0x2de: {  	v32 =	vmul.f32 v25, v4;
	v13 =	vmul.f32 v26, v5  }
0x2df: {  	v11 =	vmul.f32 v27, v6;
	v14 =	vmul.f32 v28, v7;
	[tilespmem:s10+$0xFFFFFFC0] =	vst v9  }
0x2e0: {  	v8 =	vadd.f32 v29, v8;
	v35 =	vadd.f32 v31, v30;
	v33 =	vld [tilespmem:s8+$0xFFFFFC60]  }
0x2e1: {  	v9 =	vadd.f32 v13, v32;
	v11 =	vadd.f32 v14, v11;
	v34 =	vld [tilespmem:s8+$0xFFFFFCE0]  }
0x2e2: {  	v36 =	vld [tilespmem:s8+$0xFFFFFD60]  }
0x2e3: {  	v37 =	vld [tilespmem:s8+$0xFFFFFDE0];
	v8 =	vadd.f32 v35, v8;
	v9 =	vadd.f32 v11, v9  }
0x2e4: {  	v38 =	vld [tilespmem:s8+$0xFFFFFE60]  }
0x2e5: {  	v39 =	vld [tilespmem:s8+$0xFFFFFEE0];
	v8 =	vadd.f32 v9, v8  }
0x2e6: {  	v40 =	vld [tilespmem:s8+$0xFFFFFF60]  }
0x2e7: {  	v41 =	vld [tilespmem:s8+$0xFFFFFFE0];
	[tilespmem:s10+$0xFFFFFFD0] =	vst v8  }
0x2e8: {  	v8 =	vld [tilespmem:s8+$0xFFFFFC70]  }
0x2e9: {  	v42 =	vld [tilespmem:s8+$0xFFFFFCF0]  }
0x2ea: {  	v43 =	vld [tilespmem:s8+$0xFFFFFD70]  }
0x2eb: {  	v44 =	vld [tilespmem:s8+$0xFFFFFDF0]  }
0x2ec: {  	v45 =	vld [tilespmem:s8+$0xFFFFFE70]  }
0x2ed: {  	v16 =	vmul.f32 v33, v0;
	v17 =	vmul.f32 v34, v1;
	v21 =	vld [tilespmem:s8+$0xFFFFFEF0]  }
0x2ee: {  	v12 =	vmul.f32 v36, v2;
	v13 =	vmul.f32 v37, v3;
	v22 =	vld [tilespmem:s8+$0xFFFFFF70]  }
0x2ef: {  	v14 =	vmul.f32 v38, v4;
	v10 =	vmul.f32 v39, v5;
	v23 =	vld [tilespmem:s8+$0xFFFFFFF0]  }
0x2f0: {  	v11 =	vmul.f32 v40, v6;
	v9 =	vmul.f32 v41, v7  }
0x2f1: {  	v16 =	vadd.f32 v17, v16;
	v0 =	vmul.f32 v8, v0;
	v1 =	vmul.f32 v42, v1  }
0x2f2: {  	v46 =	vadd.f32 v13, v12;
	v2 =	vmul.f32 v43, v2;
	v3 =	vmul.f32 v44, v3  }
0x2f3: {  	v10 =	vadd.f32 v10, v14;
	v4 =	vmul.f32 v45, v4;
	v5 =	vmul.f32 v21, v5  }
0x2f4: {  	v9 =	vadd.f32 v9, v11;
	v6 =	vmul.f32 v22, v6;
	v7 =	vmul.f32 v23, v7  }
0x2f5: {  	v0 =	vadd.f32 v1, v0;
	v47 =	vadd.f32 v3, v2  }
0x2f6: {  	v48 =	vadd.f32 v5, v4;
	v49 =	vadd.f32 v7, v6  }
0x2f7: {  	v50 =	vadd.f32 v46, v16;
	v51 =	vadd.f32 v9, v10  }
0x2f8: {  	v0 =	vadd.f32 v47, v0;
	v52 =	vadd.f32 v49, v48  }
0x2f9: {  	v53 =	vadd.f32 v51, v50  }
0x2fa: {  	v0 =	vadd.f32 v52, v0  }
0x2fb: {  	[tilespmem:s10+$0xFFFFFFE0] =	vst v53  }
0x2fc: {  	[tilespmem:s10+$0xFFFFFFF0] =	vst v0  }
0x2fd: {  	v54 =	vld [tilespmem:s11+$0x0]  }
0x2fe: {  	v55 =	vld [tilespmem:s8+$0x0]  }
0x2ff: {  	v56 =	vld [tilespmem:s8+$0x80]  }
0x300: {  	v57 =	vld [tilespmem:s8+$0x100]  }
0x301: {  	v58 =	vld [tilespmem:s8+$0x180]  }
0x302: {  	v59 =	vld [tilespmem:s8+$0x200]  }
0x303: {  	v60 =	vld [tilespmem:s8+$0x280];
	v0 =	vbroadcast v54, $0x0;
	v1 =	vbroadcast v54, $0x1  }
0x304: {  	v61 =	vld [tilespmem:s8+$0x300];
	v2 =	vbroadcast v54, $0x2;
	v3 =	vbroadcast v54, $0x3  }
0x305: {  	v62 =	vld [tilespmem:s8+$0x380];
	v4 =	vbroadcast v54, $0x4;
	v5 =	vbroadcast v54, $0x5  }
0x306: {  	v26 =	vld [tilespmem:s8+$0x10];
	v6 =	vbroadcast v54, $0x6;
	v7 =	vbroadcast v54, $0x7  }
0x307: {  	v27 =	vld [tilespmem:s8+$0x90];
	v63 =	vmul.f32 v0, v55;
	v24 =	vmul.f32 v56, v1  }
0x308: {  	v28 =	vld [tilespmem:s8+$0x110];
	v25 =	vmul.f32 v57, v2;
	v8 =	vmul.f32 v58, v3  }
0x309: {  	v29 =	vld [tilespmem:s8+$0x190];
	v9 =	vmul.f32 v59, v4;
	v10 =	vmul.f32 v60, v5  }
0x30a: {  	v30 =	vld [tilespmem:s8+$0x210];
	v11 =	vmul.f32 v61, v6;
	v12 =	vmul.f32 v62, v7  }
0x30b: {  	v33 =	vld [tilespmem:s8+$0x310];
	v13 =	vadd.f32 v24, v63;
	v8 =	vadd.f32 v8, v25  }
0x30c: {  	v34 =	vld [tilespmem:s8+$0x390];
	v9 =	vadd.f32 v10, v9;
	v32 =	vadd.f32 v12, v11  }
0x30d: {  	v31 =	vld [tilespmem:s8+$0x290]  }
0x30e: {  	v8 =	vadd.f32 v8, v13;
	v9 =	vadd.f32 v32, v9  }
0x30f: {  	v35 =	vmul.f32 v26, v0;
	v36 =	vmul.f32 v27, v1  }
0x310: {  	v37 =	vmul.f32 v28, v2;
	v38 =	vmul.f32 v29, v3;
	v8 =	vadd.f32 v9, v8  }
0x311: {  	v11 =	vmul.f32 v33, v6;
	v12 =	vmul.f32 v34, v7  }
0x312: {  	v39 =	vmul.f32 v30, v4;
	v14 =	vmul.f32 v31, v5;
	[tilespmem:s10+$0x0] =	vst v8  }
0x313: {  	v42 =	vadd.f32 v38, v37;
	v11 =	vadd.f32 v12, v11;
	v40 =	vld [tilespmem:s8+$0x20]  }
0x314: {  	v9 =	vadd.f32 v36, v35;
	v8 =	vadd.f32 v14, v39;
	v41 =	vld [tilespmem:s8+$0xA0]  }
0x315: {  	v43 =	vld [tilespmem:s8+$0x120]  }
0x316: {  	v9 =	vadd.f32 v42, v9;
	v44 =	vld [tilespmem:s8+$0x1A0];
	v8 =	vadd.f32 v11, v8  }
0x317: {  	v45 =	vld [tilespmem:s8+$0x220]  }
0x318: {  	v46 =	vld [tilespmem:s8+$0x2A0];
	v8 =	vadd.f32 v8, v9  }
0x319: {  	v47 =	vld [tilespmem:s8+$0x320]  }
0x31a: {  	v48 =	vld [tilespmem:s8+$0x3A0];
	[tilespmem:s10+$0x10] =	vst v8  }
0x31b: {  	v8 =	vld [tilespmem:s8+$0x30]  }
0x31c: {  	v49 =	vmul.f32 v40, v0;
	v50 =	vmul.f32 v41, v1;
	v51 =	vld [tilespmem:s8+$0xB0]  }
0x31d: {  	v13 =	vmul.f32 v43, v2;
	v12 =	vmul.f32 v44, v3;
	v52 =	vld [tilespmem:s8+$0x130]  }
0x31e: {  	v14 =	vmul.f32 v45, v4;
	v10 =	vmul.f32 v46, v5;
	v53 =	vld [tilespmem:s8+$0x1B0]  }
0x31f: {  	v11 =	vmul.f32 v47, v6;
	v9 =	vmul.f32 v48, v7;
	v54 =	vld [tilespmem:s8+$0x230]  }
0x320: {  	v55 =	vld [tilespmem:s8+$0x2B0];
	v15 =	vadd.f32 v50, v49;
	v12 =	vadd.f32 v12, v13  }
0x321: {  	v56 =	vld [tilespmem:s8+$0x330];
	v10 =	vadd.f32 v10, v14;
	v9 =	vadd.f32 v9, v11  }
0x322: {  	v57 =	vld [tilespmem:s8+$0x3B0]  }
0x323: {  	v12 =	vadd.f32 v12, v15;
	v9 =	vadd.f32 v9, v10  }
0x324: {  	v8 =	vmul.f32 v8, v0;
	v58 =	vmul.f32 v51, v1  }
0x325: {  	v9 =	vadd.f32 v9, v12;
	v59 =	vmul.f32 v52, v2;
	v60 =	vmul.f32 v53, v3  }
0x326: {  	v61 =	vmul.f32 v54, v4;
	v13 =	vmul.f32 v55, v5  }
0x327: {  	v11 =	vmul.f32 v56, v6;
	v14 =	vmul.f32 v57, v7;
	[tilespmem:s10+$0x20] =	vst v9  }
0x328: {  	v8 =	vadd.f32 v58, v8;
	v20 =	vadd.f32 v60, v59;
	v62 =	vld [tilespmem:s8+$0x40]  }
0x329: {  	v9 =	vadd.f32 v13, v61;
	v11 =	vadd.f32 v14, v11;
	v63 =	vld [tilespmem:s8+$0xC0]  }
0x32a: {  	v21 =	vld [tilespmem:s8+$0x140]  }
0x32b: {  	v22 =	vld [tilespmem:s8+$0x1C0];
	v8 =	vadd.f32 v20, v8;
	v9 =	vadd.f32 v11, v9  }
0x32c: {  	v23 =	vld [tilespmem:s8+$0x240]  }
0x32d: {  	v24 =	vld [tilespmem:s8+$0x2C0];
	v8 =	vadd.f32 v9, v8  }
0x32e: {  	v25 =	vld [tilespmem:s8+$0x340]  }
0x32f: {  	v26 =	vld [tilespmem:s8+$0x3C0];
	[tilespmem:s10+$0x30] =	vst v8  }
0x330: {  	v8 =	vld [tilespmem:s8+$0x50]  }
0x331: {  	v27 =	vmul.f32 v62, v0;
	v28 =	vmul.f32 v63, v1;
	v29 =	vld [tilespmem:s8+$0xD0]  }
0x332: {  	v12 =	vmul.f32 v21, v2;
	v13 =	vmul.f32 v22, v3;
	v30 =	vld [tilespmem:s8+$0x150]  }
0x333: {  	v14 =	vmul.f32 v23, v4;
	v10 =	vmul.f32 v24, v5;
	v31 =	vld [tilespmem:s8+$0x1D0]  }
0x334: {  	v11 =	vmul.f32 v25, v6;
	v9 =	vmul.f32 v26, v7;
	v32 =	vld [tilespmem:s8+$0x250]  }
0x335: {  	v33 =	vld [tilespmem:s8+$0x2D0];
	v15 =	vadd.f32 v28, v27;
	v12 =	vadd.f32 v13, v12  }
0x336: {  	v34 =	vld [tilespmem:s8+$0x350];
	v10 =	vadd.f32 v10, v14;
	v9 =	vadd.f32 v9, v11  }
0x337: {  	v35 =	vld [tilespmem:s8+$0x3D0]  }
0x338: {  	v12 =	vadd.f32 v12, v15;
	v9 =	vadd.f32 v9, v10  }
0x339: {  	v8 =	vmul.f32 v8, v0;
	v36 =	vmul.f32 v29, v1  }
0x33a: {  	v9 =	vadd.f32 v9, v12;
	v37 =	vmul.f32 v30, v2;
	v38 =	vmul.f32 v31, v3  }
0x33b: {  	v39 =	vmul.f32 v32, v4;
	v13 =	vmul.f32 v33, v5  }
0x33c: {  	v11 =	vmul.f32 v34, v6;
	v14 =	vmul.f32 v35, v7;
	[tilespmem:s10+$0x40] =	vst v9  }
0x33d: {  	v8 =	vadd.f32 v36, v8;
	v42 =	vadd.f32 v38, v37;
	v40 =	vld [tilespmem:s8+$0x60]  }
0x33e: {  	v9 =	vadd.f32 v13, v39;
	v11 =	vadd.f32 v14, v11;
	v41 =	vld [tilespmem:s8+$0xE0]  }
0x33f: {  	v43 =	vld [tilespmem:s8+$0x160]  }
0x340: {  	v44 =	vld [tilespmem:s8+$0x1E0];
	v8 =	vadd.f32 v42, v8;
	v9 =	vadd.f32 v11, v9  }
0x341: {  	v45 =	vld [tilespmem:s8+$0x260]  }
0x342: {  	v46 =	vld [tilespmem:s8+$0x2E0];
	v8 =	vadd.f32 v9, v8  }
0x343: {  	v47 =	vld [tilespmem:s8+$0x360]  }
0x344: {  	v48 =	vld [tilespmem:s8+$0x3E0];
	[tilespmem:s10+$0x50] =	vst v8  }
0x345: {  	v8 =	vld [tilespmem:s8+$0x70]  }
0x346: {  	v49 =	vld [tilespmem:s8+$0xF0]  }
0x347: {  	v50 =	vld [tilespmem:s8+$0x170]  }
0x348: {  	v51 =	vld [tilespmem:s8+$0x1F0]  }
0x349: {  	v52 =	vld [tilespmem:s8+$0x270]  }
0x34a: {  	v16 =	vmul.f32 v40, v0;
	v17 =	vmul.f32 v41, v1;
	v53 =	vld [tilespmem:s8+$0x2F0]  }
0x34b: {  	v12 =	vmul.f32 v43, v2;
	v13 =	vmul.f32 v44, v3;
	v54 =	vld [tilespmem:s8+$0x370]  }
0x34c: {  	v14 =	vmul.f32 v45, v4;
	v10 =	vmul.f32 v46, v5;
	v55 =	vld [tilespmem:s8+$0x3F0]  }
0x34d: {  	v11 =	vmul.f32 v47, v6;
	v9 =	vmul.f32 v48, v7  }
0x34e: {  	v16 =	vadd.f32 v17, v16;
	v0 =	vmul.f32 v8, v0;
	v1 =	vmul.f32 v49, v1  }
0x34f: {  	v56 =	vadd.f32 v13, v12;
	v2 =	vmul.f32 v50, v2;
	v3 =	vmul.f32 v51, v3  }
0x350: {  	v10 =	vadd.f32 v10, v14;
	v4 =	vmul.f32 v52, v4;
	v5 =	vmul.f32 v53, v5  }
0x351: {  	v9 =	vadd.f32 v9, v11;
	v6 =	vmul.f32 v54, v6;
	v7 =	vmul.f32 v55, v7  }
0x352: {  	v0 =	vadd.f32 v1, v0;
	v57 =	vadd.f32 v3, v2  }
0x353: {  	s9 =	sadd.s32 $0x2, s9;
	v58 =	vadd.f32 v5, v4;
	v59 =	vadd.f32 v7, v6  }
0x354: {  	p1 =	slt.u32 s9, $0xE;
	v60 =	vadd.f32 v56, v16;
	v61 =	vadd.f32 v9, v10  }
.Ltmp5:
0x355: {  	v0 =	vadd.f32 v57, v0;
	v62 =	vadd.f32 v59, v58;
	(pc) =	sbr.rel @p1 .LBB2_9-.Ltmp5, $4  }
0x356: {  	v63 =	vadd.f32 v61, v60  }
0x357: {  	v0 =	vadd.f32 v62, v0  }
0x358: {  	[tilespmem:s10+$0x60] =	vst v63  }
0x359: {  	s11 =	sadd.s32 $0x100, s11;
	s8 =	sadd.s32 $0x800, s8;
	[tilespmem:s10+$0x70] =	vst v0;
	s10 =	sadd.s32 $0x100, s10  }
.Ltmp6:
0x35a: {  	(pc) =	sbr.rel @p0 .LBB2_12-.Ltmp6, $3  }
0x35b: {  	_ =	sdelay $0x1  }
0x35c: {  	s7 =	sadd.s32 $0x300, s7  }
0x35d: {  	[hbm4b:s7+s4] =	stream.linear.scatter [tilespmem:s0], [sflag:$0xA], $0x800, $0x38;
	[tilespmem:$0x13200] =	vst v63  }
0x35e: {  	s7 =	sadd.s32 $0x70, s23  }
0x35f: {  	[tilespmem:s24], [sflag:$0x4] =	stream.indirect.gather [hbm4b:s1+s15], $0x400, s7, s15, $0xb8;
	[tilespmem:$0x13200] =	vst v63  }
.Ltmp7:
0x360: {  	_ = 	snop;
	(pc) =	sbr.rel .LBB2_2-.Ltmp7, $4  }
0x361: {  	s7 =	sadd.s32 s6, s7  }
0x362: {  	s7 =	sshll.u32 s7, $0x4  }
0x363: {  	s22 =	sadd.s32 $0x1, s22;
	s7 =	sadd.s32 s5, s7  }
0x364: {  	[tilespmem:s25], [sflag:$0x8] =	stream.linear.gather [hbm4b:s7+s4], $0x800, $0x38;
	[tilespmem:$0x13200] =	vst v63  }
.LBB2_13:
0x365: {  	_ =	sfence.sel $0x180000  }
0x366: {  	[bflag:$0x0] =	sbarrier.arrive $0xFFFF  }
0x367: {  	_ =	strace $0x90000047  }
0x368: {  	s0 =	stileid.u32;
	[bflag:$0x2] =	sbarrier.arrive $0xFFFF  }
0x369: {  	p0 =	sne.s32 s0, $0x0;
	s0 =	rddreg [dreg:$0x4]  }
0x36a: {  	s0 =	sadd.s32 @!p0 $0x100000, s0  }
0x36b: {  	[sflag:s0] =	ssyncadd.tile.s32 @!p0 $0x1;
	_ =	shalt  }
.Lfunc_end2:
_tile_overlayer_lowered:
.L_overlay_start_2:
0x36c: {  	(tag) =	ssettag $0x2  }
0x36d: {  	s0 =	rddreg [dreg:$0x0];
	s2 =	stileid.u32  }
0x36e: {  	s1 =	rddreg [dreg:$0x1];
	p0 =	sne.s32 s2, $0x0  }
0x36f: {  	s3 =	rddreg [dreg:$0x2];
	[bflag:$0x3] =	sbarrier.arrive $0xFFFF;
	s2 =	simm.s32 @!p0 $0x1C0B  }
0x370: {  	[timem:s3], [sflag:s2] =	dma.local @!p0 [hbm:s0], s1  }
0x371: {  	s0 =	simm.s32 @!p0 $0xB  }
0x372: {  	_ =	swait.ge @!p0 [sflag:s0], s1  }
0x373: {  	s1 =	ssub.s32 @!p0 $0x0, s1;
	[sflag:s0] =	ssyncset.done @!p0 $0x0  }
0x374: {  	[sflag:s0] =	ssyncadd.s32 @!p0 s1  }
0x375: {  	[bflag:$0x3] =	sbarrier.arrive $0xFFFF  }
0x376: {  	_ =	shalt  }

</sc_bundles>
